<compile_context>
chip_gen: v7x
topology: tpu7x:2x2x1
jax: 0.10.2.dev20260603
libtpu: 0.0.44.dev20260713+nightly
codegen_flags: <defaults>
</compile_context>

<pallas_src>
import functools

import jax
import jax.numpy as jnp
from jax import lax
from jax.experimental import pallas as pl
from jax.experimental.pallas import tpu as pltpu
from jax.experimental.pallas import tpu_sc as plsc

N = 10000
E = 320000
D = 128
NS = 16
CHUNK = 112
EPP = E // NS
NCH = EPP // CHUNK
TCH = EPP - NCH * CHUNK
NPAIR = NCH // 2
RPT = 640
RCH = 160
DEGW = 128

_MESH = dict(core_axis_name="c", subcore_axis_name="s")


def _make_sc_agg(with_deg):
    outs = (jax.ShapeDtypeStruct((N, D), jnp.float32),
            jax.ShapeDtypeStruct((N, D), jnp.float32))
    if with_deg:
        outs += (jax.ShapeDtypeStruct((N, D), jnp.float32),
                 jax.ShapeDtypeStruct((N, D), jnp.float32))
    scratch = [
        pltpu.VMEM((CHUNK,), jnp.int32),
        pltpu.VMEM((CHUNK,), jnp.int32),
        pltpu.VMEM((CHUNK,), jnp.int32),
        pltpu.VMEM((CHUNK,), jnp.int32),
        pltpu.VMEM((CHUNK, D), jnp.float32),
        pltpu.VMEM((CHUNK, D), jnp.float32),
        pltpu.VMEM((RCH, D), jnp.float32),
        pltpu.VMEM((TCH,), jnp.int32),
        pltpu.VMEM((TCH,), jnp.int32),
        pltpu.VMEM_SHARED((N, D), jnp.float32),
        pltpu.SemaphoreType.DMA,
        pltpu.SemaphoreType.DMA,
        pltpu.SemaphoreType.DMA,
        pltpu.SemaphoreType.DMA,
    ]

    @functools.partial(pl.kernel, out_type=outs,
                       mesh=plsc.VectorSubcoreMesh(**_MESH),
                       scratch_types=scratch)
    def sc_agg(*refs):
        if with_deg:
            (hu, hi, src_ck, dst_ck, src_cb, dst_cb, zD, onesW,
             summ_u, summ_i, deg_u, deg_i,
             is0, is1, id0, id1, rows0, rows1, stage_v, ist, idt, acc_sh,
             semi0, semi1, semg0, semg1) = refs
        else:
            (hu, hi, src_ck, dst_ck, src_cb, dst_cb, zD,
             summ_u, summ_i,
             is0, is1, id0, id1, rows0, rows1, stage_v, ist, idt, acc_sh,
             semi0, semi1, semg0, semg1) = refs
            deg_u = deg_i = None
        c = lax.axis_index("c")
        s = lax.axis_index("s")
        r0 = jnp.minimum(s * RPT, N - RPT)
        e0 = s * EPP

        def do_rel(feat_hbm, src_hbm, dst_hbm, summ_hbm, deg_hbm):
            pltpu.sync_copy(zD, stage_v)

            def zero_chunk(k, carry):
                pltpu.sync_copy(stage_v, acc_sh.at[pl.ds(r0 + k * RCH, RCH), :])
                return carry

            lax.fori_loop(0, RPT // RCH, zero_chunk, 0)
            plsc.subcore_barrier()

            def idx_start(ci, bs, bd, sem):
                base = e0 + ci * CHUNK
                pltpu.async_copy(src_hbm.at[pl.ds(base, CHUNK)], bs, sem)
                pltpu.async_copy(dst_hbm.at[pl.ds(base, CHUNK)], bd, sem)

            def idx_wait(ci, bs, bd, sem):
                base = e0 + ci * CHUNK
                pltpu.make_async_copy(src_hbm.at[pl.ds(base, CHUNK)], bs,
                                      sem).wait()
                pltpu.make_async_copy(dst_hbm.at[pl.ds(base, CHUNK)], bd,
                                      sem).wait()

            def gather_start(bs, rows, sem):
                pltpu.async_copy(feat_hbm.at[bs], rows, sem)

            def gather_wait(bs, rows, sem):
                pltpu.make_async_copy(feat_hbm.at[bs], rows, sem).wait()

            def scatter(bd, rows):
                pltpu.sync_copy(rows, acc_sh.at[bd], add=True)

            idx_start(0, is0, id0, semi0)
            idx_start(1, is1, id1, semi1)
            idx_wait(0, is0, id0, semi0)
            gather_start(is0, rows0, semg0)
            idx_wait(1, is1, id1, semi1)

            def pair(j, carry):
                c0 = 2 * j
                gather_start(is1, rows1, semg1)
                gather_wait(is0, rows0, semg0)
                scatter(id0, rows0)
                idx_start(c0 + 2, is0, id0, semi0)
                gather_wait(is1, rows1, semg1)
                scatter(id1, rows1)
                idx_start(c0 + 3, is1, id1, semi1)
                idx_wait(c0 + 2, is0, id0, semi0)
                gather_start(is0, rows0, semg0)
                idx_wait(c0 + 3, is1, id1, semi1)
                return carry

            lax.fori_loop(0, NPAIR - 1, pair, 0)
            gather_start(is1, rows1, semg1)
            gather_wait(is0, rows0, semg0)
            scatter(id0, rows0)
            gather_wait(is1, rows1, semg1)
            scatter(id1, rows1)

            tbase = e0 + NCH * CHUNK
            pltpu.sync_copy(src_hbm.at[pl.ds(tbase, TCH)], ist)
            pltpu.sync_copy(dst_hbm.at[pl.ds(tbase, TCH)], idt)
            rows_t = rows0.at[pl.ds(0, TCH), :]
            pltpu.async_copy(feat_hbm.at[ist], rows_t, semg0).wait()
            pltpu.sync_copy(rows_t, acc_sh.at[idt], add=True)

            plsc.subcore_barrier()

            def out_chunk(k, carry):
                rb = r0 + k * RCH
                pltpu.sync_copy(acc_sh.at[pl.ds(rb, RCH), :], stage_v)
                pltpu.sync_copy(stage_v, summ_hbm.at[pl.ds(rb, RCH), :])
                return carry

            lax.fori_loop(0, RPT // RCH, out_chunk, 0)

            if with_deg:
                pltpu.sync_copy(zD, stage_v)
                lax.fori_loop(0, RPT // RCH, zero_chunk, 0)
                pltpu.sync_copy(onesW, rows0)
                plsc.subcore_barrier()

                def dscatter(bd):
                    pltpu.sync_copy(rows0, acc_sh.at[bd], add=True)

                def didx_start(ci, bd, sem):
                    pltpu.async_copy(
                        dst_hbm.at[pl.ds(e0 + ci * CHUNK, CHUNK)], bd, sem)

                def didx_wait(ci, bd, sem):
                    pltpu.make_async_copy(
                        dst_hbm.at[pl.ds(e0 + ci * CHUNK, CHUNK)], bd,
                        sem).wait()

                didx_start(0, id0, semi0)
                didx_start(1, id1, semi1)
                didx_wait(0, id0, semi0)
                didx_wait(1, id1, semi1)

                def dpair(j, carry):
                    c0 = 2 * j
                    dscatter(id0)
                    didx_start(c0 + 2, id0, semi0)
                    dscatter(id1)
                    didx_start(c0 + 3, id1, semi1)
                    didx_wait(c0 + 2, id0, semi0)
                    didx_wait(c0 + 3, id1, semi1)
                    return carry

                lax.fori_loop(0, NPAIR - 1, dpair, 0)
                dscatter(id0)
                dscatter(id1)
                tb = e0 + NCH * CHUNK
                pltpu.sync_copy(dst_hbm.at[pl.ds(tb, TCH)], idt)
                pltpu.sync_copy(rows0.at[pl.ds(0, TCH), :],
                                acc_sh.at[idt], add=True)
                plsc.subcore_barrier()

                def dout_chunk(k, carry):
                    rb = r0 + k * RCH
                    pltpu.sync_copy(acc_sh.at[pl.ds(rb, RCH), :], stage_v)
                    pltpu.sync_copy(stage_v, deg_hbm.at[pl.ds(rb, RCH), :])
                    return carry

                lax.fori_loop(0, RPT // RCH, dout_chunk, 0)

        @pl.when(c == 0)
        def _():
            do_rel(hi, src_cb, dst_cb, summ_u, deg_u)

        @pl.when(c == 1)
        def _():
            do_rel(hu, src_ck, dst_ck, summ_i, deg_i)

    return sc_agg


_sc_agg0 = _make_sc_agg(True)
_sc_agg1 = _make_sc_agg(False)


_BLK = 1000

_ROWSPEC = pl.BlockSpec((_BLK, D), lambda i: (i, 0))
_WSPEC = pl.BlockSpec((D, D), lambda i: (0, 0))
_BSPEC = pl.BlockSpec((8, D), lambda i: (0, 0))


def _proj_body(xu_ref, xi_ref, wu_ref, bu_ref, wi_ref, bi_ref,
               ou_ref, oi_ref):
    yu = jnp.dot(xu_ref[...], wu_ref[...], preferred_element_type=jnp.float32,
                 precision=lax.Precision.HIGHEST)
    ou_ref[...] = jnp.maximum(yu + bu_ref[0:1, :], 0.0)
    yi = jnp.dot(xi_ref[...], wi_ref[...], preferred_element_type=jnp.float32,
                 precision=lax.Precision.HIGHEST)
    oi_ref[...] = jnp.maximum(yi + bi_ref[0:1, :], 0.0)


def _proj2(xu, xi, wu, bu, wi, bi):
    return pl.pallas_call(
        _proj_body,
        grid=(N // _BLK,),
        in_specs=[_ROWSPEC, _ROWSPEC, _WSPEC, _BSPEC, _WSPEC, _BSPEC],
        out_specs=(_ROWSPEC, _ROWSPEC),
        out_shape=(jax.ShapeDtypeStruct((N, D), jnp.float32),
                   jax.ShapeDtypeStruct((N, D), jnp.float32)),
    )(xu, xi, wu, jnp.broadcast_to(bu[None, :], (8, D)),
      wi, jnp.broadcast_to(bi[None, :], (8, D)))


def _comb_half(h, summ, deg, ws, wn, b):
    dg = jnp.maximum(deg[:, :1], 1.0)
    hn = summ / dg
    return (jnp.dot(h, ws, preferred_element_type=jnp.float32,
                    precision=lax.Precision.HIGHEST)
            + jnp.dot(hn, wn, preferred_element_type=jnp.float32,
                      precision=lax.Precision.HIGHEST)
            + b[0:1, :])


def _comb_body(norm, hu_ref, su_ref, du_ref, wsu_ref, wnu_ref, bu_ref,
               hi_ref, si_ref, di_ref, wsi_ref, wni_ref, bi_ref,
               ou_ref, oi_ref):
    for h_ref, s_ref, d_ref, ws_ref, wn_ref, b_ref, o_ref in (
            (hu_ref, su_ref, du_ref, wsu_ref, wnu_ref, bu_ref, ou_ref),
            (hi_ref, si_ref, di_ref, wsi_ref, wni_ref, bi_ref, oi_ref)):
        y = _comb_half(h_ref[...], s_ref[...], d_ref[...], ws_ref[...],
                       wn_ref[...], b_ref[...])
        y = jnp.maximum(y, 0.0)
        if norm:
            nrm = jnp.sqrt(jnp.sum(y * y, axis=1, keepdims=True))
            y = y / jnp.maximum(nrm, 1e-12)
        o_ref[...] = y


def _comb2(hu, su, du, wsu, wnu, bu, hi, si, di, wsi, wni, bi, norm):
    half = [_ROWSPEC, _ROWSPEC, pl.BlockSpec((_BLK, DEGW), lambda i: (i, 0)),
            _WSPEC, _WSPEC, _BSPEC]
    return pl.pallas_call(
        functools.partial(_comb_body, norm),
        grid=(N // _BLK,),
        in_specs=half + half,
        out_specs=(_ROWSPEC, _ROWSPEC),
        out_shape=(jax.ShapeDtypeStruct((N, D), jnp.float32),
                   jax.ShapeDtypeStruct((N, D), jnp.float32)),
    )(hu, su, du, wsu, wnu, jnp.broadcast_to(bu[None, :], (8, D)),
      hi, si, di, wsi, wni, jnp.broadcast_to(bi[None, :], (8, D)))


def kernel(x_user, x_item, ei_clicks, ei_clicked_by, Wp_user, bp_user,
           Wp_item, bp_item, Ws0_clicks, Wn0_clicks, b0_clicks, Ws0_cb,
           Wn0_cb, b0_cb, Ws1_clicks, Wn1_clicks, b1_clicks, Ws1_cb,
           Wn1_cb, b1_cb):
    ei_ck = ei_clicks.astype(jnp.int32)
    ei_cb = ei_clicked_by.astype(jnp.int32)
    src_ck, dst_ck = ei_ck[0], ei_ck[1]
    src_cb, dst_cb = ei_cb[0], ei_cb[1]
    zD = jnp.zeros((RCH, D), jnp.float32)
    onesW = jnp.ones((CHUNK, D), jnp.float32)

    h_u, h_i = _proj2(x_user, x_item, Wp_user, bp_user, Wp_item, bp_item)

    summ_u, summ_i, deg_u, deg_i = _sc_agg0(h_u, h_i, src_ck, dst_ck,
                                            src_cb, dst_cb, zD, onesW)
    h_u, h_i = _comb2(h_u, summ_u, deg_u, Ws0_cb, Wn0_cb, b0_cb,
                      h_i, summ_i, deg_i, Ws0_clicks, Wn0_clicks, b0_clicks,
                      norm=False)

    summ_u, summ_i = _sc_agg1(h_u, h_i, src_ck, dst_ck, src_cb, dst_cb, zD)
    h_u, h_i = _comb2(h_u, summ_u, deg_u, Ws1_cb, Wn1_cb, b1_cb,
                      h_i, summ_i, deg_i, Ws1_clicks, Wn1_clicks, b1_clicks,
                      norm=True)
    return (h_u, h_i)

# --- scband reference (transcript-rebuilt; emitter-appended) ---
"""Pipeline reference for scband-hetero-sage-12077448036842 (READ-ONLY COPY).

The authoritative reference and input builder live on the scoring server;
editing this copy changes nothing except your own understanding.
"""

import jax, jax.numpy as jnp
import numpy as np

N_U = 10000; N_I = 10000; E = 320000; D = 128; H = 128

def _relu(x):
    return jnp.maximum(x, 0.0)

def _sage(h_src, h_dst, src, dst, Ws, Wn, b, n_dst):
    # DGL SAGEConv(aggregator='mean'): fc_self(h_dst) + fc_neigh(mean_{in-neighbors} h_src) + bias
    summ = jax.ops.segment_sum(h_src[src], dst, num_segments=n_dst)
    deg = jax.ops.segment_sum(jnp.ones((src.shape[0],), jnp.float32), dst, num_segments=n_dst)
    h_neigh = summ / jnp.clip(deg, 1.0)[:, None]
    return h_dst @ Ws + h_neigh @ Wn + b

def setup_inputs(seed: int = 0):
    key = jax.random.key(seed)
    ks = jax.random.split(key, 24)
    sc = 1.0 / np.sqrt(H)
    inp = {}
    inp['x_user'] = jax.random.normal(ks[0], (N_U, D), jnp.float32)
    inp['x_item'] = jax.random.normal(ks[1], (N_I, D), jnp.float32)
    # relation ('user','clicks','item'): row0 = src user ids, row1 = dst item ids
    inp['ei_clicks'] = jax.random.randint(ks[2], (2, E), 0, N_U)
    # relation ('item','clicked_by','user'): row0 = src item ids, row1 = dst user ids
    inp['ei_clicked_by'] = jax.random.randint(ks[3], (2, E), 0, N_I)
    inp['Wp_user'] = jax.random.uniform(ks[4], (D, H), jnp.float32, -sc, sc)
    inp['bp_user'] = jax.random.uniform(ks[5], (H,), jnp.float32, -sc, sc)
    inp['Wp_item'] = jax.random.uniform(ks[6], (D, H), jnp.float32, -sc, sc)
    inp['bp_item'] = jax.random.uniform(ks[7], (H,), jnp.float32, -sc, sc)
    idx = 8
    for l in range(2):
        for rel in ('clicks', 'cb'):
            inp['Ws%d_%s' % (l, rel)] = jax.random.uniform(ks[idx], (H, H), jnp.float32, -sc, sc); idx += 1
            inp['Wn%d_%s' % (l, rel)] = jax.random.uniform(ks[idx], (H, H), jnp.float32, -sc, sc); idx += 1
            inp['b%d_%s' % (l, rel)] = jnp.zeros((H,), jnp.float32); idx += 1
    return inp

def reference(x_user, x_item, ei_clicks, ei_clicked_by, Wp_user, bp_user, Wp_item, bp_item,
              Ws0_clicks, Wn0_clicks, b0_clicks, Ws0_cb, Wn0_cb, b0_cb,
              Ws1_clicks, Wn1_clicks, b1_clicks, Ws1_cb, Wn1_cb, b1_cb):
    # per-ntype input projection + relu
    h_u = _relu(x_user @ Wp_user + bp_user)
    h_i = _relu(x_item @ Wp_item + bp_item)
    # layer 0: HeteroGraphConv(sum) -- each dst ntype has exactly one incoming relation
    nu = _sage(h_i, h_u, ei_clicked_by[0], ei_clicked_by[1], Ws0_cb, Wn0_cb, b0_cb, h_u.shape[0])
    ni = _sage(h_u, h_i, ei_clicks[0], ei_clicks[1], Ws0_clicks, Wn0_clicks, b0_clicks, h_i.shape[0])
    h_u = _relu(nu); h_i = _relu(ni)
    # layer 1
    nu = _sage(h_i, h_u, ei_clicked_by[0], ei_clicked_by[1], Ws1_cb, Wn1_cb, b1_cb, h_u.shape[0])
    ni = _sage(h_u, h_i, ei_clicks[0], ei_clicks[1], Ws1_clicks, Wn1_clicks, b1_clicks, h_i.shape[0])
    h_u = _relu(nu); h_i = _relu(ni)
    # L2 normalize per node (F.normalize p=2 dim=1)
    h_u = h_u / jnp.clip(jnp.linalg.norm(h_u, axis=1, keepdims=True), 1e-12)
    h_i = h_i / jnp.clip(jnp.linalg.norm(h_i, axis=1, keepdims=True), 1e-12)
    return (h_u, h_i)

if __name__ == "__main__":
    import jax
    _d = setup_inputs()
    print(jax.jit(kernel)(*tuple(_d.values())))

</pallas_src>

<mosaic_0001>
#map = affine_map<(d0, d1) -> (0, 0)>
#map1 = affine_map<(d0, d1) -> (0)>
module attributes {stable_mosaic.version = 14 : i64} {
  func.func @sc_agg(%arg0: i32, %arg1: i32, %arg2: memref<10000x128xf32, #tpu.memory_space<hbm>>, %arg3: memref<10000x128xf32, #tpu.memory_space<hbm>>, %arg4: memref<320000xi32, #tpu.memory_space<hbm>>, %arg5: memref<320000xi32, #tpu.memory_space<hbm>>, %arg6: memref<320000xi32, #tpu.memory_space<hbm>>, %arg7: memref<320000xi32, #tpu.memory_space<hbm>>, %arg8: memref<160x128xf32, #tpu.memory_space<hbm>>, %arg9: memref<112x128xf32, #tpu.memory_space<hbm>>, %arg10: memref<10000x128xf32, #tpu.memory_space<hbm>>, %arg11: memref<10000x128xf32, #tpu.memory_space<hbm>>, %arg12: memref<10000x128xf32, #tpu.memory_space<hbm>>, %arg13: memref<10000x128xf32, #tpu.memory_space<hbm>>, %arg14: memref<112xi32, #tpu.memory_space<vmem>>, %arg15: memref<112xi32, #tpu.memory_space<vmem>>, %arg16: memref<112xi32, #tpu.memory_space<vmem>>, %arg17: memref<112xi32, #tpu.memory_space<vmem>>, %arg18: memref<112x128xf32, #tpu.memory_space<vmem>>, %arg19: memref<112x128xf32, #tpu.memory_space<vmem>>, %arg20: memref<160x128xf32, #tpu.memory_space<vmem>>, %arg21: memref<64xi32, #tpu.memory_space<vmem>>, %arg22: memref<64xi32, #tpu.memory_space<vmem>>, %arg23: memref<10000x128xf32, #tpu.memory_space<vmem_shared>>, %arg24: memref<!tpu.dma_semaphore, #tpu.memory_space<semaphore_mem>>, %arg25: memref<!tpu.dma_semaphore, #tpu.memory_space<semaphore_mem>>, %arg26: memref<!tpu.dma_semaphore, #tpu.memory_space<semaphore_mem>>, %arg27: memref<!tpu.dma_semaphore, #tpu.memory_space<semaphore_mem>>) attributes {dimension_semantics = [#tpu.dimension_semantics<core_parallel>, #tpu.dimension_semantics<subcore_parallel>], iteration_bounds = array<i64: 2, 16>, scalar_prefetch = 0 : i64, scratch_operands = 14 : i64, tpu.core_type = #tpu.core_type<sc_vector_subcore>, window_params = [{transform_indices = #map}, {transform_indices = #map}, {transform_indices = #map1}, {transform_indices = #map1}, {transform_indices = #map1}, {transform_indices = #map1}, {transform_indices = #map}, {transform_indices = #map}, {transform_indices = #map}, {transform_indices = #map}, {transform_indices = #map}, {transform_indices = #map}]} {
    %mul3A = arith.constant 640 : i32
    %mul3A_0 = arith.muli %arg1, %mul3A : i32
    %min3A = arith.constant 9360 : i32
    %min3A_1 = arith.minsi %mul3A_0, %min3A : i32
    %mul3A_2 = arith.constant 20000 : i32
    %mul3A_3 = arith.muli %arg1, %mul3A_2 : i32
    %eq3A = arith.constant 0 : i32
    %eq3A_4 = arith.cmpi eq, %arg0, %eq3A : i32
    %convert_element_type3A = arith.extui %eq3A_4 : i1 to i32
    %cond3A = arith.constant 0 : i32
    %cond3A_5 = arith.cmpi ne, %convert_element_type3A, %cond3A : i32
    scf.if %cond3A_5 {
      "tpu.region"() ({
        %run_scoped3A = tpu.sem_alloc : memref<!tpu.dma_semaphore, #tpu.memory_space<semaphore_mem>>
        tpu.enqueue_dma source(%arg8 : memref<160x128xf32, #tpu.memory_space<hbm>>) target(%arg20 : memref<160x128xf32, #tpu.memory_space<vmem>>) target_semaphore(%run_scoped3A : memref<!tpu.dma_semaphore, #tpu.memory_space<semaphore_mem>>)
        tpu.wait_dma2 semaphore(%run_scoped3A : memref<!tpu.dma_semaphore, #tpu.memory_space<semaphore_mem>>) src(%arg8 : memref<160x128xf32, #tpu.memory_space<hbm>>) dst(%arg20 : memref<160x128xf32, #tpu.memory_space<vmem>>)
        tpu.yield
      }) : () -> ()
      %scan3A = arith.constant 0 : i32
      %scan3A_11 = arith.constant 0 : i32
      %scan3A_12 = arith.constant 4 : i32
      %scan3A_13 = arith.addi %scan3A_11, %scan3A_12 : i32
      %scan3A_14 = arith.constant 1 : i32
      scf.for %scan3A_114 = %scan3A_11 to %scan3A_13 step %scan3A_14  : i32 {
        %mul3A_115 = arith.constant 160 : i32
        %mul3A_116 = arith.muli %scan3A_114, %mul3A_115 : i32
        %add3A_117 = arith.addi %min3A_1, %mul3A_116 : i32
        "tpu.region"() ({
          %run_scoped3A = tpu.sem_alloc : memref<!tpu.dma_semaphore, #tpu.memory_space<semaphore_mem>>
          %dma_start3A_118 = arith.constant 0 : i32
          %dma_start3A_119 = tpu.memref_slice %arg23[%add3A_117, %dma_start3A_118] : memref<10000x128xf32, #tpu.memory_space<vmem_shared>> -> memref<160x128xf32, #tpu.memory_space<vmem_shared>>
          %dma_start3A_120 = arith.constant 0 : i32
          %dma_start3A_121 = tpu.memref_slice %arg23[%add3A_117, %dma_start3A_120] : memref<10000x128xf32, #tpu.memory_space<vmem_shared>> -> memref<160x128xf32, #tpu.memory_space<vmem_shared>>
          tpu.enqueue_dma source(%arg20 : memref<160x128xf32, #tpu.memory_space<vmem>>) target(%dma_start3A_121 : memref<160x128xf32, #tpu.memory_space<vmem_shared>>) target_semaphore(%run_scoped3A : memref<!tpu.dma_semaphore, #tpu.memory_space<semaphore_mem>>)
          %dma_wait3A_122 = arith.constant 0 : i32
          %dma_wait3A_123 = tpu.memref_slice %arg23[%add3A_117, %dma_wait3A_122] : memref<10000x128xf32, #tpu.memory_space<vmem_shared>> -> memref<160x128xf32, #tpu.memory_space<vmem_shared>>
          %dma_wait3A_124 = arith.constant 0 : i32
          %dma_wait3A_125 = tpu.memref_slice %arg23[%add3A_117, %dma_wait3A_124] : memref<10000x128xf32, #tpu.memory_space<vmem_shared>> -> memref<160x128xf32, #tpu.memory_space<vmem_shared>>
          tpu.wait_dma2 semaphore(%run_scoped3A : memref<!tpu.dma_semaphore, #tpu.memory_space<semaphore_mem>>) src(%arg20 : memref<160x128xf32, #tpu.memory_space<vmem>>) dst(%dma_wait3A_125 : memref<160x128xf32, #tpu.memory_space<vmem_shared>>)
          tpu.yield
        }) : () -> ()
      }
      %scan3A_15 = arith.constant 4 : i32
      %barrier3A = arith.constant 0 : index
      tpu.barrier barrier_id(%barrier3A)
      %add3A = arith.constant 0 : i32
      %add3A_16 = arith.addi %mul3A_3, %add3A : i32
      %dma_start3A = tpu.memref_slice %arg6[%add3A_16] : memref<320000xi32, #tpu.memory_space<hbm>> -> memref<112xi32, #tpu.memory_space<hbm>>
      %dma_start3A_17 = tpu.memref_slice %arg6[%add3A_16] : memref<320000xi32, #tpu.memory_space<hbm>> -> memref<112xi32, #tpu.memory_space<hbm>>
      tpu.enqueue_dma source(%dma_start3A_17 : memref<112xi32, #tpu.memory_space<hbm>>) target(%arg14 : memref<112xi32, #tpu.memory_space<vmem>>) target_semaphore(%arg24 : memref<!tpu.dma_semaphore, #tpu.memory_space<semaphore_mem>>)
      %dma_start3A_18 = tpu.memref_slice %arg7[%add3A_16] : memref<320000xi32, #tpu.memory_space<hbm>> -> memref<112xi32, #tpu.memory_space<hbm>>
      %dma_start3A_19 = tpu.memref_slice %arg7[%add3A_16] : memref<320000xi32, #tpu.memory_space<hbm>> -> memref<112xi32, #tpu.memory_space<hbm>>
      tpu.enqueue_dma source(%dma_start3A_19 : memref<112xi32, #tpu.memory_space<hbm>>) target(%arg16 : memref<112xi32, #tpu.memory_space<vmem>>) target_semaphore(%arg24 : memref<!tpu.dma_semaphore, #tpu.memory_space<semaphore_mem>>)
      %add3A_20 = arith.constant 112 : i32
      %add3A_21 = arith.addi %mul3A_3, %add3A_20 : i32
      %dma_start3A_22 = tpu.memref_slice %arg6[%add3A_21] : memref<320000xi32, #tpu.memory_space<hbm>> -> memref<112xi32, #tpu.memory_space<hbm>>
      %dma_start3A_23 = tpu.memref_slice %arg6[%add3A_21] : memref<320000xi32, #tpu.memory_space<hbm>> -> memref<112xi32, #tpu.memory_space<hbm>>
      tpu.enqueue_dma source(%dma_start3A_23 : memref<112xi32, #tpu.memory_space<hbm>>) target(%arg15 : memref<112xi32, #tpu.memory_space<vmem>>) target_semaphore(%arg25 : memref<!tpu.dma_semaphore, #tpu.memory_space<semaphore_mem>>)
      %dma_start3A_24 = tpu.memref_slice %arg7[%add3A_21] : memref<320000xi32, #tpu.memory_space<hbm>> -> memref<112xi32, #tpu.memory_space<hbm>>
      %dma_start3A_25 = tpu.memref_slice %arg7[%add3A_21] : memref<320000xi32, #tpu.memory_space<hbm>> -> memref<112xi32, #tpu.memory_space<hbm>>
      tpu.enqueue_dma source(%dma_start3A_25 : memref<112xi32, #tpu.memory_space<hbm>>) target(%arg17 : memref<112xi32, #tpu.memory_space<vmem>>) target_semaphore(%arg25 : memref<!tpu.dma_semaphore, #tpu.memory_space<semaphore_mem>>)
      %add3A_26 = arith.constant 0 : i32
      %add3A_27 = arith.addi %mul3A_3, %add3A_26 : i32
      %dma_wait3A = tpu.memref_slice %arg6[%add3A_27] : memref<320000xi32, #tpu.memory_space<hbm>> -> memref<112xi32, #tpu.memory_space<hbm>>
      %dma_wait3A_28 = tpu.memref_slice %arg6[%add3A_27] : memref<320000xi32, #tpu.memory_space<hbm>> -> memref<112xi32, #tpu.memory_space<hbm>>
      tpu.wait_dma2 semaphore(%arg24 : memref<!tpu.dma_semaphore, #tpu.memory_space<semaphore_mem>>) src(%dma_wait3A_28 : memref<112xi32, #tpu.memory_space<hbm>>) dst(%arg14 : memref<112xi32, #tpu.memory_space<vmem>>)
      %dma_wait3A_29 = tpu.memref_slice %arg7[%add3A_27] : memref<320000xi32, #tpu.memory_space<hbm>> -> memref<112xi32, #tpu.memory_space<hbm>>
      %dma_wait3A_30 = tpu.memref_slice %arg7[%add3A_27] : memref<320000xi32, #tpu.memory_space<hbm>> -> memref<112xi32, #tpu.memory_space<hbm>>
      tpu.wait_dma2 semaphore(%arg24 : memref<!tpu.dma_semaphore, #tpu.memory_space<semaphore_mem>>) src(%dma_wait3A_30 : memref<112xi32, #tpu.memory_space<hbm>>) dst(%arg16 : memref<112xi32, #tpu.memory_space<vmem>>)
      %dma_start3A_31 = arith.constant 0 : i32
      %dma_start3A_32 = arith.constant 0 : i32
      %dma_start3A_33 = tpu.memref_slice %arg3[%dma_start3A_31, %dma_start3A_32] : memref<10000x128xf32, #tpu.memory_space<hbm>> -> memref<10000x128xf32, #tpu.memory_space<hbm>>
      tpu.enqueue_indirect_dma source(%dma_start3A_33 : memref<10000x128xf32, #tpu.memory_space<hbm>>) target(%arg18 : memref<112x128xf32, #tpu.memory_space<vmem>>) offsets(%arg14 : memref<112xi32, #tpu.memory_space<vmem>>) semaphore(%arg26 : memref<!tpu.dma_semaphore, #tpu.memory_space<semaphore_mem>>)
      %add3A_34 = arith.constant 112 : i32
      %add3A_35 = arith.addi %mul3A_3, %add3A_34 : i32
      %dma_wait3A_36 = tpu.memref_slice %arg6[%add3A_35] : memref<320000xi32, #tpu.memory_space<hbm>> -> memref<112xi32, #tpu.memory_space<hbm>>
      %dma_wait3A_37 = tpu.memref_slice %arg6[%add3A_35] : memref<320000xi32, #tpu.memory_space<hbm>> -> memref<112xi32, #tpu.memory_space<hbm>>
      tpu.wait_dma2 semaphore(%arg25 : memref<!tpu.dma_semaphore, #tpu.memory_space<semaphore_mem>>) src(%dma_wait3A_37 : memref<112xi32, #tpu.memory_space<hbm>>) dst(%arg15 : memref<112xi32, #tpu.memory_space<vmem>>)
      %dma_wait3A_38 = tpu.memref_slice %arg7[%add3A_35] : memref<320000xi32, #tpu.memory_space<hbm>> -> memref<112xi32, #tpu.memory_space<hbm>>
      %dma_wait3A_39 = tpu.memref_slice %arg7[%add3A_35] : memref<320000xi32, #tpu.memory_space<hbm>> -> memref<112xi32, #tpu.memory_space<hbm>>
      tpu.wait_dma2 semaphore(%arg25 : memref<!tpu.dma_semaphore, #tpu.memory_space<semaphore_mem>>) src(%dma_wait3A_39 : memref<112xi32, #tpu.memory_space<hbm>>) dst(%arg17 : memref<112xi32, #tpu.memory_space<vmem>>)
      %scan3A_40 = arith.constant 0 : i32
      %scan3A_41 = arith.constant 0 : i32
      %scan3A_42 = arith.constant 88 : i32
      %scan3A_43 = arith.addi %scan3A_41, %scan3A_42 : i32
      %scan3A_44 = arith.constant 1 : i32
      scf.for %scan3A_114 = %scan3A_41 to %scan3A_43 step %scan3A_44  : i32 {
        %mul3A_115 = arith.constant 2 : i32
        %mul3A_116 = arith.muli %mul3A_115, %scan3A_114 : i32
        %dma_start3A_117 = arith.constant 0 : i32
        %dma_start3A_118 = arith.constant 0 : i32
        %dma_start3A_119 = tpu.memref_slice %arg3[%dma_start3A_117, %dma_start3A_118] : memref<10000x128xf32, #tpu.memory_space<hbm>> -> memref<10000x128xf32, #tpu.memory_space<hbm>>
        tpu.enqueue_indirect_dma source(%dma_start3A_119 : memref<10000x128xf32, #tpu.memory_space<hbm>>) target(%arg19 : memref<112x128xf32, #tpu.memory_space<vmem>>) offsets(%arg15 : memref<112xi32, #tpu.memory_space<vmem>>) semaphore(%arg27 : memref<!tpu.dma_semaphore, #tpu.memory_space<semaphore_mem>>)
        %dma_wait3A_120 = arith.constant 0 : i32
        %dma_wait3A_121 = arith.constant 0 : i32
        %dma_wait3A_122 = tpu.memref_slice %arg3[%dma_wait3A_120, %dma_wait3A_121] : memref<10000x128xf32, #tpu.memory_space<hbm>> -> memref<10000x128xf32, #tpu.memory_space<hbm>>
        tpu.wait_indirect_dma semaphore(%arg26 : memref<!tpu.dma_semaphore, #tpu.memory_space<semaphore_mem>>) src(%dma_wait3A_122 : memref<10000x128xf32, #tpu.memory_space<hbm>>) dst(%arg18 : memref<112x128xf32, #tpu.memory_space<vmem>>)
        "tpu.region"() ({
          %run_scoped3A = tpu.sem_alloc : memref<!tpu.dma_semaphore, #tpu.memory_space<semaphore_mem>>
          %dma_start3A_165 = arith.constant 0 : i32
          %dma_start3A_166 = arith.constant 0 : i32
          %dma_start3A_167 = tpu.memref_slice %arg23[%dma_start3A_165, %dma_start3A_166] : memref<10000x128xf32, #tpu.memory_space<vmem_shared>> -> memref<10000x128xf32, #tpu.memory_space<vmem_shared>>
          tpu.enqueue_indirect_dma source(%arg18 : memref<112x128xf32, #tpu.memory_space<vmem>>) target(%dma_start3A_167 : memref<10000x128xf32, #tpu.memory_space<vmem_shared>>) offsets(%arg16 : memref<112xi32, #tpu.memory_space<vmem>>) semaphore(%run_scoped3A : memref<!tpu.dma_semaphore, #tpu.memory_space<semaphore_mem>>) {add = true}
          %dma_wait3A_168 = arith.constant 0 : i32
          %dma_wait3A_169 = arith.constant 0 : i32
          %dma_wait3A_170 = tpu.memref_slice %arg23[%dma_wait3A_168, %dma_wait3A_169] : memref<10000x128xf32, #tpu.memory_space<vmem_shared>> -> memref<10000x128xf32, #tpu.memory_space<vmem_shared>>
          tpu.wait_indirect_dma semaphore(%run_scoped3A : memref<!tpu.dma_semaphore, #tpu.memory_space<semaphore_mem>>) src(%arg18 : memref<112x128xf32, #tpu.memory_space<vmem>>) dst(%dma_wait3A_170 : memref<10000x128xf32, #tpu.memory_space<vmem_shared>>)
          tpu.yield
        }) : () -> ()
        %add3A_123 = arith.constant 2 : i32
        %add3A_124 = arith.addi %mul3A_116, %add3A_123 : i32
        %mul3A_125 = arith.constant 112 : i32
        %mul3A_126 = arith.muli %add3A_124, %mul3A_125 : i32
        %add3A_127 = arith.addi %mul3A_3, %mul3A_126 : i32
        %dma_start3A_128 = tpu.memref_slice %arg6[%add3A_127] : memref<320000xi32, #tpu.memory_space<hbm>> -> memref<112xi32, #tpu.memory_space<hbm>>
        %dma_start3A_129 = tpu.memref_slice %arg6[%add3A_127] : memref<320000xi32, #tpu.memory_space<hbm>> -> memref<112xi32, #tpu.memory_space<hbm>>
        tpu.enqueue_dma source(%dma_start3A_129 : memref<112xi32, #tpu.memory_space<hbm>>) target(%arg14 : memref<112xi32, #tpu.memory_space<vmem>>) target_semaphore(%arg24 : memref<!tpu.dma_semaphore, #tpu.memory_space<semaphore_mem>>)
        %dma_start3A_130 = tpu.memref_slice %arg7[%add3A_127] : memref<320000xi32, #tpu.memory_space<hbm>> -> memref<112xi32, #tpu.memory_space<hbm>>
        %dma_start3A_131 = tpu.memref_slice %arg7[%add3A_127] : memref<320000xi32, #tpu.memory_space<hbm>> -> memref<112xi32, #tpu.memory_space<hbm>>
        tpu.enqueue_dma source(%dma_start3A_131 : memref<112xi32, #tpu.memory_space<hbm>>) target(%arg16 : memref<112xi32, #tpu.memory_space<vmem>>) target_semaphore(%arg24 : memref<!tpu.dma_semaphore, #tpu.memory_space<semaphore_mem>>)
        %dma_wait3A_132 = arith.constant 0 : i32
        %dma_wait3A_133 = arith.constant 0 : i32
        %dma_wait3A_134 = tpu.memref_slice %arg3[%dma_wait3A_132, %dma_wait3A_133] : memref<10000x128xf32, #tpu.memory_space<hbm>> -> memref<10000x128xf32, #tpu.memory_space<hbm>>
        tpu.wait_indirect_dma semaphore(%arg27 : memref<!tpu.dma_semaphore, #tpu.memory_space<semaphore_mem>>) src(%dma_wait3A_134 : memref<10000x128xf32, #tpu.memory_space<hbm>>) dst(%arg19 : memref<112x128xf32, #tpu.memory_space<vmem>>)
        "tpu.region"() ({
          %run_scoped3A = tpu.sem_alloc : memref<!tpu.dma_semaphore, #tpu.memory_space<semaphore_mem>>
          %dma_start3A_165 = arith.constant 0 : i32
          %dma_start3A_166 = arith.constant 0 : i32
          %dma_start3A_167 = tpu.memref_slice %arg23[%dma_start3A_165, %dma_start3A_166] : memref<10000x128xf32, #tpu.memory_space<vmem_shared>> -> memref<10000x128xf32, #tpu.memory_space<vmem_shared>>
          tpu.enqueue_indirect_dma source(%arg19 : memref<112x128xf32, #tpu.memory_space<vmem>>) target(%dma_start3A_167 : memref<10000x128xf32, #tpu.memory_space<vmem_shared>>) offsets(%arg17 : memref<112xi32, #tpu.memory_space<vmem>>) semaphore(%run_scoped3A : memref<!tpu.dma_semaphore, #tpu.memory_space<semaphore_mem>>) {add = true}
          %dma_wait3A_168 = arith.constant 0 : i32
          %dma_wait3A_169 = arith.constant 0 : i32
          %dma_wait3A_170 = tpu.memref_slice %arg23[%dma_wait3A_168, %dma_wait3A_169] : memref<10000x128xf32, #tpu.memory_space<vmem_shared>> -> memref<10000x128xf32, #tpu.memory_space<vmem_shared>>
          tpu.wait_indirect_dma semaphore(%run_scoped3A : memref<!tpu.dma_semaphore, #tpu.memory_space<semaphore_mem>>) src(%arg19 : memref<112x128xf32, #tpu.memory_space<vmem>>) dst(%dma_wait3A_170 : memref<10000x128xf32, #tpu.memory_space<vmem_shared>>)
          tpu.yield
        }) : () -> ()
        %add3A_135 = arith.constant 3 : i32
        %add3A_136 = arith.addi %mul3A_116, %add3A_135 : i32
        %mul3A_137 = arith.constant 112 : i32
        %mul3A_138 = arith.muli %add3A_136, %mul3A_137 : i32
        %add3A_139 = arith.addi %mul3A_3, %mul3A_138 : i32
        %dma_start3A_140 = tpu.memref_slice %arg6[%add3A_139] : memref<320000xi32, #tpu.memory_space<hbm>> -> memref<112xi32, #tpu.memory_space<hbm>>
        %dma_start3A_141 = tpu.memref_slice %arg6[%add3A_139] : memref<320000xi32, #tpu.memory_space<hbm>> -> memref<112xi32, #tpu.memory_space<hbm>>
        tpu.enqueue_dma source(%dma_start3A_141 : memref<112xi32, #tpu.memory_space<hbm>>) target(%arg15 : memref<112xi32, #tpu.memory_space<vmem>>) target_semaphore(%arg25 : memref<!tpu.dma_semaphore, #tpu.memory_space<semaphore_mem>>)
        %dma_start3A_142 = tpu.memref_slice %arg7[%add3A_139] : memref<320000xi32, #tpu.memory_space<hbm>> -> memref<112xi32, #tpu.memory_space<hbm>>
        %dma_start3A_143 = tpu.memref_slice %arg7[%add3A_139] : memref<320000xi32, #tpu.memory_space<hbm>> -> memref<112xi32, #tpu.memory_space<hbm>>
        tpu.enqueue_dma source(%dma_start3A_143 : memref<112xi32, #tpu.memory_space<hbm>>) target(%arg17 : memref<112xi32, #tpu.memory_space<vmem>>) target_semaphore(%arg25 : memref<!tpu.dma_semaphore, #tpu.memory_space<semaphore_mem>>)
        %add3A_144 = arith.constant 2 : i32
        %add3A_145 = arith.addi %mul3A_116, %add3A_144 : i32
        %mul3A_146 = arith.constant 112 : i32
        %mul3A_147 = arith.muli %add3A_145, %mul3A_146 : i32
        %add3A_148 = arith.addi %mul3A_3, %mul3A_147 : i32
        %dma_wait3A_149 = tpu.memref_slice %arg6[%add3A_148] : memref<320000xi32, #tpu.memory_space<hbm>> -> memref<112xi32, #tpu.memory_space<hbm>>
        %dma_wait3A_150 = tpu.memref_slice %arg6[%add3A_148] : memref<320000xi32, #tpu.memory_space<hbm>> -> memref<112xi32, #tpu.memory_space<hbm>>
        tpu.wait_dma2 semaphore(%arg24 : memref<!tpu.dma_semaphore, #tpu.memory_space<semaphore_mem>>) src(%dma_wait3A_150 : memref<112xi32, #tpu.memory_space<hbm>>) dst(%arg14 : memref<112xi32, #tpu.memory_space<vmem>>)
        %dma_wait3A_151 = tpu.memref_slice %arg7[%add3A_148] : memref<320000xi32, #tpu.memory_space<hbm>> -> memref<112xi32, #tpu.memory_space<hbm>>
        %dma_wait3A_152 = tpu.memref_slice %arg7[%add3A_148] : memref<320000xi32, #tpu.memory_space<hbm>> -> memref<112xi32, #tpu.memory_space<hbm>>
        tpu.wait_dma2 semaphore(%arg24 : memref<!tpu.dma_semaphore, #tpu.memory_space<semaphore_mem>>) src(%dma_wait3A_152 : memref<112xi32, #tpu.memory_space<hbm>>) dst(%arg16 : memref<112xi32, #tpu.memory_space<vmem>>)
        %dma_start3A_153 = arith.constant 0 : i32
        %dma_start3A_154 = arith.constant 0 : i32
        %dma_start3A_155 = tpu.memref_slice %arg3[%dma_start3A_153, %dma_start3A_154] : memref<10000x128xf32, #tpu.memory_space<hbm>> -> memref<10000x128xf32, #tpu.memory_space<hbm>>
        tpu.enqueue_indirect_dma source(%dma_start3A_155 : memref<10000x128xf32, #tpu.memory_space<hbm>>) target(%arg18 : memref<112x128xf32, #tpu.memory_space<vmem>>) offsets(%arg14 : memref<112xi32, #tpu.memory_space<vmem>>) semaphore(%arg26 : memref<!tpu.dma_semaphore, #tpu.memory_space<semaphore_mem>>)
        %add3A_156 = arith.constant 3 : i32
        %add3A_157 = arith.addi %mul3A_116, %add3A_156 : i32
        %mul3A_158 = arith.constant 112 : i32
        %mul3A_159 = arith.muli %add3A_157, %mul3A_158 : i32
        %add3A_160 = arith.addi %mul3A_3, %mul3A_159 : i32
        %dma_wait3A_161 = tpu.memref_slice %arg6[%add3A_160] : memref<320000xi32, #tpu.memory_space<hbm>> -> memref<112xi32, #tpu.memory_space<hbm>>
        %dma_wait3A_162 = tpu.memref_slice %arg6[%add3A_160] : memref<320000xi32, #tpu.memory_space<hbm>> -> memref<112xi32, #tpu.memory_space<hbm>>
        tpu.wait_dma2 semaphore(%arg25 : memref<!tpu.dma_semaphore, #tpu.memory_space<semaphore_mem>>) src(%dma_wait3A_162 : memref<112xi32, #tpu.memory_space<hbm>>) dst(%arg15 : memref<112xi32, #tpu.memory_space<vmem>>)
        %dma_wait3A_163 = tpu.memref_slice %arg7[%add3A_160] : memref<320000xi32, #tpu.memory_space<hbm>> -> memref<112xi32, #tpu.memory_space<hbm>>
        %dma_wait3A_164 = tpu.memref_slice %arg7[%add3A_160] : memref<320000xi32, #tpu.memory_space<hbm>> -> memref<112xi32, #tpu.memory_space<hbm>>
        tpu.wait_dma2 semaphore(%arg25 : memref<!tpu.dma_semaphore, #tpu.memory_space<semaphore_mem>>) src(%dma_wait3A_164 : memref<112xi32, #tpu.memory_space<hbm>>) dst(%arg17 : memref<112xi32, #tpu.memory_space<vmem>>)
      }
      %scan3A_45 = arith.constant 88 : i32
      %dma_start3A_46 = arith.constant 0 : i32
      %dma_start3A_47 = arith.constant 0 : i32
      %dma_start3A_48 = tpu.memref_slice %arg3[%dma_start3A_46, %dma_start3A_47] : memref<10000x128xf32, #tpu.memory_space<hbm>> -> memref<10000x128xf32, #tpu.memory_space<hbm>>
      tpu.enqueue_indirect_dma source(%dma_start3A_48 : memref<10000x128xf32, #tpu.memory_space<hbm>>) target(%arg19 : memref<112x128xf32, #tpu.memory_space<vmem>>) offsets(%arg15 : memref<112xi32, #tpu.memory_space<vmem>>) semaphore(%arg27 : memref<!tpu.dma_semaphore, #tpu.memory_space<semaphore_mem>>)
      %dma_wait3A_49 = arith.constant 0 : i32
      %dma_wait3A_50 = arith.constant 0 : i32
      %dma_wait3A_51 = tpu.memref_slice %arg3[%dma_wait3A_49, %dma_wait3A_50] : memref<10000x128xf32, #tpu.memory_space<hbm>> -> memref<10000x128xf32, #tpu.memory_space<hbm>>
      tpu.wait_indirect_dma semaphore(%arg26 : memref<!tpu.dma_semaphore, #tpu.memory_space<semaphore_mem>>) src(%dma_wait3A_51 : memref<10000x128xf32, #tpu.memory_space<hbm>>) dst(%arg18 : memref<112x128xf32, #tpu.memory_space<vmem>>)
      "tpu.region"() ({
        %run_scoped3A = tpu.sem_alloc : memref<!tpu.dma_semaphore, #tpu.memory_space<semaphore_mem>>
        %dma_start3A_114 = arith.constant 0 : i32
        %dma_start3A_115 = arith.constant 0 : i32
        %dma_start3A_116 = tpu.memref_slice %arg23[%dma_start3A_114, %dma_start3A_115] : memref<10000x128xf32, #tpu.memory_space<vmem_shared>> -> memref<10000x128xf32, #tpu.memory_space<vmem_shared>>
        tpu.enqueue_indirect_dma source(%arg18 : memref<112x128xf32, #tpu.memory_space<vmem>>) target(%dma_start3A_116 : memref<10000x128xf32, #tpu.memory_space<vmem_shared>>) offsets(%arg16 : memref<112xi32, #tpu.memory_space<vmem>>) semaphore(%run_scoped3A : memref<!tpu.dma_semaphore, #tpu.memory_space<semaphore_mem>>) {add = true}
        %dma_wait3A_117 = arith.constant 0 : i32
        %dma_wait3A_118 = arith.constant 0 : i32
        %dma_wait3A_119 = tpu.memref_slice %arg23[%dma_wait3A_117, %dma_wait3A_118] : memref<10000x128xf32, #tpu.memory_space<vmem_shared>> -> memref<10000x128xf32, #tpu.memory_space<vmem_shared>>
        tpu.wait_indirect_dma semaphore(%run_scoped3A : memref<!tpu.dma_semaphore, #tpu.memory_space<semaphore_mem>>) src(%arg18 : memref<112x128xf32, #tpu.memory_space<vmem>>) dst(%dma_wait3A_119 : memref<10000x128xf32, #tpu.memory_space<vmem_shared>>)
        tpu.yield
      }) : () -> ()
      %dma_wait3A_52 = arith.constant 0 : i32
      %dma_wait3A_53 = arith.constant 0 : i32
      %dma_wait3A_54 = tpu.memref_slice %arg3[%dma_wait3A_52, %dma_wait3A_53] : memref<10000x128xf32, #tpu.memory_space<hbm>> -> memref<10000x128xf32, #tpu.memory_space<hbm>>
      tpu.wait_indirect_dma semaphore(%arg27 : memref<!tpu.dma_semaphore, #tpu.memory_space<semaphore_mem>>) src(%dma_wait3A_54 : memref<10000x128xf32, #tpu.memory_space<hbm>>) dst(%arg19 : memref<112x128xf32, #tpu.memory_space<vmem>>)
      "tpu.region"() ({
        %run_scoped3A = tpu.sem_alloc : memref<!tpu.dma_semaphore, #tpu.memory_space<semaphore_mem>>
        %dma_start3A_114 = arith.constant 0 : i32
        %dma_start3A_115 = arith.constant 0 : i32
        %dma_start3A_116 = tpu.memref_slice %arg23[%dma_start3A_114, %dma_start3A_115] : memref<10000x128xf32, #tpu.memory_space<vmem_shared>> -> memref<10000x128xf32, #tpu.memory_space<vmem_shared>>
        tpu.enqueue_indirect_dma source(%arg19 : memref<112x128xf32, #tpu.memory_space<vmem>>) target(%dma_start3A_116 : memref<10000x128xf32, #tpu.memory_space<vmem_shared>>) offsets(%arg17 : memref<112xi32, #tpu.memory_space<vmem>>) semaphore(%run_scoped3A : memref<!tpu.dma_semaphore, #tpu.memory_space<semaphore_mem>>) {add = true}
        %dma_wait3A_117 = arith.constant 0 : i32
        %dma_wait3A_118 = arith.constant 0 : i32
        %dma_wait3A_119 = tpu.memref_slice %arg23[%dma_wait3A_117, %dma_wait3A_118] : memref<10000x128xf32, #tpu.memory_space<vmem_shared>> -> memref<10000x128xf32, #tpu.memory_space<vmem_shared>>
        tpu.wait_indirect_dma semaphore(%run_scoped3A : memref<!tpu.dma_semaphore, #tpu.memory_space<semaphore_mem>>) src(%arg19 : memref<112x128xf32, #tpu.memory_space<vmem>>) dst(%dma_wait3A_119 : memref<10000x128xf32, #tpu.memory_space<vmem_shared>>)
        tpu.yield
      }) : () -> ()
      %add3A_55 = arith.constant 19936 : i32
      %add3A_56 = arith.addi %mul3A_3, %add3A_55 : i32
      "tpu.region"() ({
        %run_scoped3A = tpu.sem_alloc : memref<!tpu.dma_semaphore, #tpu.memory_space<semaphore_mem>>
        %dma_start3A_114 = tpu.memref_slice %arg6[%add3A_56] : memref<320000xi32, #tpu.memory_space<hbm>> -> memref<64xi32, #tpu.memory_space<hbm>>
        %dma_start3A_115 = tpu.memref_slice %arg6[%add3A_56] : memref<320000xi32, #tpu.memory_space<hbm>> -> memref<64xi32, #tpu.memory_space<hbm>>
        tpu.enqueue_dma source(%dma_start3A_115 : memref<64xi32, #tpu.memory_space<hbm>>) target(%arg21 : memref<64xi32, #tpu.memory_space<vmem>>) target_semaphore(%run_scoped3A : memref<!tpu.dma_semaphore, #tpu.memory_space<semaphore_mem>>)
        %dma_wait3A_116 = tpu.memref_slice %arg6[%add3A_56] : memref<320000xi32, #tpu.memory_space<hbm>> -> memref<64xi32, #tpu.memory_space<hbm>>
        %dma_wait3A_117 = tpu.memref_slice %arg6[%add3A_56] : memref<320000xi32, #tpu.memory_space<hbm>> -> memref<64xi32, #tpu.memory_space<hbm>>
        tpu.wait_dma2 semaphore(%run_scoped3A : memref<!tpu.dma_semaphore, #tpu.memory_space<semaphore_mem>>) src(%dma_wait3A_117 : memref<64xi32, #tpu.memory_space<hbm>>) dst(%arg21 : memref<64xi32, #tpu.memory_space<vmem>>)
        tpu.yield
      }) : () -> ()
      "tpu.region"() ({
        %run_scoped3A = tpu.sem_alloc : memref<!tpu.dma_semaphore, #tpu.memory_space<semaphore_mem>>
        %dma_start3A_114 = tpu.memref_slice %arg7[%add3A_56] : memref<320000xi32, #tpu.memory_space<hbm>> -> memref<64xi32, #tpu.memory_space<hbm>>
        %dma_start3A_115 = tpu.memref_slice %arg7[%add3A_56] : memref<320000xi32, #tpu.memory_space<hbm>> -> memref<64xi32, #tpu.memory_space<hbm>>
        tpu.enqueue_dma source(%dma_start3A_115 : memref<64xi32, #tpu.memory_space<hbm>>) target(%arg22 : memref<64xi32, #tpu.memory_space<vmem>>) target_semaphore(%run_scoped3A : memref<!tpu.dma_semaphore, #tpu.memory_space<semaphore_mem>>)
        %dma_wait3A_116 = tpu.memref_slice %arg7[%add3A_56] : memref<320000xi32, #tpu.memory_space<hbm>> -> memref<64xi32, #tpu.memory_space<hbm>>
        %dma_wait3A_117 = tpu.memref_slice %arg7[%add3A_56] : memref<320000xi32, #tpu.memory_space<hbm>> -> memref<64xi32, #tpu.memory_space<hbm>>
        tpu.wait_dma2 semaphore(%run_scoped3A : memref<!tpu.dma_semaphore, #tpu.memory_space<semaphore_mem>>) src(%dma_wait3A_117 : memref<64xi32, #tpu.memory_space<hbm>>) dst(%arg22 : memref<64xi32, #tpu.memory_space<vmem>>)
        tpu.yield
      }) : () -> ()
      %dma_start3A_57 = arith.constant 0 : i32
      %dma_start3A_58 = arith.constant 0 : i32
      %dma_start3A_59 = tpu.memref_slice %arg18[%dma_start3A_57, %dma_start3A_58] : memref<112x128xf32, #tpu.memory_space<vmem>> -> memref<64x128xf32, #tpu.memory_space<vmem>>
      %dma_start3A_60 = arith.constant 0 : i32
      %dma_start3A_61 = arith.constant 0 : i32
      %dma_start3A_62 = tpu.memref_slice %arg3[%dma_start3A_60, %dma_start3A_61] : memref<10000x128xf32, #tpu.memory_space<hbm>> -> memref<10000x128xf32, #tpu.memory_space<hbm>>
      tpu.enqueue_indirect_dma source(%dma_start3A_62 : memref<10000x128xf32, #tpu.memory_space<hbm>>) target(%dma_start3A_59 : memref<64x128xf32, #tpu.memory_space<vmem>>) offsets(%arg21 : memref<64xi32, #tpu.memory_space<vmem>>) semaphore(%arg26 : memref<!tpu.dma_semaphore, #tpu.memory_space<semaphore_mem>>)
      %dma_wait3A_63 = arith.constant 0 : i32
      %dma_wait3A_64 = arith.constant 0 : i32
      %dma_wait3A_65 = tpu.memref_slice %arg18[%dma_wait3A_63, %dma_wait3A_64] : memref<112x128xf32, #tpu.memory_space<vmem>> -> memref<64x128xf32, #tpu.memory_space<vmem>>
      %dma_wait3A_66 = arith.constant 0 : i32
      %dma_wait3A_67 = arith.constant 0 : i32
      %dma_wait3A_68 = tpu.memref_slice %arg3[%dma_wait3A_66, %dma_wait3A_67] : memref<10000x128xf32, #tpu.memory_space<hbm>> -> memref<10000x128xf32, #tpu.memory_space<hbm>>
      tpu.wait_indirect_dma semaphore(%arg26 : memref<!tpu.dma_semaphore, #tpu.memory_space<semaphore_mem>>) src(%dma_wait3A_68 : memref<10000x128xf32, #tpu.memory_space<hbm>>) dst(%dma_wait3A_65 : memref<64x128xf32, #tpu.memory_space<vmem>>)
      "tpu.region"() ({
        %run_scoped3A = tpu.sem_alloc : memref<!tpu.dma_semaphore, #tpu.memory_space<semaphore_mem>>
        %dma_start3A_114 = arith.constant 0 : i32
        %dma_start3A_115 = arith.constant 0 : i32
        %dma_start3A_116 = tpu.memref_slice %arg18[%dma_start3A_114, %dma_start3A_115] : memref<112x128xf32, #tpu.memory_space<vmem>> -> memref<64x128xf32, #tpu.memory_space<vmem>>
        %dma_start3A_117 = arith.constant 0 : i32
        %dma_start3A_118 = arith.constant 0 : i32
        %dma_start3A_119 = tpu.memref_slice %arg23[%dma_start3A_117, %dma_start3A_118] : memref<10000x128xf32, #tpu.memory_space<vmem_shared>> -> memref<10000x128xf32, #tpu.memory_space<vmem_shared>>
        tpu.enqueue_indirect_dma source(%dma_start3A_116 : memref<64x128xf32, #tpu.memory_space<vmem>>) target(%dma_start3A_119 : memref<10000x128xf32, #tpu.memory_space<vmem_shared>>) offsets(%arg22 : memref<64xi32, #tpu.memory_space<vmem>>) semaphore(%run_scoped3A : memref<!tpu.dma_semaphore, #tpu.memory_space<semaphore_mem>>) {add = true}
        %dma_wait3A_120 = arith.constant 0 : i32
        %dma_wait3A_121 = arith.constant 0 : i32
        %dma_wait3A_122 = tpu.memref_slice %arg18[%dma_wait3A_120, %dma_wait3A_121] : memref<112x128xf32, #tpu.memory_space<vmem>> -> memref<64x128xf32, #tpu.memory_space<vmem>>
        %dma_wait3A_123 = arith.constant 0 : i32
        %dma_wait3A_124 = arith.constant 0 : i32
        %dma_wait3A_125 = tpu.memref_slice %arg23[%dma_wait3A_123, %dma_wait3A_124] : memref<10000x128xf32, #tpu.memory_space<vmem_shared>> -> memref<10000x128xf32, #tpu.memory_space<vmem_shared>>
        tpu.wait_indirect_dma semaphore(%run_scoped3A : memref<!tpu.dma_semaphore, #tpu.memory_space<semaphore_mem>>) src(%dma_wait3A_122 : memref<64x128xf32, #tpu.memory_space<vmem>>) dst(%dma_wait3A_125 : memref<10000x128xf32, #tpu.memory_space<vmem_shared>>)
        tpu.yield
      }) : () -> ()
      %barrier3A_69 = arith.constant 0 : index
      tpu.barrier barrier_id(%barrier3A_69)
      %scan3A_70 = arith.constant 0 : i32
      %scan3A_71 = arith.constant 0 : i32
      %scan3A_72 = arith.constant 4 : i32
      %scan3A_73 = arith.addi %scan3A_71, %scan3A_72 : i32
      %scan3A_74 = arith.constant 1 : i32
      scf.for %scan3A_114 = %scan3A_71 to %scan3A_73 step %scan3A_74  : i32 {
        %mul3A_115 = arith.constant 160 : i32
        %mul3A_116 = arith.muli %scan3A_114, %mul3A_115 : i32
        %add3A_117 = arith.addi %min3A_1, %mul3A_116 : i32
        "tpu.region"() ({
          %run_scoped3A = tpu.sem_alloc : memref<!tpu.dma_semaphore, #tpu.memory_space<semaphore_mem>>
          %dma_start3A_118 = arith.constant 0 : i32
          %dma_start3A_119 = tpu.memref_slice %arg23[%add3A_117, %dma_start3A_118] : memref<10000x128xf32, #tpu.memory_space<vmem_shared>> -> memref<160x128xf32, #tpu.memory_space<vmem_shared>>
          %dma_start3A_120 = arith.constant 0 : i32
          %dma_start3A_121 = tpu.memref_slice %arg23[%add3A_117, %dma_start3A_120] : memref<10000x128xf32, #tpu.memory_space<vmem_shared>> -> memref<160x128xf32, #tpu.memory_space<vmem_shared>>
          tpu.enqueue_dma source(%dma_start3A_121 : memref<160x128xf32, #tpu.memory_space<vmem_shared>>) target(%arg20 : memref<160x128xf32, #tpu.memory_space<vmem>>) target_semaphore(%run_scoped3A : memref<!tpu.dma_semaphore, #tpu.memory_space<semaphore_mem>>)
          %dma_wait3A_122 = arith.constant 0 : i32
          %dma_wait3A_123 = tpu.memref_slice %arg23[%add3A_117, %dma_wait3A_122] : memref<10000x128xf32, #tpu.memory_space<vmem_shared>> -> memref<160x128xf32, #tpu.memory_space<vmem_shared>>
          %dma_wait3A_124 = arith.constant 0 : i32
          %dma_wait3A_125 = tpu.memref_slice %arg23[%add3A_117, %dma_wait3A_124] : memref<10000x128xf32, #tpu.memory_space<vmem_shared>> -> memref<160x128xf32, #tpu.memory_space<vmem_shared>>
          tpu.wait_dma2 semaphore(%run_scoped3A : memref<!tpu.dma_semaphore, #tpu.memory_space<semaphore_mem>>) src(%dma_wait3A_125 : memref<160x128xf32, #tpu.memory_space<vmem_shared>>) dst(%arg20 : memref<160x128xf32, #tpu.memory_space<vmem>>)
          tpu.yield
        }) : () -> ()
        "tpu.region"() ({
          %run_scoped3A = tpu.sem_alloc : memref<!tpu.dma_semaphore, #tpu.memory_space<semaphore_mem>>
          %dma_start3A_118 = arith.constant 0 : i32
          %dma_start3A_119 = tpu.memref_slice %arg10[%add3A_117, %dma_start3A_118] : memref<10000x128xf32, #tpu.memory_space<hbm>> -> memref<160x128xf32, #tpu.memory_space<hbm>>
          %dma_start3A_120 = arith.constant 0 : i32
          %dma_start3A_121 = tpu.memref_slice %arg10[%add3A_117, %dma_start3A_120] : memref<10000x128xf32, #tpu.memory_space<hbm>> -> memref<160x128xf32, #tpu.memory_space<hbm>>
          tpu.enqueue_dma source(%arg20 : memref<160x128xf32, #tpu.memory_space<vmem>>) target(%dma_start3A_121 : memref<160x128xf32, #tpu.memory_space<hbm>>) target_semaphore(%run_scoped3A : memref<!tpu.dma_semaphore, #tpu.memory_space<semaphore_mem>>)
          %dma_wait3A_122 = arith.constant 0 : i32
          %dma_wait3A_123 = tpu.memref_slice %arg10[%add3A_117, %dma_wait3A_122] : memref<10000x128xf32, #tpu.memory_space<hbm>> -> memref<160x128xf32, #tpu.memory_space<hbm>>
          %dma_wait3A_124 = arith.constant 0 : i32
          %dma_wait3A_125 = tpu.memref_slice %arg10[%add3A_117, %dma_wait3A_124] : memref<10000x128xf32, #tpu.memory_space<hbm>> -> memref<160x128xf32, #tpu.memory_space<hbm>>
          tpu.wait_dma2 semaphore(%run_scoped3A : memref<!tpu.dma_semaphore, #tpu.memory_space<semaphore_mem>>) src(%arg20 : memref<160x128xf32, #tpu.memory_space<vmem>>) dst(%dma_wait3A_125 : memref<160x128xf32, #tpu.memory_space<hbm>>)
          tpu.yield
        }) : () -> ()
      }
      %scan3A_75 = arith.constant 4 : i32
      "tpu.region"() ({
        %run_scoped3A = tpu.sem_alloc : memref<!tpu.dma_semaphore, #tpu.memory_space<semaphore_mem>>
        tpu.enqueue_dma source(%arg8 : memref<160x128xf32, #tpu.memory_space<hbm>>) target(%arg20 : memref<160x128xf32, #tpu.memory_space<vmem>>) target_semaphore(%run_scoped3A : memref<!tpu.dma_semaphore, #tpu.memory_space<semaphore_mem>>)
        tpu.wait_dma2 semaphore(%run_scoped3A : memref<!tpu.dma_semaphore, #tpu.memory_space<semaphore_mem>>) src(%arg8 : memref<160x128xf32, #tpu.memory_space<hbm>>) dst(%arg20 : memref<160x128xf32, #tpu.memory_space<vmem>>)
        tpu.yield
      }) : () -> ()
      %scan3A_76 = arith.constant 0 : i32
      %scan3A_77 = arith.constant 0 : i32
      %scan3A_78 = arith.constant 4 : i32
      %scan3A_79 = arith.addi %scan3A_77, %scan3A_78 : i32
      %scan3A_80 = arith.constant 1 : i32
      scf.for %scan3A_114 = %scan3A_77 to %scan3A_79 step %scan3A_80  : i32 {
        %mul3A_115 = arith.constant 160 : i32
        %mul3A_116 = arith.muli %scan3A_114, %mul3A_115 : i32
        %add3A_117 = arith.addi %min3A_1, %mul3A_116 : i32
        "tpu.region"() ({
          %run_scoped3A = tpu.sem_alloc : memref<!tpu.dma_semaphore, #tpu.memory_space<semaphore_mem>>
          %dma_start3A_118 = arith.constant 0 : i32
          %dma_start3A_119 = tpu.memref_slice %arg23[%add3A_117, %dma_start3A_118] : memref<10000x128xf32, #tpu.memory_space<vmem_shared>> -> memref<160x128xf32, #tpu.memory_space<vmem_shared>>
          %dma_start3A_120 = arith.constant 0 : i32
          %dma_start3A_121 = tpu.memref_slice %arg23[%add3A_117, %dma_start3A_120] : memref<10000x128xf32, #tpu.memory_space<vmem_shared>> -> memref<160x128xf32, #tpu.memory_space<vmem_shared>>
          tpu.enqueue_dma source(%arg20 : memref<160x128xf32, #tpu.memory_space<vmem>>) target(%dma_start3A_121 : memref<160x128xf32, #tpu.memory_space<vmem_shared>>) target_semaphore(%run_scoped3A : memref<!tpu.dma_semaphore, #tpu.memory_space<semaphore_mem>>)
          %dma_wait3A_122 = arith.constant 0 : i32
          %dma_wait3A_123 = tpu.memref_slice %arg23[%add3A_117, %dma_wait3A_122] : memref<10000x128xf32, #tpu.memory_space<vmem_shared>> -> memref<160x128xf32, #tpu.memory_space<vmem_shared>>
          %dma_wait3A_124 = arith.constant 0 : i32
          %dma_wait3A_125 = tpu.memref_slice %arg23[%add3A_117, %dma_wait3A_124] : memref<10000x128xf32, #tpu.memory_space<vmem_shared>> -> memref<160x128xf32, #tpu.memory_space<vmem_shared>>
          tpu.wait_dma2 semaphore(%run_scoped3A : memref<!tpu.dma_semaphore, #tpu.memory_space<semaphore_mem>>) src(%arg20 : memref<160x128xf32, #tpu.memory_space<vmem>>) dst(%dma_wait3A_125 : memref<160x128xf32, #tpu.memory_space<vmem_shared>>)
          tpu.yield
        }) : () -> ()
      }
      %scan3A_81 = arith.constant 4 : i32
      "tpu.region"() ({
        %run_scoped3A = tpu.sem_alloc : memref<!tpu.dma_semaphore, #tpu.memory_space<semaphore_mem>>
        tpu.enqueue_dma source(%arg9 : memref<112x128xf32, #tpu.memory_space<hbm>>) target(%arg18 : memref<112x128xf32, #tpu.memory_space<vmem>>) target_semaphore(%run_scoped3A : memref<!tpu.dma_semaphore, #tpu.memory_space<semaphore_mem>>)
        tpu.wait_dma2 semaphore(%run_scoped3A : memref<!tpu.dma_semaphore, #tpu.memory_space<semaphore_mem>>) src(%arg9 : memref<112x128xf32, #tpu.memory_space<hbm>>) dst(%arg18 : memref<112x128xf32, #tpu.memory_space<vmem>>)
        tpu.yield
      }) : () -> ()
      %barrier3A_82 = arith.constant 0 : index
      tpu.barrier barrier_id(%barrier3A_82)
      %add3A_83 = arith.constant 0 : i32
      %add3A_84 = arith.addi %mul3A_3, %add3A_83 : i32
      %dma_start3A_85 = tpu.memref_slice %arg7[%add3A_84] : memref<320000xi32, #tpu.memory_space<hbm>> -> memref<112xi32, #tpu.memory_space<hbm>>
      %dma_start3A_86 = tpu.memref_slice %arg7[%add3A_84] : memref<320000xi32, #tpu.memory_space<hbm>> -> memref<112xi32, #tpu.memory_space<hbm>>
      tpu.enqueue_dma source(%dma_start3A_86 : memref<112xi32, #tpu.memory_space<hbm>>) target(%arg16 : memref<112xi32, #tpu.memory_space<vmem>>) target_semaphore(%arg24 : memref<!tpu.dma_semaphore, #tpu.memory_space<semaphore_mem>>)
      %add3A_87 = arith.constant 112 : i32
      %add3A_88 = arith.addi %mul3A_3, %add3A_87 : i32
      %dma_start3A_89 = tpu.memref_slice %arg7[%add3A_88] : memref<320000xi32, #tpu.memory_space<hbm>> -> memref<112xi32, #tpu.memory_space<hbm>>
      %dma_start3A_90 = tpu.memref_slice %arg7[%add3A_88] : memref<320000xi32, #tpu.memory_space<hbm>> -> memref<112xi32, #tpu.memory_space<hbm>>
      tpu.enqueue_dma source(%dma_start3A_90 : memref<112xi32, #tpu.memory_space<hbm>>) target(%arg17 : memref<112xi32, #tpu.memory_space<vmem>>) target_semaphore(%arg25 : memref<!tpu.dma_semaphore, #tpu.memory_space<semaphore_mem>>)
      %add3A_91 = arith.constant 0 : i32
      %add3A_92 = arith.addi %mul3A_3, %add3A_91 : i32
      %dma_wait3A_93 = tpu.memref_slice %arg7[%add3A_92] : memref<320000xi32, #tpu.memory_space<hbm>> -> memref<112xi32, #tpu.memory_space<hbm>>
      %dma_wait3A_94 = tpu.memref_slice %arg7[%add3A_92] : memref<320000xi32, #tpu.memory_space<hbm>> -> memref<112xi32, #tpu.memory_space<hbm>>
      tpu.wait_dma2 semaphore(%arg24 : memref<!tpu.dma_semaphore, #tpu.memory_space<semaphore_mem>>) src(%dma_wait3A_94 : memref<112xi32, #tpu.memory_space<hbm>>) dst(%arg16 : memref<112xi32, #tpu.memory_space<vmem>>)
      %add3A_95 = arith.constant 112 : i32
      %add3A_96 = arith.addi %mul3A_3, %add3A_95 : i32
      %dma_wait3A_97 = tpu.memref_slice %arg7[%add3A_96] : memref<320000xi32, #tpu.memory_space<hbm>> -> memref<112xi32, #tpu.memory_space<hbm>>
      %dma_wait3A_98 = tpu.memref_slice %arg7[%add3A_96] : memref<320000xi32, #tpu.memory_space<hbm>> -> memref<112xi32, #tpu.memory_space<hbm>>
      tpu.wait_dma2 semaphore(%arg25 : memref<!tpu.dma_semaphore, #tpu.memory_space<semaphore_mem>>) src(%dma_wait3A_98 : memref<112xi32, #tpu.memory_space<hbm>>) dst(%arg17 : memref<112xi32, #tpu.memory_space<vmem>>)
      %scan3A_99 = arith.constant 0 : i32
      %scan3A_100 = arith.constant 0 : i32
      %scan3A_101 = arith.constant 88 : i32
      %scan3A_102 = arith.addi %scan3A_100, %scan3A_101 : i32
      %scan3A_103 = arith.constant 1 : i32
      scf.for %scan3A_114 = %scan3A_100 to %scan3A_102 step %scan3A_103  : i32 {
        %mul3A_115 = arith.constant 2 : i32
        %mul3A_116 = arith.muli %mul3A_115, %scan3A_114 : i32
        "tpu.region"() ({
          %run_scoped3A = tpu.sem_alloc : memref<!tpu.dma_semaphore, #tpu.memory_space<semaphore_mem>>
          %dma_start3A_145 = arith.constant 0 : i32
          %dma_start3A_146 = arith.constant 0 : i32
          %dma_start3A_147 = tpu.memref_slice %arg23[%dma_start3A_145, %dma_start3A_146] : memref<10000x128xf32, #tpu.memory_space<vmem_shared>> -> memref<10000x128xf32, #tpu.memory_space<vmem_shared>>
          tpu.enqueue_indirect_dma source(%arg18 : memref<112x128xf32, #tpu.memory_space<vmem>>) target(%dma_start3A_147 : memref<10000x128xf32, #tpu.memory_space<vmem_shared>>) offsets(%arg16 : memref<112xi32, #tpu.memory_space<vmem>>) semaphore(%run_scoped3A : memref<!tpu.dma_semaphore, #tpu.memory_space<semaphore_mem>>) {add = true}
          %dma_wait3A_148 = arith.constant 0 : i32
          %dma_wait3A_149 = arith.constant 0 : i32
          %dma_wait3A_150 = tpu.memref_slice %arg23[%dma_wait3A_148, %dma_wait3A_149] : memref<10000x128xf32, #tpu.memory_space<vmem_shared>> -> memref<10000x128xf32, #tpu.memory_space<vmem_shared>>
          tpu.wait_indirect_dma semaphore(%run_scoped3A : memref<!tpu.dma_semaphore, #tpu.memory_space<semaphore_mem>>) src(%arg18 : memref<112x128xf32, #tpu.memory_space<vmem>>) dst(%dma_wait3A_150 : memref<10000x128xf32, #tpu.memory_space<vmem_shared>>)
          tpu.yield
        }) : () -> ()
        %add3A_117 = arith.constant 2 : i32
        %add3A_118 = arith.addi %mul3A_116, %add3A_117 : i32
        %mul3A_119 = arith.constant 112 : i32
        %mul3A_120 = arith.muli %add3A_118, %mul3A_119 : i32
        %add3A_121 = arith.addi %mul3A_3, %mul3A_120 : i32
        %dma_start3A_122 = tpu.memref_slice %arg7[%add3A_121] : memref<320000xi32, #tpu.memory_space<hbm>> -> memref<112xi32, #tpu.memory_space<hbm>>
        %dma_start3A_123 = tpu.memref_slice %arg7[%add3A_121] : memref<320000xi32, #tpu.memory_space<hbm>> -> memref<112xi32, #tpu.memory_space<hbm>>
        tpu.enqueue_dma source(%dma_start3A_123 : memref<112xi32, #tpu.memory_space<hbm>>) target(%arg16 : memref<112xi32, #tpu.memory_space<vmem>>) target_semaphore(%arg24 : memref<!tpu.dma_semaphore, #tpu.memory_space<semaphore_mem>>)
        "tpu.region"() ({
          %run_scoped3A = tpu.sem_alloc : memref<!tpu.dma_semaphore, #tpu.memory_space<semaphore_mem>>
          %dma_start3A_145 = arith.constant 0 : i32
          %dma_start3A_146 = arith.constant 0 : i32
          %dma_start3A_147 = tpu.memref_slice %arg23[%dma_start3A_145, %dma_start3A_146] : memref<10000x128xf32, #tpu.memory_space<vmem_shared>> -> memref<10000x128xf32, #tpu.memory_space<vmem_shared>>
          tpu.enqueue_indirect_dma source(%arg18 : memref<112x128xf32, #tpu.memory_space<vmem>>) target(%dma_start3A_147 : memref<10000x128xf32, #tpu.memory_space<vmem_shared>>) offsets(%arg17 : memref<112xi32, #tpu.memory_space<vmem>>) semaphore(%run_scoped3A : memref<!tpu.dma_semaphore, #tpu.memory_space<semaphore_mem>>) {add = true}
          %dma_wait3A_148 = arith.constant 0 : i32
          %dma_wait3A_149 = arith.constant 0 : i32
          %dma_wait3A_150 = tpu.memref_slice %arg23[%dma_wait3A_148, %dma_wait3A_149] : memref<10000x128xf32, #tpu.memory_space<vmem_shared>> -> memref<10000x128xf32, #tpu.memory_space<vmem_shared>>
          tpu.wait_indirect_dma semaphore(%run_scoped3A : memref<!tpu.dma_semaphore, #tpu.memory_space<semaphore_mem>>) src(%arg18 : memref<112x128xf32, #tpu.memory_space<vmem>>) dst(%dma_wait3A_150 : memref<10000x128xf32, #tpu.memory_space<vmem_shared>>)
          tpu.yield
        }) : () -> ()
        %add3A_124 = arith.constant 3 : i32
        %add3A_125 = arith.addi %mul3A_116, %add3A_124 : i32
        %mul3A_126 = arith.constant 112 : i32
        %mul3A_127 = arith.muli %add3A_125, %mul3A_126 : i32
        %add3A_128 = arith.addi %mul3A_3, %mul3A_127 : i32
        %dma_start3A_129 = tpu.memref_slice %arg7[%add3A_128] : memref<320000xi32, #tpu.memory_space<hbm>> -> memref<112xi32, #tpu.memory_space<hbm>>
        %dma_start3A_130 = tpu.memref_slice %arg7[%add3A_128] : memref<320000xi32, #tpu.memory_space<hbm>> -> memref<112xi32, #tpu.memory_space<hbm>>
        tpu.enqueue_dma source(%dma_start3A_130 : memref<112xi32, #tpu.memory_space<hbm>>) target(%arg17 : memref<112xi32, #tpu.memory_space<vmem>>) target_semaphore(%arg25 : memref<!tpu.dma_semaphore, #tpu.memory_space<semaphore_mem>>)
        %add3A_131 = arith.constant 2 : i32
        %add3A_132 = arith.addi %mul3A_116, %add3A_131 : i32
        %mul3A_133 = arith.constant 112 : i32
        %mul3A_134 = arith.muli %add3A_132, %mul3A_133 : i32
        %add3A_135 = arith.addi %mul3A_3, %mul3A_134 : i32
        %dma_wait3A_136 = tpu.memref_slice %arg7[%add3A_135] : memref<320000xi32, #tpu.memory_space<hbm>> -> memref<112xi32, #tpu.memory_space<hbm>>
        %dma_wait3A_137 = tpu.memref_slice %arg7[%add3A_135] : memref<320000xi32, #tpu.memory_space<hbm>> -> memref<112xi32, #tpu.memory_space<hbm>>
        tpu.wait_dma2 semaphore(%arg24 : memref<!tpu.dma_semaphore, #tpu.memory_space<semaphore_mem>>) src(%dma_wait3A_137 : memref<112xi32, #tpu.memory_space<hbm>>) dst(%arg16 : memref<112xi32, #tpu.memory_space<vmem>>)
        %add3A_138 = arith.constant 3 : i32
        %add3A_139 = arith.addi %mul3A_116, %add3A_138 : i32
        %mul3A_140 = arith.constant 112 : i32
        %mul3A_141 = arith.muli %add3A_139, %mul3A_140 : i32
        %add3A_142 = arith.addi %mul3A_3, %mul3A_141 : i32
        %dma_wait3A_143 = tpu.memref_slice %arg7[%add3A_142] : memref<320000xi32, #tpu.memory_space<hbm>> -> memref<112xi32, #tpu.memory_space<hbm>>
        %dma_wait3A_144 = tpu.memref_slice %arg7[%add3A_142] : memref<320000xi32, #tpu.memory_space<hbm>> -> memref<112xi32, #tpu.memory_space<hbm>>
        tpu.wait_dma2 semaphore(%arg25 : memref<!tpu.dma_semaphore, #tpu.memory_space<semaphore_mem>>) src(%dma_wait3A_144 : memref<112xi32, #tpu.memory_space<hbm>>) dst(%arg17 : memref<112xi32, #tpu.memory_space<vmem>>)
      }
      %scan3A_104 = arith.constant 88 : i32
      "tpu.region"() ({
        %run_scoped3A = tpu.sem_alloc : memref<!tpu.dma_semaphore, #tpu.memory_space<semaphore_mem>>
        %dma_start3A_114 = arith.constant 0 : i32
        %dma_start3A_115 = arith.constant 0 : i32
        %dma_start3A_116 = tpu.memref_slice %arg23[%dma_start3A_114, %dma_start3A_115] : memref<10000x128xf32, #tpu.memory_space<vmem_shared>> -> memref<10000x128xf32, #tpu.memory_space<vmem_shared>>
        tpu.enqueue_indirect_dma source(%arg18 : memref<112x128xf32, #tpu.memory_space<vmem>>) target(%dma_start3A_116 : memref<10000x128xf32, #tpu.memory_space<vmem_shared>>) offsets(%arg16 : memref<112xi32, #tpu.memory_space<vmem>>) semaphore(%run_scoped3A : memref<!tpu.dma_semaphore, #tpu.memory_space<semaphore_mem>>) {add = true}
        %dma_wait3A_117 = arith.constant 0 : i32
        %dma_wait3A_118 = arith.constant 0 : i32
        %dma_wait3A_119 = tpu.memref_slice %arg23[%dma_wait3A_117, %dma_wait3A_118] : memref<10000x128xf32, #tpu.memory_space<vmem_shared>> -> memref<10000x128xf32, #tpu.memory_space<vmem_shared>>
        tpu.wait_indirect_dma semaphore(%run_scoped3A : memref<!tpu.dma_semaphore, #tpu.memory_space<semaphore_mem>>) src(%arg18 : memref<112x128xf32, #tpu.memory_space<vmem>>) dst(%dma_wait3A_119 : memref<10000x128xf32, #tpu.memory_space<vmem_shared>>)
        tpu.yield
      }) : () -> ()
      "tpu.region"() ({
        %run_scoped3A = tpu.sem_alloc : memref<!tpu.dma_semaphore, #tpu.memory_space<semaphore_mem>>
        %dma_start3A_114 = arith.constant 0 : i32
        %dma_start3A_115 = arith.constant 0 : i32
        %dma_start3A_116 = tpu.memref_slice %arg23[%dma_start3A_114, %dma_start3A_115] : memref<10000x128xf32, #tpu.memory_space<vmem_shared>> -> memref<10000x128xf32, #tpu.memory_space<vmem_shared>>
        tpu.enqueue_indirect_dma source(%arg18 : memref<112x128xf32, #tpu.memory_space<vmem>>) target(%dma_start3A_116 : memref<10000x128xf32, #tpu.memory_space<vmem_shared>>) offsets(%arg17 : memref<112xi32, #tpu.memory_space<vmem>>) semaphore(%run_scoped3A : memref<!tpu.dma_semaphore, #tpu.memory_space<semaphore_mem>>) {add = true}
        %dma_wait3A_117 = arith.constant 0 : i32
        %dma_wait3A_118 = arith.constant 0 : i32
        %dma_wait3A_119 = tpu.memref_slice %arg23[%dma_wait3A_117, %dma_wait3A_118] : memref<10000x128xf32, #tpu.memory_space<vmem_shared>> -> memref<10000x128xf32, #tpu.memory_space<vmem_shared>>
        tpu.wait_indirect_dma semaphore(%run_scoped3A : memref<!tpu.dma_semaphore, #tpu.memory_space<semaphore_mem>>) src(%arg18 : memref<112x128xf32, #tpu.memory_space<vmem>>) dst(%dma_wait3A_119 : memref<10000x128xf32, #tpu.memory_space<vmem_shared>>)
        tpu.yield
      }) : () -> ()
      %add3A_105 = arith.constant 19936 : i32
      %add3A_106 = arith.addi %mul3A_3, %add3A_105 : i32
      "tpu.region"() ({
        %run_scoped3A = tpu.sem_alloc : memref<!tpu.dma_semaphore, #tpu.memory_space<semaphore_mem>>
        %dma_start3A_114 = tpu.memref_slice %arg7[%add3A_106] : memref<320000xi32, #tpu.memory_space<hbm>> -> memref<64xi32, #tpu.memory_space<hbm>>
        %dma_start3A_115 = tpu.memref_slice %arg7[%add3A_106] : memref<320000xi32, #tpu.memory_space<hbm>> -> memref<64xi32, #tpu.memory_space<hbm>>
        tpu.enqueue_dma source(%dma_start3A_115 : memref<64xi32, #tpu.memory_space<hbm>>) target(%arg22 : memref<64xi32, #tpu.memory_space<vmem>>) target_semaphore(%run_scoped3A : memref<!tpu.dma_semaphore, #tpu.memory_space<semaphore_mem>>)
        %dma_wait3A_116 = tpu.memref_slice %arg7[%add3A_106] : memref<320000xi32, #tpu.memory_space<hbm>> -> memref<64xi32, #tpu.memory_space<hbm>>
        %dma_wait3A_117 = tpu.memref_slice %arg7[%add3A_106] : memref<320000xi32, #tpu.memory_space<hbm>> -> memref<64xi32, #tpu.memory_space<hbm>>
        tpu.wait_dma2 semaphore(%run_scoped3A : memref<!tpu.dma_semaphore, #tpu.memory_space<semaphore_mem>>) src(%dma_wait3A_117 : memref<64xi32, #tpu.memory_space<hbm>>) dst(%arg22 : memref<64xi32, #tpu.memory_space<vmem>>)
        tpu.yield
      }) : () -> ()
      "tpu.region"() ({
        %run_scoped3A = tpu.sem_alloc : memref<!tpu.dma_semaphore, #tpu.memory_space<semaphore_mem>>
        %dma_start3A_114 = arith.constant 0 : i32
        %dma_start3A_115 = arith.constant 0 : i32
        %dma_start3A_116 = tpu.memref_slice %arg18[%dma_start3A_114, %dma_start3A_115] : memref<112x128xf32, #tpu.memory_space<vmem>> -> memref<64x128xf32, #tpu.memory_space<vmem>>
        %dma_start3A_117 = arith.constant 0 : i32
        %dma_start3A_118 = arith.constant 0 : i32
        %dma_start3A_119 = tpu.memref_slice %arg23[%dma_start3A_117, %dma_start3A_118] : memref<10000x128xf32, #tpu.memory_space<vmem_shared>> -> memref<10000x128xf32, #tpu.memory_space<vmem_shared>>
        tpu.enqueue_indirect_dma source(%dma_start3A_116 : memref<64x128xf32, #tpu.memory_space<vmem>>) target(%dma_start3A_119 : memref<10000x128xf32, #tpu.memory_space<vmem_shared>>) offsets(%arg22 : memref<64xi32, #tpu.memory_space<vmem>>) semaphore(%run_scoped3A : memref<!tpu.dma_semaphore, #tpu.memory_space<semaphore_mem>>) {add = true}
        %dma_wait3A_120 = arith.constant 0 : i32
        %dma_wait3A_121 = arith.constant 0 : i32
        %dma_wait3A_122 = tpu.memref_slice %arg18[%dma_wait3A_120, %dma_wait3A_121] : memref<112x128xf32, #tpu.memory_space<vmem>> -> memref<64x128xf32, #tpu.memory_space<vmem>>
        %dma_wait3A_123 = arith.constant 0 : i32
        %dma_wait3A_124 = arith.constant 0 : i32
        %dma_wait3A_125 = tpu.memref_slice %arg23[%dma_wait3A_123, %dma_wait3A_124] : memref<10000x128xf32, #tpu.memory_space<vmem_shared>> -> memref<10000x128xf32, #tpu.memory_space<vmem_shared>>
        tpu.wait_indirect_dma semaphore(%run_scoped3A : memref<!tpu.dma_semaphore, #tpu.memory_space<semaphore_mem>>) src(%dma_wait3A_122 : memref<64x128xf32, #tpu.memory_space<vmem>>) dst(%dma_wait3A_125 : memref<10000x128xf32, #tpu.memory_space<vmem_shared>>)
        tpu.yield
      }) : () -> ()
      %barrier3A_107 = arith.constant 0 : index
      tpu.barrier barrier_id(%barrier3A_107)
      %scan3A_108 = arith.constant 0 : i32
      %scan3A_109 = arith.constant 0 : i32
      %scan3A_110 = arith.constant 4 : i32
      %scan3A_111 = arith.addi %scan3A_109, %scan3A_110 : i32
      %scan3A_112 = arith.constant 1 : i32
      scf.for %scan3A_114 = %scan3A_109 to %scan3A_111 step %scan3A_112  : i32 {
        %mul3A_115 = arith.constant 160 : i32
        %mul3A_116 = arith.muli %scan3A_114, %mul3A_115 : i32
        %add3A_117 = arith.addi %min3A_1, %mul3A_116 : i32
        "tpu.region"() ({
          %run_scoped3A = tpu.sem_alloc : memref<!tpu.dma_semaphore, #tpu.memory_space<semaphore_mem>>
          %dma_start3A_118 = arith.constant 0 : i32
          %dma_start3A_119 = tpu.memref_slice %arg23[%add3A_117, %dma_start3A_118] : memref<10000x128xf32, #tpu.memory_space<vmem_shared>> -> memref<160x128xf32, #tpu.memory_space<vmem_shared>>
          %dma_start3A_120 = arith.constant 0 : i32
          %dma_start3A_121 = tpu.memref_slice %arg23[%add3A_117, %dma_start3A_120] : memref<10000x128xf32, #tpu.memory_space<vmem_shared>> -> memref<160x128xf32, #tpu.memory_space<vmem_shared>>
          tpu.enqueue_dma source(%dma_start3A_121 : memref<160x128xf32, #tpu.memory_space<vmem_shared>>) target(%arg20 : memref<160x128xf32, #tpu.memory_space<vmem>>) target_semaphore(%run_scoped3A : memref<!tpu.dma_semaphore, #tpu.memory_space<semaphore_mem>>)
          %dma_wait3A_122 = arith.constant 0 : i32
          %dma_wait3A_123 = tpu.memref_slice %arg23[%add3A_117, %dma_wait3A_122] : memref<10000x128xf32, #tpu.memory_space<vmem_shared>> -> memref<160x128xf32, #tpu.memory_space<vmem_shared>>
          %dma_wait3A_124 = arith.constant 0 : i32
          %dma_wait3A_125 = tpu.memref_slice %arg23[%add3A_117, %dma_wait3A_124] : memref<10000x128xf32, #tpu.memory_space<vmem_shared>> -> memref<160x128xf32, #tpu.memory_space<vmem_shared>>
          tpu.wait_dma2 semaphore(%run_scoped3A : memref<!tpu.dma_semaphore, #tpu.memory_space<semaphore_mem>>) src(%dma_wait3A_125 : memref<160x128xf32, #tpu.memory_space<vmem_shared>>) dst(%arg20 : memref<160x128xf32, #tpu.memory_space<vmem>>)
          tpu.yield
        }) : () -> ()
        "tpu.region"() ({
          %run_scoped3A = tpu.sem_alloc : memref<!tpu.dma_semaphore, #tpu.memory_space<semaphore_mem>>
          %dma_start3A_118 = arith.constant 0 : i32
          %dma_start3A_119 = tpu.memref_slice %arg12[%add3A_117, %dma_start3A_118] : memref<10000x128xf32, #tpu.memory_space<hbm>> -> memref<160x128xf32, #tpu.memory_space<hbm>>
          %dma_start3A_120 = arith.constant 0 : i32
          %dma_start3A_121 = tpu.memref_slice %arg12[%add3A_117, %dma_start3A_120] : memref<10000x128xf32, #tpu.memory_space<hbm>> -> memref<160x128xf32, #tpu.memory_space<hbm>>
          tpu.enqueue_dma source(%arg20 : memref<160x128xf32, #tpu.memory_space<vmem>>) target(%dma_start3A_121 : memref<160x128xf32, #tpu.memory_space<hbm>>) target_semaphore(%run_scoped3A : memref<!tpu.dma_semaphore, #tpu.memory_space<semaphore_mem>>)
          %dma_wait3A_122 = arith.constant 0 : i32
          %dma_wait3A_123 = tpu.memref_slice %arg12[%add3A_117, %dma_wait3A_122] : memref<10000x128xf32, #tpu.memory_space<hbm>> -> memref<160x128xf32, #tpu.memory_space<hbm>>
          %dma_wait3A_124 = arith.constant 0 : i32
          %dma_wait3A_125 = tpu.memref_slice %arg12[%add3A_117, %dma_wait3A_124] : memref<10000x128xf32, #tpu.memory_space<hbm>> -> memref<160x128xf32, #tpu.memory_space<hbm>>
          tpu.wait_dma2 semaphore(%run_scoped3A : memref<!tpu.dma_semaphore, #tpu.memory_space<semaphore_mem>>) src(%arg20 : memref<160x128xf32, #tpu.memory_space<vmem>>) dst(%dma_wait3A_125 : memref<160x128xf32, #tpu.memory_space<hbm>>)
          tpu.yield
        }) : () -> ()
      }
      %scan3A_113 = arith.constant 4 : i32
    } else {
    }
    %eq3A_6 = arith.constant 1 : i32
    %eq3A_7 = arith.cmpi eq, %arg0, %eq3A_6 : i32
    %convert_element_type3A_8 = arith.extui %eq3A_7 : i1 to i32
    %cond3A_9 = arith.constant 0 : i32
    %cond3A_10 = arith.cmpi ne, %convert_element_type3A_8, %cond3A_9 : i32
    scf.if %cond3A_10 {
      "tpu.region"() ({
        %run_scoped3A = tpu.sem_alloc : memref<!tpu.dma_semaphore, #tpu.memory_space<semaphore_mem>>
        tpu.enqueue_dma source(%arg8 : memref<160x128xf32, #tpu.memory_space<hbm>>) target(%arg20 : memref<160x128xf32, #tpu.memory_space<vmem>>) target_semaphore(%run_scoped3A : memref<!tpu.dma_semaphore, #tpu.memory_space<semaphore_mem>>)
        tpu.wait_dma2 semaphore(%run_scoped3A : memref<!tpu.dma_semaphore, #tpu.memory_space<semaphore_mem>>) src(%arg8 : memref<160x128xf32, #tpu.memory_space<hbm>>) dst(%arg20 : memref<160x128xf32, #tpu.memory_space<vmem>>)
        tpu.yield
      }) : () -> ()
      %scan3A = arith.constant 0 : i32
      %scan3A_11 = arith.constant 0 : i32
      %scan3A_12 = arith.constant 4 : i32
      %scan3A_13 = arith.addi %scan3A_11, %scan3A_12 : i32
      %scan3A_14 = arith.constant 1 : i32
      scf.for %scan3A_114 = %scan3A_11 to %scan3A_13 step %scan3A_14  : i32 {
        %mul3A_115 = arith.constant 160 : i32
        %mul3A_116 = arith.muli %scan3A_114, %mul3A_115 : i32
        %add3A_117 = arith.addi %min3A_1, %mul3A_116 : i32
        "tpu.region"() ({
          %run_scoped3A = tpu.sem_alloc : memref<!tpu.dma_semaphore, #tpu.memory_space<semaphore_mem>>
          %dma_start3A_118 = arith.constant 0 : i32
          %dma_start3A_119 = tpu.memref_slice %arg23[%add3A_117, %dma_start3A_118] : memref<10000x128xf32, #tpu.memory_space<vmem_shared>> -> memref<160x128xf32, #tpu.memory_space<vmem_shared>>
          %dma_start3A_120 = arith.constant 0 : i32
          %dma_start3A_121 = tpu.memref_slice %arg23[%add3A_117, %dma_start3A_120] : memref<10000x128xf32, #tpu.memory_space<vmem_shared>> -> memref<160x128xf32, #tpu.memory_space<vmem_shared>>
          tpu.enqueue_dma source(%arg20 : memref<160x128xf32, #tpu.memory_space<vmem>>) target(%dma_start3A_121 : memref<160x128xf32, #tpu.memory_space<vmem_shared>>) target_semaphore(%run_scoped3A : memref<!tpu.dma_semaphore, #tpu.memory_space<semaphore_mem>>)
          %dma_wait3A_122 = arith.constant 0 : i32
          %dma_wait3A_123 = tpu.memref_slice %arg23[%add3A_117, %dma_wait3A_122] : memref<10000x128xf32, #tpu.memory_space<vmem_shared>> -> memref<160x128xf32, #tpu.memory_space<vmem_shared>>
          %dma_wait3A_124 = arith.constant 0 : i32
          %dma_wait3A_125 = tpu.memref_slice %arg23[%add3A_117, %dma_wait3A_124] : memref<10000x128xf32, #tpu.memory_space<vmem_shared>> -> memref<160x128xf32, #tpu.memory_space<vmem_shared>>
          tpu.wait_dma2 semaphore(%run_scoped3A : memref<!tpu.dma_semaphore, #tpu.memory_space<semaphore_mem>>) src(%arg20 : memref<160x128xf32, #tpu.memory_space<vmem>>) dst(%dma_wait3A_125 : memref<160x128xf32, #tpu.memory_space<vmem_shared>>)
          tpu.yield
        }) : () -> ()
      }
      %scan3A_15 = arith.constant 4 : i32
      %barrier3A = arith.constant 0 : index
      tpu.barrier barrier_id(%barrier3A)
      %add3A = arith.constant 0 : i32
      %add3A_16 = arith.addi %mul3A_3, %add3A : i32
      %dma_start3A = tpu.memref_slice %arg4[%add3A_16] : memref<320000xi32, #tpu.memory_space<hbm>> -> memref<112xi32, #tpu.memory_space<hbm>>
      %dma_start3A_17 = tpu.memref_slice %arg4[%add3A_16] : memref<320000xi32, #tpu.memory_space<hbm>> -> memref<112xi32, #tpu.memory_space<hbm>>
      tpu.enqueue_dma source(%dma_start3A_17 : memref<112xi32, #tpu.memory_space<hbm>>) target(%arg14 : memref<112xi32, #tpu.memory_space<vmem>>) target_semaphore(%arg24 : memref<!tpu.dma_semaphore, #tpu.memory_space<semaphore_mem>>)
      %dma_start3A_18 = tpu.memref_slice %arg5[%add3A_16] : memref<320000xi32, #tpu.memory_space<hbm>> -> memref<112xi32, #tpu.memory_space<hbm>>
      %dma_start3A_19 = tpu.memref_slice %arg5[%add3A_16] : memref<320000xi32, #tpu.memory_space<hbm>> -> memref<112xi32, #tpu.memory_space<hbm>>
      tpu.enqueue_dma source(%dma_start3A_19 : memref<112xi32, #tpu.memory_space<hbm>>) target(%arg16 : memref<112xi32, #tpu.memory_space<vmem>>) target_semaphore(%arg24 : memref<!tpu.dma_semaphore, #tpu.memory_space<semaphore_mem>>)
      %add3A_20 = arith.constant 112 : i32
      %add3A_21 = arith.addi %mul3A_3, %add3A_20 : i32
      %dma_start3A_22 = tpu.memref_slice %arg4[%add3A_21] : memref<320000xi32, #tpu.memory_space<hbm>> -> memref<112xi32, #tpu.memory_space<hbm>>
      %dma_start3A_23 = tpu.memref_slice %arg4[%add3A_21] : memref<320000xi32, #tpu.memory_space<hbm>> -> memref<112xi32, #tpu.memory_space<hbm>>
      tpu.enqueue_dma source(%dma_start3A_23 : memref<112xi32, #tpu.memory_space<hbm>>) target(%arg15 : memref<112xi32, #tpu.memory_space<vmem>>) target_semaphore(%arg25 : memref<!tpu.dma_semaphore, #tpu.memory_space<semaphore_mem>>)
      %dma_start3A_24 = tpu.memref_slice %arg5[%add3A_21] : memref<320000xi32, #tpu.memory_space<hbm>> -> memref<112xi32, #tpu.memory_space<hbm>>
      %dma_start3A_25 = tpu.memref_slice %arg5[%add3A_21] : memref<320000xi32, #tpu.memory_space<hbm>> -> memref<112xi32, #tpu.memory_space<hbm>>
      tpu.enqueue_dma source(%dma_start3A_25 : memref<112xi32, #tpu.memory_space<hbm>>) target(%arg17 : memref<112xi32, #tpu.memory_space<vmem>>) target_semaphore(%arg25 : memref<!tpu.dma_semaphore, #tpu.memory_space<semaphore_mem>>)
      %add3A_26 = arith.constant 0 : i32
      %add3A_27 = arith.addi %mul3A_3, %add3A_26 : i32
      %dma_wait3A = tpu.memref_slice %arg4[%add3A_27] : memref<320000xi32, #tpu.memory_space<hbm>> -> memref<112xi32, #tpu.memory_space<hbm>>
      %dma_wait3A_28 = tpu.memref_slice %arg4[%add3A_27] : memref<320000xi32, #tpu.memory_space<hbm>> -> memref<112xi32, #tpu.memory_space<hbm>>
      tpu.wait_dma2 semaphore(%arg24 : memref<!tpu.dma_semaphore, #tpu.memory_space<semaphore_mem>>) src(%dma_wait3A_28 : memref<112xi32, #tpu.memory_space<hbm>>) dst(%arg14 : memref<112xi32, #tpu.memory_space<vmem>>)
      %dma_wait3A_29 = tpu.memref_slice %arg5[%add3A_27] : memref<320000xi32, #tpu.memory_space<hbm>> -> memref<112xi32, #tpu.memory_space<hbm>>
      %dma_wait3A_30 = tpu.memref_slice %arg5[%add3A_27] : memref<320000xi32, #tpu.memory_space<hbm>> -> memref<112xi32, #tpu.memory_space<hbm>>
      tpu.wait_dma2 semaphore(%arg24 : memref<!tpu.dma_semaphore, #tpu.memory_space<semaphore_mem>>) src(%dma_wait3A_30 : memref<112xi32, #tpu.memory_space<hbm>>) dst(%arg16 : memref<112xi32, #tpu.memory_space<vmem>>)
      %dma_start3A_31 = arith.constant 0 : i32
      %dma_start3A_32 = arith.constant 0 : i32
      %dma_start3A_33 = tpu.memref_slice %arg2[%dma_start3A_31, %dma_start3A_32] : memref<10000x128xf32, #tpu.memory_space<hbm>> -> memref<10000x128xf32, #tpu.memory_space<hbm>>
      tpu.enqueue_indirect_dma source(%dma_start3A_33 : memref<10000x128xf32, #tpu.memory_space<hbm>>) target(%arg18 : memref<112x128xf32, #tpu.memory_space<vmem>>) offsets(%arg14 : memref<112xi32, #tpu.memory_space<vmem>>) semaphore(%arg26 : memref<!tpu.dma_semaphore, #tpu.memory_space<semaphore_mem>>)
      %add3A_34 = arith.constant 112 : i32
      %add3A_35 = arith.addi %mul3A_3, %add3A_34 : i32
      %dma_wait3A_36 = tpu.memref_slice %arg4[%add3A_35] : memref<320000xi32, #tpu.memory_space<hbm>> -> memref<112xi32, #tpu.memory_space<hbm>>
      %dma_wait3A_37 = tpu.memref_slice %arg4[%add3A_35] : memref<320000xi32, #tpu.memory_space<hbm>> -> memref<112xi32, #tpu.memory_space<hbm>>
      tpu.wait_dma2 semaphore(%arg25 : memref<!tpu.dma_semaphore, #tpu.memory_space<semaphore_mem>>) src(%dma_wait3A_37 : memref<112xi32, #tpu.memory_space<hbm>>) dst(%arg15 : memref<112xi32, #tpu.memory_space<vmem>>)
      %dma_wait3A_38 = tpu.memref_slice %arg5[%add3A_35] : memref<320000xi32, #tpu.memory_space<hbm>> -> memref<112xi32, #tpu.memory_space<hbm>>
      %dma_wait3A_39 = tpu.memref_slice %arg5[%add3A_35] : memref<320000xi32, #tpu.memory_space<hbm>> -> memref<112xi32, #tpu.memory_space<hbm>>
      tpu.wait_dma2 semaphore(%arg25 : memref<!tpu.dma_semaphore, #tpu.memory_space<semaphore_mem>>) src(%dma_wait3A_39 : memref<112xi32, #tpu.memory_space<hbm>>) dst(%arg17 : memref<112xi32, #tpu.memory_space<vmem>>)
      %scan3A_40 = arith.constant 0 : i32
      %scan3A_41 = arith.constant 0 : i32
      %scan3A_42 = arith.constant 88 : i32
      %scan3A_43 = arith.addi %scan3A_41, %scan3A_42 : i32
      %scan3A_44 = arith.constant 1 : i32
      scf.for %scan3A_114 = %scan3A_41 to %scan3A_43 step %scan3A_44  : i32 {
        %mul3A_115 = arith.constant 2 : i32
        %mul3A_116 = arith.muli %mul3A_115, %scan3A_114 : i32
        %dma_start3A_117 = arith.constant 0 : i32
        %dma_start3A_118 = arith.constant 0 : i32
        %dma_start3A_119 = tpu.memref_slice %arg2[%dma_start3A_117, %dma_start3A_118] : memref<10000x128xf32, #tpu.memory_space<hbm>> -> memref<10000x128xf32, #tpu.memory_space<hbm>>
        tpu.enqueue_indirect_dma source(%dma_start3A_119 : memref<10000x128xf32, #tpu.memory_space<hbm>>) target(%arg19 : memref<112x128xf32, #tpu.memory_space<vmem>>) offsets(%arg15 : memref<112xi32, #tpu.memory_space<vmem>>) semaphore(%arg27 : memref<!tpu.dma_semaphore, #tpu.memory_space<semaphore_mem>>)
        %dma_wait3A_120 = arith.constant 0 : i32
        %dma_wait3A_121 = arith.constant 0 : i32
        %dma_wait3A_122 = tpu.memref_slice %arg2[%dma_wait3A_120, %dma_wait3A_121] : memref<10000x128xf32, #tpu.memory_space<hbm>> -> memref<10000x128xf32, #tpu.memory_space<hbm>>
        tpu.wait_indirect_dma semaphore(%arg26 : memref<!tpu.dma_semaphore, #tpu.memory_space<semaphore_mem>>) src(%dma_wait3A_122 : memref<10000x128xf32, #tpu.memory_space<hbm>>) dst(%arg18 : memref<112x128xf32, #tpu.memory_space<vmem>>)
        "tpu.region"() ({
          %run_scoped3A = tpu.sem_alloc : memref<!tpu.dma_semaphore, #tpu.memory_space<semaphore_mem>>
          %dma_start3A_165 = arith.constant 0 : i32
          %dma_start3A_166 = arith.constant 0 : i32
          %dma_start3A_167 = tpu.memref_slice %arg23[%dma_start3A_165, %dma_start3A_166] : memref<10000x128xf32, #tpu.memory_space<vmem_shared>> -> memref<10000x128xf32, #tpu.memory_space<vmem_shared>>
          tpu.enqueue_indirect_dma source(%arg18 : memref<112x128xf32, #tpu.memory_space<vmem>>) target(%dma_start3A_167 : memref<10000x128xf32, #tpu.memory_space<vmem_shared>>) offsets(%arg16 : memref<112xi32, #tpu.memory_space<vmem>>) semaphore(%run_scoped3A : memref<!tpu.dma_semaphore, #tpu.memory_space<semaphore_mem>>) {add = true}
          %dma_wait3A_168 = arith.constant 0 : i32
          %dma_wait3A_169 = arith.constant 0 : i32
          %dma_wait3A_170 = tpu.memref_slice %arg23[%dma_wait3A_168, %dma_wait3A_169] : memref<10000x128xf32, #tpu.memory_space<vmem_shared>> -> memref<10000x128xf32, #tpu.memory_space<vmem_shared>>
          tpu.wait_indirect_dma semaphore(%run_scoped3A : memref<!tpu.dma_semaphore, #tpu.memory_space<semaphore_mem>>) src(%arg18 : memref<112x128xf32, #tpu.memory_space<vmem>>) dst(%dma_wait3A_170 : memref<10000x128xf32, #tpu.memory_space<vmem_shared>>)
          tpu.yield
        }) : () -> ()
        %add3A_123 = arith.constant 2 : i32
        %add3A_124 = arith.addi %mul3A_116, %add3A_123 : i32
        %mul3A_125 = arith.constant 112 : i32
        %mul3A_126 = arith.muli %add3A_124, %mul3A_125 : i32
        %add3A_127 = arith.addi %mul3A_3, %mul3A_126 : i32
        %dma_start3A_128 = tpu.memref_slice %arg4[%add3A_127] : memref<320000xi32, #tpu.memory_space<hbm>> -> memref<112xi32, #tpu.memory_space<hbm>>
        %dma_start3A_129 = tpu.memref_slice %arg4[%add3A_127] : memref<320000xi32, #tpu.memory_space<hbm>> -> memref<112xi32, #tpu.memory_space<hbm>>
        tpu.enqueue_dma source(%dma_start3A_129 : memref<112xi32, #tpu.memory_space<hbm>>) target(%arg14 : memref<112xi32, #tpu.memory_space<vmem>>) target_semaphore(%arg24 : memref<!tpu.dma_semaphore, #tpu.memory_space<semaphore_mem>>)
        %dma_start3A_130 = tpu.memref_slice %arg5[%add3A_127] : memref<320000xi32, #tpu.memory_space<hbm>> -> memref<112xi32, #tpu.memory_space<hbm>>
        %dma_start3A_131 = tpu.memref_slice %arg5[%add3A_127] : memref<320000xi32, #tpu.memory_space<hbm>> -> memref<112xi32, #tpu.memory_space<hbm>>
        tpu.enqueue_dma source(%dma_start3A_131 : memref<112xi32, #tpu.memory_space<hbm>>) target(%arg16 : memref<112xi32, #tpu.memory_space<vmem>>) target_semaphore(%arg24 : memref<!tpu.dma_semaphore, #tpu.memory_space<semaphore_mem>>)
        %dma_wait3A_132 = arith.constant 0 : i32
        %dma_wait3A_133 = arith.constant 0 : i32
        %dma_wait3A_134 = tpu.memref_slice %arg2[%dma_wait3A_132, %dma_wait3A_133] : memref<10000x128xf32, #tpu.memory_space<hbm>> -> memref<10000x128xf32, #tpu.memory_space<hbm>>
        tpu.wait_indirect_dma semaphore(%arg27 : memref<!tpu.dma_semaphore, #tpu.memory_space<semaphore_mem>>) src(%dma_wait3A_134 : memref<10000x128xf32, #tpu.memory_space<hbm>>) dst(%arg19 : memref<112x128xf32, #tpu.memory_space<vmem>>)
        "tpu.region"() ({
          %run_scoped3A = tpu.sem_alloc : memref<!tpu.dma_semaphore, #tpu.memory_space<semaphore_mem>>
          %dma_start3A_165 = arith.constant 0 : i32
          %dma_start3A_166 = arith.constant 0 : i32
          %dma_start3A_167 = tpu.memref_slice %arg23[%dma_start3A_165, %dma_start3A_166] : memref<10000x128xf32, #tpu.memory_space<vmem_shared>> -> memref<10000x128xf32, #tpu.memory_space<vmem_shared>>
          tpu.enqueue_indirect_dma source(%arg19 : memref<112x128xf32, #tpu.memory_space<vmem>>) target(%dma_start3A_167 : memref<10000x128xf32, #tpu.memory_space<vmem_shared>>) offsets(%arg17 : memref<112xi32, #tpu.memory_space<vmem>>) semaphore(%run_scoped3A : memref<!tpu.dma_semaphore, #tpu.memory_space<semaphore_mem>>) {add = true}
          %dma_wait3A_168 = arith.constant 0 : i32
          %dma_wait3A_169 = arith.constant 0 : i32
          %dma_wait3A_170 = tpu.memref_slice %arg23[%dma_wait3A_168, %dma_wait3A_169] : memref<10000x128xf32, #tpu.memory_space<vmem_shared>> -> memref<10000x128xf32, #tpu.memory_space<vmem_shared>>
          tpu.wait_indirect_dma semaphore(%run_scoped3A : memref<!tpu.dma_semaphore, #tpu.memory_space<semaphore_mem>>) src(%arg19 : memref<112x128xf32, #tpu.memory_space<vmem>>) dst(%dma_wait3A_170 : memref<10000x128xf32, #tpu.memory_space<vmem_shared>>)
          tpu.yield
        }) : () -> ()
        %add3A_135 = arith.constant 3 : i32
        %add3A_136 = arith.addi %mul3A_116, %add3A_135 : i32
        %mul3A_137 = arith.constant 112 : i32
        %mul3A_138 = arith.muli %add3A_136, %mul3A_137 : i32
        %add3A_139 = arith.addi %mul3A_3, %mul3A_138 : i32
        %dma_start3A_140 = tpu.memref_slice %arg4[%add3A_139] : memref<320000xi32, #tpu.memory_space<hbm>> -> memref<112xi32, #tpu.memory_space<hbm>>
        %dma_start3A_141 = tpu.memref_slice %arg4[%add3A_139] : memref<320000xi32, #tpu.memory_space<hbm>> -> memref<112xi32, #tpu.memory_space<hbm>>
        tpu.enqueue_dma source(%dma_start3A_141 : memref<112xi32, #tpu.memory_space<hbm>>) target(%arg15 : memref<112xi32, #tpu.memory_space<vmem>>) target_semaphore(%arg25 : memref<!tpu.dma_semaphore, #tpu.memory_space<semaphore_mem>>)
        %dma_start3A_142 = tpu.memref_slice %arg5[%add3A_139] : memref<320000xi32, #tpu.memory_space<hbm>> -> memref<112xi32, #tpu.memory_space<hbm>>
        %dma_start3A_143 = tpu.memref_slice %arg5[%add3A_139] : memref<320000xi32, #tpu.memory_space<hbm>> -> memref<112xi32, #tpu.memory_space<hbm>>
        tpu.enqueue_dma source(%dma_start3A_143 : memref<112xi32, #tpu.memory_space<hbm>>) target(%arg17 : memref<112xi32, #tpu.memory_space<vmem>>) target_semaphore(%arg25 : memref<!tpu.dma_semaphore, #tpu.memory_space<semaphore_mem>>)
        %add3A_144 = arith.constant 2 : i32
        %add3A_145 = arith.addi %mul3A_116, %add3A_144 : i32
        %mul3A_146 = arith.constant 112 : i32
        %mul3A_147 = arith.muli %add3A_145, %mul3A_146 : i32
        %add3A_148 = arith.addi %mul3A_3, %mul3A_147 : i32
        %dma_wait3A_149 = tpu.memref_slice %arg4[%add3A_148] : memref<320000xi32, #tpu.memory_space<hbm>> -> memref<112xi32, #tpu.memory_space<hbm>>
        %dma_wait3A_150 = tpu.memref_slice %arg4[%add3A_148] : memref<320000xi32, #tpu.memory_space<hbm>> -> memref<112xi32, #tpu.memory_space<hbm>>
        tpu.wait_dma2 semaphore(%arg24 : memref<!tpu.dma_semaphore, #tpu.memory_space<semaphore_mem>>) src(%dma_wait3A_150 : memref<112xi32, #tpu.memory_space<hbm>>) dst(%arg14 : memref<112xi32, #tpu.memory_space<vmem>>)
        %dma_wait3A_151 = tpu.memref_slice %arg5[%add3A_148] : memref<320000xi32, #tpu.memory_space<hbm>> -> memref<112xi32, #tpu.memory_space<hbm>>
        %dma_wait3A_152 = tpu.memref_slice %arg5[%add3A_148] : memref<320000xi32, #tpu.memory_space<hbm>> -> memref<112xi32, #tpu.memory_space<hbm>>
        tpu.wait_dma2 semaphore(%arg24 : memref<!tpu.dma_semaphore, #tpu.memory_space<semaphore_mem>>) src(%dma_wait3A_152 : memref<112xi32, #tpu.memory_space<hbm>>) dst(%arg16 : memref<112xi32, #tpu.memory_space<vmem>>)
        %dma_start3A_153 = arith.constant 0 : i32
        %dma_start3A_154 = arith.constant 0 : i32
        %dma_start3A_155 = tpu.memref_slice %arg2[%dma_start3A_153, %dma_start3A_154] : memref<10000x128xf32, #tpu.memory_space<hbm>> -> memref<10000x128xf32, #tpu.memory_space<hbm>>
        tpu.enqueue_indirect_dma source(%dma_start3A_155 : memref<10000x128xf32, #tpu.memory_space<hbm>>) target(%arg18 : memref<112x128xf32, #tpu.memory_space<vmem>>) offsets(%arg14 : memref<112xi32, #tpu.memory_space<vmem>>) semaphore(%arg26 : memref<!tpu.dma_semaphore, #tpu.memory_space<semaphore_mem>>)
        %add3A_156 = arith.constant 3 : i32
        %add3A_157 = arith.addi %mul3A_116, %add3A_156 : i32
        %mul3A_158 = arith.constant 112 : i32
        %mul3A_159 = arith.muli %add3A_157, %mul3A_158 : i32
        %add3A_160 = arith.addi %mul3A_3, %mul3A_159 : i32
        %dma_wait3A_161 = tpu.memref_slice %arg4[%add3A_160] : memref<320000xi32, #tpu.memory_space<hbm>> -> memref<112xi32, #tpu.memory_space<hbm>>
        %dma_wait3A_162 = tpu.memref_slice %arg4[%add3A_160] : memref<320000xi32, #tpu.memory_space<hbm>> -> memref<112xi32, #tpu.memory_space<hbm>>
        tpu.wait_dma2 semaphore(%arg25 : memref<!tpu.dma_semaphore, #tpu.memory_space<semaphore_mem>>) src(%dma_wait3A_162 : memref<112xi32, #tpu.memory_space<hbm>>) dst(%arg15 : memref<112xi32, #tpu.memory_space<vmem>>)
        %dma_wait3A_163 = tpu.memref_slice %arg5[%add3A_160] : memref<320000xi32, #tpu.memory_space<hbm>> -> memref<112xi32, #tpu.memory_space<hbm>>
        %dma_wait3A_164 = tpu.memref_slice %arg5[%add3A_160] : memref<320000xi32, #tpu.memory_space<hbm>> -> memref<112xi32, #tpu.memory_space<hbm>>
        tpu.wait_dma2 semaphore(%arg25 : memref<!tpu.dma_semaphore, #tpu.memory_space<semaphore_mem>>) src(%dma_wait3A_164 : memref<112xi32, #tpu.memory_space<hbm>>) dst(%arg17 : memref<112xi32, #tpu.memory_space<vmem>>)
      }
      %scan3A_45 = arith.constant 88 : i32
      %dma_start3A_46 = arith.constant 0 : i32
      %dma_start3A_47 = arith.constant 0 : i32
      %dma_start3A_48 = tpu.memref_slice %arg2[%dma_start3A_46, %dma_start3A_47] : memref<10000x128xf32, #tpu.memory_space<hbm>> -> memref<10000x128xf32, #tpu.memory_space<hbm>>
      tpu.enqueue_indirect_dma source(%dma_start3A_48 : memref<10000x128xf32, #tpu.memory_space<hbm>>) target(%arg19 : memref<112x128xf32, #tpu.memory_space<vmem>>) offsets(%arg15 : memref<112xi32, #tpu.memory_space<vmem>>) semaphore(%arg27 : memref<!tpu.dma_semaphore, #tpu.memory_space<semaphore_mem>>)
      %dma_wait3A_49 = arith.constant 0 : i32
      %dma_wait3A_50 = arith.constant 0 : i32
      %dma_wait3A_51 = tpu.memref_slice %arg2[%dma_wait3A_49, %dma_wait3A_50] : memref<10000x128xf32, #tpu.memory_space<hbm>> -> memref<10000x128xf32, #tpu.memory_space<hbm>>
      tpu.wait_indirect_dma semaphore(%arg26 : memref<!tpu.dma_semaphore, #tpu.memory_space<semaphore_mem>>) src(%dma_wait3A_51 : memref<10000x128xf32, #tpu.memory_space<hbm>>) dst(%arg18 : memref<112x128xf32, #tpu.memory_space<vmem>>)
      "tpu.region"() ({
        %run_scoped3A = tpu.sem_alloc : memref<!tpu.dma_semaphore, #tpu.memory_space<semaphore_mem>>
        %dma_start3A_114 = arith.constant 0 : i32
        %dma_start3A_115 = arith.constant 0 : i32
        %dma_start3A_116 = tpu.memref_slice %arg23[%dma_start3A_114, %dma_start3A_115] : memref<10000x128xf32, #tpu.memory_space<vmem_shared>> -> memref<10000x128xf32, #tpu.memory_space<vmem_shared>>
        tpu.enqueue_indirect_dma source(%arg18 : memref<112x128xf32, #tpu.memory_space<vmem>>) target(%dma_start3A_116 : memref<10000x128xf32, #tpu.memory_space<vmem_shared>>) offsets(%arg16 : memref<112xi32, #tpu.memory_space<vmem>>) semaphore(%run_scoped3A : memref<!tpu.dma_semaphore, #tpu.memory_space<semaphore_mem>>) {add = true}
        %dma_wait3A_117 = arith.constant 0 : i32
        %dma_wait3A_118 = arith.constant 0 : i32
        %dma_wait3A_119 = tpu.memref_slice %arg23[%dma_wait3A_117, %dma_wait3A_118] : memref<10000x128xf32, #tpu.memory_space<vmem_shared>> -> memref<10000x128xf32, #tpu.memory_space<vmem_shared>>
        tpu.wait_indirect_dma semaphore(%run_scoped3A : memref<!tpu.dma_semaphore, #tpu.memory_space<semaphore_mem>>) src(%arg18 : memref<112x128xf32, #tpu.memory_space<vmem>>) dst(%dma_wait3A_119 : memref<10000x128xf32, #tpu.memory_space<vmem_shared>>)
        tpu.yield
      }) : () -> ()
      %dma_wait3A_52 = arith.constant 0 : i32
      %dma_wait3A_53 = arith.constant 0 : i32
      %dma_wait3A_54 = tpu.memref_slice %arg2[%dma_wait3A_52, %dma_wait3A_53] : memref<10000x128xf32, #tpu.memory_space<hbm>> -> memref<10000x128xf32, #tpu.memory_space<hbm>>
      tpu.wait_indirect_dma semaphore(%arg27 : memref<!tpu.dma_semaphore, #tpu.memory_space<semaphore_mem>>) src(%dma_wait3A_54 : memref<10000x128xf32, #tpu.memory_space<hbm>>) dst(%arg19 : memref<112x128xf32, #tpu.memory_space<vmem>>)
      "tpu.region"() ({
        %run_scoped3A = tpu.sem_alloc : memref<!tpu.dma_semaphore, #tpu.memory_space<semaphore_mem>>
        %dma_start3A_114 = arith.constant 0 : i32
        %dma_start3A_115 = arith.constant 0 : i32
        %dma_start3A_116 = tpu.memref_slice %arg23[%dma_start3A_114, %dma_start3A_115] : memref<10000x128xf32, #tpu.memory_space<vmem_shared>> -> memref<10000x128xf32, #tpu.memory_space<vmem_shared>>
        tpu.enqueue_indirect_dma source(%arg19 : memref<112x128xf32, #tpu.memory_space<vmem>>) target(%dma_start3A_116 : memref<10000x128xf32, #tpu.memory_space<vmem_shared>>) offsets(%arg17 : memref<112xi32, #tpu.memory_space<vmem>>) semaphore(%run_scoped3A : memref<!tpu.dma_semaphore, #tpu.memory_space<semaphore_mem>>) {add = true}
        %dma_wait3A_117 = arith.constant 0 : i32
        %dma_wait3A_118 = arith.constant 0 : i32
        %dma_wait3A_119 = tpu.memref_slice %arg23[%dma_wait3A_117, %dma_wait3A_118] : memref<10000x128xf32, #tpu.memory_space<vmem_shared>> -> memref<10000x128xf32, #tpu.memory_space<vmem_shared>>
        tpu.wait_indirect_dma semaphore(%run_scoped3A : memref<!tpu.dma_semaphore, #tpu.memory_space<semaphore_mem>>) src(%arg19 : memref<112x128xf32, #tpu.memory_space<vmem>>) dst(%dma_wait3A_119 : memref<10000x128xf32, #tpu.memory_space<vmem_shared>>)
        tpu.yield
      }) : () -> ()
      %add3A_55 = arith.constant 19936 : i32
      %add3A_56 = arith.addi %mul3A_3, %add3A_55 : i32
      "tpu.region"() ({
        %run_scoped3A = tpu.sem_alloc : memref<!tpu.dma_semaphore, #tpu.memory_space<semaphore_mem>>
        %dma_start3A_114 = tpu.memref_slice %arg4[%add3A_56] : memref<320000xi32, #tpu.memory_space<hbm>> -> memref<64xi32, #tpu.memory_space<hbm>>
        %dma_start3A_115 = tpu.memref_slice %arg4[%add3A_56] : memref<320000xi32, #tpu.memory_space<hbm>> -> memref<64xi32, #tpu.memory_space<hbm>>
        tpu.enqueue_dma source(%dma_start3A_115 : memref<64xi32, #tpu.memory_space<hbm>>) target(%arg21 : memref<64xi32, #tpu.memory_space<vmem>>) target_semaphore(%run_scoped3A : memref<!tpu.dma_semaphore, #tpu.memory_space<semaphore_mem>>)
        %dma_wait3A_116 = tpu.memref_slice %arg4[%add3A_56] : memref<320000xi32, #tpu.memory_space<hbm>> -> memref<64xi32, #tpu.memory_space<hbm>>
        %dma_wait3A_117 = tpu.memref_slice %arg4[%add3A_56] : memref<320000xi32, #tpu.memory_space<hbm>> -> memref<64xi32, #tpu.memory_space<hbm>>
        tpu.wait_dma2 semaphore(%run_scoped3A : memref<!tpu.dma_semaphore, #tpu.memory_space<semaphore_mem>>) src(%dma_wait3A_117 : memref<64xi32, #tpu.memory_space<hbm>>) dst(%arg21 : memref<64xi32, #tpu.memory_space<vmem>>)
        tpu.yield
      }) : () -> ()
      "tpu.region"() ({
        %run_scoped3A = tpu.sem_alloc : memref<!tpu.dma_semaphore, #tpu.memory_space<semaphore_mem>>
        %dma_start3A_114 = tpu.memref_slice %arg5[%add3A_56] : memref<320000xi32, #tpu.memory_space<hbm>> -> memref<64xi32, #tpu.memory_space<hbm>>
        %dma_start3A_115 = tpu.memref_slice %arg5[%add3A_56] : memref<320000xi32, #tpu.memory_space<hbm>> -> memref<64xi32, #tpu.memory_space<hbm>>
        tpu.enqueue_dma source(%dma_start3A_115 : memref<64xi32, #tpu.memory_space<hbm>>) target(%arg22 : memref<64xi32, #tpu.memory_space<vmem>>) target_semaphore(%run_scoped3A : memref<!tpu.dma_semaphore, #tpu.memory_space<semaphore_mem>>)
        %dma_wait3A_116 = tpu.memref_slice %arg5[%add3A_56] : memref<320000xi32, #tpu.memory_space<hbm>> -> memref<64xi32, #tpu.memory_space<hbm>>
        %dma_wait3A_117 = tpu.memref_slice %arg5[%add3A_56] : memref<320000xi32, #tpu.memory_space<hbm>> -> memref<64xi32, #tpu.memory_space<hbm>>
        tpu.wait_dma2 semaphore(%run_scoped3A : memref<!tpu.dma_semaphore, #tpu.memory_space<semaphore_mem>>) src(%dma_wait3A_117 : memref<64xi32, #tpu.memory_space<hbm>>) dst(%arg22 : memref<64xi32, #tpu.memory_space<vmem>>)
        tpu.yield
      }) : () -> ()
      %dma_start3A_57 = arith.constant 0 : i32
      %dma_start3A_58 = arith.constant 0 : i32
      %dma_start3A_59 = tpu.memref_slice %arg18[%dma_start3A_57, %dma_start3A_58] : memref<112x128xf32, #tpu.memory_space<vmem>> -> memref<64x128xf32, #tpu.memory_space<vmem>>
      %dma_start3A_60 = arith.constant 0 : i32
      %dma_start3A_61 = arith.constant 0 : i32
      %dma_start3A_62 = tpu.memref_slice %arg2[%dma_start3A_60, %dma_start3A_61] : memref<10000x128xf32, #tpu.memory_space<hbm>> -> memref<10000x128xf32, #tpu.memory_space<hbm>>
      tpu.enqueue_indirect_dma source(%dma_start3A_62 : memref<10000x128xf32, #tpu.memory_space<hbm>>) target(%dma_start3A_59 : memref<64x128xf32, #tpu.memory_space<vmem>>) offsets(%arg21 : memref<64xi32, #tpu.memory_space<vmem>>) semaphore(%arg26 : memref<!tpu.dma_semaphore, #tpu.memory_space<semaphore_mem>>)
      %dma_wait3A_63 = arith.constant 0 : i32
      %dma_wait3A_64 = arith.constant 0 : i32
      %dma_wait3A_65 = tpu.memref_slice %arg18[%dma_wait3A_63, %dma_wait3A_64] : memref<112x128xf32, #tpu.memory_space<vmem>> -> memref<64x128xf32, #tpu.memory_space<vmem>>
      %dma_wait3A_66 = arith.constant 0 : i32
      %dma_wait3A_67 = arith.constant 0 : i32
      %dma_wait3A_68 = tpu.memref_slice %arg2[%dma_wait3A_66, %dma_wait3A_67] : memref<10000x128xf32, #tpu.memory_space<hbm>> -> memref<10000x128xf32, #tpu.memory_space<hbm>>
      tpu.wait_indirect_dma semaphore(%arg26 : memref<!tpu.dma_semaphore, #tpu.memory_space<semaphore_mem>>) src(%dma_wait3A_68 : memref<10000x128xf32, #tpu.memory_space<hbm>>) dst(%dma_wait3A_65 : memref<64x128xf32, #tpu.memory_space<vmem>>)
      "tpu.region"() ({
        %run_scoped3A = tpu.sem_alloc : memref<!tpu.dma_semaphore, #tpu.memory_space<semaphore_mem>>
        %dma_start3A_114 = arith.constant 0 : i32
        %dma_start3A_115 = arith.constant 0 : i32
        %dma_start3A_116 = tpu.memref_slice %arg18[%dma_start3A_114, %dma_start3A_115] : memref<112x128xf32, #tpu.memory_space<vmem>> -> memref<64x128xf32, #tpu.memory_space<vmem>>
        %dma_start3A_117 = arith.constant 0 : i32
        %dma_start3A_118 = arith.constant 0 : i32
        %dma_start3A_119 = tpu.memref_slice %arg23[%dma_start3A_117, %dma_start3A_118] : memref<10000x128xf32, #tpu.memory_space<vmem_shared>> -> memref<10000x128xf32, #tpu.memory_space<vmem_shared>>
        tpu.enqueue_indirect_dma source(%dma_start3A_116 : memref<64x128xf32, #tpu.memory_space<vmem>>) target(%dma_start3A_119 : memref<10000x128xf32, #tpu.memory_space<vmem_shared>>) offsets(%arg22 : memref<64xi32, #tpu.memory_space<vmem>>) semaphore(%run_scoped3A : memref<!tpu.dma_semaphore, #tpu.memory_space<semaphore_mem>>) {add = true}
        %dma_wait3A_120 = arith.constant 0 : i32
        %dma_wait3A_121 = arith.constant 0 : i32
        %dma_wait3A_122 = tpu.memref_slice %arg18[%dma_wait3A_120, %dma_wait3A_121] : memref<112x128xf32, #tpu.memory_space<vmem>> -> memref<64x128xf32, #tpu.memory_space<vmem>>
        %dma_wait3A_123 = arith.constant 0 : i32
        %dma_wait3A_124 = arith.constant 0 : i32
        %dma_wait3A_125 = tpu.memref_slice %arg23[%dma_wait3A_123, %dma_wait3A_124] : memref<10000x128xf32, #tpu.memory_space<vmem_shared>> -> memref<10000x128xf32, #tpu.memory_space<vmem_shared>>
        tpu.wait_indirect_dma semaphore(%run_scoped3A : memref<!tpu.dma_semaphore, #tpu.memory_space<semaphore_mem>>) src(%dma_wait3A_122 : memref<64x128xf32, #tpu.memory_space<vmem>>) dst(%dma_wait3A_125 : memref<10000x128xf32, #tpu.memory_space<vmem_shared>>)
        tpu.yield
      }) : () -> ()
      %barrier3A_69 = arith.constant 0 : index
      tpu.barrier barrier_id(%barrier3A_69)
      %scan3A_70 = arith.constant 0 : i32
      %scan3A_71 = arith.constant 0 : i32
      %scan3A_72 = arith.constant 4 : i32
      %scan3A_73 = arith.addi %scan3A_71, %scan3A_72 : i32
      %scan3A_74 = arith.constant 1 : i32
      scf.for %scan3A_114 = %scan3A_71 to %scan3A_73 step %scan3A_74  : i32 {
        %mul3A_115 = arith.constant 160 : i32
        %mul3A_116 = arith.muli %scan3A_114, %mul3A_115 : i32
        %add3A_117 = arith.addi %min3A_1, %mul3A_116 : i32
        "tpu.region"() ({
          %run_scoped3A = tpu.sem_alloc : memref<!tpu.dma_semaphore, #tpu.memory_space<semaphore_mem>>
          %dma_start3A_118 = arith.constant 0 : i32
          %dma_start3A_119 = tpu.memref_slice %arg23[%add3A_117, %dma_start3A_118] : memref<10000x128xf32, #tpu.memory_space<vmem_shared>> -> memref<160x128xf32, #tpu.memory_space<vmem_shared>>
          %dma_start3A_120 = arith.constant 0 : i32
          %dma_start3A_121 = tpu.memref_slice %arg23[%add3A_117, %dma_start3A_120] : memref<10000x128xf32, #tpu.memory_space<vmem_shared>> -> memref<160x128xf32, #tpu.memory_space<vmem_shared>>
          tpu.enqueue_dma source(%dma_start3A_121 : memref<160x128xf32, #tpu.memory_space<vmem_shared>>) target(%arg20 : memref<160x128xf32, #tpu.memory_space<vmem>>) target_semaphore(%run_scoped3A : memref<!tpu.dma_semaphore, #tpu.memory_space<semaphore_mem>>)
          %dma_wait3A_122 = arith.constant 0 : i32
          %dma_wait3A_123 = tpu.memref_slice %arg23[%add3A_117, %dma_wait3A_122] : memref<10000x128xf32, #tpu.memory_space<vmem_shared>> -> memref<160x128xf32, #tpu.memory_space<vmem_shared>>
          %dma_wait3A_124 = arith.constant 0 : i32
          %dma_wait3A_125 = tpu.memref_slice %arg23[%add3A_117, %dma_wait3A_124] : memref<10000x128xf32, #tpu.memory_space<vmem_shared>> -> memref<160x128xf32, #tpu.memory_space<vmem_shared>>
          tpu.wait_dma2 semaphore(%run_scoped3A : memref<!tpu.dma_semaphore, #tpu.memory_space<semaphore_mem>>) src(%dma_wait3A_125 : memref<160x128xf32, #tpu.memory_space<vmem_shared>>) dst(%arg20 : memref<160x128xf32, #tpu.memory_space<vmem>>)
          tpu.yield
        }) : () -> ()
        "tpu.region"() ({
          %run_scoped3A = tpu.sem_alloc : memref<!tpu.dma_semaphore, #tpu.memory_space<semaphore_mem>>
          %dma_start3A_118 = arith.constant 0 : i32
          %dma_start3A_119 = tpu.memref_slice %arg11[%add3A_117, %dma_start3A_118] : memref<10000x128xf32, #tpu.memory_space<hbm>> -> memref<160x128xf32, #tpu.memory_space<hbm>>
          %dma_start3A_120 = arith.constant 0 : i32
          %dma_start3A_121 = tpu.memref_slice %arg11[%add3A_117, %dma_start3A_120] : memref<10000x128xf32, #tpu.memory_space<hbm>> -> memref<160x128xf32, #tpu.memory_space<hbm>>
          tpu.enqueue_dma source(%arg20 : memref<160x128xf32, #tpu.memory_space<vmem>>) target(%dma_start3A_121 : memref<160x128xf32, #tpu.memory_space<hbm>>) target_semaphore(%run_scoped3A : memref<!tpu.dma_semaphore, #tpu.memory_space<semaphore_mem>>)
          %dma_wait3A_122 = arith.constant 0 : i32
          %dma_wait3A_123 = tpu.memref_slice %arg11[%add3A_117, %dma_wait3A_122] : memref<10000x128xf32, #tpu.memory_space<hbm>> -> memref<160x128xf32, #tpu.memory_space<hbm>>
          %dma_wait3A_124 = arith.constant 0 : i32
          %dma_wait3A_125 = tpu.memref_slice %arg11[%add3A_117, %dma_wait3A_124] : memref<10000x128xf32, #tpu.memory_space<hbm>> -> memref<160x128xf32, #tpu.memory_space<hbm>>
          tpu.wait_dma2 semaphore(%run_scoped3A : memref<!tpu.dma_semaphore, #tpu.memory_space<semaphore_mem>>) src(%arg20 : memref<160x128xf32, #tpu.memory_space<vmem>>) dst(%dma_wait3A_125 : memref<160x128xf32, #tpu.memory_space<hbm>>)
          tpu.yield
        }) : () -> ()
      }
      %scan3A_75 = arith.constant 4 : i32
      "tpu.region"() ({
        %run_scoped3A = tpu.sem_alloc : memref<!tpu.dma_semaphore, #tpu.memory_space<semaphore_mem>>
        tpu.enqueue_dma source(%arg8 : memref<160x128xf32, #tpu.memory_space<hbm>>) target(%arg20 : memref<160x128xf32, #tpu.memory_space<vmem>>) target_semaphore(%run_scoped3A : memref<!tpu.dma_semaphore, #tpu.memory_space<semaphore_mem>>)
        tpu.wait_dma2 semaphore(%run_scoped3A : memref<!tpu.dma_semaphore, #tpu.memory_space<semaphore_mem>>) src(%arg8 : memref<160x128xf32, #tpu.memory_space<hbm>>) dst(%arg20 : memref<160x128xf32, #tpu.memory_space<vmem>>)
        tpu.yield
      }) : () -> ()
      %scan3A_76 = arith.constant 0 : i32
      %scan3A_77 = arith.constant 0 : i32
      %scan3A_78 = arith.constant 4 : i32
      %scan3A_79 = arith.addi %scan3A_77, %scan3A_78 : i32
      %scan3A_80 = arith.constant 1 : i32
      scf.for %scan3A_114 = %scan3A_77 to %scan3A_79 step %scan3A_80  : i32 {
        %mul3A_115 = arith.constant 160 : i32
        %mul3A_116 = arith.muli %scan3A_114, %mul3A_115 : i32
        %add3A_117 = arith.addi %min3A_1, %mul3A_116 : i32
        "tpu.region"() ({
          %run_scoped3A = tpu.sem_alloc : memref<!tpu.dma_semaphore, #tpu.memory_space<semaphore_mem>>
          %dma_start3A_118 = arith.constant 0 : i32
          %dma_start3A_119 = tpu.memref_slice %arg23[%add3A_117, %dma_start3A_118] : memref<10000x128xf32, #tpu.memory_space<vmem_shared>> -> memref<160x128xf32, #tpu.memory_space<vmem_shared>>
          %dma_start3A_120 = arith.constant 0 : i32
          %dma_start3A_121 = tpu.memref_slice %arg23[%add3A_117, %dma_start3A_120] : memref<10000x128xf32, #tpu.memory_space<vmem_shared>> -> memref<160x128xf32, #tpu.memory_space<vmem_shared>>
          tpu.enqueue_dma source(%arg20 : memref<160x128xf32, #tpu.memory_space<vmem>>) target(%dma_start3A_121 : memref<160x128xf32, #tpu.memory_space<vmem_shared>>) target_semaphore(%run_scoped3A : memref<!tpu.dma_semaphore, #tpu.memory_space<semaphore_mem>>)
          %dma_wait3A_122 = arith.constant 0 : i32
          %dma_wait3A_123 = tpu.memref_slice %arg23[%add3A_117, %dma_wait3A_122] : memref<10000x128xf32, #tpu.memory_space<vmem_shared>> -> memref<160x128xf32, #tpu.memory_space<vmem_shared>>
          %dma_wait3A_124 = arith.constant 0 : i32
          %dma_wait3A_125 = tpu.memref_slice %arg23[%add3A_117, %dma_wait3A_124] : memref<10000x128xf32, #tpu.memory_space<vmem_shared>> -> memref<160x128xf32, #tpu.memory_space<vmem_shared>>
          tpu.wait_dma2 semaphore(%run_scoped3A : memref<!tpu.dma_semaphore, #tpu.memory_space<semaphore_mem>>) src(%arg20 : memref<160x128xf32, #tpu.memory_space<vmem>>) dst(%dma_wait3A_125 : memref<160x128xf32, #tpu.memory_space<vmem_shared>>)
          tpu.yield
        }) : () -> ()
      }
      %scan3A_81 = arith.constant 4 : i32
      "tpu.region"() ({
        %run_scoped3A = tpu.sem_alloc : memref<!tpu.dma_semaphore, #tpu.memory_space<semaphore_mem>>
        tpu.enqueue_dma source(%arg9 : memref<112x128xf32, #tpu.memory_space<hbm>>) target(%arg18 : memref<112x128xf32, #tpu.memory_space<vmem>>) target_semaphore(%run_scoped3A : memref<!tpu.dma_semaphore, #tpu.memory_space<semaphore_mem>>)
        tpu.wait_dma2 semaphore(%run_scoped3A : memref<!tpu.dma_semaphore, #tpu.memory_space<semaphore_mem>>) src(%arg9 : memref<112x128xf32, #tpu.memory_space<hbm>>) dst(%arg18 : memref<112x128xf32, #tpu.memory_space<vmem>>)
        tpu.yield
      }) : () -> ()
      %barrier3A_82 = arith.constant 0 : index
      tpu.barrier barrier_id(%barrier3A_82)
      %add3A_83 = arith.constant 0 : i32
      %add3A_84 = arith.addi %mul3A_3, %add3A_83 : i32
      %dma_start3A_85 = tpu.memref_slice %arg5[%add3A_84] : memref<320000xi32, #tpu.memory_space<hbm>> -> memref<112xi32, #tpu.memory_space<hbm>>
      %dma_start3A_86 = tpu.memref_slice %arg5[%add3A_84] : memref<320000xi32, #tpu.memory_space<hbm>> -> memref<112xi32, #tpu.memory_space<hbm>>
      tpu.enqueue_dma source(%dma_start3A_86 : memref<112xi32, #tpu.memory_space<hbm>>) target(%arg16 : memref<112xi32, #tpu.memory_space<vmem>>) target_semaphore(%arg24 : memref<!tpu.dma_semaphore, #tpu.memory_space<semaphore_mem>>)
      %add3A_87 = arith.constant 112 : i32
      %add3A_88 = arith.addi %mul3A_3, %add3A_87 : i32
      %dma_start3A_89 = tpu.memref_slice %arg5[%add3A_88] : memref<320000xi32, #tpu.memory_space<hbm>> -> memref<112xi32, #tpu.memory_space<hbm>>
      %dma_start3A_90 = tpu.memref_slice %arg5[%add3A_88] : memref<320000xi32, #tpu.memory_space<hbm>> -> memref<112xi32, #tpu.memory_space<hbm>>
      tpu.enqueue_dma source(%dma_start3A_90 : memref<112xi32, #tpu.memory_space<hbm>>) target(%arg17 : memref<112xi32, #tpu.memory_space<vmem>>) target_semaphore(%arg25 : memref<!tpu.dma_semaphore, #tpu.memory_space<semaphore_mem>>)
      %add3A_91 = arith.constant 0 : i32
      %add3A_92 = arith.addi %mul3A_3, %add3A_91 : i32
      %dma_wait3A_93 = tpu.memref_slice %arg5[%add3A_92] : memref<320000xi32, #tpu.memory_space<hbm>> -> memref<112xi32, #tpu.memory_space<hbm>>
      %dma_wait3A_94 = tpu.memref_slice %arg5[%add3A_92] : memref<320000xi32, #tpu.memory_space<hbm>> -> memref<112xi32, #tpu.memory_space<hbm>>
      tpu.wait_dma2 semaphore(%arg24 : memref<!tpu.dma_semaphore, #tpu.memory_space<semaphore_mem>>) src(%dma_wait3A_94 : memref<112xi32, #tpu.memory_space<hbm>>) dst(%arg16 : memref<112xi32, #tpu.memory_space<vmem>>)
      %add3A_95 = arith.constant 112 : i32
      %add3A_96 = arith.addi %mul3A_3, %add3A_95 : i32
      %dma_wait3A_97 = tpu.memref_slice %arg5[%add3A_96] : memref<320000xi32, #tpu.memory_space<hbm>> -> memref<112xi32, #tpu.memory_space<hbm>>
      %dma_wait3A_98 = tpu.memref_slice %arg5[%add3A_96] : memref<320000xi32, #tpu.memory_space<hbm>> -> memref<112xi32, #tpu.memory_space<hbm>>
      tpu.wait_dma2 semaphore(%arg25 : memref<!tpu.dma_semaphore, #tpu.memory_space<semaphore_mem>>) src(%dma_wait3A_98 : memref<112xi32, #tpu.memory_space<hbm>>) dst(%arg17 : memref<112xi32, #tpu.memory_space<vmem>>)
      %scan3A_99 = arith.constant 0 : i32
      %scan3A_100 = arith.constant 0 : i32
      %scan3A_101 = arith.constant 88 : i32
      %scan3A_102 = arith.addi %scan3A_100, %scan3A_101 : i32
      %scan3A_103 = arith.constant 1 : i32
      scf.for %scan3A_114 = %scan3A_100 to %scan3A_102 step %scan3A_103  : i32 {
        %mul3A_115 = arith.constant 2 : i32
        %mul3A_116 = arith.muli %mul3A_115, %scan3A_114 : i32
        "tpu.region"() ({
          %run_scoped3A = tpu.sem_alloc : memref<!tpu.dma_semaphore, #tpu.memory_space<semaphore_mem>>
          %dma_start3A_145 = arith.constant 0 : i32
          %dma_start3A_146 = arith.constant 0 : i32
          %dma_start3A_147 = tpu.memref_slice %arg23[%dma_start3A_145, %dma_start3A_146] : memref<10000x128xf32, #tpu.memory_space<vmem_shared>> -> memref<10000x128xf32, #tpu.memory_space<vmem_shared>>
          tpu.enqueue_indirect_dma source(%arg18 : memref<112x128xf32, #tpu.memory_space<vmem>>) target(%dma_start3A_147 : memref<10000x128xf32, #tpu.memory_space<vmem_shared>>) offsets(%arg16 : memref<112xi32, #tpu.memory_space<vmem>>) semaphore(%run_scoped3A : memref<!tpu.dma_semaphore, #tpu.memory_space<semaphore_mem>>) {add = true}
          %dma_wait3A_148 = arith.constant 0 : i32
          %dma_wait3A_149 = arith.constant 0 : i32
          %dma_wait3A_150 = tpu.memref_slice %arg23[%dma_wait3A_148, %dma_wait3A_149] : memref<10000x128xf32, #tpu.memory_space<vmem_shared>> -> memref<10000x128xf32, #tpu.memory_space<vmem_shared>>
          tpu.wait_indirect_dma semaphore(%run_scoped3A : memref<!tpu.dma_semaphore, #tpu.memory_space<semaphore_mem>>) src(%arg18 : memref<112x128xf32, #tpu.memory_space<vmem>>) dst(%dma_wait3A_150 : memref<10000x128xf32, #tpu.memory_space<vmem_shared>>)
          tpu.yield
        }) : () -> ()
        %add3A_117 = arith.constant 2 : i32
        %add3A_118 = arith.addi %mul3A_116, %add3A_117 : i32
        %mul3A_119 = arith.constant 112 : i32
        %mul3A_120 = arith.muli %add3A_118, %mul3A_119 : i32
        %add3A_121 = arith.addi %mul3A_3, %mul3A_120 : i32
        %dma_start3A_122 = tpu.memref_slice %arg5[%add3A_121] : memref<320000xi32, #tpu.memory_space<hbm>> -> memref<112xi32, #tpu.memory_space<hbm>>
        %dma_start3A_123 = tpu.memref_slice %arg5[%add3A_121] : memref<320000xi32, #tpu.memory_space<hbm>> -> memref<112xi32, #tpu.memory_space<hbm>>
        tpu.enqueue_dma source(%dma_start3A_123 : memref<112xi32, #tpu.memory_space<hbm>>) target(%arg16 : memref<112xi32, #tpu.memory_space<vmem>>) target_semaphore(%arg24 : memref<!tpu.dma_semaphore, #tpu.memory_space<semaphore_mem>>)
        "tpu.region"() ({
          %run_scoped3A = tpu.sem_alloc : memref<!tpu.dma_semaphore, #tpu.memory_space<semaphore_mem>>
          %dma_start3A_145 = arith.constant 0 : i32
          %dma_start3A_146 = arith.constant 0 : i32
          %dma_start3A_147 = tpu.memref_slice %arg23[%dma_start3A_145, %dma_start3A_146] : memref<10000x128xf32, #tpu.memory_space<vmem_shared>> -> memref<10000x128xf32, #tpu.memory_space<vmem_shared>>
          tpu.enqueue_indirect_dma source(%arg18 : memref<112x128xf32, #tpu.memory_space<vmem>>) target(%dma_start3A_147 : memref<10000x128xf32, #tpu.memory_space<vmem_shared>>) offsets(%arg17 : memref<112xi32, #tpu.memory_space<vmem>>) semaphore(%run_scoped3A : memref<!tpu.dma_semaphore, #tpu.memory_space<semaphore_mem>>) {add = true}
          %dma_wait3A_148 = arith.constant 0 : i32
          %dma_wait3A_149 = arith.constant 0 : i32
          %dma_wait3A_150 = tpu.memref_slice %arg23[%dma_wait3A_148, %dma_wait3A_149] : memref<10000x128xf32, #tpu.memory_space<vmem_shared>> -> memref<10000x128xf32, #tpu.memory_space<vmem_shared>>
          tpu.wait_indirect_dma semaphore(%run_scoped3A : memref<!tpu.dma_semaphore, #tpu.memory_space<semaphore_mem>>) src(%arg18 : memref<112x128xf32, #tpu.memory_space<vmem>>) dst(%dma_wait3A_150 : memref<10000x128xf32, #tpu.memory_space<vmem_shared>>)
          tpu.yield
        }) : () -> ()
        %add3A_124 = arith.constant 3 : i32
        %add3A_125 = arith.addi %mul3A_116, %add3A_124 : i32
        %mul3A_126 = arith.constant 112 : i32
        %mul3A_127 = arith.muli %add3A_125, %mul3A_126 : i32
        %add3A_128 = arith.addi %mul3A_3, %mul3A_127 : i32
        %dma_start3A_129 = tpu.memref_slice %arg5[%add3A_128] : memref<320000xi32, #tpu.memory_space<hbm>> -> memref<112xi32, #tpu.memory_space<hbm>>
        %dma_start3A_130 = tpu.memref_slice %arg5[%add3A_128] : memref<320000xi32, #tpu.memory_space<hbm>> -> memref<112xi32, #tpu.memory_space<hbm>>
        tpu.enqueue_dma source(%dma_start3A_130 : memref<112xi32, #tpu.memory_space<hbm>>) target(%arg17 : memref<112xi32, #tpu.memory_space<vmem>>) target_semaphore(%arg25 : memref<!tpu.dma_semaphore, #tpu.memory_space<semaphore_mem>>)
        %add3A_131 = arith.constant 2 : i32
        %add3A_132 = arith.addi %mul3A_116, %add3A_131 : i32
        %mul3A_133 = arith.constant 112 : i32
        %mul3A_134 = arith.muli %add3A_132, %mul3A_133 : i32
        %add3A_135 = arith.addi %mul3A_3, %mul3A_134 : i32
        %dma_wait3A_136 = tpu.memref_slice %arg5[%add3A_135] : memref<320000xi32, #tpu.memory_space<hbm>> -> memref<112xi32, #tpu.memory_space<hbm>>
        %dma_wait3A_137 = tpu.memref_slice %arg5[%add3A_135] : memref<320000xi32, #tpu.memory_space<hbm>> -> memref<112xi32, #tpu.memory_space<hbm>>
        tpu.wait_dma2 semaphore(%arg24 : memref<!tpu.dma_semaphore, #tpu.memory_space<semaphore_mem>>) src(%dma_wait3A_137 : memref<112xi32, #tpu.memory_space<hbm>>) dst(%arg16 : memref<112xi32, #tpu.memory_space<vmem>>)
        %add3A_138 = arith.constant 3 : i32
        %add3A_139 = arith.addi %mul3A_116, %add3A_138 : i32
        %mul3A_140 = arith.constant 112 : i32
        %mul3A_141 = arith.muli %add3A_139, %mul3A_140 : i32
        %add3A_142 = arith.addi %mul3A_3, %mul3A_141 : i32
        %dma_wait3A_143 = tpu.memref_slice %arg5[%add3A_142] : memref<320000xi32, #tpu.memory_space<hbm>> -> memref<112xi32, #tpu.memory_space<hbm>>
        %dma_wait3A_144 = tpu.memref_slice %arg5[%add3A_142] : memref<320000xi32, #tpu.memory_space<hbm>> -> memref<112xi32, #tpu.memory_space<hbm>>
        tpu.wait_dma2 semaphore(%arg25 : memref<!tpu.dma_semaphore, #tpu.memory_space<semaphore_mem>>) src(%dma_wait3A_144 : memref<112xi32, #tpu.memory_space<hbm>>) dst(%arg17 : memref<112xi32, #tpu.memory_space<vmem>>)
      }
      %scan3A_104 = arith.constant 88 : i32
      "tpu.region"() ({
        %run_scoped3A = tpu.sem_alloc : memref<!tpu.dma_semaphore, #tpu.memory_space<semaphore_mem>>
        %dma_start3A_114 = arith.constant 0 : i32
        %dma_start3A_115 = arith.constant 0 : i32
        %dma_start3A_116 = tpu.memref_slice %arg23[%dma_start3A_114, %dma_start3A_115] : memref<10000x128xf32, #tpu.memory_space<vmem_shared>> -> memref<10000x128xf32, #tpu.memory_space<vmem_shared>>
        tpu.enqueue_indirect_dma source(%arg18 : memref<112x128xf32, #tpu.memory_space<vmem>>) target(%dma_start3A_116 : memref<10000x128xf32, #tpu.memory_space<vmem_shared>>) offsets(%arg16 : memref<112xi32, #tpu.memory_space<vmem>>) semaphore(%run_scoped3A : memref<!tpu.dma_semaphore, #tpu.memory_space<semaphore_mem>>) {add = true}
        %dma_wait3A_117 = arith.constant 0 : i32
        %dma_wait3A_118 = arith.constant 0 : i32
        %dma_wait3A_119 = tpu.memref_slice %arg23[%dma_wait3A_117, %dma_wait3A_118] : memref<10000x128xf32, #tpu.memory_space<vmem_shared>> -> memref<10000x128xf32, #tpu.memory_space<vmem_shared>>
        tpu.wait_indirect_dma semaphore(%run_scoped3A : memref<!tpu.dma_semaphore, #tpu.memory_space<semaphore_mem>>) src(%arg18 : memref<112x128xf32, #tpu.memory_space<vmem>>) dst(%dma_wait3A_119 : memref<10000x128xf32, #tpu.memory_space<vmem_shared>>)
        tpu.yield
      }) : () -> ()
      "tpu.region"() ({
        %run_scoped3A = tpu.sem_alloc : memref<!tpu.dma_semaphore, #tpu.memory_space<semaphore_mem>>
        %dma_start3A_114 = arith.constant 0 : i32
        %dma_start3A_115 = arith.constant 0 : i32
        %dma_start3A_116 = tpu.memref_slice %arg23[%dma_start3A_114, %dma_start3A_115] : memref<10000x128xf32, #tpu.memory_space<vmem_shared>> -> memref<10000x128xf32, #tpu.memory_space<vmem_shared>>
        tpu.enqueue_indirect_dma source(%arg18 : memref<112x128xf32, #tpu.memory_space<vmem>>) target(%dma_start3A_116 : memref<10000x128xf32, #tpu.memory_space<vmem_shared>>) offsets(%arg17 : memref<112xi32, #tpu.memory_space<vmem>>) semaphore(%run_scoped3A : memref<!tpu.dma_semaphore, #tpu.memory_space<semaphore_mem>>) {add = true}
        %dma_wait3A_117 = arith.constant 0 : i32
        %dma_wait3A_118 = arith.constant 0 : i32
        %dma_wait3A_119 = tpu.memref_slice %arg23[%dma_wait3A_117, %dma_wait3A_118] : memref<10000x128xf32, #tpu.memory_space<vmem_shared>> -> memref<10000x128xf32, #tpu.memory_space<vmem_shared>>
        tpu.wait_indirect_dma semaphore(%run_scoped3A : memref<!tpu.dma_semaphore, #tpu.memory_space<semaphore_mem>>) src(%arg18 : memref<112x128xf32, #tpu.memory_space<vmem>>) dst(%dma_wait3A_119 : memref<10000x128xf32, #tpu.memory_space<vmem_shared>>)
        tpu.yield
      }) : () -> ()
      %add3A_105 = arith.constant 19936 : i32
      %add3A_106 = arith.addi %mul3A_3, %add3A_105 : i32
      "tpu.region"() ({
        %run_scoped3A = tpu.sem_alloc : memref<!tpu.dma_semaphore, #tpu.memory_space<semaphore_mem>>
        %dma_start3A_114 = tpu.memref_slice %arg5[%add3A_106] : memref<320000xi32, #tpu.memory_space<hbm>> -> memref<64xi32, #tpu.memory_space<hbm>>
        %dma_start3A_115 = tpu.memref_slice %arg5[%add3A_106] : memref<320000xi32, #tpu.memory_space<hbm>> -> memref<64xi32, #tpu.memory_space<hbm>>
        tpu.enqueue_dma source(%dma_start3A_115 : memref<64xi32, #tpu.memory_space<hbm>>) target(%arg22 : memref<64xi32, #tpu.memory_space<vmem>>) target_semaphore(%run_scoped3A : memref<!tpu.dma_semaphore, #tpu.memory_space<semaphore_mem>>)
        %dma_wait3A_116 = tpu.memref_slice %arg5[%add3A_106] : memref<320000xi32, #tpu.memory_space<hbm>> -> memref<64xi32, #tpu.memory_space<hbm>>
        %dma_wait3A_117 = tpu.memref_slice %arg5[%add3A_106] : memref<320000xi32, #tpu.memory_space<hbm>> -> memref<64xi32, #tpu.memory_space<hbm>>
        tpu.wait_dma2 semaphore(%run_scoped3A : memref<!tpu.dma_semaphore, #tpu.memory_space<semaphore_mem>>) src(%dma_wait3A_117 : memref<64xi32, #tpu.memory_space<hbm>>) dst(%arg22 : memref<64xi32, #tpu.memory_space<vmem>>)
        tpu.yield
      }) : () -> ()
      "tpu.region"() ({
        %run_scoped3A = tpu.sem_alloc : memref<!tpu.dma_semaphore, #tpu.memory_space<semaphore_mem>>
        %dma_start3A_114 = arith.constant 0 : i32
        %dma_start3A_115 = arith.constant 0 : i32
        %dma_start3A_116 = tpu.memref_slice %arg18[%dma_start3A_114, %dma_start3A_115] : memref<112x128xf32, #tpu.memory_space<vmem>> -> memref<64x128xf32, #tpu.memory_space<vmem>>
        %dma_start3A_117 = arith.constant 0 : i32
        %dma_start3A_118 = arith.constant 0 : i32
        %dma_start3A_119 = tpu.memref_slice %arg23[%dma_start3A_117, %dma_start3A_118] : memref<10000x128xf32, #tpu.memory_space<vmem_shared>> -> memref<10000x128xf32, #tpu.memory_space<vmem_shared>>
        tpu.enqueue_indirect_dma source(%dma_start3A_116 : memref<64x128xf32, #tpu.memory_space<vmem>>) target(%dma_start3A_119 : memref<10000x128xf32, #tpu.memory_space<vmem_shared>>) offsets(%arg22 : memref<64xi32, #tpu.memory_space<vmem>>) semaphore(%run_scoped3A : memref<!tpu.dma_semaphore, #tpu.memory_space<semaphore_mem>>) {add = true}
        %dma_wait3A_120 = arith.constant 0 : i32
        %dma_wait3A_121 = arith.constant 0 : i32
        %dma_wait3A_122 = tpu.memref_slice %arg18[%dma_wait3A_120, %dma_wait3A_121] : memref<112x128xf32, #tpu.memory_space<vmem>> -> memref<64x128xf32, #tpu.memory_space<vmem>>
        %dma_wait3A_123 = arith.constant 0 : i32
        %dma_wait3A_124 = arith.constant 0 : i32
        %dma_wait3A_125 = tpu.memref_slice %arg23[%dma_wait3A_123, %dma_wait3A_124] : memref<10000x128xf32, #tpu.memory_space<vmem_shared>> -> memref<10000x128xf32, #tpu.memory_space<vmem_shared>>
        tpu.wait_indirect_dma semaphore(%run_scoped3A : memref<!tpu.dma_semaphore, #tpu.memory_space<semaphore_mem>>) src(%dma_wait3A_122 : memref<64x128xf32, #tpu.memory_space<vmem>>) dst(%dma_wait3A_125 : memref<10000x128xf32, #tpu.memory_space<vmem_shared>>)
        tpu.yield
      }) : () -> ()
      %barrier3A_107 = arith.constant 0 : index
      tpu.barrier barrier_id(%barrier3A_107)
      %scan3A_108 = arith.constant 0 : i32
      %scan3A_109 = arith.constant 0 : i32
      %scan3A_110 = arith.constant 4 : i32
      %scan3A_111 = arith.addi %scan3A_109, %scan3A_110 : i32
      %scan3A_112 = arith.constant 1 : i32
      scf.for %scan3A_114 = %scan3A_109 to %scan3A_111 step %scan3A_112  : i32 {
        %mul3A_115 = arith.constant 160 : i32
        %mul3A_116 = arith.muli %scan3A_114, %mul3A_115 : i32
        %add3A_117 = arith.addi %min3A_1, %mul3A_116 : i32
        "tpu.region"() ({
          %run_scoped3A = tpu.sem_alloc : memref<!tpu.dma_semaphore, #tpu.memory_space<semaphore_mem>>
          %dma_start3A_118 = arith.constant 0 : i32
          %dma_start3A_119 = tpu.memref_slice %arg23[%add3A_117, %dma_start3A_118] : memref<10000x128xf32, #tpu.memory_space<vmem_shared>> -> memref<160x128xf32, #tpu.memory_space<vmem_shared>>
          %dma_start3A_120 = arith.constant 0 : i32
          %dma_start3A_121 = tpu.memref_slice %arg23[%add3A_117, %dma_start3A_120] : memref<10000x128xf32, #tpu.memory_space<vmem_shared>> -> memref<160x128xf32, #tpu.memory_space<vmem_shared>>
          tpu.enqueue_dma source(%dma_start3A_121 : memref<160x128xf32, #tpu.memory_space<vmem_shared>>) target(%arg20 : memref<160x128xf32, #tpu.memory_space<vmem>>) target_semaphore(%run_scoped3A : memref<!tpu.dma_semaphore, #tpu.memory_space<semaphore_mem>>)
          %dma_wait3A_122 = arith.constant 0 : i32
          %dma_wait3A_123 = tpu.memref_slice %arg23[%add3A_117, %dma_wait3A_122] : memref<10000x128xf32, #tpu.memory_space<vmem_shared>> -> memref<160x128xf32, #tpu.memory_space<vmem_shared>>
          %dma_wait3A_124 = arith.constant 0 : i32
          %dma_wait3A_125 = tpu.memref_slice %arg23[%add3A_117, %dma_wait3A_124] : memref<10000x128xf32, #tpu.memory_space<vmem_shared>> -> memref<160x128xf32, #tpu.memory_space<vmem_shared>>
          tpu.wait_dma2 semaphore(%run_scoped3A : memref<!tpu.dma_semaphore, #tpu.memory_space<semaphore_mem>>) src(%dma_wait3A_125 : memref<160x128xf32, #tpu.memory_space<vmem_shared>>) dst(%arg20 : memref<160x128xf32, #tpu.memory_space<vmem>>)
          tpu.yield
        }) : () -> ()
        "tpu.region"() ({
          %run_scoped3A = tpu.sem_alloc : memref<!tpu.dma_semaphore, #tpu.memory_space<semaphore_mem>>
          %dma_start3A_118 = arith.constant 0 : i32
          %dma_start3A_119 = tpu.memref_slice %arg13[%add3A_117, %dma_start3A_118] : memref<10000x128xf32, #tpu.memory_space<hbm>> -> memref<160x128xf32, #tpu.memory_space<hbm>>
          %dma_start3A_120 = arith.constant 0 : i32
          %dma_start3A_121 = tpu.memref_slice %arg13[%add3A_117, %dma_start3A_120] : memref<10000x128xf32, #tpu.memory_space<hbm>> -> memref<160x128xf32, #tpu.memory_space<hbm>>
          tpu.enqueue_dma source(%arg20 : memref<160x128xf32, #tpu.memory_space<vmem>>) target(%dma_start3A_121 : memref<160x128xf32, #tpu.memory_space<hbm>>) target_semaphore(%run_scoped3A : memref<!tpu.dma_semaphore, #tpu.memory_space<semaphore_mem>>)
          %dma_wait3A_122 = arith.constant 0 : i32
          %dma_wait3A_123 = tpu.memref_slice %arg13[%add3A_117, %dma_wait3A_122] : memref<10000x128xf32, #tpu.memory_space<hbm>> -> memref<160x128xf32, #tpu.memory_space<hbm>>
          %dma_wait3A_124 = arith.constant 0 : i32
          %dma_wait3A_125 = tpu.memref_slice %arg13[%add3A_117, %dma_wait3A_124] : memref<10000x128xf32, #tpu.memory_space<hbm>> -> memref<160x128xf32, #tpu.memory_space<hbm>>
          tpu.wait_dma2 semaphore(%run_scoped3A : memref<!tpu.dma_semaphore, #tpu.memory_space<semaphore_mem>>) src(%arg20 : memref<160x128xf32, #tpu.memory_space<vmem>>) dst(%dma_wait3A_125 : memref<160x128xf32, #tpu.memory_space<hbm>>)
          tpu.yield
        }) : () -> ()
      }
      %scan3A_113 = arith.constant 4 : i32
    } else {
    }
    return
  }
}

#map = affine_map<(d0, d1) -> (0, 0)>
#map1 = affine_map<(d0, d1) -> (0)>
module attributes {stable_mosaic.version = 14 : i64} {
  func.func @sc_agg(%arg0: i32, %arg1: i32, %arg2: memref<10000x128xf32, #tpu.memory_space<hbm>>, %arg3: memref<10000x128xf32, #tpu.memory_space<hbm>>, %arg4: memref<320000xi32, #tpu.memory_space<hbm>>, %arg5: memref<320000xi32, #tpu.memory_space<hbm>>, %arg6: memref<320000xi32, #tpu.memory_space<hbm>>, %arg7: memref<320000xi32, #tpu.memory_space<hbm>>, %arg8: memref<160x128xf32, #tpu.memory_space<hbm>>, %arg9: memref<10000x128xf32, #tpu.memory_space<hbm>>, %arg10: memref<10000x128xf32, #tpu.memory_space<hbm>>, %arg11: memref<112xi32, #tpu.memory_space<vmem>>, %arg12: memref<112xi32, #tpu.memory_space<vmem>>, %arg13: memref<112xi32, #tpu.memory_space<vmem>>, %arg14: memref<112xi32, #tpu.memory_space<vmem>>, %arg15: memref<112x128xf32, #tpu.memory_space<vmem>>, %arg16: memref<112x128xf32, #tpu.memory_space<vmem>>, %arg17: memref<160x128xf32, #tpu.memory_space<vmem>>, %arg18: memref<64xi32, #tpu.memory_space<vmem>>, %arg19: memref<64xi32, #tpu.memory_space<vmem>>, %arg20: memref<10000x128xf32, #tpu.memory_space<vmem_shared>>, %arg21: memref<!tpu.dma_semaphore, #tpu.memory_space<semaphore_mem>>, %arg22: memref<!tpu.dma_semaphore, #tpu.memory_space<semaphore_mem>>, %arg23: memref<!tpu.dma_semaphore, #tpu.memory_space<semaphore_mem>>, %arg24: memref<!tpu.dma_semaphore, #tpu.memory_space<semaphore_mem>>) attributes {dimension_semantics = [#tpu.dimension_semantics<core_parallel>, #tpu.dimension_semantics<subcore_parallel>], iteration_bounds = array<i64: 2, 16>, scalar_prefetch = 0 : i64, scratch_operands = 14 : i64, tpu.core_type = #tpu.core_type<sc_vector_subcore>, window_params = [{transform_indices = #map}, {transform_indices = #map}, {transform_indices = #map1}, {transform_indices = #map1}, {transform_indices = #map1}, {transform_indices = #map1}, {transform_indices = #map}, {transform_indices = #map}, {transform_indices = #map}]} {
    %mul3A = arith.constant 640 : i32
    %mul3A_0 = arith.muli %arg1, %mul3A : i32
    %min3A = arith.constant 9360 : i32
    %min3A_1 = arith.minsi %mul3A_0, %min3A : i32
    %mul3A_2 = arith.constant 20000 : i32
    %mul3A_3 = arith.muli %arg1, %mul3A_2 : i32
    %eq3A = arith.constant 0 : i32
    %eq3A_4 = arith.cmpi eq, %arg0, %eq3A : i32
    %convert_element_type3A = arith.extui %eq3A_4 : i1 to i32
    %cond3A = arith.constant 0 : i32
    %cond3A_5 = arith.cmpi ne, %convert_element_type3A, %cond3A : i32
    scf.if %cond3A_5 {
      "tpu.region"() ({
        %run_scoped3A = tpu.sem_alloc : memref<!tpu.dma_semaphore, #tpu.memory_space<semaphore_mem>>
        tpu.enqueue_dma source(%arg8 : memref<160x128xf32, #tpu.memory_space<hbm>>) target(%arg17 : memref<160x128xf32, #tpu.memory_space<vmem>>) target_semaphore(%run_scoped3A : memref<!tpu.dma_semaphore, #tpu.memory_space<semaphore_mem>>)
        tpu.wait_dma2 semaphore(%run_scoped3A : memref<!tpu.dma_semaphore, #tpu.memory_space<semaphore_mem>>) src(%arg8 : memref<160x128xf32, #tpu.memory_space<hbm>>) dst(%arg17 : memref<160x128xf32, #tpu.memory_space<vmem>>)
        tpu.yield
      }) : () -> ()
      %scan3A = arith.constant 0 : i32
      %scan3A_11 = arith.constant 0 : i32
      %scan3A_12 = arith.constant 4 : i32
      %scan3A_13 = arith.addi %scan3A_11, %scan3A_12 : i32
      %scan3A_14 = arith.constant 1 : i32
      scf.for %scan3A_76 = %scan3A_11 to %scan3A_13 step %scan3A_14  : i32 {
        %mul3A_77 = arith.constant 160 : i32
        %mul3A_78 = arith.muli %scan3A_76, %mul3A_77 : i32
        %add3A_79 = arith.addi %min3A_1, %mul3A_78 : i32
        "tpu.region"() ({
          %run_scoped3A = tpu.sem_alloc : memref<!tpu.dma_semaphore, #tpu.memory_space<semaphore_mem>>
          %dma_start3A_80 = arith.constant 0 : i32
          %dma_start3A_81 = tpu.memref_slice %arg20[%add3A_79, %dma_start3A_80] : memref<10000x128xf32, #tpu.memory_space<vmem_shared>> -> memref<160x128xf32, #tpu.memory_space<vmem_shared>>
          %dma_start3A_82 = arith.constant 0 : i32
          %dma_start3A_83 = tpu.memref_slice %arg20[%add3A_79, %dma_start3A_82] : memref<10000x128xf32, #tpu.memory_space<vmem_shared>> -> memref<160x128xf32, #tpu.memory_space<vmem_shared>>
          tpu.enqueue_dma source(%arg17 : memref<160x128xf32, #tpu.memory_space<vmem>>) target(%dma_start3A_83 : memref<160x128xf32, #tpu.memory_space<vmem_shared>>) target_semaphore(%run_scoped3A : memref<!tpu.dma_semaphore, #tpu.memory_space<semaphore_mem>>)
          %dma_wait3A_84 = arith.constant 0 : i32
          %dma_wait3A_85 = tpu.memref_slice %arg20[%add3A_79, %dma_wait3A_84] : memref<10000x128xf32, #tpu.memory_space<vmem_shared>> -> memref<160x128xf32, #tpu.memory_space<vmem_shared>>
          %dma_wait3A_86 = arith.constant 0 : i32
          %dma_wait3A_87 = tpu.memref_slice %arg20[%add3A_79, %dma_wait3A_86] : memref<10000x128xf32, #tpu.memory_space<vmem_shared>> -> memref<160x128xf32, #tpu.memory_space<vmem_shared>>
          tpu.wait_dma2 semaphore(%run_scoped3A : memref<!tpu.dma_semaphore, #tpu.memory_space<semaphore_mem>>) src(%arg17 : memref<160x128xf32, #tpu.memory_space<vmem>>) dst(%dma_wait3A_87 : memref<160x128xf32, #tpu.memory_space<vmem_shared>>)
          tpu.yield
        }) : () -> ()
      }
      %scan3A_15 = arith.constant 4 : i32
      %barrier3A = arith.constant 0 : index
      tpu.barrier barrier_id(%barrier3A)
      %add3A = arith.constant 0 : i32
      %add3A_16 = arith.addi %mul3A_3, %add3A : i32
      %dma_start3A = tpu.memref_slice %arg6[%add3A_16] : memref<320000xi32, #tpu.memory_space<hbm>> -> memref<112xi32, #tpu.memory_space<hbm>>
      %dma_start3A_17 = tpu.memref_slice %arg6[%add3A_16] : memref<320000xi32, #tpu.memory_space<hbm>> -> memref<112xi32, #tpu.memory_space<hbm>>
      tpu.enqueue_dma source(%dma_start3A_17 : memref<112xi32, #tpu.memory_space<hbm>>) target(%arg11 : memref<112xi32, #tpu.memory_space<vmem>>) target_semaphore(%arg21 : memref<!tpu.dma_semaphore, #tpu.memory_space<semaphore_mem>>)
      %dma_start3A_18 = tpu.memref_slice %arg7[%add3A_16] : memref<320000xi32, #tpu.memory_space<hbm>> -> memref<112xi32, #tpu.memory_space<hbm>>
      %dma_start3A_19 = tpu.memref_slice %arg7[%add3A_16] : memref<320000xi32, #tpu.memory_space<hbm>> -> memref<112xi32, #tpu.memory_space<hbm>>
      tpu.enqueue_dma source(%dma_start3A_19 : memref<112xi32, #tpu.memory_space<hbm>>) target(%arg13 : memref<112xi32, #tpu.memory_space<vmem>>) target_semaphore(%arg21 : memref<!tpu.dma_semaphore, #tpu.memory_space<semaphore_mem>>)
      %add3A_20 = arith.constant 112 : i32
      %add3A_21 = arith.addi %mul3A_3, %add3A_20 : i32
      %dma_start3A_22 = tpu.memref_slice %arg6[%add3A_21] : memref<320000xi32, #tpu.memory_space<hbm>> -> memref<112xi32, #tpu.memory_space<hbm>>
      %dma_start3A_23 = tpu.memref_slice %arg6[%add3A_21] : memref<320000xi32, #tpu.memory_space<hbm>> -> memref<112xi32, #tpu.memory_space<hbm>>
      tpu.enqueue_dma source(%dma_start3A_23 : memref<112xi32, #tpu.memory_space<hbm>>) target(%arg12 : memref<112xi32, #tpu.memory_space<vmem>>) target_semaphore(%arg22 : memref<!tpu.dma_semaphore, #tpu.memory_space<semaphore_mem>>)
      %dma_start3A_24 = tpu.memref_slice %arg7[%add3A_21] : memref<320000xi32, #tpu.memory_space<hbm>> -> memref<112xi32, #tpu.memory_space<hbm>>
      %dma_start3A_25 = tpu.memref_slice %arg7[%add3A_21] : memref<320000xi32, #tpu.memory_space<hbm>> -> memref<112xi32, #tpu.memory_space<hbm>>
      tpu.enqueue_dma source(%dma_start3A_25 : memref<112xi32, #tpu.memory_space<hbm>>) target(%arg14 : memref<112xi32, #tpu.memory_space<vmem>>) target_semaphore(%arg22 : memref<!tpu.dma_semaphore, #tpu.memory_space<semaphore_mem>>)
      %add3A_26 = arith.constant 0 : i32
      %add3A_27 = arith.addi %mul3A_3, %add3A_26 : i32
      %dma_wait3A = tpu.memref_slice %arg6[%add3A_27] : memref<320000xi32, #tpu.memory_space<hbm>> -> memref<112xi32, #tpu.memory_space<hbm>>
      %dma_wait3A_28 = tpu.memref_slice %arg6[%add3A_27] : memref<320000xi32, #tpu.memory_space<hbm>> -> memref<112xi32, #tpu.memory_space<hbm>>
      tpu.wait_dma2 semaphore(%arg21 : memref<!tpu.dma_semaphore, #tpu.memory_space<semaphore_mem>>) src(%dma_wait3A_28 : memref<112xi32, #tpu.memory_space<hbm>>) dst(%arg11 : memref<112xi32, #tpu.memory_space<vmem>>)
      %dma_wait3A_29 = tpu.memref_slice %arg7[%add3A_27] : memref<320000xi32, #tpu.memory_space<hbm>> -> memref<112xi32, #tpu.memory_space<hbm>>
      %dma_wait3A_30 = tpu.memref_slice %arg7[%add3A_27] : memref<320000xi32, #tpu.memory_space<hbm>> -> memref<112xi32, #tpu.memory_space<hbm>>
      tpu.wait_dma2 semaphore(%arg21 : memref<!tpu.dma_semaphore, #tpu.memory_space<semaphore_mem>>) src(%dma_wait3A_30 : memref<112xi32, #tpu.memory_space<hbm>>) dst(%arg13 : memref<112xi32, #tpu.memory_space<vmem>>)
      %dma_start3A_31 = arith.constant 0 : i32
      %dma_start3A_32 = arith.constant 0 : i32
      %dma_start3A_33 = tpu.memref_slice %arg3[%dma_start3A_31, %dma_start3A_32] : memref<10000x128xf32, #tpu.memory_space<hbm>> -> memref<10000x128xf32, #tpu.memory_space<hbm>>
      tpu.enqueue_indirect_dma source(%dma_start3A_33 : memref<10000x128xf32, #tpu.memory_space<hbm>>) target(%arg15 : memref<112x128xf32, #tpu.memory_space<vmem>>) offsets(%arg11 : memref<112xi32, #tpu.memory_space<vmem>>) semaphore(%arg23 : memref<!tpu.dma_semaphore, #tpu.memory_space<semaphore_mem>>)
      %add3A_34 = arith.constant 112 : i32
      %add3A_35 = arith.addi %mul3A_3, %add3A_34 : i32
      %dma_wait3A_36 = tpu.memref_slice %arg6[%add3A_35] : memref<320000xi32, #tpu.memory_space<hbm>> -> memref<112xi32, #tpu.memory_space<hbm>>
      %dma_wait3A_37 = tpu.memref_slice %arg6[%add3A_35] : memref<320000xi32, #tpu.memory_space<hbm>> -> memref<112xi32, #tpu.memory_space<hbm>>
      tpu.wait_dma2 semaphore(%arg22 : memref<!tpu.dma_semaphore, #tpu.memory_space<semaphore_mem>>) src(%dma_wait3A_37 : memref<112xi32, #tpu.memory_space<hbm>>) dst(%arg12 : memref<112xi32, #tpu.memory_space<vmem>>)
      %dma_wait3A_38 = tpu.memref_slice %arg7[%add3A_35] : memref<320000xi32, #tpu.memory_space<hbm>> -> memref<112xi32, #tpu.memory_space<hbm>>
      %dma_wait3A_39 = tpu.memref_slice %arg7[%add3A_35] : memref<320000xi32, #tpu.memory_space<hbm>> -> memref<112xi32, #tpu.memory_space<hbm>>
      tpu.wait_dma2 semaphore(%arg22 : memref<!tpu.dma_semaphore, #tpu.memory_space<semaphore_mem>>) src(%dma_wait3A_39 : memref<112xi32, #tpu.memory_space<hbm>>) dst(%arg14 : memref<112xi32, #tpu.memory_space<vmem>>)
      %scan3A_40 = arith.constant 0 : i32
      %scan3A_41 = arith.constant 0 : i32
      %scan3A_42 = arith.constant 88 : i32
      %scan3A_43 = arith.addi %scan3A_41, %scan3A_42 : i32
      %scan3A_44 = arith.constant 1 : i32
      scf.for %scan3A_76 = %scan3A_41 to %scan3A_43 step %scan3A_44  : i32 {
        %mul3A_77 = arith.constant 2 : i32
        %mul3A_78 = arith.muli %mul3A_77, %scan3A_76 : i32
        %dma_start3A_79 = arith.constant 0 : i32
        %dma_start3A_80 = arith.constant 0 : i32
        %dma_start3A_81 = tpu.memref_slice %arg3[%dma_start3A_79, %dma_start3A_80] : memref<10000x128xf32, #tpu.memory_space<hbm>> -> memref<10000x128xf32, #tpu.memory_space<hbm>>
        tpu.enqueue_indirect_dma source(%dma_start3A_81 : memref<10000x128xf32, #tpu.memory_space<hbm>>) target(%arg16 : memref<112x128xf32, #tpu.memory_space<vmem>>) offsets(%arg12 : memref<112xi32, #tpu.memory_space<vmem>>) semaphore(%arg24 : memref<!tpu.dma_semaphore, #tpu.memory_space<semaphore_mem>>)
        %dma_wait3A_82 = arith.constant 0 : i32
        %dma_wait3A_83 = arith.constant 0 : i32
        %dma_wait3A_84 = tpu.memref_slice %arg3[%dma_wait3A_82, %dma_wait3A_83] : memref<10000x128xf32, #tpu.memory_space<hbm>> -> memref<10000x128xf32, #tpu.memory_space<hbm>>
        tpu.wait_indirect_dma semaphore(%arg23 : memref<!tpu.dma_semaphore, #tpu.memory_space<semaphore_mem>>) src(%dma_wait3A_84 : memref<10000x128xf32, #tpu.memory_space<hbm>>) dst(%arg15 : memref<112x128xf32, #tpu.memory_space<vmem>>)
        "tpu.region"() ({
          %run_scoped3A = tpu.sem_alloc : memref<!tpu.dma_semaphore, #tpu.memory_space<semaphore_mem>>
          %dma_start3A_127 = arith.constant 0 : i32
          %dma_start3A_128 = arith.constant 0 : i32
          %dma_start3A_129 = tpu.memref_slice %arg20[%dma_start3A_127, %dma_start3A_128] : memref<10000x128xf32, #tpu.memory_space<vmem_shared>> -> memref<10000x128xf32, #tpu.memory_space<vmem_shared>>
          tpu.enqueue_indirect_dma source(%arg15 : memref<112x128xf32, #tpu.memory_space<vmem>>) target(%dma_start3A_129 : memref<10000x128xf32, #tpu.memory_space<vmem_shared>>) offsets(%arg13 : memref<112xi32, #tpu.memory_space<vmem>>) semaphore(%run_scoped3A : memref<!tpu.dma_semaphore, #tpu.memory_space<semaphore_mem>>) {add = true}
          %dma_wait3A_130 = arith.constant 0 : i32
          %dma_wait3A_131 = arith.constant 0 : i32
          %dma_wait3A_132 = tpu.memref_slice %arg20[%dma_wait3A_130, %dma_wait3A_131] : memref<10000x128xf32, #tpu.memory_space<vmem_shared>> -> memref<10000x128xf32, #tpu.memory_space<vmem_shared>>
          tpu.wait_indirect_dma semaphore(%run_scoped3A : memref<!tpu.dma_semaphore, #tpu.memory_space<semaphore_mem>>) src(%arg15 : memref<112x128xf32, #tpu.memory_space<vmem>>) dst(%dma_wait3A_132 : memref<10000x128xf32, #tpu.memory_space<vmem_shared>>)
          tpu.yield
        }) : () -> ()
        %add3A_85 = arith.constant 2 : i32
        %add3A_86 = arith.addi %mul3A_78, %add3A_85 : i32
        %mul3A_87 = arith.constant 112 : i32
        %mul3A_88 = arith.muli %add3A_86, %mul3A_87 : i32
        %add3A_89 = arith.addi %mul3A_3, %mul3A_88 : i32
        %dma_start3A_90 = tpu.memref_slice %arg6[%add3A_89] : memref<320000xi32, #tpu.memory_space<hbm>> -> memref<112xi32, #tpu.memory_space<hbm>>
        %dma_start3A_91 = tpu.memref_slice %arg6[%add3A_89] : memref<320000xi32, #tpu.memory_space<hbm>> -> memref<112xi32, #tpu.memory_space<hbm>>
        tpu.enqueue_dma source(%dma_start3A_91 : memref<112xi32, #tpu.memory_space<hbm>>) target(%arg11 : memref<112xi32, #tpu.memory_space<vmem>>) target_semaphore(%arg21 : memref<!tpu.dma_semaphore, #tpu.memory_space<semaphore_mem>>)
        %dma_start3A_92 = tpu.memref_slice %arg7[%add3A_89] : memref<320000xi32, #tpu.memory_space<hbm>> -> memref<112xi32, #tpu.memory_space<hbm>>
        %dma_start3A_93 = tpu.memref_slice %arg7[%add3A_89] : memref<320000xi32, #tpu.memory_space<hbm>> -> memref<112xi32, #tpu.memory_space<hbm>>
        tpu.enqueue_dma source(%dma_start3A_93 : memref<112xi32, #tpu.memory_space<hbm>>) target(%arg13 : memref<112xi32, #tpu.memory_space<vmem>>) target_semaphore(%arg21 : memref<!tpu.dma_semaphore, #tpu.memory_space<semaphore_mem>>)
        %dma_wait3A_94 = arith.constant 0 : i32
        %dma_wait3A_95 = arith.constant 0 : i32
        %dma_wait3A_96 = tpu.memref_slice %arg3[%dma_wait3A_94, %dma_wait3A_95] : memref<10000x128xf32, #tpu.memory_space<hbm>> -> memref<10000x128xf32, #tpu.memory_space<hbm>>
        tpu.wait_indirect_dma semaphore(%arg24 : memref<!tpu.dma_semaphore, #tpu.memory_space<semaphore_mem>>) src(%dma_wait3A_96 : memref<10000x128xf32, #tpu.memory_space<hbm>>) dst(%arg16 : memref<112x128xf32, #tpu.memory_space<vmem>>)
        "tpu.region"() ({
          %run_scoped3A = tpu.sem_alloc : memref<!tpu.dma_semaphore, #tpu.memory_space<semaphore_mem>>
          %dma_start3A_127 = arith.constant 0 : i32
          %dma_start3A_128 = arith.constant 0 : i32
          %dma_start3A_129 = tpu.memref_slice %arg20[%dma_start3A_127, %dma_start3A_128] : memref<10000x128xf32, #tpu.memory_space<vmem_shared>> -> memref<10000x128xf32, #tpu.memory_space<vmem_shared>>
          tpu.enqueue_indirect_dma source(%arg16 : memref<112x128xf32, #tpu.memory_space<vmem>>) target(%dma_start3A_129 : memref<10000x128xf32, #tpu.memory_space<vmem_shared>>) offsets(%arg14 : memref<112xi32, #tpu.memory_space<vmem>>) semaphore(%run_scoped3A : memref<!tpu.dma_semaphore, #tpu.memory_space<semaphore_mem>>) {add = true}
          %dma_wait3A_130 = arith.constant 0 : i32
          %dma_wait3A_131 = arith.constant 0 : i32
          %dma_wait3A_132 = tpu.memref_slice %arg20[%dma_wait3A_130, %dma_wait3A_131] : memref<10000x128xf32, #tpu.memory_space<vmem_shared>> -> memref<10000x128xf32, #tpu.memory_space<vmem_shared>>
          tpu.wait_indirect_dma semaphore(%run_scoped3A : memref<!tpu.dma_semaphore, #tpu.memory_space<semaphore_mem>>) src(%arg16 : memref<112x128xf32, #tpu.memory_space<vmem>>) dst(%dma_wait3A_132 : memref<10000x128xf32, #tpu.memory_space<vmem_shared>>)
          tpu.yield
        }) : () -> ()
        %add3A_97 = arith.constant 3 : i32
        %add3A_98 = arith.addi %mul3A_78, %add3A_97 : i32
        %mul3A_99 = arith.constant 112 : i32
        %mul3A_100 = arith.muli %add3A_98, %mul3A_99 : i32
        %add3A_101 = arith.addi %mul3A_3, %mul3A_100 : i32
        %dma_start3A_102 = tpu.memref_slice %arg6[%add3A_101] : memref<320000xi32, #tpu.memory_space<hbm>> -> memref<112xi32, #tpu.memory_space<hbm>>
        %dma_start3A_103 = tpu.memref_slice %arg6[%add3A_101] : memref<320000xi32, #tpu.memory_space<hbm>> -> memref<112xi32, #tpu.memory_space<hbm>>
        tpu.enqueue_dma source(%dma_start3A_103 : memref<112xi32, #tpu.memory_space<hbm>>) target(%arg12 : memref<112xi32, #tpu.memory_space<vmem>>) target_semaphore(%arg22 : memref<!tpu.dma_semaphore, #tpu.memory_space<semaphore_mem>>)
        %dma_start3A_104 = tpu.memref_slice %arg7[%add3A_101] : memref<320000xi32, #tpu.memory_space<hbm>> -> memref<112xi32, #tpu.memory_space<hbm>>
        %dma_start3A_105 = tpu.memref_slice %arg7[%add3A_101] : memref<320000xi32, #tpu.memory_space<hbm>> -> memref<112xi32, #tpu.memory_space<hbm>>
        tpu.enqueue_dma source(%dma_start3A_105 : memref<112xi32, #tpu.memory_space<hbm>>) target(%arg14 : memref<112xi32, #tpu.memory_space<vmem>>) target_semaphore(%arg22 : memref<!tpu.dma_semaphore, #tpu.memory_space<semaphore_mem>>)
        %add3A_106 = arith.constant 2 : i32
        %add3A_107 = arith.addi %mul3A_78, %add3A_106 : i32
        %mul3A_108 = arith.constant 112 : i32
        %mul3A_109 = arith.muli %add3A_107, %mul3A_108 : i32
        %add3A_110 = arith.addi %mul3A_3, %mul3A_109 : i32
        %dma_wait3A_111 = tpu.memref_slice %arg6[%add3A_110] : memref<320000xi32, #tpu.memory_space<hbm>> -> memref<112xi32, #tpu.memory_space<hbm>>
        %dma_wait3A_112 = tpu.memref_slice %arg6[%add3A_110] : memref<320000xi32, #tpu.memory_space<hbm>> -> memref<112xi32, #tpu.memory_space<hbm>>
        tpu.wait_dma2 semaphore(%arg21 : memref<!tpu.dma_semaphore, #tpu.memory_space<semaphore_mem>>) src(%dma_wait3A_112 : memref<112xi32, #tpu.memory_space<hbm>>) dst(%arg11 : memref<112xi32, #tpu.memory_space<vmem>>)
        %dma_wait3A_113 = tpu.memref_slice %arg7[%add3A_110] : memref<320000xi32, #tpu.memory_space<hbm>> -> memref<112xi32, #tpu.memory_space<hbm>>
        %dma_wait3A_114 = tpu.memref_slice %arg7[%add3A_110] : memref<320000xi32, #tpu.memory_space<hbm>> -> memref<112xi32, #tpu.memory_space<hbm>>
        tpu.wait_dma2 semaphore(%arg21 : memref<!tpu.dma_semaphore, #tpu.memory_space<semaphore_mem>>) src(%dma_wait3A_114 : memref<112xi32, #tpu.memory_space<hbm>>) dst(%arg13 : memref<112xi32, #tpu.memory_space<vmem>>)
        %dma_start3A_115 = arith.constant 0 : i32
        %dma_start3A_116 = arith.constant 0 : i32
        %dma_start3A_117 = tpu.memref_slice %arg3[%dma_start3A_115, %dma_start3A_116] : memref<10000x128xf32, #tpu.memory_space<hbm>> -> memref<10000x128xf32, #tpu.memory_space<hbm>>
        tpu.enqueue_indirect_dma source(%dma_start3A_117 : memref<10000x128xf32, #tpu.memory_space<hbm>>) target(%arg15 : memref<112x128xf32, #tpu.memory_space<vmem>>) offsets(%arg11 : memref<112xi32, #tpu.memory_space<vmem>>) semaphore(%arg23 : memref<!tpu.dma_semaphore, #tpu.memory_space<semaphore_mem>>)
        %add3A_118 = arith.constant 3 : i32
        %add3A_119 = arith.addi %mul3A_78, %add3A_118 : i32
        %mul3A_120 = arith.constant 112 : i32
        %mul3A_121 = arith.muli %add3A_119, %mul3A_120 : i32
        %add3A_122 = arith.addi %mul3A_3, %mul3A_121 : i32
        %dma_wait3A_123 = tpu.memref_slice %arg6[%add3A_122] : memref<320000xi32, #tpu.memory_space<hbm>> -> memref<112xi32, #tpu.memory_space<hbm>>
        %dma_wait3A_124 = tpu.memref_slice %arg6[%add3A_122] : memref<320000xi32, #tpu.memory_space<hbm>> -> memref<112xi32, #tpu.memory_space<hbm>>
        tpu.wait_dma2 semaphore(%arg22 : memref<!tpu.dma_semaphore, #tpu.memory_space<semaphore_mem>>) src(%dma_wait3A_124 : memref<112xi32, #tpu.memory_space<hbm>>) dst(%arg12 : memref<112xi32, #tpu.memory_space<vmem>>)
        %dma_wait3A_125 = tpu.memref_slice %arg7[%add3A_122] : memref<320000xi32, #tpu.memory_space<hbm>> -> memref<112xi32, #tpu.memory_space<hbm>>
        %dma_wait3A_126 = tpu.memref_slice %arg7[%add3A_122] : memref<320000xi32, #tpu.memory_space<hbm>> -> memref<112xi32, #tpu.memory_space<hbm>>
        tpu.wait_dma2 semaphore(%arg22 : memref<!tpu.dma_semaphore, #tpu.memory_space<semaphore_mem>>) src(%dma_wait3A_126 : memref<112xi32, #tpu.memory_space<hbm>>) dst(%arg14 : memref<112xi32, #tpu.memory_space<vmem>>)
      }
      %scan3A_45 = arith.constant 88 : i32
      %dma_start3A_46 = arith.constant 0 : i32
      %dma_start3A_47 = arith.constant 0 : i32
      %dma_start3A_48 = tpu.memref_slice %arg3[%dma_start3A_46, %dma_start3A_47] : memref<10000x128xf32, #tpu.memory_space<hbm>> -> memref<10000x128xf32, #tpu.memory_space<hbm>>
      tpu.enqueue_indirect_dma source(%dma_start3A_48 : memref<10000x128xf32, #tpu.memory_space<hbm>>) target(%arg16 : memref<112x128xf32, #tpu.memory_space<vmem>>) offsets(%arg12 : memref<112xi32, #tpu.memory_space<vmem>>) semaphore(%arg24 : memref<!tpu.dma_semaphore, #tpu.memory_space<semaphore_mem>>)
      %dma_wait3A_49 = arith.constant 0 : i32
      %dma_wait3A_50 = arith.constant 0 : i32
      %dma_wait3A_51 = tpu.memref_slice %arg3[%dma_wait3A_49, %dma_wait3A_50] : memref<10000x128xf32, #tpu.memory_space<hbm>> -> memref<10000x128xf32, #tpu.memory_space<hbm>>
      tpu.wait_indirect_dma semaphore(%arg23 : memref<!tpu.dma_semaphore, #tpu.memory_space<semaphore_mem>>) src(%dma_wait3A_51 : memref<10000x128xf32, #tpu.memory_space<hbm>>) dst(%arg15 : memref<112x128xf32, #tpu.memory_space<vmem>>)
      "tpu.region"() ({
        %run_scoped3A = tpu.sem_alloc : memref<!tpu.dma_semaphore, #tpu.memory_space<semaphore_mem>>
        %dma_start3A_76 = arith.constant 0 : i32
        %dma_start3A_77 = arith.constant 0 : i32
        %dma_start3A_78 = tpu.memref_slice %arg20[%dma_start3A_76, %dma_start3A_77] : memref<10000x128xf32, #tpu.memory_space<vmem_shared>> -> memref<10000x128xf32, #tpu.memory_space<vmem_shared>>
        tpu.enqueue_indirect_dma source(%arg15 : memref<112x128xf32, #tpu.memory_space<vmem>>) target(%dma_start3A_78 : memref<10000x128xf32, #tpu.memory_space<vmem_shared>>) offsets(%arg13 : memref<112xi32, #tpu.memory_space<vmem>>) semaphore(%run_scoped3A : memref<!tpu.dma_semaphore, #tpu.memory_space<semaphore_mem>>) {add = true}
        %dma_wait3A_79 = arith.constant 0 : i32
        %dma_wait3A_80 = arith.constant 0 : i32
        %dma_wait3A_81 = tpu.memref_slice %arg20[%dma_wait3A_79, %dma_wait3A_80] : memref<10000x128xf32, #tpu.memory_space<vmem_shared>> -> memref<10000x128xf32, #tpu.memory_space<vmem_shared>>
        tpu.wait_indirect_dma semaphore(%run_scoped3A : memref<!tpu.dma_semaphore, #tpu.memory_space<semaphore_mem>>) src(%arg15 : memref<112x128xf32, #tpu.memory_space<vmem>>) dst(%dma_wait3A_81 : memref<10000x128xf32, #tpu.memory_space<vmem_shared>>)
        tpu.yield
      }) : () -> ()
      %dma_wait3A_52 = arith.constant 0 : i32
      %dma_wait3A_53 = arith.constant 0 : i32
      %dma_wait3A_54 = tpu.memref_slice %arg3[%dma_wait3A_52, %dma_wait3A_53] : memref<10000x128xf32, #tpu.memory_space<hbm>> -> memref<10000x128xf32, #tpu.memory_space<hbm>>
      tpu.wait_indirect_dma semaphore(%arg24 : memref<!tpu.dma_semaphore, #tpu.memory_space<semaphore_mem>>) src(%dma_wait3A_54 : memref<10000x128xf32, #tpu.memory_space<hbm>>) dst(%arg16 : memref<112x128xf32, #tpu.memory_space<vmem>>)
      "tpu.region"() ({
        %run_scoped3A = tpu.sem_alloc : memref<!tpu.dma_semaphore, #tpu.memory_space<semaphore_mem>>
        %dma_start3A_76 = arith.constant 0 : i32
        %dma_start3A_77 = arith.constant 0 : i32
        %dma_start3A_78 = tpu.memref_slice %arg20[%dma_start3A_76, %dma_start3A_77] : memref<10000x128xf32, #tpu.memory_space<vmem_shared>> -> memref<10000x128xf32, #tpu.memory_space<vmem_shared>>
        tpu.enqueue_indirect_dma source(%arg16 : memref<112x128xf32, #tpu.memory_space<vmem>>) target(%dma_start3A_78 : memref<10000x128xf32, #tpu.memory_space<vmem_shared>>) offsets(%arg14 : memref<112xi32, #tpu.memory_space<vmem>>) semaphore(%run_scoped3A : memref<!tpu.dma_semaphore, #tpu.memory_space<semaphore_mem>>) {add = true}
        %dma_wait3A_79 = arith.constant 0 : i32
        %dma_wait3A_80 = arith.constant 0 : i32
        %dma_wait3A_81 = tpu.memref_slice %arg20[%dma_wait3A_79, %dma_wait3A_80] : memref<10000x128xf32, #tpu.memory_space<vmem_shared>> -> memref<10000x128xf32, #tpu.memory_space<vmem_shared>>
        tpu.wait_indirect_dma semaphore(%run_scoped3A : memref<!tpu.dma_semaphore, #tpu.memory_space<semaphore_mem>>) src(%arg16 : memref<112x128xf32, #tpu.memory_space<vmem>>) dst(%dma_wait3A_81 : memref<10000x128xf32, #tpu.memory_space<vmem_shared>>)
        tpu.yield
      }) : () -> ()
      %add3A_55 = arith.constant 19936 : i32
      %add3A_56 = arith.addi %mul3A_3, %add3A_55 : i32
      "tpu.region"() ({
        %run_scoped3A = tpu.sem_alloc : memref<!tpu.dma_semaphore, #tpu.memory_space<semaphore_mem>>
        %dma_start3A_76 = tpu.memref_slice %arg6[%add3A_56] : memref<320000xi32, #tpu.memory_space<hbm>> -> memref<64xi32, #tpu.memory_space<hbm>>
        %dma_start3A_77 = tpu.memref_slice %arg6[%add3A_56] : memref<320000xi32, #tpu.memory_space<hbm>> -> memref<64xi32, #tpu.memory_space<hbm>>
        tpu.enqueue_dma source(%dma_start3A_77 : memref<64xi32, #tpu.memory_space<hbm>>) target(%arg18 : memref<64xi32, #tpu.memory_space<vmem>>) target_semaphore(%run_scoped3A : memref<!tpu.dma_semaphore, #tpu.memory_space<semaphore_mem>>)
        %dma_wait3A_78 = tpu.memref_slice %arg6[%add3A_56] : memref<320000xi32, #tpu.memory_space<hbm>> -> memref<64xi32, #tpu.memory_space<hbm>>
        %dma_wait3A_79 = tpu.memref_slice %arg6[%add3A_56] : memref<320000xi32, #tpu.memory_space<hbm>> -> memref<64xi32, #tpu.memory_space<hbm>>
        tpu.wait_dma2 semaphore(%run_scoped3A : memref<!tpu.dma_semaphore, #tpu.memory_space<semaphore_mem>>) src(%dma_wait3A_79 : memref<64xi32, #tpu.memory_space<hbm>>) dst(%arg18 : memref<64xi32, #tpu.memory_space<vmem>>)
        tpu.yield
      }) : () -> ()
      "tpu.region"() ({
        %run_scoped3A = tpu.sem_alloc : memref<!tpu.dma_semaphore, #tpu.memory_space<semaphore_mem>>
        %dma_start3A_76 = tpu.memref_slice %arg7[%add3A_56] : memref<320000xi32, #tpu.memory_space<hbm>> -> memref<64xi32, #tpu.memory_space<hbm>>
        %dma_start3A_77 = tpu.memref_slice %arg7[%add3A_56] : memref<320000xi32, #tpu.memory_space<hbm>> -> memref<64xi32, #tpu.memory_space<hbm>>
        tpu.enqueue_dma source(%dma_start3A_77 : memref<64xi32, #tpu.memory_space<hbm>>) target(%arg19 : memref<64xi32, #tpu.memory_space<vmem>>) target_semaphore(%run_scoped3A : memref<!tpu.dma_semaphore, #tpu.memory_space<semaphore_mem>>)
        %dma_wait3A_78 = tpu.memref_slice %arg7[%add3A_56] : memref<320000xi32, #tpu.memory_space<hbm>> -> memref<64xi32, #tpu.memory_space<hbm>>
        %dma_wait3A_79 = tpu.memref_slice %arg7[%add3A_56] : memref<320000xi32, #tpu.memory_space<hbm>> -> memref<64xi32, #tpu.memory_space<hbm>>
        tpu.wait_dma2 semaphore(%run_scoped3A : memref<!tpu.dma_semaphore, #tpu.memory_space<semaphore_mem>>) src(%dma_wait3A_79 : memref<64xi32, #tpu.memory_space<hbm>>) dst(%arg19 : memref<64xi32, #tpu.memory_space<vmem>>)
        tpu.yield
      }) : () -> ()
      %dma_start3A_57 = arith.constant 0 : i32
      %dma_start3A_58 = arith.constant 0 : i32
      %dma_start3A_59 = tpu.memref_slice %arg15[%dma_start3A_57, %dma_start3A_58] : memref<112x128xf32, #tpu.memory_space<vmem>> -> memref<64x128xf32, #tpu.memory_space<vmem>>
      %dma_start3A_60 = arith.constant 0 : i32
      %dma_start3A_61 = arith.constant 0 : i32
      %dma_start3A_62 = tpu.memref_slice %arg3[%dma_start3A_60, %dma_start3A_61] : memref<10000x128xf32, #tpu.memory_space<hbm>> -> memref<10000x128xf32, #tpu.memory_space<hbm>>
      tpu.enqueue_indirect_dma source(%dma_start3A_62 : memref<10000x128xf32, #tpu.memory_space<hbm>>) target(%dma_start3A_59 : memref<64x128xf32, #tpu.memory_space<vmem>>) offsets(%arg18 : memref<64xi32, #tpu.memory_space<vmem>>) semaphore(%arg23 : memref<!tpu.dma_semaphore, #tpu.memory_space<semaphore_mem>>)
      %dma_wait3A_63 = arith.constant 0 : i32
      %dma_wait3A_64 = arith.constant 0 : i32
      %dma_wait3A_65 = tpu.memref_slice %arg15[%dma_wait3A_63, %dma_wait3A_64] : memref<112x128xf32, #tpu.memory_space<vmem>> -> memref<64x128xf32, #tpu.memory_space<vmem>>
      %dma_wait3A_66 = arith.constant 0 : i32
      %dma_wait3A_67 = arith.constant 0 : i32
      %dma_wait3A_68 = tpu.memref_slice %arg3[%dma_wait3A_66, %dma_wait3A_67] : memref<10000x128xf32, #tpu.memory_space<hbm>> -> memref<10000x128xf32, #tpu.memory_space<hbm>>
      tpu.wait_indirect_dma semaphore(%arg23 : memref<!tpu.dma_semaphore, #tpu.memory_space<semaphore_mem>>) src(%dma_wait3A_68 : memref<10000x128xf32, #tpu.memory_space<hbm>>) dst(%dma_wait3A_65 : memref<64x128xf32, #tpu.memory_space<vmem>>)
      "tpu.region"() ({
        %run_scoped3A = tpu.sem_alloc : memref<!tpu.dma_semaphore, #tpu.memory_space<semaphore_mem>>
        %dma_start3A_76 = arith.constant 0 : i32
        %dma_start3A_77 = arith.constant 0 : i32
        %dma_start3A_78 = tpu.memref_slice %arg15[%dma_start3A_76, %dma_start3A_77] : memref<112x128xf32, #tpu.memory_space<vmem>> -> memref<64x128xf32, #tpu.memory_space<vmem>>
        %dma_start3A_79 = arith.constant 0 : i32
        %dma_start3A_80 = arith.constant 0 : i32
        %dma_start3A_81 = tpu.memref_slice %arg20[%dma_start3A_79, %dma_start3A_80] : memref<10000x128xf32, #tpu.memory_space<vmem_shared>> -> memref<10000x128xf32, #tpu.memory_space<vmem_shared>>
        tpu.enqueue_indirect_dma source(%dma_start3A_78 : memref<64x128xf32, #tpu.memory_space<vmem>>) target(%dma_start3A_81 : memref<10000x128xf32, #tpu.memory_space<vmem_shared>>) offsets(%arg19 : memref<64xi32, #tpu.memory_space<vmem>>) semaphore(%run_scoped3A : memref<!tpu.dma_semaphore, #tpu.memory_space<semaphore_mem>>) {add = true}
        %dma_wait3A_82 = arith.constant 0 : i32
        %dma_wait3A_83 = arith.constant 0 : i32
        %dma_wait3A_84 = tpu.memref_slice %arg15[%dma_wait3A_82, %dma_wait3A_83] : memref<112x128xf32, #tpu.memory_space<vmem>> -> memref<64x128xf32, #tpu.memory_space<vmem>>
        %dma_wait3A_85 = arith.constant 0 : i32
        %dma_wait3A_86 = arith.constant 0 : i32
        %dma_wait3A_87 = tpu.memref_slice %arg20[%dma_wait3A_85, %dma_wait3A_86] : memref<10000x128xf32, #tpu.memory_space<vmem_shared>> -> memref<10000x128xf32, #tpu.memory_space<vmem_shared>>
        tpu.wait_indirect_dma semaphore(%run_scoped3A : memref<!tpu.dma_semaphore, #tpu.memory_space<semaphore_mem>>) src(%dma_wait3A_84 : memref<64x128xf32, #tpu.memory_space<vmem>>) dst(%dma_wait3A_87 : memref<10000x128xf32, #tpu.memory_space<vmem_shared>>)
        tpu.yield
      }) : () -> ()
      %barrier3A_69 = arith.constant 0 : index
      tpu.barrier barrier_id(%barrier3A_69)
      %scan3A_70 = arith.constant 0 : i32
      %scan3A_71 = arith.constant 0 : i32
      %scan3A_72 = arith.constant 4 : i32
      %scan3A_73 = arith.addi %scan3A_71, %scan3A_72 : i32
      %scan3A_74 = arith.constant 1 : i32
      scf.for %scan3A_76 = %scan3A_71 to %scan3A_73 step %scan3A_74  : i32 {
        %mul3A_77 = arith.constant 160 : i32
        %mul3A_78 = arith.muli %scan3A_76, %mul3A_77 : i32
        %add3A_79 = arith.addi %min3A_1, %mul3A_78 : i32
        "tpu.region"() ({
          %run_scoped3A = tpu.sem_alloc : memref<!tpu.dma_semaphore, #tpu.memory_space<semaphore_mem>>
          %dma_start3A_80 = arith.constant 0 : i32
          %dma_start3A_81 = tpu.memref_slice %arg20[%add3A_79, %dma_start3A_80] : memref<10000x128xf32, #tpu.memory_space<vmem_shared>> -> memref<160x128xf32, #tpu.memory_space<vmem_shared>>
          %dma_start3A_82 = arith.constant 0 : i32
          %dma_start3A_83 = tpu.memref_slice %arg20[%add3A_79, %dma_start3A_82] : memref<10000x128xf32, #tpu.memory_space<vmem_shared>> -> memref<160x128xf32, #tpu.memory_space<vmem_shared>>
          tpu.enqueue_dma source(%dma_start3A_83 : memref<160x128xf32, #tpu.memory_space<vmem_shared>>) target(%arg17 : memref<160x128xf32, #tpu.memory_space<vmem>>) target_semaphore(%run_scoped3A : memref<!tpu.dma_semaphore, #tpu.memory_space<semaphore_mem>>)
          %dma_wait3A_84 = arith.constant 0 : i32
          %dma_wait3A_85 = tpu.memref_slice %arg20[%add3A_79, %dma_wait3A_84] : memref<10000x128xf32, #tpu.memory_space<vmem_shared>> -> memref<160x128xf32, #tpu.memory_space<vmem_shared>>
          %dma_wait3A_86 = arith.constant 0 : i32
          %dma_wait3A_87 = tpu.memref_slice %arg20[%add3A_79, %dma_wait3A_86] : memref<10000x128xf32, #tpu.memory_space<vmem_shared>> -> memref<160x128xf32, #tpu.memory_space<vmem_shared>>
          tpu.wait_dma2 semaphore(%run_scoped3A : memref<!tpu.dma_semaphore, #tpu.memory_space<semaphore_mem>>) src(%dma_wait3A_87 : memref<160x128xf32, #tpu.memory_space<vmem_shared>>) dst(%arg17 : memref<160x128xf32, #tpu.memory_space<vmem>>)
          tpu.yield
        }) : () -> ()
        "tpu.region"() ({
          %run_scoped3A = tpu.sem_alloc : memref<!tpu.dma_semaphore, #tpu.memory_space<semaphore_mem>>
          %dma_start3A_80 = arith.constant 0 : i32
          %dma_start3A_81 = tpu.memref_slice %arg9[%add3A_79, %dma_start3A_80] : memref<10000x128xf32, #tpu.memory_space<hbm>> -> memref<160x128xf32, #tpu.memory_space<hbm>>
          %dma_start3A_82 = arith.constant 0 : i32
          %dma_start3A_83 = tpu.memref_slice %arg9[%add3A_79, %dma_start3A_82] : memref<10000x128xf32, #tpu.memory_space<hbm>> -> memref<160x128xf32, #tpu.memory_space<hbm>>
          tpu.enqueue_dma source(%arg17 : memref<160x128xf32, #tpu.memory_space<vmem>>) target(%dma_start3A_83 : memref<160x128xf32, #tpu.memory_space<hbm>>) target_semaphore(%run_scoped3A : memref<!tpu.dma_semaphore, #tpu.memory_space<semaphore_mem>>)
          %dma_wait3A_84 = arith.constant 0 : i32
          %dma_wait3A_85 = tpu.memref_slice %arg9[%add3A_79, %dma_wait3A_84] : memref<10000x128xf32, #tpu.memory_space<hbm>> -> memref<160x128xf32, #tpu.memory_space<hbm>>
          %dma_wait3A_86 = arith.constant 0 : i32
          %dma_wait3A_87 = tpu.memref_slice %arg9[%add3A_79, %dma_wait3A_86] : memref<10000x128xf32, #tpu.memory_space<hbm>> -> memref<160x128xf32, #tpu.memory_space<hbm>>
          tpu.wait_dma2 semaphore(%run_scoped3A : memref<!tpu.dma_semaphore, #tpu.memory_space<semaphore_mem>>) src(%arg17 : memref<160x128xf32, #tpu.memory_space<vmem>>) dst(%dma_wait3A_87 : memref<160x128xf32, #tpu.memory_space<hbm>>)
          tpu.yield
        }) : () -> ()
      }
      %scan3A_75 = arith.constant 4 : i32
    } else {
    }
    %eq3A_6 = arith.constant 1 : i32
    %eq3A_7 = arith.cmpi eq, %arg0, %eq3A_6 : i32
    %convert_element_type3A_8 = arith.extui %eq3A_7 : i1 to i32
    %cond3A_9 = arith.constant 0 : i32
    %cond3A_10 = arith.cmpi ne, %convert_element_type3A_8, %cond3A_9 : i32
    scf.if %cond3A_10 {
      "tpu.region"() ({
        %run_scoped3A = tpu.sem_alloc : memref<!tpu.dma_semaphore, #tpu.memory_space<semaphore_mem>>
        tpu.enqueue_dma source(%arg8 : memref<160x128xf32, #tpu.memory_space<hbm>>) target(%arg17 : memref<160x128xf32, #tpu.memory_space<vmem>>) target_semaphore(%run_scoped3A : memref<!tpu.dma_semaphore, #tpu.memory_space<semaphore_mem>>)
        tpu.wait_dma2 semaphore(%run_scoped3A : memref<!tpu.dma_semaphore, #tpu.memory_space<semaphore_mem>>) src(%arg8 : memref<160x128xf32, #tpu.memory_space<hbm>>) dst(%arg17 : memref<160x128xf32, #tpu.memory_space<vmem>>)
        tpu.yield
      }) : () -> ()
      %scan3A = arith.constant 0 : i32
      %scan3A_11 = arith.constant 0 : i32
      %scan3A_12 = arith.constant 4 : i32
      %scan3A_13 = arith.addi %scan3A_11, %scan3A_12 : i32
      %scan3A_14 = arith.constant 1 : i32
      scf.for %scan3A_76 = %scan3A_11 to %scan3A_13 step %scan3A_14  : i32 {
        %mul3A_77 = arith.constant 160 : i32
        %mul3A_78 = arith.muli %scan3A_76, %mul3A_77 : i32
        %add3A_79 = arith.addi %min3A_1, %mul3A_78 : i32
        "tpu.region"() ({
          %run_scoped3A = tpu.sem_alloc : memref<!tpu.dma_semaphore, #tpu.memory_space<semaphore_mem>>
          %dma_start3A_80 = arith.constant 0 : i32
          %dma_start3A_81 = tpu.memref_slice %arg20[%add3A_79, %dma_start3A_80] : memref<10000x128xf32, #tpu.memory_space<vmem_shared>> -> memref<160x128xf32, #tpu.memory_space<vmem_shared>>
          %dma_start3A_82 = arith.constant 0 : i32
          %dma_start3A_83 = tpu.memref_slice %arg20[%add3A_79, %dma_start3A_82] : memref<10000x128xf32, #tpu.memory_space<vmem_shared>> -> memref<160x128xf32, #tpu.memory_space<vmem_shared>>
          tpu.enqueue_dma source(%arg17 : memref<160x128xf32, #tpu.memory_space<vmem>>) target(%dma_start3A_83 : memref<160x128xf32, #tpu.memory_space<vmem_shared>>) target_semaphore(%run_scoped3A : memref<!tpu.dma_semaphore, #tpu.memory_space<semaphore_mem>>)
          %dma_wait3A_84 = arith.constant 0 : i32
          %dma_wait3A_85 = tpu.memref_slice %arg20[%add3A_79, %dma_wait3A_84] : memref<10000x128xf32, #tpu.memory_space<vmem_shared>> -> memref<160x128xf32, #tpu.memory_space<vmem_shared>>
          %dma_wait3A_86 = arith.constant 0 : i32
          %dma_wait3A_87 = tpu.memref_slice %arg20[%add3A_79, %dma_wait3A_86] : memref<10000x128xf32, #tpu.memory_space<vmem_shared>> -> memref<160x128xf32, #tpu.memory_space<vmem_shared>>
          tpu.wait_dma2 semaphore(%run_scoped3A : memref<!tpu.dma_semaphore, #tpu.memory_space<semaphore_mem>>) src(%arg17 : memref<160x128xf32, #tpu.memory_space<vmem>>) dst(%dma_wait3A_87 : memref<160x128xf32, #tpu.memory_space<vmem_shared>>)
          tpu.yield
        }) : () -> ()
      }
      %scan3A_15 = arith.constant 4 : i32
      %barrier3A = arith.constant 0 : index
      tpu.barrier barrier_id(%barrier3A)
      %add3A = arith.constant 0 : i32
      %add3A_16 = arith.addi %mul3A_3, %add3A : i32
      %dma_start3A = tpu.memref_slice %arg4[%add3A_16] : memref<320000xi32, #tpu.memory_space<hbm>> -> memref<112xi32, #tpu.memory_space<hbm>>
      %dma_start3A_17 = tpu.memref_slice %arg4[%add3A_16] : memref<320000xi32, #tpu.memory_space<hbm>> -> memref<112xi32, #tpu.memory_space<hbm>>
      tpu.enqueue_dma source(%dma_start3A_17 : memref<112xi32, #tpu.memory_space<hbm>>) target(%arg11 : memref<112xi32, #tpu.memory_space<vmem>>) target_semaphore(%arg21 : memref<!tpu.dma_semaphore, #tpu.memory_space<semaphore_mem>>)
      %dma_start3A_18 = tpu.memref_slice %arg5[%add3A_16] : memref<320000xi32, #tpu.memory_space<hbm>> -> memref<112xi32, #tpu.memory_space<hbm>>
      %dma_start3A_19 = tpu.memref_slice %arg5[%add3A_16] : memref<320000xi32, #tpu.memory_space<hbm>> -> memref<112xi32, #tpu.memory_space<hbm>>
      tpu.enqueue_dma source(%dma_start3A_19 : memref<112xi32, #tpu.memory_space<hbm>>) target(%arg13 : memref<112xi32, #tpu.memory_space<vmem>>) target_semaphore(%arg21 : memref<!tpu.dma_semaphore, #tpu.memory_space<semaphore_mem>>)
      %add3A_20 = arith.constant 112 : i32
      %add3A_21 = arith.addi %mul3A_3, %add3A_20 : i32
      %dma_start3A_22 = tpu.memref_slice %arg4[%add3A_21] : memref<320000xi32, #tpu.memory_space<hbm>> -> memref<112xi32, #tpu.memory_space<hbm>>
      %dma_start3A_23 = tpu.memref_slice %arg4[%add3A_21] : memref<320000xi32, #tpu.memory_space<hbm>> -> memref<112xi32, #tpu.memory_space<hbm>>
      tpu.enqueue_dma source(%dma_start3A_23 : memref<112xi32, #tpu.memory_space<hbm>>) target(%arg12 : memref<112xi32, #tpu.memory_space<vmem>>) target_semaphore(%arg22 : memref<!tpu.dma_semaphore, #tpu.memory_space<semaphore_mem>>)
      %dma_start3A_24 = tpu.memref_slice %arg5[%add3A_21] : memref<320000xi32, #tpu.memory_space<hbm>> -> memref<112xi32, #tpu.memory_space<hbm>>
      %dma_start3A_25 = tpu.memref_slice %arg5[%add3A_21] : memref<320000xi32, #tpu.memory_space<hbm>> -> memref<112xi32, #tpu.memory_space<hbm>>
      tpu.enqueue_dma source(%dma_start3A_25 : memref<112xi32, #tpu.memory_space<hbm>>) target(%arg14 : memref<112xi32, #tpu.memory_space<vmem>>) target_semaphore(%arg22 : memref<!tpu.dma_semaphore, #tpu.memory_space<semaphore_mem>>)
      %add3A_26 = arith.constant 0 : i32
      %add3A_27 = arith.addi %mul3A_3, %add3A_26 : i32
      %dma_wait3A = tpu.memref_slice %arg4[%add3A_27] : memref<320000xi32, #tpu.memory_space<hbm>> -> memref<112xi32, #tpu.memory_space<hbm>>
      %dma_wait3A_28 = tpu.memref_slice %arg4[%add3A_27] : memref<320000xi32, #tpu.memory_space<hbm>> -> memref<112xi32, #tpu.memory_space<hbm>>
      tpu.wait_dma2 semaphore(%arg21 : memref<!tpu.dma_semaphore, #tpu.memory_space<semaphore_mem>>) src(%dma_wait3A_28 : memref<112xi32, #tpu.memory_space<hbm>>) dst(%arg11 : memref<112xi32, #tpu.memory_space<vmem>>)
      %dma_wait3A_29 = tpu.memref_slice %arg5[%add3A_27] : memref<320000xi32, #tpu.memory_space<hbm>> -> memref<112xi32, #tpu.memory_space<hbm>>
      %dma_wait3A_30 = tpu.memref_slice %arg5[%add3A_27] : memref<320000xi32, #tpu.memory_space<hbm>> -> memref<112xi32, #tpu.memory_space<hbm>>
      tpu.wait_dma2 semaphore(%arg21 : memref<!tpu.dma_semaphore, #tpu.memory_space<semaphore_mem>>) src(%dma_wait3A_30 : memref<112xi32, #tpu.memory_space<hbm>>) dst(%arg13 : memref<112xi32, #tpu.memory_space<vmem>>)
      %dma_start3A_31 = arith.constant 0 : i32
      %dma_start3A_32 = arith.constant 0 : i32
      %dma_start3A_33 = tpu.memref_slice %arg2[%dma_start3A_31, %dma_start3A_32] : memref<10000x128xf32, #tpu.memory_space<hbm>> -> memref<10000x128xf32, #tpu.memory_space<hbm>>
      tpu.enqueue_indirect_dma source(%dma_start3A_33 : memref<10000x128xf32, #tpu.memory_space<hbm>>) target(%arg15 : memref<112x128xf32, #tpu.memory_space<vmem>>) offsets(%arg11 : memref<112xi32, #tpu.memory_space<vmem>>) semaphore(%arg23 : memref<!tpu.dma_semaphore, #tpu.memory_space<semaphore_mem>>)
      %add3A_34 = arith.constant 112 : i32
      %add3A_35 = arith.addi %mul3A_3, %add3A_34 : i32
      %dma_wait3A_36 = tpu.memref_slice %arg4[%add3A_35] : memref<320000xi32, #tpu.memory_space<hbm>> -> memref<112xi32, #tpu.memory_space<hbm>>
      %dma_wait3A_37 = tpu.memref_slice %arg4[%add3A_35] : memref<320000xi32, #tpu.memory_space<hbm>> -> memref<112xi32, #tpu.memory_space<hbm>>
      tpu.wait_dma2 semaphore(%arg22 : memref<!tpu.dma_semaphore, #tpu.memory_space<semaphore_mem>>) src(%dma_wait3A_37 : memref<112xi32, #tpu.memory_space<hbm>>) dst(%arg12 : memref<112xi32, #tpu.memory_space<vmem>>)
      %dma_wait3A_38 = tpu.memref_slice %arg5[%add3A_35] : memref<320000xi32, #tpu.memory_space<hbm>> -> memref<112xi32, #tpu.memory_space<hbm>>
      %dma_wait3A_39 = tpu.memref_slice %arg5[%add3A_35] : memref<320000xi32, #tpu.memory_space<hbm>> -> memref<112xi32, #tpu.memory_space<hbm>>
      tpu.wait_dma2 semaphore(%arg22 : memref<!tpu.dma_semaphore, #tpu.memory_space<semaphore_mem>>) src(%dma_wait3A_39 : memref<112xi32, #tpu.memory_space<hbm>>) dst(%arg14 : memref<112xi32, #tpu.memory_space<vmem>>)
      %scan3A_40 = arith.constant 0 : i32
      %scan3A_41 = arith.constant 0 : i32
      %scan3A_42 = arith.constant 88 : i32
      %scan3A_43 = arith.addi %scan3A_41, %scan3A_42 : i32
      %scan3A_44 = arith.constant 1 : i32
      scf.for %scan3A_76 = %scan3A_41 to %scan3A_43 step %scan3A_44  : i32 {
        %mul3A_77 = arith.constant 2 : i32
        %mul3A_78 = arith.muli %mul3A_77, %scan3A_76 : i32
        %dma_start3A_79 = arith.constant 0 : i32
        %dma_start3A_80 = arith.constant 0 : i32
        %dma_start3A_81 = tpu.memref_slice %arg2[%dma_start3A_79, %dma_start3A_80] : memref<10000x128xf32, #tpu.memory_space<hbm>> -> memref<10000x128xf32, #tpu.memory_space<hbm>>
        tpu.enqueue_indirect_dma source(%dma_start3A_81 : memref<10000x128xf32, #tpu.memory_space<hbm>>) target(%arg16 : memref<112x128xf32, #tpu.memory_space<vmem>>) offsets(%arg12 : memref<112xi32, #tpu.memory_space<vmem>>) semaphore(%arg24 : memref<!tpu.dma_semaphore, #tpu.memory_space<semaphore_mem>>)
        %dma_wait3A_82 = arith.constant 0 : i32
        %dma_wait3A_83 = arith.constant 0 : i32
        %dma_wait3A_84 = tpu.memref_slice %arg2[%dma_wait3A_82, %dma_wait3A_83] : memref<10000x128xf32, #tpu.memory_space<hbm>> -> memref<10000x128xf32, #tpu.memory_space<hbm>>
        tpu.wait_indirect_dma semaphore(%arg23 : memref<!tpu.dma_semaphore, #tpu.memory_space<semaphore_mem>>) src(%dma_wait3A_84 : memref<10000x128xf32, #tpu.memory_space<hbm>>) dst(%arg15 : memref<112x128xf32, #tpu.memory_space<vmem>>)
        "tpu.region"() ({
          %run_scoped3A = tpu.sem_alloc : memref<!tpu.dma_semaphore, #tpu.memory_space<semaphore_mem>>
          %dma_start3A_127 = arith.constant 0 : i32
          %dma_start3A_128 = arith.constant 0 : i32
          %dma_start3A_129 = tpu.memref_slice %arg20[%dma_start3A_127, %dma_start3A_128] : memref<10000x128xf32, #tpu.memory_space<vmem_shared>> -> memref<10000x128xf32, #tpu.memory_space<vmem_shared>>
          tpu.enqueue_indirect_dma source(%arg15 : memref<112x128xf32, #tpu.memory_space<vmem>>) target(%dma_start3A_129 : memref<10000x128xf32, #tpu.memory_space<vmem_shared>>) offsets(%arg13 : memref<112xi32, #tpu.memory_space<vmem>>) semaphore(%run_scoped3A : memref<!tpu.dma_semaphore, #tpu.memory_space<semaphore_mem>>) {add = true}
          %dma_wait3A_130 = arith.constant 0 : i32
          %dma_wait3A_131 = arith.constant 0 : i32
          %dma_wait3A_132 = tpu.memref_slice %arg20[%dma_wait3A_130, %dma_wait3A_131] : memref<10000x128xf32, #tpu.memory_space<vmem_shared>> -> memref<10000x128xf32, #tpu.memory_space<vmem_shared>>
          tpu.wait_indirect_dma semaphore(%run_scoped3A : memref<!tpu.dma_semaphore, #tpu.memory_space<semaphore_mem>>) src(%arg15 : memref<112x128xf32, #tpu.memory_space<vmem>>) dst(%dma_wait3A_132 : memref<10000x128xf32, #tpu.memory_space<vmem_shared>>)
          tpu.yield
        }) : () -> ()
        %add3A_85 = arith.constant 2 : i32
        %add3A_86 = arith.addi %mul3A_78, %add3A_85 : i32
        %mul3A_87 = arith.constant 112 : i32
        %mul3A_88 = arith.muli %add3A_86, %mul3A_87 : i32
        %add3A_89 = arith.addi %mul3A_3, %mul3A_88 : i32
        %dma_start3A_90 = tpu.memref_slice %arg4[%add3A_89] : memref<320000xi32, #tpu.memory_space<hbm>> -> memref<112xi32, #tpu.memory_space<hbm>>
        %dma_start3A_91 = tpu.memref_slice %arg4[%add3A_89] : memref<320000xi32, #tpu.memory_space<hbm>> -> memref<112xi32, #tpu.memory_space<hbm>>
        tpu.enqueue_dma source(%dma_start3A_91 : memref<112xi32, #tpu.memory_space<hbm>>) target(%arg11 : memref<112xi32, #tpu.memory_space<vmem>>) target_semaphore(%arg21 : memref<!tpu.dma_semaphore, #tpu.memory_space<semaphore_mem>>)
        %dma_start3A_92 = tpu.memref_slice %arg5[%add3A_89] : memref<320000xi32, #tpu.memory_space<hbm>> -> memref<112xi32, #tpu.memory_space<hbm>>
        %dma_start3A_93 = tpu.memref_slice %arg5[%add3A_89] : memref<320000xi32, #tpu.memory_space<hbm>> -> memref<112xi32, #tpu.memory_space<hbm>>
        tpu.enqueue_dma source(%dma_start3A_93 : memref<112xi32, #tpu.memory_space<hbm>>) target(%arg13 : memref<112xi32, #tpu.memory_space<vmem>>) target_semaphore(%arg21 : memref<!tpu.dma_semaphore, #tpu.memory_space<semaphore_mem>>)
        %dma_wait3A_94 = arith.constant 0 : i32
        %dma_wait3A_95 = arith.constant 0 : i32
        %dma_wait3A_96 = tpu.memref_slice %arg2[%dma_wait3A_94, %dma_wait3A_95] : memref<10000x128xf32, #tpu.memory_space<hbm>> -> memref<10000x128xf32, #tpu.memory_space<hbm>>
        tpu.wait_indirect_dma semaphore(%arg24 : memref<!tpu.dma_semaphore, #tpu.memory_space<semaphore_mem>>) src(%dma_wait3A_96 : memref<10000x128xf32, #tpu.memory_space<hbm>>) dst(%arg16 : memref<112x128xf32, #tpu.memory_space<vmem>>)
        "tpu.region"() ({
          %run_scoped3A = tpu.sem_alloc : memref<!tpu.dma_semaphore, #tpu.memory_space<semaphore_mem>>
          %dma_start3A_127 = arith.constant 0 : i32
          %dma_start3A_128 = arith.constant 0 : i32
          %dma_start3A_129 = tpu.memref_slice %arg20[%dma_start3A_127, %dma_start3A_128] : memref<10000x128xf32, #tpu.memory_space<vmem_shared>> -> memref<10000x128xf32, #tpu.memory_space<vmem_shared>>
          tpu.enqueue_indirect_dma source(%arg16 : memref<112x128xf32, #tpu.memory_space<vmem>>) target(%dma_start3A_129 : memref<10000x128xf32, #tpu.memory_space<vmem_shared>>) offsets(%arg14 : memref<112xi32, #tpu.memory_space<vmem>>) semaphore(%run_scoped3A : memref<!tpu.dma_semaphore, #tpu.memory_space<semaphore_mem>>) {add = true}
          %dma_wait3A_130 = arith.constant 0 : i32
          %dma_wait3A_131 = arith.constant 0 : i32
          %dma_wait3A_132 = tpu.memref_slice %arg20[%dma_wait3A_130, %dma_wait3A_131] : memref<10000x128xf32, #tpu.memory_space<vmem_shared>> -> memref<10000x128xf32, #tpu.memory_space<vmem_shared>>
          tpu.wait_indirect_dma semaphore(%run_scoped3A : memref<!tpu.dma_semaphore, #tpu.memory_space<semaphore_mem>>) src(%arg16 : memref<112x128xf32, #tpu.memory_space<vmem>>) dst(%dma_wait3A_132 : memref<10000x128xf32, #tpu.memory_space<vmem_shared>>)
          tpu.yield
        }) : () -> ()
        %add3A_97 = arith.constant 3 : i32
        %add3A_98 = arith.addi %mul3A_78, %add3A_97 : i32
        %mul3A_99 = arith.constant 112 : i32
        %mul3A_100 = arith.muli %add3A_98, %mul3A_99 : i32
        %add3A_101 = arith.addi %mul3A_3, %mul3A_100 : i32
        %dma_start3A_102 = tpu.memref_slice %arg4[%add3A_101] : memref<320000xi32, #tpu.memory_space<hbm>> -> memref<112xi32, #tpu.memory_space<hbm>>
        %dma_start3A_103 = tpu.memref_slice %arg4[%add3A_101] : memref<320000xi32, #tpu.memory_space<hbm>> -> memref<112xi32, #tpu.memory_space<hbm>>
        tpu.enqueue_dma source(%dma_start3A_103 : memref<112xi32, #tpu.memory_space<hbm>>) target(%arg12 : memref<112xi32, #tpu.memory_space<vmem>>) target_semaphore(%arg22 : memref<!tpu.dma_semaphore, #tpu.memory_space<semaphore_mem>>)
        %dma_start3A_104 = tpu.memref_slice %arg5[%add3A_101] : memref<320000xi32, #tpu.memory_space<hbm>> -> memref<112xi32, #tpu.memory_space<hbm>>
        %dma_start3A_105 = tpu.memref_slice %arg5[%add3A_101] : memref<320000xi32, #tpu.memory_space<hbm>> -> memref<112xi32, #tpu.memory_space<hbm>>
        tpu.enqueue_dma source(%dma_start3A_105 : memref<112xi32, #tpu.memory_space<hbm>>) target(%arg14 : memref<112xi32, #tpu.memory_space<vmem>>) target_semaphore(%arg22 : memref<!tpu.dma_semaphore, #tpu.memory_space<semaphore_mem>>)
        %add3A_106 = arith.constant 2 : i32
        %add3A_107 = arith.addi %mul3A_78, %add3A_106 : i32
        %mul3A_108 = arith.constant 112 : i32
        %mul3A_109 = arith.muli %add3A_107, %mul3A_108 : i32
        %add3A_110 = arith.addi %mul3A_3, %mul3A_109 : i32
        %dma_wait3A_111 = tpu.memref_slice %arg4[%add3A_110] : memref<320000xi32, #tpu.memory_space<hbm>> -> memref<112xi32, #tpu.memory_space<hbm>>
        %dma_wait3A_112 = tpu.memref_slice %arg4[%add3A_110] : memref<320000xi32, #tpu.memory_space<hbm>> -> memref<112xi32, #tpu.memory_space<hbm>>
        tpu.wait_dma2 semaphore(%arg21 : memref<!tpu.dma_semaphore, #tpu.memory_space<semaphore_mem>>) src(%dma_wait3A_112 : memref<112xi32, #tpu.memory_space<hbm>>) dst(%arg11 : memref<112xi32, #tpu.memory_space<vmem>>)
        %dma_wait3A_113 = tpu.memref_slice %arg5[%add3A_110] : memref<320000xi32, #tpu.memory_space<hbm>> -> memref<112xi32, #tpu.memory_space<hbm>>
        %dma_wait3A_114 = tpu.memref_slice %arg5[%add3A_110] : memref<320000xi32, #tpu.memory_space<hbm>> -> memref<112xi32, #tpu.memory_space<hbm>>
        tpu.wait_dma2 semaphore(%arg21 : memref<!tpu.dma_semaphore, #tpu.memory_space<semaphore_mem>>) src(%dma_wait3A_114 : memref<112xi32, #tpu.memory_space<hbm>>) dst(%arg13 : memref<112xi32, #tpu.memory_space<vmem>>)
        %dma_start3A_115 = arith.constant 0 : i32
        %dma_start3A_116 = arith.constant 0 : i32
        %dma_start3A_117 = tpu.memref_slice %arg2[%dma_start3A_115, %dma_start3A_116] : memref<10000x128xf32, #tpu.memory_space<hbm>> -> memref<10000x128xf32, #tpu.memory_space<hbm>>
        tpu.enqueue_indirect_dma source(%dma_start3A_117 : memref<10000x128xf32, #tpu.memory_space<hbm>>) target(%arg15 : memref<112x128xf32, #tpu.memory_space<vmem>>) offsets(%arg11 : memref<112xi32, #tpu.memory_space<vmem>>) semaphore(%arg23 : memref<!tpu.dma_semaphore, #tpu.memory_space<semaphore_mem>>)
        %add3A_118 = arith.constant 3 : i32
        %add3A_119 = arith.addi %mul3A_78, %add3A_118 : i32
        %mul3A_120 = arith.constant 112 : i32
        %mul3A_121 = arith.muli %add3A_119, %mul3A_120 : i32
        %add3A_122 = arith.addi %mul3A_3, %mul3A_121 : i32
        %dma_wait3A_123 = tpu.memref_slice %arg4[%add3A_122] : memref<320000xi32, #tpu.memory_space<hbm>> -> memref<112xi32, #tpu.memory_space<hbm>>
        %dma_wait3A_124 = tpu.memref_slice %arg4[%add3A_122] : memref<320000xi32, #tpu.memory_space<hbm>> -> memref<112xi32, #tpu.memory_space<hbm>>
        tpu.wait_dma2 semaphore(%arg22 : memref<!tpu.dma_semaphore, #tpu.memory_space<semaphore_mem>>) src(%dma_wait3A_124 : memref<112xi32, #tpu.memory_space<hbm>>) dst(%arg12 : memref<112xi32, #tpu.memory_space<vmem>>)
        %dma_wait3A_125 = tpu.memref_slice %arg5[%add3A_122] : memref<320000xi32, #tpu.memory_space<hbm>> -> memref<112xi32, #tpu.memory_space<hbm>>
        %dma_wait3A_126 = tpu.memref_slice %arg5[%add3A_122] : memref<320000xi32, #tpu.memory_space<hbm>> -> memref<112xi32, #tpu.memory_space<hbm>>
        tpu.wait_dma2 semaphore(%arg22 : memref<!tpu.dma_semaphore, #tpu.memory_space<semaphore_mem>>) src(%dma_wait3A_126 : memref<112xi32, #tpu.memory_space<hbm>>) dst(%arg14 : memref<112xi32, #tpu.memory_space<vmem>>)
      }
      %scan3A_45 = arith.constant 88 : i32
      %dma_start3A_46 = arith.constant 0 : i32
      %dma_start3A_47 = arith.constant 0 : i32
      %dma_start3A_48 = tpu.memref_slice %arg2[%dma_start3A_46, %dma_start3A_47] : memref<10000x128xf32, #tpu.memory_space<hbm>> -> memref<10000x128xf32, #tpu.memory_space<hbm>>
      tpu.enqueue_indirect_dma source(%dma_start3A_48 : memref<10000x128xf32, #tpu.memory_space<hbm>>) target(%arg16 : memref<112x128xf32, #tpu.memory_space<vmem>>) offsets(%arg12 : memref<112xi32, #tpu.memory_space<vmem>>) semaphore(%arg24 : memref<!tpu.dma_semaphore, #tpu.memory_space<semaphore_mem>>)
      %dma_wait3A_49 = arith.constant 0 : i32
      %dma_wait3A_50 = arith.constant 0 : i32
      %dma_wait3A_51 = tpu.memref_slice %arg2[%dma_wait3A_49, %dma_wait3A_50] : memref<10000x128xf32, #tpu.memory_space<hbm>> -> memref<10000x128xf32, #tpu.memory_space<hbm>>
      tpu.wait_indirect_dma semaphore(%arg23 : memref<!tpu.dma_semaphore, #tpu.memory_space<semaphore_mem>>) src(%dma_wait3A_51 : memref<10000x128xf32, #tpu.memory_space<hbm>>) dst(%arg15 : memref<112x128xf32, #tpu.memory_space<vmem>>)
      "tpu.region"() ({
        %run_scoped3A = tpu.sem_alloc : memref<!tpu.dma_semaphore, #tpu.memory_space<semaphore_mem>>
        %dma_start3A_76 = arith.constant 0 : i32
        %dma_start3A_77 = arith.constant 0 : i32
        %dma_start3A_78 = tpu.memref_slice %arg20[%dma_start3A_76, %dma_start3A_77] : memref<10000x128xf32, #tpu.memory_space<vmem_shared>> -> memref<10000x128xf32, #tpu.memory_space<vmem_shared>>
        tpu.enqueue_indirect_dma source(%arg15 : memref<112x128xf32, #tpu.memory_space<vmem>>) target(%dma_start3A_78 : memref<10000x128xf32, #tpu.memory_space<vmem_shared>>) offsets(%arg13 : memref<112xi32, #tpu.memory_space<vmem>>) semaphore(%run_scoped3A : memref<!tpu.dma_semaphore, #tpu.memory_space<semaphore_mem>>) {add = true}
        %dma_wait3A_79 = arith.constant 0 : i32
        %dma_wait3A_80 = arith.constant 0 : i32
        %dma_wait3A_81 = tpu.memref_slice %arg20[%dma_wait3A_79, %dma_wait3A_80] : memref<10000x128xf32, #tpu.memory_space<vmem_shared>> -> memref<10000x128xf32, #tpu.memory_space<vmem_shared>>
        tpu.wait_indirect_dma semaphore(%run_scoped3A : memref<!tpu.dma_semaphore, #tpu.memory_space<semaphore_mem>>) src(%arg15 : memref<112x128xf32, #tpu.memory_space<vmem>>) dst(%dma_wait3A_81 : memref<10000x128xf32, #tpu.memory_space<vmem_shared>>)
        tpu.yield
      }) : () -> ()
      %dma_wait3A_52 = arith.constant 0 : i32
      %dma_wait3A_53 = arith.constant 0 : i32
      %dma_wait3A_54 = tpu.memref_slice %arg2[%dma_wait3A_52, %dma_wait3A_53] : memref<10000x128xf32, #tpu.memory_space<hbm>> -> memref<10000x128xf32, #tpu.memory_space<hbm>>
      tpu.wait_indirect_dma semaphore(%arg24 : memref<!tpu.dma_semaphore, #tpu.memory_space<semaphore_mem>>) src(%dma_wait3A_54 : memref<10000x128xf32, #tpu.memory_space<hbm>>) dst(%arg16 : memref<112x128xf32, #tpu.memory_space<vmem>>)
      "tpu.region"() ({
        %run_scoped3A = tpu.sem_alloc : memref<!tpu.dma_semaphore, #tpu.memory_space<semaphore_mem>>
        %dma_start3A_76 = arith.constant 0 : i32
        %dma_start3A_77 = arith.constant 0 : i32
        %dma_start3A_78 = tpu.memref_slice %arg20[%dma_start3A_76, %dma_start3A_77] : memref<10000x128xf32, #tpu.memory_space<vmem_shared>> -> memref<10000x128xf32, #tpu.memory_space<vmem_shared>>
        tpu.enqueue_indirect_dma source(%arg16 : memref<112x128xf32, #tpu.memory_space<vmem>>) target(%dma_start3A_78 : memref<10000x128xf32, #tpu.memory_space<vmem_shared>>) offsets(%arg14 : memref<112xi32, #tpu.memory_space<vmem>>) semaphore(%run_scoped3A : memref<!tpu.dma_semaphore, #tpu.memory_space<semaphore_mem>>) {add = true}
        %dma_wait3A_79 = arith.constant 0 : i32
        %dma_wait3A_80 = arith.constant 0 : i32
        %dma_wait3A_81 = tpu.memref_slice %arg20[%dma_wait3A_79, %dma_wait3A_80] : memref<10000x128xf32, #tpu.memory_space<vmem_shared>> -> memref<10000x128xf32, #tpu.memory_space<vmem_shared>>
        tpu.wait_indirect_dma semaphore(%run_scoped3A : memref<!tpu.dma_semaphore, #tpu.memory_space<semaphore_mem>>) src(%arg16 : memref<112x128xf32, #tpu.memory_space<vmem>>) dst(%dma_wait3A_81 : memref<10000x128xf32, #tpu.memory_space<vmem_shared>>)
        tpu.yield
      }) : () -> ()
      %add3A_55 = arith.constant 19936 : i32
      %add3A_56 = arith.addi %mul3A_3, %add3A_55 : i32
      "tpu.region"() ({
        %run_scoped3A = tpu.sem_alloc : memref<!tpu.dma_semaphore, #tpu.memory_space<semaphore_mem>>
        %dma_start3A_76 = tpu.memref_slice %arg4[%add3A_56] : memref<320000xi32, #tpu.memory_space<hbm>> -> memref<64xi32, #tpu.memory_space<hbm>>
        %dma_start3A_77 = tpu.memref_slice %arg4[%add3A_56] : memref<320000xi32, #tpu.memory_space<hbm>> -> memref<64xi32, #tpu.memory_space<hbm>>
        tpu.enqueue_dma source(%dma_start3A_77 : memref<64xi32, #tpu.memory_space<hbm>>) target(%arg18 : memref<64xi32, #tpu.memory_space<vmem>>) target_semaphore(%run_scoped3A : memref<!tpu.dma_semaphore, #tpu.memory_space<semaphore_mem>>)
        %dma_wait3A_78 = tpu.memref_slice %arg4[%add3A_56] : memref<320000xi32, #tpu.memory_space<hbm>> -> memref<64xi32, #tpu.memory_space<hbm>>
        %dma_wait3A_79 = tpu.memref_slice %arg4[%add3A_56] : memref<320000xi32, #tpu.memory_space<hbm>> -> memref<64xi32, #tpu.memory_space<hbm>>
        tpu.wait_dma2 semaphore(%run_scoped3A : memref<!tpu.dma_semaphore, #tpu.memory_space<semaphore_mem>>) src(%dma_wait3A_79 : memref<64xi32, #tpu.memory_space<hbm>>) dst(%arg18 : memref<64xi32, #tpu.memory_space<vmem>>)
        tpu.yield
      }) : () -> ()
      "tpu.region"() ({
        %run_scoped3A = tpu.sem_alloc : memref<!tpu.dma_semaphore, #tpu.memory_space<semaphore_mem>>
        %dma_start3A_76 = tpu.memref_slice %arg5[%add3A_56] : memref<320000xi32, #tpu.memory_space<hbm>> -> memref<64xi32, #tpu.memory_space<hbm>>
        %dma_start3A_77 = tpu.memref_slice %arg5[%add3A_56] : memref<320000xi32, #tpu.memory_space<hbm>> -> memref<64xi32, #tpu.memory_space<hbm>>
        tpu.enqueue_dma source(%dma_start3A_77 : memref<64xi32, #tpu.memory_space<hbm>>) target(%arg19 : memref<64xi32, #tpu.memory_space<vmem>>) target_semaphore(%run_scoped3A : memref<!tpu.dma_semaphore, #tpu.memory_space<semaphore_mem>>)
        %dma_wait3A_78 = tpu.memref_slice %arg5[%add3A_56] : memref<320000xi32, #tpu.memory_space<hbm>> -> memref<64xi32, #tpu.memory_space<hbm>>
        %dma_wait3A_79 = tpu.memref_slice %arg5[%add3A_56] : memref<320000xi32, #tpu.memory_space<hbm>> -> memref<64xi32, #tpu.memory_space<hbm>>
        tpu.wait_dma2 semaphore(%run_scoped3A : memref<!tpu.dma_semaphore, #tpu.memory_space<semaphore_mem>>) src(%dma_wait3A_79 : memref<64xi32, #tpu.memory_space<hbm>>) dst(%arg19 : memref<64xi32, #tpu.memory_space<vmem>>)
        tpu.yield
      }) : () -> ()
      %dma_start3A_57 = arith.constant 0 : i32
      %dma_start3A_58 = arith.constant 0 : i32
      %dma_start3A_59 = tpu.memref_slice %arg15[%dma_start3A_57, %dma_start3A_58] : memref<112x128xf32, #tpu.memory_space<vmem>> -> memref<64x128xf32, #tpu.memory_space<vmem>>
      %dma_start3A_60 = arith.constant 0 : i32
      %dma_start3A_61 = arith.constant 0 : i32
      %dma_start3A_62 = tpu.memref_slice %arg2[%dma_start3A_60, %dma_start3A_61] : memref<10000x128xf32, #tpu.memory_space<hbm>> -> memref<10000x128xf32, #tpu.memory_space<hbm>>
      tpu.enqueue_indirect_dma source(%dma_start3A_62 : memref<10000x128xf32, #tpu.memory_space<hbm>>) target(%dma_start3A_59 : memref<64x128xf32, #tpu.memory_space<vmem>>) offsets(%arg18 : memref<64xi32, #tpu.memory_space<vmem>>) semaphore(%arg23 : memref<!tpu.dma_semaphore, #tpu.memory_space<semaphore_mem>>)
      %dma_wait3A_63 = arith.constant 0 : i32
      %dma_wait3A_64 = arith.constant 0 : i32
      %dma_wait3A_65 = tpu.memref_slice %arg15[%dma_wait3A_63, %dma_wait3A_64] : memref<112x128xf32, #tpu.memory_space<vmem>> -> memref<64x128xf32, #tpu.memory_space<vmem>>
      %dma_wait3A_66 = arith.constant 0 : i32
      %dma_wait3A_67 = arith.constant 0 : i32
      %dma_wait3A_68 = tpu.memref_slice %arg2[%dma_wait3A_66, %dma_wait3A_67] : memref<10000x128xf32, #tpu.memory_space<hbm>> -> memref<10000x128xf32, #tpu.memory_space<hbm>>
      tpu.wait_indirect_dma semaphore(%arg23 : memref<!tpu.dma_semaphore, #tpu.memory_space<semaphore_mem>>) src(%dma_wait3A_68 : memref<10000x128xf32, #tpu.memory_space<hbm>>) dst(%dma_wait3A_65 : memref<64x128xf32, #tpu.memory_space<vmem>>)
      "tpu.region"() ({
        %run_scoped3A = tpu.sem_alloc : memref<!tpu.dma_semaphore, #tpu.memory_space<semaphore_mem>>
        %dma_start3A_76 = arith.constant 0 : i32
        %dma_start3A_77 = arith.constant 0 : i32
        %dma_start3A_78 = tpu.memref_slice %arg15[%dma_start3A_76, %dma_start3A_77] : memref<112x128xf32, #tpu.memory_space<vmem>> -> memref<64x128xf32, #tpu.memory_space<vmem>>
        %dma_start3A_79 = arith.constant 0 : i32
        %dma_start3A_80 = arith.constant 0 : i32
        %dma_start3A_81 = tpu.memref_slice %arg20[%dma_start3A_79, %dma_start3A_80] : memref<10000x128xf32, #tpu.memory_space<vmem_shared>> -> memref<10000x128xf32, #tpu.memory_space<vmem_shared>>
        tpu.enqueue_indirect_dma source(%dma_start3A_78 : memref<64x128xf32, #tpu.memory_space<vmem>>) target(%dma_start3A_81 : memref<10000x128xf32, #tpu.memory_space<vmem_shared>>) offsets(%arg19 : memref<64xi32, #tpu.memory_space<vmem>>) semaphore(%run_scoped3A : memref<!tpu.dma_semaphore, #tpu.memory_space<semaphore_mem>>) {add = true}
        %dma_wait3A_82 = arith.constant 0 : i32
        %dma_wait3A_83 = arith.constant 0 : i32
        %dma_wait3A_84 = tpu.memref_slice %arg15[%dma_wait3A_82, %dma_wait3A_83] : memref<112x128xf32, #tpu.memory_space<vmem>> -> memref<64x128xf32, #tpu.memory_space<vmem>>
        %dma_wait3A_85 = arith.constant 0 : i32
        %dma_wait3A_86 = arith.constant 0 : i32
        %dma_wait3A_87 = tpu.memref_slice %arg20[%dma_wait3A_85, %dma_wait3A_86] : memref<10000x128xf32, #tpu.memory_space<vmem_shared>> -> memref<10000x128xf32, #tpu.memory_space<vmem_shared>>
        tpu.wait_indirect_dma semaphore(%run_scoped3A : memref<!tpu.dma_semaphore, #tpu.memory_space<semaphore_mem>>) src(%dma_wait3A_84 : memref<64x128xf32, #tpu.memory_space<vmem>>) dst(%dma_wait3A_87 : memref<10000x128xf32, #tpu.memory_space<vmem_shared>>)
        tpu.yield
      }) : () -> ()
      %barrier3A_69 = arith.constant 0 : index
      tpu.barrier barrier_id(%barrier3A_69)
      %scan3A_70 = arith.constant 0 : i32
      %scan3A_71 = arith.constant 0 : i32
      %scan3A_72 = arith.constant 4 : i32
      %scan3A_73 = arith.addi %scan3A_71, %scan3A_72 : i32
      %scan3A_74 = arith.constant 1 : i32
      scf.for %scan3A_76 = %scan3A_71 to %scan3A_73 step %scan3A_74  : i32 {
        %mul3A_77 = arith.constant 160 : i32
        %mul3A_78 = arith.muli %scan3A_76, %mul3A_77 : i32
        %add3A_79 = arith.addi %min3A_1, %mul3A_78 : i32
        "tpu.region"() ({
          %run_scoped3A = tpu.sem_alloc : memref<!tpu.dma_semaphore, #tpu.memory_space<semaphore_mem>>
          %dma_start3A_80 = arith.constant 0 : i32
          %dma_start3A_81 = tpu.memref_slice %arg20[%add3A_79, %dma_start3A_80] : memref<10000x128xf32, #tpu.memory_space<vmem_shared>> -> memref<160x128xf32, #tpu.memory_space<vmem_shared>>
          %dma_start3A_82 = arith.constant 0 : i32
          %dma_start3A_83 = tpu.memref_slice %arg20[%add3A_79, %dma_start3A_82] : memref<10000x128xf32, #tpu.memory_space<vmem_shared>> -> memref<160x128xf32, #tpu.memory_space<vmem_shared>>
          tpu.enqueue_dma source(%dma_start3A_83 : memref<160x128xf32, #tpu.memory_space<vmem_shared>>) target(%arg17 : memref<160x128xf32, #tpu.memory_space<vmem>>) target_semaphore(%run_scoped3A : memref<!tpu.dma_semaphore, #tpu.memory_space<semaphore_mem>>)
          %dma_wait3A_84 = arith.constant 0 : i32
          %dma_wait3A_85 = tpu.memref_slice %arg20[%add3A_79, %dma_wait3A_84] : memref<10000x128xf32, #tpu.memory_space<vmem_shared>> -> memref<160x128xf32, #tpu.memory_space<vmem_shared>>
          %dma_wait3A_86 = arith.constant 0 : i32
          %dma_wait3A_87 = tpu.memref_slice %arg20[%add3A_79, %dma_wait3A_86] : memref<10000x128xf32, #tpu.memory_space<vmem_shared>> -> memref<160x128xf32, #tpu.memory_space<vmem_shared>>
          tpu.wait_dma2 semaphore(%run_scoped3A : memref<!tpu.dma_semaphore, #tpu.memory_space<semaphore_mem>>) src(%dma_wait3A_87 : memref<160x128xf32, #tpu.memory_space<vmem_shared>>) dst(%arg17 : memref<160x128xf32, #tpu.memory_space<vmem>>)
          tpu.yield
        }) : () -> ()
        "tpu.region"() ({
          %run_scoped3A = tpu.sem_alloc : memref<!tpu.dma_semaphore, #tpu.memory_space<semaphore_mem>>
          %dma_start3A_80 = arith.constant 0 : i32
          %dma_start3A_81 = tpu.memref_slice %arg10[%add3A_79, %dma_start3A_80] : memref<10000x128xf32, #tpu.memory_space<hbm>> -> memref<160x128xf32, #tpu.memory_space<hbm>>
          %dma_start3A_82 = arith.constant 0 : i32
          %dma_start3A_83 = tpu.memref_slice %arg10[%add3A_79, %dma_start3A_82] : memref<10000x128xf32, #tpu.memory_space<hbm>> -> memref<160x128xf32, #tpu.memory_space<hbm>>
          tpu.enqueue_dma source(%arg17 : memref<160x128xf32, #tpu.memory_space<vmem>>) target(%dma_start3A_83 : memref<160x128xf32, #tpu.memory_space<hbm>>) target_semaphore(%run_scoped3A : memref<!tpu.dma_semaphore, #tpu.memory_space<semaphore_mem>>)
          %dma_wait3A_84 = arith.constant 0 : i32
          %dma_wait3A_85 = tpu.memref_slice %arg10[%add3A_79, %dma_wait3A_84] : memref<10000x128xf32, #tpu.memory_space<hbm>> -> memref<160x128xf32, #tpu.memory_space<hbm>>
          %dma_wait3A_86 = arith.constant 0 : i32
          %dma_wait3A_87 = tpu.memref_slice %arg10[%add3A_79, %dma_wait3A_86] : memref<10000x128xf32, #tpu.memory_space<hbm>> -> memref<160x128xf32, #tpu.memory_space<hbm>>
          tpu.wait_dma2 semaphore(%run_scoped3A : memref<!tpu.dma_semaphore, #tpu.memory_space<semaphore_mem>>) src(%arg17 : memref<160x128xf32, #tpu.memory_space<vmem>>) dst(%dma_wait3A_87 : memref<160x128xf32, #tpu.memory_space<hbm>>)
          tpu.yield
        }) : () -> ()
      }
      %scan3A_75 = arith.constant 4 : i32
    } else {
    }
    return
  }
}

module attributes {stable_mosaic.version = 14 : i64} {
  func.func @_proj_body(%arg0: i32, %arg1: memref<1000x128xf32, #tpu.memory_space<vmem>>, %arg2: memref<1000x128xf32, #tpu.memory_space<vmem>>, %arg3: memref<128x128xf32, #tpu.memory_space<vmem>>, %arg4: memref<8x128xf32, #tpu.memory_space<vmem>>, %arg5: memref<128x128xf32, #tpu.memory_space<vmem>>, %arg6: memref<8x128xf32, #tpu.memory_space<vmem>>, %arg7: memref<1000x128xf32, #tpu.memory_space<vmem>>, %arg8: memref<1000x128xf32, #tpu.memory_space<vmem>>) attributes {dimension_semantics = [#tpu.dimension_semantics<arbitrary>], iteration_bounds = array<i64: 10>, scalar_prefetch = 0 : i64, scratch_operands = 0 : i64, tpu.core_type = #tpu.core_type<tc>, window_params = [{transform_indices = @transform_0, window_bounds = array<i64: 1000, 128>}, {transform_indices = @transform_1, window_bounds = array<i64: 1000, 128>}, {pipeline_mode = #tpu.pipeline_mode<synchronous>, transform_indices = @transform_2, window_bounds = array<i64: 128, 128>}, {pipeline_mode = #tpu.pipeline_mode<synchronous>, transform_indices = @transform_3, window_bounds = array<i64: 8, 128>}, {pipeline_mode = #tpu.pipeline_mode<synchronous>, transform_indices = @transform_4, window_bounds = array<i64: 128, 128>}, {pipeline_mode = #tpu.pipeline_mode<synchronous>, transform_indices = @transform_5, window_bounds = array<i64: 8, 128>}, {transform_indices = @transform_6, window_bounds = array<i64: 1000, 128>}, {transform_indices = @transform_7, window_bounds = array<i64: 1000, 128>}]} {
    %get3A = arith.constant 0 : index
    %get3A_0 = arith.constant 0 : index
    %get3A_1 = vector.load %arg1[%get3A, %get3A_0] : memref<1000x128xf32, #tpu.memory_space<vmem>>, vector<1000x128xf32>
    %get3A_2 = arith.constant 0 : index
    %get3A_3 = arith.constant 0 : index
    %get3A_4 = vector.load %arg3[%get3A_2, %get3A_3] : memref<128x128xf32, #tpu.memory_space<vmem>>, vector<128x128xf32>
    %dot_general3A = arith.constant dense<0.000000e+00> : vector<1000x128xf32>
    %dot_general3A_5 = tpu.matmul %get3A_1, %get3A_4, %dot_general3A {dimension_numbers = #tpu.dot_dimension_numbers<[1], [0], [0], [1], [0, 0, 1, 1], [], []>, precision = #tpu.contract_precision<fp32>, transpose_lhs_hint = false} : vector<1000x128xf32>, vector<128x128xf32>, vector<1000x128xf32> -> vector<1000x128xf32>
    %get3A_6 = arith.constant 0 : index
    %get3A_7 = arith.constant 0 : index
    %get3A_8 = vector.load %arg4[%get3A_6, %get3A_7] : memref<8x128xf32, #tpu.memory_space<vmem>>, vector<1x128xf32>
    %add3A = vector.broadcast %get3A_8 : vector<1x128xf32> to vector<1000x128xf32>
    %add3A_9 = arith.addf %dot_general3A_5, %add3A : vector<1000x128xf32>
    %max3A = arith.constant 0.000000e+00 : f32
    %max3A_10 = vector.broadcast %max3A : f32 to vector<1000x128xf32>
    %max3A_11 = arith.maximumf %add3A_9, %max3A_10 : vector<1000x128xf32>
    %swap3A = arith.constant 0 : index
    %swap3A_12 = arith.constant 0 : index
    %swap3A_13 = vector.load %arg7[%swap3A, %swap3A_12] : memref<1000x128xf32, #tpu.memory_space<vmem>>, vector<1000x128xf32>
    tpu.vector_store %arg7[%swap3A, %swap3A_12], %max3A_11 {strides = array<i32>} : memref<1000x128xf32, #tpu.memory_space<vmem>>, vector<1000x128xf32>,
    %get3A_14 = arith.constant 0 : index
    %get3A_15 = arith.constant 0 : index
    %get3A_16 = vector.load %arg2[%get3A_14, %get3A_15] : memref<1000x128xf32, #tpu.memory_space<vmem>>, vector<1000x128xf32>
    %get3A_17 = arith.constant 0 : index
    %get3A_18 = arith.constant 0 : index
    %get3A_19 = vector.load %arg5[%get3A_17, %get3A_18] : memref<128x128xf32, #tpu.memory_space<vmem>>, vector<128x128xf32>
    %dot_general3A_20 = arith.constant dense<0.000000e+00> : vector<1000x128xf32>
    %dot_general3A_21 = tpu.matmul %get3A_16, %get3A_19, %dot_general3A_20 {dimension_numbers = #tpu.dot_dimension_numbers<[1], [0], [0], [1], [0, 0, 1, 1], [], []>, precision = #tpu.contract_precision<fp32>, transpose_lhs_hint = false} : vector<1000x128xf32>, vector<128x128xf32>, vector<1000x128xf32> -> vector<1000x128xf32>
    %get3A_22 = arith.constant 0 : index
    %get3A_23 = arith.constant 0 : index
    %get3A_24 = vector.load %arg6[%get3A_22, %get3A_23] : memref<8x128xf32, #tpu.memory_space<vmem>>, vector<1x128xf32>
    %add3A_25 = vector.broadcast %get3A_24 : vector<1x128xf32> to vector<1000x128xf32>
    %add3A_26 = arith.addf %dot_general3A_21, %add3A_25 : vector<1000x128xf32>
    %max3A_27 = arith.constant 0.000000e+00 : f32
    %max3A_28 = vector.broadcast %max3A_27 : f32 to vector<1000x128xf32>
    %max3A_29 = arith.maximumf %add3A_26, %max3A_28 : vector<1000x128xf32>
    %swap3A_30 = arith.constant 0 : index
    %swap3A_31 = arith.constant 0 : index
    %swap3A_32 = vector.load %arg8[%swap3A_30, %swap3A_31] : memref<1000x128xf32, #tpu.memory_space<vmem>>, vector<1000x128xf32>
    tpu.vector_store %arg8[%swap3A_30, %swap3A_31], %max3A_29 {strides = array<i32>} : memref<1000x128xf32, #tpu.memory_space<vmem>>, vector<1000x128xf32>,
    return
  }
  func.func @transform_0(%arg0: i32) -> (i32, i32) {
    %c0_i32 = arith.constant 0 : i32
    %c0_i32_0 = arith.constant 0 : i32
    return %arg0, %c0_i32 : i32, i32
  }
  func.func @transform_1(%arg0: i32) -> (i32, i32) {
    %c0_i32 = arith.constant 0 : i32
    %c0_i32_0 = arith.constant 0 : i32
    return %arg0, %c0_i32 : i32, i32
  }
  func.func @transform_2(%arg0: i32) -> (i32, i32) {
    %c0_i32 = arith.constant 0 : i32
    %c0_i32_0 = arith.constant 0 : i32
    %c0_i32_1 = arith.constant 0 : i32
    return %c0_i32, %c0_i32_0 : i32, i32
  }
  func.func @transform_3(%arg0: i32) -> (i32, i32) {
    %c0_i32 = arith.constant 0 : i32
    %c0_i32_0 = arith.constant 0 : i32
    %c0_i32_1 = arith.constant 0 : i32
    return %c0_i32, %c0_i32_0 : i32, i32
  }
  func.func @transform_4(%arg0: i32) -> (i32, i32) {
    %c0_i32 = arith.constant 0 : i32
    %c0_i32_0 = arith.constant 0 : i32
    %c0_i32_1 = arith.constant 0 : i32
    return %c0_i32, %c0_i32_0 : i32, i32
  }
  func.func @transform_5(%arg0: i32) -> (i32, i32) {
    %c0_i32 = arith.constant 0 : i32
    %c0_i32_0 = arith.constant 0 : i32
    %c0_i32_1 = arith.constant 0 : i32
    return %c0_i32, %c0_i32_0 : i32, i32
  }
  func.func @transform_6(%arg0: i32) -> (i32, i32) {
    %c0_i32 = arith.constant 0 : i32
    %c0_i32_0 = arith.constant 0 : i32
    return %arg0, %c0_i32 : i32, i32
  }
  func.func @transform_7(%arg0: i32) -> (i32, i32) {
    %c0_i32 = arith.constant 0 : i32
    %c0_i32_0 = arith.constant 0 : i32
    return %arg0, %c0_i32 : i32, i32
  }
}

module attributes {stable_mosaic.version = 14 : i64} {
  func.func @_comb_body(%arg0: i32, %arg1: memref<1000x128xf32, #tpu.memory_space<vmem>>, %arg2: memref<1000x128xf32, #tpu.memory_space<vmem>>, %arg3: memref<1000x128xf32, #tpu.memory_space<vmem>>, %arg4: memref<128x128xf32, #tpu.memory_space<vmem>>, %arg5: memref<128x128xf32, #tpu.memory_space<vmem>>, %arg6: memref<8x128xf32, #tpu.memory_space<vmem>>, %arg7: memref<1000x128xf32, #tpu.memory_space<vmem>>, %arg8: memref<1000x128xf32, #tpu.memory_space<vmem>>, %arg9: memref<1000x128xf32, #tpu.memory_space<vmem>>, %arg10: memref<128x128xf32, #tpu.memory_space<vmem>>, %arg11: memref<128x128xf32, #tpu.memory_space<vmem>>, %arg12: memref<8x128xf32, #tpu.memory_space<vmem>>, %arg13: memref<1000x128xf32, #tpu.memory_space<vmem>>, %arg14: memref<1000x128xf32, #tpu.memory_space<vmem>>) attributes {dimension_semantics = [#tpu.dimension_semantics<arbitrary>], iteration_bounds = array<i64: 10>, scalar_prefetch = 0 : i64, scratch_operands = 0 : i64, tpu.core_type = #tpu.core_type<tc>, window_params = [{transform_indices = @transform_0, window_bounds = array<i64: 1000, 128>}, {transform_indices = @transform_1, window_bounds = array<i64: 1000, 128>}, {transform_indices = @transform_2, window_bounds = array<i64: 1000, 128>}, {pipeline_mode = #tpu.pipeline_mode<synchronous>, transform_indices = @transform_3, window_bounds = array<i64: 128, 128>}, {pipeline_mode = #tpu.pipeline_mode<synchronous>, transform_indices = @transform_4, window_bounds = array<i64: 128, 128>}, {pipeline_mode = #tpu.pipeline_mode<synchronous>, transform_indices = @transform_5, window_bounds = array<i64: 8, 128>}, {transform_indices = @transform_6, window_bounds = array<i64: 1000, 128>}, {transform_indices = @transform_7, window_bounds = array<i64: 1000, 128>}, {transform_indices = @transform_8, window_bounds = array<i64: 1000, 128>}, {pipeline_mode = #tpu.pipeline_mode<synchronous>, transform_indices = @transform_9, window_bounds = array<i64: 128, 128>}, {pipeline_mode = #tpu.pipeline_mode<synchronous>, transform_indices = @transform_10, window_bounds = array<i64: 128, 128>}, {pipeline_mode = #tpu.pipeline_mode<synchronous>, transform_indices = @transform_11, window_bounds = array<i64: 8, 128>}, {transform_indices = @transform_12, window_bounds = array<i64: 1000, 128>}, {transform_indices = @transform_13, window_bounds = array<i64: 1000, 128>}]} {
    %get3A = arith.constant 0 : index
    %get3A_0 = arith.constant 0 : index
    %get3A_1 = vector.load %arg1[%get3A, %get3A_0] : memref<1000x128xf32, #tpu.memory_space<vmem>>, vector<1000x128xf32>
    %get3A_2 = arith.constant 0 : index
    %get3A_3 = arith.constant 0 : index
    %get3A_4 = vector.load %arg2[%get3A_2, %get3A_3] : memref<1000x128xf32, #tpu.memory_space<vmem>>, vector<1000x128xf32>
    %get3A_5 = arith.constant 0 : index
    %get3A_6 = arith.constant 0 : index
    %get3A_7 = vector.load %arg3[%get3A_5, %get3A_6] : memref<1000x128xf32, #tpu.memory_space<vmem>>, vector<1000x128xf32>
    %get3A_8 = arith.constant 0 : index
    %get3A_9 = arith.constant 0 : index
    %get3A_10 = vector.load %arg4[%get3A_8, %get3A_9] : memref<128x128xf32, #tpu.memory_space<vmem>>, vector<128x128xf32>
    %get3A_11 = arith.constant 0 : index
    %get3A_12 = arith.constant 0 : index
    %get3A_13 = vector.load %arg5[%get3A_11, %get3A_12] : memref<128x128xf32, #tpu.memory_space<vmem>>, vector<128x128xf32>
    %get3A_14 = arith.constant 0 : index
    %get3A_15 = arith.constant 0 : index
    %get3A_16 = vector.load %arg6[%get3A_14, %get3A_15] : memref<8x128xf32, #tpu.memory_space<vmem>>, vector<8x128xf32>
    %slice3A = vector.extract_strided_slice %get3A_7 {offsets = [0, 0], sizes = [1000, 1], strides = [1, 1]} : vector<1000x128xf32> to vector<1000x1xf32>
    %max3A = arith.constant 1.000000e+00 : f32
    %max3A_17 = vector.broadcast %max3A : f32 to vector<1000x1xf32>
    %max3A_18 = arith.maximumf %slice3A, %max3A_17 : vector<1000x1xf32>
    %div3A = vector.broadcast %max3A_18 : vector<1000x1xf32> to vector<1000x128xf32>
    %div3A_19 = arith.divf %get3A_4, %div3A : vector<1000x128xf32>
    %dot_general3A = arith.constant dense<0.000000e+00> : vector<1000x128xf32>
    %dot_general3A_20 = tpu.matmul %get3A_1, %get3A_10, %dot_general3A {dimension_numbers = #tpu.dot_dimension_numbers<[1], [0], [0], [1], [0, 0, 1, 1], [], []>, precision = #tpu.contract_precision<fp32>, transpose_lhs_hint = false} : vector<1000x128xf32>, vector<128x128xf32>, vector<1000x128xf32> -> vector<1000x128xf32>
    %dot_general3A_21 = arith.constant dense<0.000000e+00> : vector<1000x128xf32>
    %dot_general3A_22 = tpu.matmul %div3A_19, %get3A_13, %dot_general3A_21 {dimension_numbers = #tpu.dot_dimension_numbers<[1], [0], [0], [1], [0, 0, 1, 1], [], []>, precision = #tpu.contract_precision<fp32>, transpose_lhs_hint = false} : vector<1000x128xf32>, vector<128x128xf32>, vector<1000x128xf32> -> vector<1000x128xf32>
    %add3A = arith.addf %dot_general3A_20, %dot_general3A_22 : vector<1000x128xf32>
    %slice3A_23 = vector.extract_strided_slice %get3A_16 {offsets = [0, 0], sizes = [1, 128], strides = [1, 1]} : vector<8x128xf32> to vector<1x128xf32>
    %add3A_24 = vector.broadcast %slice3A_23 : vector<1x128xf32> to vector<1000x128xf32>
    %add3A_25 = arith.addf %add3A, %add3A_24 : vector<1000x128xf32>
    %max3A_26 = arith.constant 0.000000e+00 : f32
    %max3A_27 = vector.broadcast %max3A_26 : f32 to vector<1000x128xf32>
    %max3A_28 = arith.maximumf %add3A_25, %max3A_27 : vector<1000x128xf32>
    %mul3A = arith.mulf %max3A_28, %max3A_28 : vector<1000x128xf32>
    %reduce_sum3A = arith.constant dense<0.000000e+00> : vector<1000xf32>
    %reduce_sum3A_29 = vector.multi_reduction <add>, %mul3A, %reduce_sum3A [1] : vector<1000x128xf32> to vector<1000xf32>
    %broadcast_in_dim3A = vector.shape_cast %reduce_sum3A_29 : vector<1000xf32> to vector<1000x1xf32>
    %sqrt3A = math.sqrt %broadcast_in_dim3A : vector<1000x1xf32>
    %max3A_30 = arith.constant 9.99999996E-13 : f32
    %max3A_31 = vector.broadcast %max3A_30 : f32 to vector<1000x1xf32>
    %max3A_32 = arith.maximumf %sqrt3A, %max3A_31 : vector<1000x1xf32>
    %div3A_33 = vector.broadcast %max3A_32 : vector<1000x1xf32> to vector<1000x128xf32>
    %div3A_34 = arith.divf %max3A_28, %div3A_33 : vector<1000x128xf32>
    %swap3A = arith.constant 0 : index
    %swap3A_35 = arith.constant 0 : index
    %swap3A_36 = vector.load %arg13[%swap3A, %swap3A_35] : memref<1000x128xf32, #tpu.memory_space<vmem>>, vector<1000x128xf32>
    tpu.vector_store %arg13[%swap3A, %swap3A_35], %div3A_34 {strides = array<i32>} : memref<1000x128xf32, #tpu.memory_space<vmem>>, vector<1000x128xf32>,
    %get3A_37 = arith.constant 0 : index
    %get3A_38 = arith.constant 0 : index
    %get3A_39 = vector.load %arg7[%get3A_37, %get3A_38] : memref<1000x128xf32, #tpu.memory_space<vmem>>, vector<1000x128xf32>
    %get3A_40 = arith.constant 0 : index
    %get3A_41 = arith.constant 0 : index
    %get3A_42 = vector.load %arg8[%get3A_40, %get3A_41] : memref<1000x128xf32, #tpu.memory_space<vmem>>, vector<1000x128xf32>
    %get3A_43 = arith.constant 0 : index
    %get3A_44 = arith.constant 0 : index
    %get3A_45 = vector.load %arg9[%get3A_43, %get3A_44] : memref<1000x128xf32, #tpu.memory_space<vmem>>, vector<1000x128xf32>
    %get3A_46 = arith.constant 0 : index
    %get3A_47 = arith.constant 0 : index
    %get3A_48 = vector.load %arg10[%get3A_46, %get3A_47] : memref<128x128xf32, #tpu.memory_space<vmem>>, vector<128x128xf32>
    %get3A_49 = arith.constant 0 : index
    %get3A_50 = arith.constant 0 : index
    %get3A_51 = vector.load %arg11[%get3A_49, %get3A_50] : memref<128x128xf32, #tpu.memory_space<vmem>>, vector<128x128xf32>
    %get3A_52 = arith.constant 0 : index
    %get3A_53 = arith.constant 0 : index
    %get3A_54 = vector.load %arg12[%get3A_52, %get3A_53] : memref<8x128xf32, #tpu.memory_space<vmem>>, vector<8x128xf32>
    %slice3A_55 = vector.extract_strided_slice %get3A_45 {offsets = [0, 0], sizes = [1000, 1], strides = [1, 1]} : vector<1000x128xf32> to vector<1000x1xf32>
    %max3A_56 = arith.constant 1.000000e+00 : f32
    %max3A_57 = vector.broadcast %max3A_56 : f32 to vector<1000x1xf32>
    %max3A_58 = arith.maximumf %slice3A_55, %max3A_57 : vector<1000x1xf32>
    %div3A_59 = vector.broadcast %max3A_58 : vector<1000x1xf32> to vector<1000x128xf32>
    %div3A_60 = arith.divf %get3A_42, %div3A_59 : vector<1000x128xf32>
    %dot_general3A_61 = arith.constant dense<0.000000e+00> : vector<1000x128xf32>
    %dot_general3A_62 = tpu.matmul %get3A_39, %get3A_48, %dot_general3A_61 {dimension_numbers = #tpu.dot_dimension_numbers<[1], [0], [0], [1], [0, 0, 1, 1], [], []>, precision = #tpu.contract_precision<fp32>, transpose_lhs_hint = false} : vector<1000x128xf32>, vector<128x128xf32>, vector<1000x128xf32> -> vector<1000x128xf32>
    %dot_general3A_63 = arith.constant dense<0.000000e+00> : vector<1000x128xf32>
    %dot_general3A_64 = tpu.matmul %div3A_60, %get3A_51, %dot_general3A_63 {dimension_numbers = #tpu.dot_dimension_numbers<[1], [0], [0], [1], [0, 0, 1, 1], [], []>, precision = #tpu.contract_precision<fp32>, transpose_lhs_hint = false} : vector<1000x128xf32>, vector<128x128xf32>, vector<1000x128xf32> -> vector<1000x128xf32>
    %add3A_65 = arith.addf %dot_general3A_62, %dot_general3A_64 : vector<1000x128xf32>
    %slice3A_66 = vector.extract_strided_slice %get3A_54 {offsets = [0, 0], sizes = [1, 128], strides = [1, 1]} : vector<8x128xf32> to vector<1x128xf32>
    %add3A_67 = vector.broadcast %slice3A_66 : vector<1x128xf32> to vector<1000x128xf32>
    %add3A_68 = arith.addf %add3A_65, %add3A_67 : vector<1000x128xf32>
    %max3A_69 = arith.constant 0.000000e+00 : f32
    %max3A_70 = vector.broadcast %max3A_69 : f32 to vector<1000x128xf32>
    %max3A_71 = arith.maximumf %add3A_68, %max3A_70 : vector<1000x128xf32>
    %mul3A_72 = arith.mulf %max3A_71, %max3A_71 : vector<1000x128xf32>
    %reduce_sum3A_73 = arith.constant dense<0.000000e+00> : vector<1000xf32>
    %reduce_sum3A_74 = vector.multi_reduction <add>, %mul3A_72, %reduce_sum3A_73 [1] : vector<1000x128xf32> to vector<1000xf32>
    %broadcast_in_dim3A_75 = vector.shape_cast %reduce_sum3A_74 : vector<1000xf32> to vector<1000x1xf32>
    %sqrt3A_76 = math.sqrt %broadcast_in_dim3A_75 : vector<1000x1xf32>
    %max3A_77 = arith.constant 9.99999996E-13 : f32
    %max3A_78 = vector.broadcast %max3A_77 : f32 to vector<1000x1xf32>
    %max3A_79 = arith.maximumf %sqrt3A_76, %max3A_78 : vector<1000x1xf32>
    %div3A_80 = vector.broadcast %max3A_79 : vector<1000x1xf32> to vector<1000x128xf32>
    %div3A_81 = arith.divf %max3A_71, %div3A_80 : vector<1000x128xf32>
    %swap3A_82 = arith.constant 0 : index
    %swap3A_83 = arith.constant 0 : index
    %swap3A_84 = vector.load %arg14[%swap3A_82, %swap3A_83] : memref<1000x128xf32, #tpu.memory_space<vmem>>, vector<1000x128xf32>
    tpu.vector_store %arg14[%swap3A_82, %swap3A_83], %div3A_81 {strides = array<i32>} : memref<1000x128xf32, #tpu.memory_space<vmem>>, vector<1000x128xf32>,
    return
  }
  func.func @transform_0(%arg0: i32) -> (i32, i32) {
    %c0_i32 = arith.constant 0 : i32
    %c0_i32_0 = arith.constant 0 : i32
    return %arg0, %c0_i32 : i32, i32
  }
  func.func @transform_1(%arg0: i32) -> (i32, i32) {
    %c0_i32 = arith.constant 0 : i32
    %c0_i32_0 = arith.constant 0 : i32
    return %arg0, %c0_i32 : i32, i32
  }
  func.func @transform_2(%arg0: i32) -> (i32, i32) {
    %c0_i32 = arith.constant 0 : i32
    %c0_i32_0 = arith.constant 0 : i32
    return %arg0, %c0_i32 : i32, i32
  }
  func.func @transform_3(%arg0: i32) -> (i32, i32) {
    %c0_i32 = arith.constant 0 : i32
    %c0_i32_0 = arith.constant 0 : i32
    %c0_i32_1 = arith.constant 0 : i32
    return %c0_i32, %c0_i32_0 : i32, i32
  }
  func.func @transform_4(%arg0: i32) -> (i32, i32) {
    %c0_i32 = arith.constant 0 : i32
    %c0_i32_0 = arith.constant 0 : i32
    %c0_i32_1 = arith.constant 0 : i32
    return %c0_i32, %c0_i32_0 : i32, i32
  }
  func.func @transform_5(%arg0: i32) -> (i32, i32) {
    %c0_i32 = arith.constant 0 : i32
    %c0_i32_0 = arith.constant 0 : i32
    %c0_i32_1 = arith.constant 0 : i32
    return %c0_i32, %c0_i32_0 : i32, i32
  }
  func.func @transform_6(%arg0: i32) -> (i32, i32) {
    %c0_i32 = arith.constant 0 : i32
    %c0_i32_0 = arith.constant 0 : i32
    return %arg0, %c0_i32 : i32, i32
  }
  func.func @transform_7(%arg0: i32) -> (i32, i32) {
    %c0_i32 = arith.constant 0 : i32
    %c0_i32_0 = arith.constant 0 : i32
    return %arg0, %c0_i32 : i32, i32
  }
  func.func @transform_8(%arg0: i32) -> (i32, i32) {
    %c0_i32 = arith.constant 0 : i32
    %c0_i32_0 = arith.constant 0 : i32
    return %arg0, %c0_i32 : i32, i32
  }
  func.func @transform_9(%arg0: i32) -> (i32, i32) {
    %c0_i32 = arith.constant 0 : i32
    %c0_i32_0 = arith.constant 0 : i32
    %c0_i32_1 = arith.constant 0 : i32
    return %c0_i32, %c0_i32_0 : i32, i32
  }
  func.func @transform_10(%arg0: i32) -> (i32, i32) {
    %c0_i32 = arith.constant 0 : i32
    %c0_i32_0 = arith.constant 0 : i32
    %c0_i32_1 = arith.constant 0 : i32
    return %c0_i32, %c0_i32_0 : i32, i32
  }
  func.func @transform_11(%arg0: i32) -> (i32, i32) {
    %c0_i32 = arith.constant 0 : i32
    %c0_i32_0 = arith.constant 0 : i32
    %c0_i32_1 = arith.constant 0 : i32
    return %c0_i32, %c0_i32_0 : i32, i32
  }
  func.func @transform_12(%arg0: i32) -> (i32, i32) {
    %c0_i32 = arith.constant 0 : i32
    %c0_i32_0 = arith.constant 0 : i32
    return %arg0, %c0_i32 : i32, i32
  }
  func.func @transform_13(%arg0: i32) -> (i32, i32) {
    %c0_i32 = arith.constant 0 : i32
    %c0_i32_0 = arith.constant 0 : i32
    return %arg0, %c0_i32 : i32, i32
  }
}

module attributes {stable_mosaic.version = 14 : i64} {
  func.func @_comb_body(%arg0: i32, %arg1: memref<1000x128xf32, #tpu.memory_space<vmem>>, %arg2: memref<1000x128xf32, #tpu.memory_space<vmem>>, %arg3: memref<1000x128xf32, #tpu.memory_space<vmem>>, %arg4: memref<128x128xf32, #tpu.memory_space<vmem>>, %arg5: memref<128x128xf32, #tpu.memory_space<vmem>>, %arg6: memref<8x128xf32, #tpu.memory_space<vmem>>, %arg7: memref<1000x128xf32, #tpu.memory_space<vmem>>, %arg8: memref<1000x128xf32, #tpu.memory_space<vmem>>, %arg9: memref<1000x128xf32, #tpu.memory_space<vmem>>, %arg10: memref<128x128xf32, #tpu.memory_space<vmem>>, %arg11: memref<128x128xf32, #tpu.memory_space<vmem>>, %arg12: memref<8x128xf32, #tpu.memory_space<vmem>>, %arg13: memref<1000x128xf32, #tpu.memory_space<vmem>>, %arg14: memref<1000x128xf32, #tpu.memory_space<vmem>>) attributes {dimension_semantics = [#tpu.dimension_semantics<arbitrary>], iteration_bounds = array<i64: 10>, scalar_prefetch = 0 : i64, scratch_operands = 0 : i64, tpu.core_type = #tpu.core_type<tc>, window_params = [{transform_indices = @transform_0, window_bounds = array<i64: 1000, 128>}, {transform_indices = @transform_1, window_bounds = array<i64: 1000, 128>}, {transform_indices = @transform_2, window_bounds = array<i64: 1000, 128>}, {pipeline_mode = #tpu.pipeline_mode<synchronous>, transform_indices = @transform_3, window_bounds = array<i64: 128, 128>}, {pipeline_mode = #tpu.pipeline_mode<synchronous>, transform_indices = @transform_4, window_bounds = array<i64: 128, 128>}, {pipeline_mode = #tpu.pipeline_mode<synchronous>, transform_indices = @transform_5, window_bounds = array<i64: 8, 128>}, {transform_indices = @transform_6, window_bounds = array<i64: 1000, 128>}, {transform_indices = @transform_7, window_bounds = array<i64: 1000, 128>}, {transform_indices = @transform_8, window_bounds = array<i64: 1000, 128>}, {pipeline_mode = #tpu.pipeline_mode<synchronous>, transform_indices = @transform_9, window_bounds = array<i64: 128, 128>}, {pipeline_mode = #tpu.pipeline_mode<synchronous>, transform_indices = @transform_10, window_bounds = array<i64: 128, 128>}, {pipeline_mode = #tpu.pipeline_mode<synchronous>, transform_indices = @transform_11, window_bounds = array<i64: 8, 128>}, {transform_indices = @transform_12, window_bounds = array<i64: 1000, 128>}, {transform_indices = @transform_13, window_bounds = array<i64: 1000, 128>}]} {
    %get3A = arith.constant 0 : index
    %get3A_0 = arith.constant 0 : index
    %get3A_1 = vector.load %arg1[%get3A, %get3A_0] : memref<1000x128xf32, #tpu.memory_space<vmem>>, vector<1000x128xf32>
    %get3A_2 = arith.constant 0 : index
    %get3A_3 = arith.constant 0 : index
    %get3A_4 = vector.load %arg2[%get3A_2, %get3A_3] : memref<1000x128xf32, #tpu.memory_space<vmem>>, vector<1000x128xf32>
    %get3A_5 = arith.constant 0 : index
    %get3A_6 = arith.constant 0 : index
    %get3A_7 = vector.load %arg3[%get3A_5, %get3A_6] : memref<1000x128xf32, #tpu.memory_space<vmem>>, vector<1000x128xf32>
    %get3A_8 = arith.constant 0 : index
    %get3A_9 = arith.constant 0 : index
    %get3A_10 = vector.load %arg4[%get3A_8, %get3A_9] : memref<128x128xf32, #tpu.memory_space<vmem>>, vector<128x128xf32>
    %get3A_11 = arith.constant 0 : index
    %get3A_12 = arith.constant 0 : index
    %get3A_13 = vector.load %arg5[%get3A_11, %get3A_12] : memref<128x128xf32, #tpu.memory_space<vmem>>, vector<128x128xf32>
    %get3A_14 = arith.constant 0 : index
    %get3A_15 = arith.constant 0 : index
    %get3A_16 = vector.load %arg6[%get3A_14, %get3A_15] : memref<8x128xf32, #tpu.memory_space<vmem>>, vector<8x128xf32>
    %slice3A = vector.extract_strided_slice %get3A_7 {offsets = [0, 0], sizes = [1000, 1], strides = [1, 1]} : vector<1000x128xf32> to vector<1000x1xf32>
    %max3A = arith.constant 1.000000e+00 : f32
    %max3A_17 = vector.broadcast %max3A : f32 to vector<1000x1xf32>
    %max3A_18 = arith.maximumf %slice3A, %max3A_17 : vector<1000x1xf32>
    %div3A = vector.broadcast %max3A_18 : vector<1000x1xf32> to vector<1000x128xf32>
    %div3A_19 = arith.divf %get3A_4, %div3A : vector<1000x128xf32>
    %dot_general3A = arith.constant dense<0.000000e+00> : vector<1000x128xf32>
    %dot_general3A_20 = tpu.matmul %get3A_1, %get3A_10, %dot_general3A {dimension_numbers = #tpu.dot_dimension_numbers<[1], [0], [0], [1], [0, 0, 1, 1], [], []>, precision = #tpu.contract_precision<fp32>, transpose_lhs_hint = false} : vector<1000x128xf32>, vector<128x128xf32>, vector<1000x128xf32> -> vector<1000x128xf32>
    %dot_general3A_21 = arith.constant dense<0.000000e+00> : vector<1000x128xf32>
    %dot_general3A_22 = tpu.matmul %div3A_19, %get3A_13, %dot_general3A_21 {dimension_numbers = #tpu.dot_dimension_numbers<[1], [0], [0], [1], [0, 0, 1, 1], [], []>, precision = #tpu.contract_precision<fp32>, transpose_lhs_hint = false} : vector<1000x128xf32>, vector<128x128xf32>, vector<1000x128xf32> -> vector<1000x128xf32>
    %add3A = arith.addf %dot_general3A_20, %dot_general3A_22 : vector<1000x128xf32>
    %slice3A_23 = vector.extract_strided_slice %get3A_16 {offsets = [0, 0], sizes = [1, 128], strides = [1, 1]} : vector<8x128xf32> to vector<1x128xf32>
    %add3A_24 = vector.broadcast %slice3A_23 : vector<1x128xf32> to vector<1000x128xf32>
    %add3A_25 = arith.addf %add3A, %add3A_24 : vector<1000x128xf32>
    %max3A_26 = arith.constant 0.000000e+00 : f32
    %max3A_27 = vector.broadcast %max3A_26 : f32 to vector<1000x128xf32>
    %max3A_28 = arith.maximumf %add3A_25, %max3A_27 : vector<1000x128xf32>
    %swap3A = arith.constant 0 : index
    %swap3A_29 = arith.constant 0 : index
    %swap3A_30 = vector.load %arg13[%swap3A, %swap3A_29] : memref<1000x128xf32, #tpu.memory_space<vmem>>, vector<1000x128xf32>
    tpu.vector_store %arg13[%swap3A, %swap3A_29], %max3A_28 {strides = array<i32>} : memref<1000x128xf32, #tpu.memory_space<vmem>>, vector<1000x128xf32>,
    %get3A_31 = arith.constant 0 : index
    %get3A_32 = arith.constant 0 : index
    %get3A_33 = vector.load %arg7[%get3A_31, %get3A_32] : memref<1000x128xf32, #tpu.memory_space<vmem>>, vector<1000x128xf32>
    %get3A_34 = arith.constant 0 : index
    %get3A_35 = arith.constant 0 : index
    %get3A_36 = vector.load %arg8[%get3A_34, %get3A_35] : memref<1000x128xf32, #tpu.memory_space<vmem>>, vector<1000x128xf32>
    %get3A_37 = arith.constant 0 : index
    %get3A_38 = arith.constant 0 : index
    %get3A_39 = vector.load %arg9[%get3A_37, %get3A_38] : memref<1000x128xf32, #tpu.memory_space<vmem>>, vector<1000x128xf32>
    %get3A_40 = arith.constant 0 : index
    %get3A_41 = arith.constant 0 : index
    %get3A_42 = vector.load %arg10[%get3A_40, %get3A_41] : memref<128x128xf32, #tpu.memory_space<vmem>>, vector<128x128xf32>
    %get3A_43 = arith.constant 0 : index
    %get3A_44 = arith.constant 0 : index
    %get3A_45 = vector.load %arg11[%get3A_43, %get3A_44] : memref<128x128xf32, #tpu.memory_space<vmem>>, vector<128x128xf32>
    %get3A_46 = arith.constant 0 : index
    %get3A_47 = arith.constant 0 : index
    %get3A_48 = vector.load %arg12[%get3A_46, %get3A_47] : memref<8x128xf32, #tpu.memory_space<vmem>>, vector<8x128xf32>
    %slice3A_49 = vector.extract_strided_slice %get3A_39 {offsets = [0, 0], sizes = [1000, 1], strides = [1, 1]} : vector<1000x128xf32> to vector<1000x1xf32>
    %max3A_50 = arith.constant 1.000000e+00 : f32
    %max3A_51 = vector.broadcast %max3A_50 : f32 to vector<1000x1xf32>
    %max3A_52 = arith.maximumf %slice3A_49, %max3A_51 : vector<1000x1xf32>
    %div3A_53 = vector.broadcast %max3A_52 : vector<1000x1xf32> to vector<1000x128xf32>
    %div3A_54 = arith.divf %get3A_36, %div3A_53 : vector<1000x128xf32>
    %dot_general3A_55 = arith.constant dense<0.000000e+00> : vector<1000x128xf32>
    %dot_general3A_56 = tpu.matmul %get3A_33, %get3A_42, %dot_general3A_55 {dimension_numbers = #tpu.dot_dimension_numbers<[1], [0], [0], [1], [0, 0, 1, 1], [], []>, precision = #tpu.contract_precision<fp32>, transpose_lhs_hint = false} : vector<1000x128xf32>, vector<128x128xf32>, vector<1000x128xf32> -> vector<1000x128xf32>
    %dot_general3A_57 = arith.constant dense<0.000000e+00> : vector<1000x128xf32>
    %dot_general3A_58 = tpu.matmul %div3A_54, %get3A_45, %dot_general3A_57 {dimension_numbers = #tpu.dot_dimension_numbers<[1], [0], [0], [1], [0, 0, 1, 1], [], []>, precision = #tpu.contract_precision<fp32>, transpose_lhs_hint = false} : vector<1000x128xf32>, vector<128x128xf32>, vector<1000x128xf32> -> vector<1000x128xf32>
    %add3A_59 = arith.addf %dot_general3A_56, %dot_general3A_58 : vector<1000x128xf32>
    %slice3A_60 = vector.extract_strided_slice %get3A_48 {offsets = [0, 0], sizes = [1, 128], strides = [1, 1]} : vector<8x128xf32> to vector<1x128xf32>
    %add3A_61 = vector.broadcast %slice3A_60 : vector<1x128xf32> to vector<1000x128xf32>
    %add3A_62 = arith.addf %add3A_59, %add3A_61 : vector<1000x128xf32>
    %max3A_63 = arith.constant 0.000000e+00 : f32
    %max3A_64 = vector.broadcast %max3A_63 : f32 to vector<1000x128xf32>
    %max3A_65 = arith.maximumf %add3A_62, %max3A_64 : vector<1000x128xf32>
    %swap3A_66 = arith.constant 0 : index
    %swap3A_67 = arith.constant 0 : index
    %swap3A_68 = vector.load %arg14[%swap3A_66, %swap3A_67] : memref<1000x128xf32, #tpu.memory_space<vmem>>, vector<1000x128xf32>
    tpu.vector_store %arg14[%swap3A_66, %swap3A_67], %max3A_65 {strides = array<i32>} : memref<1000x128xf32, #tpu.memory_space<vmem>>, vector<1000x128xf32>,
    return
  }
  func.func @transform_0(%arg0: i32) -> (i32, i32) {
    %c0_i32 = arith.constant 0 : i32
    %c0_i32_0 = arith.constant 0 : i32
    return %arg0, %c0_i32 : i32, i32
  }
  func.func @transform_1(%arg0: i32) -> (i32, i32) {
    %c0_i32 = arith.constant 0 : i32
    %c0_i32_0 = arith.constant 0 : i32
    return %arg0, %c0_i32 : i32, i32
  }
  func.func @transform_2(%arg0: i32) -> (i32, i32) {
    %c0_i32 = arith.constant 0 : i32
    %c0_i32_0 = arith.constant 0 : i32
    return %arg0, %c0_i32 : i32, i32
  }
  func.func @transform_3(%arg0: i32) -> (i32, i32) {
    %c0_i32 = arith.constant 0 : i32
    %c0_i32_0 = arith.constant 0 : i32
    %c0_i32_1 = arith.constant 0 : i32
    return %c0_i32, %c0_i32_0 : i32, i32
  }
  func.func @transform_4(%arg0: i32) -> (i32, i32) {
    %c0_i32 = arith.constant 0 : i32
    %c0_i32_0 = arith.constant 0 : i32
    %c0_i32_1 = arith.constant 0 : i32
    return %c0_i32, %c0_i32_0 : i32, i32
  }
  func.func @transform_5(%arg0: i32) -> (i32, i32) {
    %c0_i32 = arith.constant 0 : i32
    %c0_i32_0 = arith.constant 0 : i32
    %c0_i32_1 = arith.constant 0 : i32
    return %c0_i32, %c0_i32_0 : i32, i32
  }
  func.func @transform_6(%arg0: i32) -> (i32, i32) {
    %c0_i32 = arith.constant 0 : i32
    %c0_i32_0 = arith.constant 0 : i32
    return %arg0, %c0_i32 : i32, i32
  }
  func.func @transform_7(%arg0: i32) -> (i32, i32) {
    %c0_i32 = arith.constant 0 : i32
    %c0_i32_0 = arith.constant 0 : i32
    return %arg0, %c0_i32 : i32, i32
  }
  func.func @transform_8(%arg0: i32) -> (i32, i32) {
    %c0_i32 = arith.constant 0 : i32
    %c0_i32_0 = arith.constant 0 : i32
    return %arg0, %c0_i32 : i32, i32
  }
  func.func @transform_9(%arg0: i32) -> (i32, i32) {
    %c0_i32 = arith.constant 0 : i32
    %c0_i32_0 = arith.constant 0 : i32
    %c0_i32_1 = arith.constant 0 : i32
    return %c0_i32, %c0_i32_0 : i32, i32
  }
  func.func @transform_10(%arg0: i32) -> (i32, i32) {
    %c0_i32 = arith.constant 0 : i32
    %c0_i32_0 = arith.constant 0 : i32
    %c0_i32_1 = arith.constant 0 : i32
    return %c0_i32, %c0_i32_0 : i32, i32
  }
  func.func @transform_11(%arg0: i32) -> (i32, i32) {
    %c0_i32 = arith.constant 0 : i32
    %c0_i32_0 = arith.constant 0 : i32
    %c0_i32_1 = arith.constant 0 : i32
    return %c0_i32, %c0_i32_0 : i32, i32
  }
  func.func @transform_12(%arg0: i32) -> (i32, i32) {
    %c0_i32 = arith.constant 0 : i32
    %c0_i32_0 = arith.constant 0 : i32
    return %arg0, %c0_i32 : i32, i32
  }
  func.func @transform_13(%arg0: i32) -> (i32, i32) {
    %c0_i32 = arith.constant 0 : i32
    %c0_i32_0 = arith.constant 0 : i32
    return %arg0, %c0_i32 : i32, i32
  }
}

</mosaic_0001>

<sc_bundles>
// kernel: kernel.10.cloned.1.call-start
scs
__scs_entry_jumppad:
0x0: {  	(pc) =	sbr.rel $0x88, $3  }
0x1: {  	(tag) =	ssettag $0x0;
	lr =	simm.s32 $0x1  }
0x2: {  	[smem:$0x3F8D] =	sst lr;
	_ =	strace $0xD0000000  }
0x3: {  	_ = 	snop  }
0x4: {  	_ = 	snop  }
0x5: {  	_ = 	snop  }
0x6: {  	_ = 	snop  }
0x7: {  	_ = 	snop  }
__scs_overlays_trampoline_lowered:
0x8: {  	[smem:$0x3F9C] =	sst s0  }
0x9: {  	[smem:$0x3F9D] =	sst s1  }
0xa: {  	[smem:$0x3F9E] =	sst s2  }
0xb: {  	[smem:$0x3F9F] =	sst s3  }
0xc: {  	[smem:$0x3FA0] =	sst s4  }
0xd: {  	[smem:$0x3FA1] =	sst s5  }
0xe: {  	[smem:$0x3FA2] =	sst s6  }
0xf: {  	[smem:$0x3FA3] =	sst s7  }
0x10: {  	[smem:$0x3FA4] =	sst s8  }
0x11: {  	[smem:$0x3FA5] =	sst s9;
	s0 =	simm.s32 @!p0 $0x0  }
0x12: {  	s1 =	sld [smem:$0x3F8B];
	s0 =	simm.s32 @p0 $0x1  }
0x13: {  	[smem:$0x3FA6] =	sst s0;
	s0 =	simm.s32 @!p1 $0x0  }
0x14: {  	s2 =	sld [smem:$0x3F8A];
	s0 =	simm.s32 @p1 $0x1  }
0x15: {  	[smem:$0x3FA7] =	sst s0;
	s0 =	simm.s32 @!p2 $0x0  }
0x16: {  	s3 =	sld [smem:$0x3FDB];
	s0 =	simm.s32 @p2 $0x1  }
0x17: {  	s4 =	simm.s32 $0x1BF5;
	[smem:$0x3FA9] =	sst s0  }
0x18: {  	s0 =	sld [smem:$0x3F8C];
	_ =	swait.ge [sflag:s4], $0x0  }
0x19: {  	s7 =	sld [smem:$0x3F8D]  }
0x1a: {  	s8 =	sadd.s32 $0xFFFFE003, lr  }
0x1b: {  	s9 =	sadd.s32 $0xFFFFFEF7, lr;
	s5 =	simm.s32 $0xFFFFFFFF;
	p2 =	slt.u32 s8, $0xFFFFF086  }
0x1c: {  	p1 =	slt.u32 s9, $0xF7A;
	s5 =	simm.s32 @!p2 $0x0  }
0x1d: {  	s5 =	simm.s32 @p1 $0x1;
	p0 =	seq.s32 s7, s2  }
0x1e: {  	s7 =	smul.u32 @!p0 $0xF7A, s2;
	p2 =	seq.s32 @!p0 s5, $0x0  }
0x1f: {  	s9 =	smul.u32 $0xF7A, s1;
	s8 =	simm.s32 @!p0 $0x1BF5;
	p2 =	por !p2, p0  }
0x20: {  	[sflag:s8] =	ssyncset.s32 @!p0 $0xFFFFF086;
	s6 =	sadd.s32 @!p0 s3, s7;
	s7 =	simm.s32 @!p0 $0x108  }
0x21: {  	s3 =	sadd.s32 s3, s9;
	s6 =	sadd.s32 @!p0 $0x88, s6;
	s7 =	simm.s32 @p2 $0x1082  }
0x22: {  	[simem:s7], [sflag:s8] =	dma.local @!p0 [hbm:s6], $0xF7A  }
0x23: {  	s9 =	sor.u32 $0xD0000000, s2;
	s6 =	simm.s32 $0x108;
	_ =	swait.ge @!p0 [sflag:s8], $0x0  }
0x24: {  	s3 =	sadd.s32 $0x88, s3;
	s6 =	simm.s32 @!p1 $0x1082;
	[sflag:s4] =	ssyncset.s32 $0xFFFFF086  }
0x25: {  	[simem:s6], [sflag:s4] =	dma.local [hbm:s3], $0xF7A  }
0x26: {  	[smem:$0x3F8D] =	sst s1;
	(tag) =	ssettag s2;
	_ =	strace s9  }
0x27: {  	s1 =	sld [smem:$0x3F9D]  }
0x28: {  	s2 =	sld [smem:$0x3F9E]  }
0x29: {  	s4 =	sld [smem:$0x3FA0]  }
0x2a: {  	p0 =	seq.s32 s5, $0x0;
	s5 =	sld [smem:$0x3FA1]  }
0x2b: {  	s6 =	sld [smem:$0x3FA2]  }
0x2c: {  	s7 =	sld [smem:$0x3FA3]  }
0x2d: {  	s3 =	simm.s32 $0x108;
	s8 =	sld [smem:$0x3FA4]  }
0x2e: {  	s3 =	simm.s32 @!p0 $0x1082;
	s9 =	sld [smem:$0x3FA5]  }
0x2f: {  	lr =	sadd.s32 s0, s3;
	s0 =	sld [smem:$0x3F9C]  }
0x30: {  	s3 =	sld [smem:$0x3F9F]  }
0x31: {  	[smem:$0x3FA8] =	sst s10  }
0x32: {  	s10 =	sld [smem:$0x3FA6];
	_ =	sdelay $0x3  }
0x33: {  	p0 =	seq.s32 s10, $0x1;
	s10 =	sld [smem:$0x3FA8];
	_ =	sdelay $0x3  }
0x34: {  	[smem:$0x3FA8] =	sst s10  }
0x35: {  	s10 =	sld [smem:$0x3FA7];
	_ =	sdelay $0x3  }
0x36: {  	p1 =	seq.s32 s10, $0x1;
	s10 =	sld [smem:$0x3FA8];
	_ =	sdelay $0x3  }
0x37: {  	[smem:$0x3FA8] =	sst s10  }
0x38: {  	s10 =	sld [smem:$0x3FA9]  }
0x39: {  	_ = 	snop;
	(pc) =	sbr.ind lr, $3  }
0x3a: {  	_ = 	snop  }
0x3b: {  	_ = 	snop  }
0x3c: {  	p2 =	seq.s32 s10, $0x1;
	s10 =	sld [smem:$0x3FA8]  }
0x3d: {  	_ =	shalt  }
0x3e: {  	_ =	shalt  }
0x3f: {  	_ =	shalt  }
0x40: {  	_ =	shalt  }
0x41: {  	_ =	shalt  }
0x42: {  	_ =	shalt  }
0x43: {  	_ =	shalt  }
0x44: {  	_ =	shalt  }
0x45: {  	_ =	shalt  }
0x46: {  	_ =	shalt  }
0x47: {  	_ =	shalt  }
0x48: {  	_ =	shalt  }
0x49: {  	_ =	shalt  }
0x4a: {  	_ =	shalt  }
0x4b: {  	_ =	shalt  }
0x4c: {  	_ =	shalt  }
0x4d: {  	_ =	shalt  }
0x4e: {  	_ =	shalt  }
0x4f: {  	_ =	shalt  }
0x50: {  	_ =	shalt  }
0x51: {  	_ =	shalt  }
0x52: {  	_ =	shalt  }
0x53: {  	_ =	shalt  }
0x54: {  	_ =	shalt  }
0x55: {  	_ =	shalt  }
0x56: {  	_ =	shalt  }
0x57: {  	_ =	shalt  }
0x58: {  	_ =	shalt  }
0x59: {  	_ =	shalt  }
0x5a: {  	_ =	shalt  }
0x5b: {  	_ =	shalt  }
0x5c: {  	_ =	shalt  }
0x5d: {  	_ =	shalt  }
0x5e: {  	_ =	shalt  }
0x5f: {  	_ =	shalt  }
0x60: {  	_ =	shalt  }
0x61: {  	_ =	shalt  }
0x62: {  	_ =	shalt  }
0x63: {  	_ =	shalt  }
0x64: {  	_ =	shalt  }
0x65: {  	_ =	shalt  }
0x66: {  	_ =	shalt  }
0x67: {  	_ =	shalt  }
0x68: {  	_ =	shalt  }
0x69: {  	_ =	shalt  }
0x6a: {  	_ =	shalt  }
0x6b: {  	_ =	shalt  }
0x6c: {  	_ =	shalt  }
0x6d: {  	_ =	shalt  }
0x6e: {  	_ =	shalt  }
0x6f: {  	_ =	shalt  }
0x70: {  	_ =	shalt  }
0x71: {  	_ =	shalt  }
0x72: {  	_ =	shalt  }
0x73: {  	_ =	shalt  }
0x74: {  	_ =	shalt  }
0x75: {  	_ =	shalt  }
0x76: {  	_ =	shalt  }
0x77: {  	_ =	shalt  }
0x78: {  	_ =	shalt  }
0x79: {  	_ =	shalt  }
0x7a: {  	_ =	shalt  }
0x7b: {  	_ =	shalt  }
0x7c: {  	_ =	shalt  }
0x7d: {  	_ =	shalt  }
0x7e: {  	_ =	shalt  }
0x7f: {  	_ =	shalt  }
0x80: {  	_ =	shalt  }
0x81: {  	_ =	shalt  }
0x82: {  	_ =	shalt  }
0x83: {  	_ =	shalt  }
0x84: {  	_ =	shalt  }
0x85: {  	_ =	shalt  }
0x86: {  	_ =	shalt  }
0x87: {  	_ =	shalt  }
.Lfunc_end0:
.L_simem_size_0:
called_computation.1_lowered:
.L_overlay_start_0:
0x88: {  	s2 =	sld [smem:$0x3FD9]  }
0x89: {  	s3 =	sld [smem:$0x3FFE];
	_ =	sdelay $0x1  }
0x8a: {  	s1 =	srdreg.scid  }
0x8b: {  	s0 =	sand.u32 $0x1, s1  }
0x8c: {  	s14 =	sshll.u32 s0, $0xA;
	s2 =	sadd.s32 s3, s2  }
0x8d: {  	s2 =	sadd.s32 s2, s14  }
0x8e: {  	[smem:$0x3FB4] =	sst s2  }
0x8f: {  	_ = 	snop  }
0x90: {  	s2 =	sld [smem:$0x3FD0];
	_ =	sdelay $0x2  }
0x91: {  	s15 =	simm.s32 $0xA;
	s4 =	simm.s32 $0x10  }
0x92: {  	[smem:s4], [sflag:s15] =	dma.local [hbm:s2], $0x1  }
0x93: {  	_ =	swait.eq [sflag:s15], $0x1  }
0x94: {  	[sflag:s15] =	ssyncset.done $0x0  }
0x95: {  	s16 =	sld [smem:$0x10];
	[sflag:s15] =	ssyncadd.s32 $0xFFFFFFFF  }
0x96: {  	s17 =	sld [smem:$0x11];
	(tm) =	ssettm $0x1  }
0x97: {  	s18 =	sld [smem:$0x3FFB];
	_ =	sdelay $0x3  }
0x98: {  	_ =	strace s18  }
0x99: {  	s4 =	sld [smem:$0x3FFC];
	_ =	sdelay $0x3  }
0x9a: {  	_ =	strace s4  }
0x9b: {  	s4 =	sld [smem:$0x3FFD];
	_ =	sdelay $0x3  }
0x9c: {  	_ =	strace s4  }
0x9d: {  	_ =	strace $0x8FFFFFFF  }
0x9e: {  	s19 =	sld [smem:$0x3FDB];
	_ =	sdelay $0x1  }
0x9f: {  	s5 =	simm.s32 $_scs_section_size  }
0xa0: {  	s6 =	simm.s32 $_size__tile_overlayer_lowered;
	s7 =	simm.s32 $_tile_overlayer_lowered  }
0xa1: {  	s22 =	simm.s32 $0x1BFF;
	s21 =	sshll.u32 s7, $0x1;
	s4 =	sadd.s32 s5, s19  }
0xa2: {  	s8 =	simm.s32 $0x0;
	s20 =	sshll.u32 s6, $0x1;
	s6 =	sadd.s32 s21, s4  }
0xa3: {  	[timem:s8], [sflag:s22] =	dma.local [hbm:s6], s20  }
0xa4: {  	_ =	swait.ge [sflag:s22], s20  }
0xa5: {  	s5 =	ssub.s32 $0x0, s20;
	[sflag:s22] =	ssyncset.done $0x0  }
0xa6: {  	[sflag:s22] =	ssyncadd.s32 s5;
	_ =	sdelay $0x1  }
0xa7: {  	s23 =	simm.s32 $0x1B8B  }
0xa8: {  	_ =	swait.ge [sflag:s23], $0x1  }
0xa9: {  	[sflag:s23] =	ssyncset.done $0x0  }
0xaa: {  	s25 =	simm.s32 $0x1B8E;
	s24 =	sld [smem:$0x3FFE];
	[sflag:s23] =	ssyncadd.s32 $0xFFFFFFFF  }
0xab: {  	s26 =	simm.s32 $execute0_lowered;
	[smem:$0x3FD2] =	sst s25  }
0xac: {  	s6 =	sshll.u32 s26, $0x1;
	_ =	strace $0x80000049;
	[dreg:$0x1] =	wrdreg $0xFFFFFFFF  }
0xad: {  	s28 =	simm.s32 $_size_execute0_lowered;
	s4 =	sadd.s32 s4, s6;
	[dreg:$0x0] =	wrdreg $0x0  }
0xae: {  	s6 =	sshll.u32 s28, $0x1;
	[dreg:$0x2] =	wrdreg s4  }
0xaf: {  	[dreg:$0x3] =	wrdreg s6  }
0xb0: {  	[dreg:$0x4] =	wrdreg $0xC0  }
0xb1: {  	_ =	task [dreg:s8], $0x5FFFF  }
0xb2: {  	[dreg:$0x1] =	wrdreg $0xFFFFFFFF  }
0xb3: {  	[dreg:$0x0] =	wrdreg $0x60  }
0xb4: {  	[dreg:$0x2] =	wrdreg s17  }
0xb5: {  	[dreg:$0x3] =	wrdreg s16  }
0xb6: {  	[dreg:$0x4] =	wrdreg s24  }
0xb7: {  	[dreg:$0x5] =	wrdreg $0xC3000  }
0xb8: {  	[dreg:$0x6] =	wrdreg $0x9  }
0xb9: {  	_ =	task.clear_ibuf [dreg:s8], $0x7FFFF;
	_ =	strace $0x90000049  }
0xba: {  	s29 =	simm.s32 $0x9;
	_ =	strace $0x8000004B  }
0xbb: {  	_ =	swait.ge [sflag:s29], $0x1  }
0xbc: {  	[sflag:s29] =	ssyncadd.s32 $0xFFFFFFFF  }
0xbd: {  	_ =	strace $0x9000004B  }
0xbe: {  	_ =	sfence  }
0xbf: {  	s30 =	sld [smem:$0x0];
	_ =	sdelay $0x2  }
0xc0: {  	s31 =	sshll.u32 s1, $0xD;
	s1 =	sshrl.u32 s1, $0x2  }
0xc1: {  	s3 =	sand.u32 $0x4000, s31;
	s1 =	sadd.s32 s1, s30  }
0xc2: {  	s0 =	sor.u32 s3, s0;
	s1 =	sshll.u32 s1, $0x11  }
0xc3: {  	s0 =	sor.u32 s1, s0  }
0xc4: {  	s0 =	sadd.s32 $0x8F2B, s0  }
0xc5: {  	[sflag:s0] =	ssyncadd.remote.s32 $0x1  }
0xc6: {  	_ =	sfence.sel $0xFFFF  }
0xc7: {  	[dreg:$0x0] =	wrdreg $0xFFFFFFFF;
	(pc) =	sbr.abs _section_cstart, $3  }
0xc8: {  	[dreg:$0x1] =	wrdreg $0xFFFFFFFF  }
0xc9: {  	_ =	task.clear_ibuf [dreg:s8], $0x2FFFF;
	_ =	strace $0x9FFFFFFF  }
0xca: {  	(tm) =	ssettm $0x7FFFFFFF  }
0xcb: {  	_ =	shalt  }
tec
execute0_lowered:
.L_overlay_start_1:
0x0: {  	(tag) =	ssettag $0x1  }
0x1: {  	s1 =	rddreg [dreg:$0x0]  }
0x2: {  	s2 =	rddreg [dreg:$0x1]  }
0x3: {  	s0 =	rddreg [dreg:$0x2]  }
0x4: {  	s3 =	rddreg [dreg:$0x3];
	s4 =	simm.s32 $0x0  }
0x5: {  	s5 =	srdreg.scid;
	[smem:$0x7FF] =	sst s4;
	s12 =	sadd.s32 $0x19200, s0  }
0x6: {  	s11 =	sadd.s32 $0x23000, s0;
	s13 =	sadd.s32 $0xF400, s0;
	s7 =	sadd.s32 $0x2CE00, s0  }
0x7: {  	s9 =	sadd.s32 $0x2D800, s0;
	_ =	strace $0x8000004A;
	[dreg:$0x9] =	wrdreg s7  }
0x8: {  	s14 =	sadd.s32 $0x5600, s0;
	s0 =	sadd.s32 $0x54A00, s0;
	[dreg:$0xa] =	wrdreg s9  }
0x9: {  	s10 =	stileid.u32;
	[dreg:$0xb] =	wrdreg s0  }
0xa: {  	s29 =	simm.s32 $0x0;
	s28 =	simm.s32 $0xC200;
	[dreg:$0x8] =	wrdreg s14  }
0xb: {  	s5 =	sand.u32 $0x1, s5;
	s6 =	smul.u32 $0x280, s10;
	[dreg:$0x7] =	wrdreg s13  }
0xc: {  	s8 =	smul.u32 $0x4E20, s10;
	s20 =	ssub.s32 $0x2, s5;
	[dreg:$0x6] =	wrdreg s11  }
0xd: {  	p0 =	seq.s32 s5, $0x1;
	[dreg:$0x5] =	wrdreg s12;
	s9 =	simm.s32 $0x4  }
0xe: {  	s21 =	sshrl.u32 s20, $0x1;
	s6 =	smin.u32 s6, $0x2490;
	s22 =	sshrl.u32 s8, $0x3  }
0xf: {  	s0 =	ssub.s32 s20, s21;
	s23 =	sadd.s32 s13, s22;
	s24 =	sadd.s32 $0xE, s22  }
0x10: {  	s8 =	sadd.s32 s14, s22;
	s17 =	sadd.s32 $0x9BC, s22;
	[dreg:$0xc] =	wrdreg s23  }
0x11: {  	s30 =	sadd.s32 s12, s22;
	s7 =	sadd.s32 s11, s22;
	[dreg:$0xd] =	wrdreg s8  }
0x12: {  	s16 =	sadd.s32 $0x140, s6;
	s18 =	sadd.s32 $0x1E0, s6;
	[dreg:$0x10] =	wrdreg s30  }
0x13: {  	s21 =	smul.u32 $0x9C4, s10;
	s22 =	sshll.u32 s6, $0x4;
	[dreg:$0x11] =	wrdreg s7  }
0x14: {  	s25 =	sadd.s32 s13, s24;
	s26 =	sadd.s32 s14, s24;
	[dreg:$0x15] =	wrdreg s22  }
0x15: {  	s31 =	sadd.s32 s12, s24;
	s5 =	sadd.s32 s11, s24;
	[dreg:$0xe] =	wrdreg s25  }
0x16: {  	s7 =	sshll.u32 s6, $0x7;
	s0 =	smax.u32 s0, $0x1;
	[dreg:$0xf] =	wrdreg s26  }
0x17: {  	s8 =	sadd.s32 $0xA0, s6;
	s19 =	sshll.u32 s16, $0x7;
	[dreg:$0x12] =	wrdreg s31  }
0x18: {  	s20 =	sshll.u32 s18, $0x7;
	s30 =	sshll.u32 s16, $0x4;
	[dreg:$0x13] =	wrdreg s5  }
0x19: {  	s16 =	simm.s32 $0x80;
	s6 =	simm.s32 $0x2;
	[dreg:$0x14] =	wrdreg s0  }
0x1a: {  	s23 =	sadd.s32 s7, s3;
	s15 =	sshll.u32 s8, $0x7;
	s25 =	sadd.s32 s19, s3  }
0x1b: {  	s26 =	sadd.s32 s20, s3;
	s0 =	sshll.u32 s8, $0x4;
	[dreg:$0x17] =	wrdreg s30  }
0x1c: {  	s31 =	sshll.u32 s18, $0x4;
	s5 =	sadd.s32 s21, s13;
	s11 =	sadd.s32 s21, s11  }
.Ltmp0:
0x1d: {  	s12 =	sadd.s32 s21, s12;
	s13 =	simm.s32 $0x7200;
	(pc) =	sbr.rel .LBB2_1-.Ltmp0, $4  }
0x1e: {  	s18 =	simm.s32 $0x180;
	s19 =	simm.s32 $0x1;
	s20 =	simm.s32 $0x70  }
0x1f: {  	s7 =	simm.s32 $0x3A00;
	s8 =	simm.s32 $0x3;
	[dreg:$0x16] =	wrdreg s0  }
0x20: {  	s24 =	sadd.s32 s15, s3;
	[dreg:$0x18] =	wrdreg s31;
	s0 =	sadd.s32 s21, s14  }
0x21: {  	s14 =	simm.s32 $0x5;
	s15 =	simm.s32 $0x100;
	s21 =	simm.s32 $0x200  }
.LBB2_7:
0x22: {  	s22 =	rddreg [dreg:$0x5]  }
0x23: {  	s10 =	rddreg [dreg:$0x6]  }
0x24: {  	[sflag:s6] =	ssyncadd.s32 $0xFFFFFF90;
	s31 =	smov.u32 s1;
	s30 =	rddreg [dreg:$0xb]  }
.LBB2_8:
0x25: {  	[tilespmem:s7], [sflag:$0x4] =	stream.indirect.gather [hbm4b:s31+s20], $0x80, s16, s20, $0xb8;
	[tilespmem:$0x1FB80] =	vst v63  }
0x26: {  	_ =	swait.ge [sflag:s8], $0x3800  }
0x27: {  	[sflag:s8] =	ssyncset.done $0x0  }
0x28: {  	[sflag:s8] =	ssyncadd.s32 $0xFFFFC800  }
0x29: {  	[spmem:s3] =	stream.indirect.scatter.add.f32 [tilespmem:s21], [sflag:$0x5], $0x80, s15, s20, $0xb8;
	[tilespmem:$0x1FB80] =	vst v63  }
0x2a: {  	_ =	swait.ge [sflag:s14], $0x3800  }
0x2b: {  	[sflag:s14] =	ssyncset.done $0x0  }
0x2c: {  	[sflag:s14] =	ssyncadd.s32 $0xFFFFC800  }
0x2d: {  	_ =	swait.ge [sflag:s9], $0x3800  }
0x2e: {  	[sflag:s9] =	ssyncset.done $0x0  }
0x2f: {  	[sflag:s9] =	ssyncadd.s32 $0xFFFFC800  }
0x30: {  	[spmem:s3] =	stream.indirect.scatter.add.f32 [tilespmem:s7], [sflag:$0x5], $0x80, s18, s20, $0xb8;
	[tilespmem:$0x1FB80] =	vst v63  }
0x31: {  	_ =	swait.ge [sflag:s14], $0x3800  }
0x32: {  	[sflag:s14] =	ssyncset.done $0x0  }
0x33: {  	s22 =	sadd.s32 s22, s17;
	[sflag:s14] =	ssyncadd.s32 $0xFFFFC800  }
0x34: {  	[tilespmem:s28], [sflag:$0x5] =	stream.linear.gather [hbm4b:s22+s4], $0x40, $0x38;
	[tilespmem:$0x1FB80] =	vst v63  }
0x35: {  	_ =	swait.ge [sflag:s14], $0x40  }
0x36: {  	[sflag:s14] =	ssyncset.done $0x0  }
0x37: {  	s10 =	sadd.s32 s10, s17;
	s22 =	simm.s32 $0xC280;
	[sflag:s14] =	ssyncadd.s32 $0xFFFFFFC0  }
0x38: {  	[tilespmem:s22], [sflag:$0x5] =	stream.linear.gather [hbm4b:s10+s4], $0x40, $0x38;
	[tilespmem:$0x1FB80] =	vst v63  }
0x39: {  	_ =	swait.ge [sflag:s14], $0x40  }
0x3a: {  	[sflag:s14] =	ssyncset.done $0x0  }
0x3b: {  	s10 =	simm.s32 $0x40;
	[sflag:s14] =	ssyncadd.s32 $0xFFFFFFC0  }
0x3c: {  	[tilespmem:s21], [sflag:$0x3] =	stream.indirect.gather [hbm4b:s31+s10], $0x80, s28, s10, $0xb8;
	[tilespmem:$0x1FB80] =	vst v63  }
0x3d: {  	_ =	swait.ge [sflag:s8], $0x2000  }
0x3e: {  	[sflag:s8] =	ssyncset.done $0x0  }
0x3f: {  	[sflag:s8] =	ssyncadd.s32 $0xFFFFE000  }
0x40: {  	[spmem:s3] =	stream.indirect.scatter.add.f32 [tilespmem:s21], [sflag:$0x5], $0x80, s22, s10, $0xb8;
	[tilespmem:$0x1FB80] =	vst v63  }
0x41: {  	_ =	swait.ge [sflag:s14], $0x2000  }
0x42: {  	[sflag:s14] =	ssyncset.done $0x0  }
0x43: {  	[sflag:s14] =	ssyncadd.s32 $0xFFFFE000  }
0x44: {  	[bflag:$0x0] =	sbarrier.arrive $0xFFFF  }
0x45: {  	[tilespmem:s13], [sflag:$0x5] =	stream.linear.gather [spmem:s23], $0x5000, $0x38;
	[tilespmem:$0x1FB80] =	vst v63  }
0x46: {  	_ =	swait.ge [sflag:s14], $0x5000  }
0x47: {  	[sflag:s14] =	ssyncset.done $0x0;
	s31 =	rddreg [dreg:$0x15]  }
0x48: {  	s10 =	sadd.s32 s30, s31;
	[sflag:s14] =	ssyncadd.s32 $0xFFFFB000  }
0x49: {  	[hbm4b:s10+s4] =	stream.linear.scatter [tilespmem:s13], [sflag:$0x5], $0x5000, $0x38;
	[tilespmem:$0x1FB80] =	vst v63  }
0x4a: {  	_ =	swait.ge [sflag:s14], $0x5000  }
0x4b: {  	[sflag:s14] =	ssyncset.done $0x0  }
0x4c: {  	[sflag:s14] =	ssyncadd.s32 $0xFFFFB000  }
0x4d: {  	[tilespmem:s13], [sflag:$0x5] =	stream.linear.gather [spmem:s24], $0x5000, $0x38;
	[tilespmem:$0x1FB80] =	vst v63  }
0x4e: {  	_ =	swait.ge [sflag:s14], $0x5000  }
0x4f: {  	[sflag:s14] =	ssyncset.done $0x0;
	s22 =	rddreg [dreg:$0x16]  }
0x50: {  	s10 =	sadd.s32 s30, s22;
	[sflag:s14] =	ssyncadd.s32 $0xFFFFB000  }
0x51: {  	[hbm4b:s10+s4] =	stream.linear.scatter [tilespmem:s13], [sflag:$0x5], $0x5000, $0x38;
	[tilespmem:$0x1FB80] =	vst v63  }
0x52: {  	_ =	swait.ge [sflag:s14], $0x5000  }
0x53: {  	[sflag:s14] =	ssyncset.done $0x0  }
0x54: {  	[sflag:s14] =	ssyncadd.s32 $0xFFFFB000  }
0x55: {  	[tilespmem:s13], [sflag:$0x5] =	stream.linear.gather [spmem:s25], $0x5000, $0x38;
	[tilespmem:$0x1FB80] =	vst v63  }
0x56: {  	_ =	swait.ge [sflag:s14], $0x5000  }
0x57: {  	[sflag:s14] =	ssyncset.done $0x0;
	s31 =	rddreg [dreg:$0x17]  }
0x58: {  	s10 =	sadd.s32 s30, s31;
	[sflag:s14] =	ssyncadd.s32 $0xFFFFB000  }
0x59: {  	[hbm4b:s10+s4] =	stream.linear.scatter [tilespmem:s13], [sflag:$0x5], $0x5000, $0x38;
	[tilespmem:$0x1FB80] =	vst v63  }
0x5a: {  	_ =	swait.ge [sflag:s14], $0x5000  }
0x5b: {  	[sflag:s14] =	ssyncset.done $0x0  }
0x5c: {  	[sflag:s14] =	ssyncadd.s32 $0xFFFFB000  }
0x5d: {  	[tilespmem:s13], [sflag:$0x5] =	stream.linear.gather [spmem:s26], $0x5000, $0x38;
	[tilespmem:$0x1FB80] =	vst v63  }
0x5e: {  	_ =	swait.ge [sflag:s14], $0x5000  }
0x5f: {  	[sflag:s14] =	ssyncset.done $0x0;
	s22 =	rddreg [dreg:$0x18]  }
0x60: {  	s10 =	sadd.s32 s30, s22;
	[sflag:s14] =	ssyncadd.s32 $0xFFFFB000  }
0x61: {  	[hbm4b:s10+s4] =	stream.linear.scatter [tilespmem:s13], [sflag:$0x5], $0x5000, $0x38;
	[tilespmem:$0x1FB80] =	vst v63  }
0x62: {  	_ =	swait.ge [sflag:s14], $0x5000  }
0x63: {  	s29 =	sadd.s32 $0x1, s29;
	s31 =	rddreg [dreg:$0x14]  }
0x64: {  	p1 =	sne.s32 s29, s31  }
.Ltmp1:
0x65: {  	_ = 	snop;
	(pc) =	sbr.rel @!p1 .LBB2_9-.Ltmp1, $3  }
0x66: {  	_ =	sdelay $0x1  }
0x67: {  	[sflag:s14] =	ssyncset.done $0x0  }
0x68: {  	[sflag:s14] =	ssyncadd.s32 $0xFFFFB000  }
.LBB2_1:
.Ltmp2:
0x69: {  	s10 =	rddreg [dreg:$0x9];
	(pc) =	sbr.rel @!p0 .LBB2_2-.Ltmp2, $4  }
0x6a: {  	[tilespmem:s13], [sflag:$0x5] =	stream.linear.gather [hbm4b:s10+s4], $0x5000, $0x38;
	[tilespmem:$0x1FB80] =	vst v63  }
0x6b: {  	_ =	swait.ge [sflag:s14], $0x5000  }
0x6c: {  	[sflag:s14] =	ssyncset.done $0x0  }
0x6d: {  	[sflag:s14] =	ssyncadd.s32 $0xFFFFB000  }
0x6e: {  	[spmem:s23] =	stream.linear.scatter [tilespmem:s13], [sflag:$0x5], $0x5000, $0x38;
	[tilespmem:$0x1FB80] =	vst v63  }
0x6f: {  	_ =	swait.ge [sflag:s14], $0x5000  }
0x70: {  	[sflag:s14] =	ssyncset.done $0x0  }
0x71: {  	[sflag:s14] =	ssyncadd.s32 $0xFFFFB000  }
0x72: {  	[spmem:s24] =	stream.linear.scatter [tilespmem:s13], [sflag:$0x5], $0x5000, $0x38;
	[tilespmem:$0x1FB80] =	vst v63  }
0x73: {  	_ =	swait.ge [sflag:s14], $0x5000  }
0x74: {  	[sflag:s14] =	ssyncset.done $0x0  }
0x75: {  	[sflag:s14] =	ssyncadd.s32 $0xFFFFB000  }
0x76: {  	[spmem:s25] =	stream.linear.scatter [tilespmem:s13], [sflag:$0x5], $0x5000, $0x38;
	[tilespmem:$0x1FB80] =	vst v63  }
0x77: {  	_ =	swait.ge [sflag:s14], $0x5000  }
0x78: {  	[sflag:s14] =	ssyncset.done $0x0  }
0x79: {  	[sflag:s14] =	ssyncadd.s32 $0xFFFFB000  }
0x7a: {  	[spmem:s26] =	stream.linear.scatter [tilespmem:s13], [sflag:$0x5], $0x5000, $0x38;
	[tilespmem:$0x1FB80] =	vst v63  }
0x7b: {  	_ =	swait.ge [sflag:s14], $0x5000  }
0x7c: {  	[sflag:s14] =	ssyncset.done $0x0  }
0x7d: {  	[sflag:s14] =	ssyncadd.s32 $0xFFFFB000  }
0x7e: {  	[bflag:$0x0] =	sbarrier.arrive $0xFFFF  }
0x7f: {  	s10 =	rddreg [dreg:$0x10]  }
0x80: {  	[tilespmem:s4], [sflag:$0x1] =	stream.linear.gather [hbm4b:s10+s4], $0x70, $0x38;
	[tilespmem:$0x1FB80] =	vst v63  }
0x81: {  	s22 =	rddreg [dreg:$0x11]  }
0x82: {  	[tilespmem:s15], [sflag:$0x1] =	stream.linear.gather [hbm4b:s22+s4], $0x70, $0x38;
	[tilespmem:$0x1FB80] =	vst v63  }
0x83: {  	s31 =	rddreg [dreg:$0x12]  }
0x84: {  	[tilespmem:s16], [sflag:$0x2] =	stream.linear.gather [hbm4b:s31+s4], $0x70, $0x38;
	[tilespmem:$0x1FB80] =	vst v63  }
0x85: {  	s22 =	rddreg [dreg:$0x13]  }
0x86: {  	[tilespmem:s18], [sflag:$0x2] =	stream.linear.gather [hbm4b:s22+s4], $0x70, $0x38;
	[tilespmem:$0x1FB80] =	vst v63  }
0x87: {  	_ =	swait.ge [sflag:s19], $0x70  }
0x88: {  	[sflag:s19] =	ssyncset.done $0x0  }
0x89: {  	[sflag:s19] =	ssyncadd.s32 $0xFFFFFF90  }
0x8a: {  	_ =	swait.ge [sflag:s19], $0x70  }
0x8b: {  	[sflag:s19] =	ssyncset.done $0x0  }
0x8c: {  	[sflag:s19] =	ssyncadd.s32 $0xFFFFFF90  }
0x8d: {  	[tilespmem:s21], [sflag:$0x3] =	stream.indirect.gather [hbm4b:s1+s20], $0x80, s4, s20, $0xb8;
	[tilespmem:$0x1FB80] =	vst v63  }
0x8e: {  	_ =	swait.ge [sflag:s6], $0x70  }
0x8f: {  	[sflag:s6] =	ssyncset.done $0x0  }
0x90: {  	[sflag:s6] =	ssyncadd.s32 $0xFFFFFF90  }
0x91: {  	_ =	swait.ge [sflag:s6], $0x70  }
0x92: {  	[sflag:s6] =	ssyncset.done $0x0  }
0x93: {  	[sflag:s6] =	ssyncadd.s32 $0xFFFFFF90  }
0x94: {  	[tilespmem:s7], [sflag:$0x4] =	stream.indirect.gather [hbm4b:s1+s20], $0x80, s16, s20, $0xb8;
	[tilespmem:$0x1FB80] =	vst v63  }
0x95: {  	_ =	swait.ge [sflag:s8], $0x3800  }
0x96: {  	[sflag:s8] =	ssyncset.done $0x0  }
0x97: {  	[sflag:s8] =	ssyncadd.s32 $0xFFFFC800  }
0x98: {  	[spmem:s3] =	stream.indirect.scatter.add.f32 [tilespmem:s21], [sflag:$0x5], $0x80, s15, s20, $0xb8;
	[tilespmem:$0x1FB80] =	vst v63  }
0x99: {  	_ =	swait.ge [sflag:s14], $0x3800  }
0x9a: {  	s10 =	sadd.s32 $0xFFFFF660, s12;
	[sflag:s14] =	ssyncset.done $0x0  }
0x9b: {  	s30 =	sadd.s32 $0xFFFFF660, s11;
	s22 =	sadd.s32 $0x9BC, s10;
	[sflag:s14] =	ssyncadd.s32 $0xFFFFC800  }
0x9c: {  	[tilespmem:s4], [sflag:$0x1] =	stream.linear.gather [hbm4b:s22+s4], $0x70, $0x38;
	[tilespmem:$0x1FB80] =	vst v63  }
0x9d: {  	s31 =	sadd.s32 $0x9BC, s30  }
0x9e: {  	[tilespmem:s15], [sflag:$0x1] =	stream.linear.gather [hbm4b:s31+s4], $0x70, $0x38;
	[tilespmem:$0x1FB80] =	vst v63  }
0x9f: {  	_ =	swait.ge [sflag:s9], $0x3800  }
0xa0: {  	[sflag:s9] =	ssyncset.done $0x0  }
0xa1: {  	[sflag:s9] =	ssyncadd.s32 $0xFFFFC800  }
0xa2: {  	[spmem:s3] =	stream.indirect.scatter.add.f32 [tilespmem:s7], [sflag:$0x5], $0x80, s18, s20, $0xb8;
	[tilespmem:$0x1FB80] =	vst v63  }
0xa3: {  	_ =	swait.ge [sflag:s14], $0x3800  }
0xa4: {  	[sflag:s14] =	ssyncset.done $0x0  }
0xa5: {  	s10 =	sadd.s32 $0x9CA, s10;
	[sflag:s14] =	ssyncadd.s32 $0xFFFFC800  }
0xa6: {  	[tilespmem:s16], [sflag:$0x2] =	stream.linear.gather [hbm4b:s10+s4], $0x70, $0x38;
	[tilespmem:$0x1FB80] =	vst v63  }
0xa7: {  	s31 =	sadd.s32 $0x9CA, s30  }
0xa8: {  	[tilespmem:s18], [sflag:$0x2] =	stream.linear.gather [hbm4b:s31+s4], $0x70, $0x38;
	[tilespmem:$0x1FB80] =	vst v63  }
0xa9: {  	_ =	swait.ge [sflag:s19], $0x70  }
0xaa: {  	[sflag:s19] =	ssyncset.done $0x0  }
0xab: {  	[sflag:s19] =	ssyncadd.s32 $0xFFFFFF90  }
0xac: {  	_ =	swait.ge [sflag:s19], $0x70  }
0xad: {  	[sflag:s19] =	ssyncset.done $0x0  }
0xae: {  	[sflag:s19] =	ssyncadd.s32 $0xFFFFFF90  }
0xaf: {  	[tilespmem:s21], [sflag:$0x3] =	stream.indirect.gather [hbm4b:s1+s20], $0x80, s4, s20, $0xb8;
	[tilespmem:$0x1FB80] =	vst v63  }
0xb0: {  	_ =	swait.ge [sflag:s6], $0x70  }
0xb1: {  	[sflag:s6] =	ssyncset.done $0x0  }
0xb2: {  	[sflag:s6] =	ssyncadd.s32 $0xFFFFFF90  }
0xb3: {  	_ =	swait.ge [sflag:s6], $0x70  }
0xb4: {  	s30 =	simm.s32 $0xFFFFF67C;
	[sflag:s6] =	ssyncset.done $0x0  }
.LBB2_6:
0xb5: {  	p1 =	sne.s32 s30, $0xFFFFFFE4  }
0xb6: {  	[sflag:s6] =	ssyncadd.s32 $0xFFFFFF90;
	s10 =	smov.u32 s30;
	s30 =	sadd.s32 $0x1C, s30  }
0xb7: {  	[tilespmem:s7], [sflag:$0x4] =	stream.indirect.gather [hbm4b:s1+s20], $0x80, s16, s20, $0xb8;
	[tilespmem:$0x1FB80] =	vst v63  }
0xb8: {  	_ =	swait.ge [sflag:s8], $0x3800  }
0xb9: {  	[sflag:s8] =	ssyncset.done $0x0  }
0xba: {  	[sflag:s8] =	ssyncadd.s32 $0xFFFFC800  }
0xbb: {  	[spmem:s3] =	stream.indirect.scatter.add.f32 [tilespmem:s21], [sflag:$0x5], $0x80, s15, s20, $0xb8;
	[tilespmem:$0x1FB80] =	vst v63  }
0xbc: {  	_ =	swait.ge [sflag:s14], $0x3800  }
0xbd: {  	s22 =	sadd.s32 s10, s12;
	[sflag:s14] =	ssyncset.done $0x0  }
0xbe: {  	s10 =	sadd.s32 s10, s11;
	s31 =	sadd.s32 $0x9BC, s22;
	[sflag:s14] =	ssyncadd.s32 $0xFFFFC800  }
0xbf: {  	[tilespmem:s4], [sflag:$0x1] =	stream.linear.gather [hbm4b:s31+s4], $0x70, $0x38;
	[tilespmem:$0x1FB80] =	vst v63  }
0xc0: {  	s31 =	sadd.s32 $0x9BC, s10  }
0xc1: {  	[tilespmem:s15], [sflag:$0x1] =	stream.linear.gather [hbm4b:s31+s4], $0x70, $0x38;
	[tilespmem:$0x1FB80] =	vst v63  }
0xc2: {  	_ =	swait.ge [sflag:s9], $0x3800  }
0xc3: {  	[sflag:s9] =	ssyncset.done $0x0  }
0xc4: {  	[sflag:s9] =	ssyncadd.s32 $0xFFFFC800  }
0xc5: {  	[spmem:s3] =	stream.indirect.scatter.add.f32 [tilespmem:s7], [sflag:$0x5], $0x80, s18, s20, $0xb8;
	[tilespmem:$0x1FB80] =	vst v63  }
0xc6: {  	_ =	swait.ge [sflag:s14], $0x3800  }
0xc7: {  	[sflag:s14] =	ssyncset.done $0x0  }
0xc8: {  	s22 =	sadd.s32 $0x9CA, s22;
	[sflag:s14] =	ssyncadd.s32 $0xFFFFC800  }
0xc9: {  	[tilespmem:s16], [sflag:$0x2] =	stream.linear.gather [hbm4b:s22+s4], $0x70, $0x38;
	[tilespmem:$0x1FB80] =	vst v63  }
0xca: {  	s10 =	sadd.s32 $0x9CA, s10  }
0xcb: {  	[tilespmem:s18], [sflag:$0x2] =	stream.linear.gather [hbm4b:s10+s4], $0x70, $0x38;
	[tilespmem:$0x1FB80] =	vst v63  }
0xcc: {  	_ =	swait.ge [sflag:s19], $0x70  }
0xcd: {  	[sflag:s19] =	ssyncset.done $0x0  }
0xce: {  	[sflag:s19] =	ssyncadd.s32 $0xFFFFFF90  }
0xcf: {  	_ =	swait.ge [sflag:s19], $0x70  }
0xd0: {  	[sflag:s19] =	ssyncset.done $0x0  }
0xd1: {  	[sflag:s19] =	ssyncadd.s32 $0xFFFFFF90  }
0xd2: {  	[tilespmem:s21], [sflag:$0x3] =	stream.indirect.gather [hbm4b:s1+s20], $0x80, s4, s20, $0xb8;
	[tilespmem:$0x1FB80] =	vst v63  }
.Ltmp3:
0xd3: {  	_ =	swait.ge [sflag:s6], $0x70;
	(pc) =	sbr.rel @p1 .LBB2_6-.Ltmp3, $4  }
0xd4: {  	[sflag:s6] =	ssyncset.done $0x0  }
0xd5: {  	[sflag:s6] =	ssyncadd.s32 $0xFFFFFF90  }
0xd6: {  	_ =	swait.ge [sflag:s6], $0x70  }
0xd7: {  	[sflag:s6] =	ssyncset.done $0x0  }
.Ltmp4:
0xd8: {  	_ = 	snop;
	(pc) =	sbr.rel .LBB2_7-.Ltmp4, $1  }
0xd9: {  	_ =	sdelay $0x3  }
.LBB2_2:
0xda: {  	[spmem:s23] =	stream.linear.scatter [tilespmem:s13], [sflag:$0x5], $0x5000, $0x38;
	[tilespmem:$0x1FB80] =	vst v63  }
0xdb: {  	_ =	swait.ge [sflag:s14], $0x5000  }
0xdc: {  	[sflag:s14] =	ssyncset.done $0x0  }
0xdd: {  	[sflag:s14] =	ssyncadd.s32 $0xFFFFB000  }
0xde: {  	[spmem:s24] =	stream.linear.scatter [tilespmem:s13], [sflag:$0x5], $0x5000, $0x38;
	[tilespmem:$0x1FB80] =	vst v63  }
0xdf: {  	_ =	swait.ge [sflag:s14], $0x5000  }
0xe0: {  	[sflag:s14] =	ssyncset.done $0x0  }
0xe1: {  	[sflag:s14] =	ssyncadd.s32 $0xFFFFB000  }
0xe2: {  	[spmem:s25] =	stream.linear.scatter [tilespmem:s13], [sflag:$0x5], $0x5000, $0x38;
	[tilespmem:$0x1FB80] =	vst v63  }
0xe3: {  	_ =	swait.ge [sflag:s14], $0x5000  }
0xe4: {  	[sflag:s14] =	ssyncset.done $0x0  }
0xe5: {  	[sflag:s14] =	ssyncadd.s32 $0xFFFFB000  }
0xe6: {  	[spmem:s26] =	stream.linear.scatter [tilespmem:s13], [sflag:$0x5], $0x5000, $0x38;
	[tilespmem:$0x1FB80] =	vst v63  }
0xe7: {  	_ =	swait.ge [sflag:s14], $0x5000  }
0xe8: {  	[sflag:s14] =	ssyncset.done $0x0  }
0xe9: {  	[sflag:s14] =	ssyncadd.s32 $0xFFFFB000  }
0xea: {  	[bflag:$0x0] =	sbarrier.arrive $0xFFFF  }
0xeb: {  	s10 =	rddreg [dreg:$0xc]  }
0xec: {  	[tilespmem:s4], [sflag:$0x1] =	stream.linear.gather [hbm4b:s10+s4], $0x70, $0x38;
	[tilespmem:$0x1FB80] =	vst v63  }
0xed: {  	s22 =	rddreg [dreg:$0xd]  }
0xee: {  	[tilespmem:s15], [sflag:$0x1] =	stream.linear.gather [hbm4b:s22+s4], $0x70, $0x38;
	[tilespmem:$0x1FB80] =	vst v63  }
0xef: {  	s31 =	rddreg [dreg:$0xe]  }
0xf0: {  	[tilespmem:s16], [sflag:$0x2] =	stream.linear.gather [hbm4b:s31+s4], $0x70, $0x38;
	[tilespmem:$0x1FB80] =	vst v63  }
0xf1: {  	s22 =	rddreg [dreg:$0xf]  }
0xf2: {  	[tilespmem:s18], [sflag:$0x2] =	stream.linear.gather [hbm4b:s22+s4], $0x70, $0x38;
	[tilespmem:$0x1FB80] =	vst v63  }
0xf3: {  	_ =	swait.ge [sflag:s19], $0x70  }
0xf4: {  	[sflag:s19] =	ssyncset.done $0x0  }
0xf5: {  	[sflag:s19] =	ssyncadd.s32 $0xFFFFFF90  }
0xf6: {  	_ =	swait.ge [sflag:s19], $0x70  }
0xf7: {  	[sflag:s19] =	ssyncset.done $0x0  }
0xf8: {  	[sflag:s19] =	ssyncadd.s32 $0xFFFFFF90  }
0xf9: {  	[tilespmem:s21], [sflag:$0x3] =	stream.indirect.gather [hbm4b:s2+s20], $0x80, s4, s20, $0xb8;
	[tilespmem:$0x1FB80] =	vst v63  }
0xfa: {  	_ =	swait.ge [sflag:s6], $0x70  }
0xfb: {  	[sflag:s6] =	ssyncset.done $0x0  }
0xfc: {  	[sflag:s6] =	ssyncadd.s32 $0xFFFFFF90  }
0xfd: {  	_ =	swait.ge [sflag:s6], $0x70  }
0xfe: {  	[sflag:s6] =	ssyncset.done $0x0  }
0xff: {  	[sflag:s6] =	ssyncadd.s32 $0xFFFFFF90  }
0x100: {  	[tilespmem:s7], [sflag:$0x4] =	stream.indirect.gather [hbm4b:s2+s20], $0x80, s16, s20, $0xb8;
	[tilespmem:$0x1FB80] =	vst v63  }
0x101: {  	_ =	swait.ge [sflag:s8], $0x3800  }
0x102: {  	[sflag:s8] =	ssyncset.done $0x0  }
0x103: {  	[sflag:s8] =	ssyncadd.s32 $0xFFFFC800  }
0x104: {  	[spmem:s3] =	stream.indirect.scatter.add.f32 [tilespmem:s21], [sflag:$0x5], $0x80, s15, s20, $0xb8;
	[tilespmem:$0x1FB80] =	vst v63  }
0x105: {  	_ =	swait.ge [sflag:s14], $0x3800  }
0x106: {  	s10 =	sadd.s32 $0xFFFFF660, s5;
	[sflag:s14] =	ssyncset.done $0x0  }
0x107: {  	s30 =	sadd.s32 $0xFFFFF660, s0;
	s22 =	sadd.s32 $0x9BC, s10;
	[sflag:s14] =	ssyncadd.s32 $0xFFFFC800  }
0x108: {  	[tilespmem:s4], [sflag:$0x1] =	stream.linear.gather [hbm4b:s22+s4], $0x70, $0x38;
	[tilespmem:$0x1FB80] =	vst v63  }
0x109: {  	s31 =	sadd.s32 $0x9BC, s30  }
0x10a: {  	[tilespmem:s15], [sflag:$0x1] =	stream.linear.gather [hbm4b:s31+s4], $0x70, $0x38;
	[tilespmem:$0x1FB80] =	vst v63  }
0x10b: {  	_ =	swait.ge [sflag:s9], $0x3800  }
0x10c: {  	[sflag:s9] =	ssyncset.done $0x0  }
0x10d: {  	[sflag:s9] =	ssyncadd.s32 $0xFFFFC800  }
0x10e: {  	[spmem:s3] =	stream.indirect.scatter.add.f32 [tilespmem:s7], [sflag:$0x5], $0x80, s18, s20, $0xb8;
	[tilespmem:$0x1FB80] =	vst v63  }
0x10f: {  	_ =	swait.ge [sflag:s14], $0x3800  }
0x110: {  	[sflag:s14] =	ssyncset.done $0x0  }
0x111: {  	s10 =	sadd.s32 $0x9CA, s10;
	[sflag:s14] =	ssyncadd.s32 $0xFFFFC800  }
0x112: {  	[tilespmem:s16], [sflag:$0x2] =	stream.linear.gather [hbm4b:s10+s4], $0x70, $0x38;
	[tilespmem:$0x1FB80] =	vst v63  }
0x113: {  	s31 =	sadd.s32 $0x9CA, s30  }
0x114: {  	[tilespmem:s18], [sflag:$0x2] =	stream.linear.gather [hbm4b:s31+s4], $0x70, $0x38;
	[tilespmem:$0x1FB80] =	vst v63  }
0x115: {  	_ =	swait.ge [sflag:s19], $0x70  }
0x116: {  	[sflag:s19] =	ssyncset.done $0x0  }
0x117: {  	[sflag:s19] =	ssyncadd.s32 $0xFFFFFF90  }
0x118: {  	_ =	swait.ge [sflag:s19], $0x70  }
0x119: {  	[sflag:s19] =	ssyncset.done $0x0  }
0x11a: {  	[sflag:s19] =	ssyncadd.s32 $0xFFFFFF90  }
0x11b: {  	[tilespmem:s21], [sflag:$0x3] =	stream.indirect.gather [hbm4b:s2+s20], $0x80, s4, s20, $0xb8;
	[tilespmem:$0x1FB80] =	vst v63  }
0x11c: {  	_ =	swait.ge [sflag:s6], $0x70  }
0x11d: {  	[sflag:s6] =	ssyncset.done $0x0  }
0x11e: {  	[sflag:s6] =	ssyncadd.s32 $0xFFFFFF90  }
0x11f: {  	_ =	swait.ge [sflag:s6], $0x70  }
0x120: {  	s30 =	simm.s32 $0xFFFFF67C;
	[sflag:s6] =	ssyncset.done $0x0  }
.LBB2_3:
0x121: {  	p1 =	seq.s32 s30, $0xFFFFFFE4  }
0x122: {  	[sflag:s6] =	ssyncadd.s32 $0xFFFFFF90;
	s10 =	smov.u32 s30;
	s30 =	sadd.s32 $0x1C, s30  }
0x123: {  	[tilespmem:s7], [sflag:$0x4] =	stream.indirect.gather [hbm4b:s2+s20], $0x80, s16, s20, $0xb8;
	[tilespmem:$0x1FB80] =	vst v63  }
0x124: {  	_ =	swait.ge [sflag:s8], $0x3800  }
0x125: {  	[sflag:s8] =	ssyncset.done $0x0  }
0x126: {  	[sflag:s8] =	ssyncadd.s32 $0xFFFFC800  }
0x127: {  	[spmem:s3] =	stream.indirect.scatter.add.f32 [tilespmem:s21], [sflag:$0x5], $0x80, s15, s20, $0xb8;
	[tilespmem:$0x1FB80] =	vst v63  }
0x128: {  	_ =	swait.ge [sflag:s14], $0x3800  }
0x129: {  	s22 =	sadd.s32 s10, s5;
	[sflag:s14] =	ssyncset.done $0x0  }
0x12a: {  	s10 =	sadd.s32 s10, s0;
	s31 =	sadd.s32 $0x9BC, s22;
	[sflag:s14] =	ssyncadd.s32 $0xFFFFC800  }
0x12b: {  	[tilespmem:s4], [sflag:$0x1] =	stream.linear.gather [hbm4b:s31+s4], $0x70, $0x38;
	[tilespmem:$0x1FB80] =	vst v63  }
0x12c: {  	s31 =	sadd.s32 $0x9BC, s10  }
0x12d: {  	[tilespmem:s15], [sflag:$0x1] =	stream.linear.gather [hbm4b:s31+s4], $0x70, $0x38;
	[tilespmem:$0x1FB80] =	vst v63  }
0x12e: {  	_ =	swait.ge [sflag:s9], $0x3800  }
0x12f: {  	[sflag:s9] =	ssyncset.done $0x0  }
0x130: {  	[sflag:s9] =	ssyncadd.s32 $0xFFFFC800  }
0x131: {  	[spmem:s3] =	stream.indirect.scatter.add.f32 [tilespmem:s7], [sflag:$0x5], $0x80, s18, s20, $0xb8;
	[tilespmem:$0x1FB80] =	vst v63  }
0x132: {  	_ =	swait.ge [sflag:s14], $0x3800  }
0x133: {  	[sflag:s14] =	ssyncset.done $0x0  }
0x134: {  	s22 =	sadd.s32 $0x9CA, s22;
	[sflag:s14] =	ssyncadd.s32 $0xFFFFC800  }
0x135: {  	[tilespmem:s16], [sflag:$0x2] =	stream.linear.gather [hbm4b:s22+s4], $0x70, $0x38;
	[tilespmem:$0x1FB80] =	vst v63  }
0x136: {  	s10 =	sadd.s32 $0x9CA, s10  }
0x137: {  	[tilespmem:s18], [sflag:$0x2] =	stream.linear.gather [hbm4b:s10+s4], $0x70, $0x38;
	[tilespmem:$0x1FB80] =	vst v63  }
0x138: {  	_ =	swait.ge [sflag:s19], $0x70  }
0x139: {  	[sflag:s19] =	ssyncset.done $0x0  }
0x13a: {  	[sflag:s19] =	ssyncadd.s32 $0xFFFFFF90  }
0x13b: {  	_ =	swait.ge [sflag:s19], $0x70  }
0x13c: {  	[sflag:s19] =	ssyncset.done $0x0  }
0x13d: {  	[sflag:s19] =	ssyncadd.s32 $0xFFFFFF90  }
0x13e: {  	[tilespmem:s21], [sflag:$0x3] =	stream.indirect.gather [hbm4b:s2+s20], $0x80, s4, s20, $0xb8;
	[tilespmem:$0x1FB80] =	vst v63  }
.Ltmp5:
0x13f: {  	_ =	swait.ge [sflag:s6], $0x70;
	(pc) =	sbr.rel @!p1 .LBB2_3-.Ltmp5, $4  }
0x140: {  	[sflag:s6] =	ssyncset.done $0x0  }
0x141: {  	[sflag:s6] =	ssyncadd.s32 $0xFFFFFF90  }
0x142: {  	_ =	swait.ge [sflag:s6], $0x70  }
0x143: {  	[sflag:s6] =	ssyncset.done $0x0  }
.Ltmp6:
0x144: {  	(pc) =	sbr.rel .LBB2_8-.Ltmp6, $4  }
0x145: {  	_ = 	snop  }
0x146: {  	s22 =	rddreg [dreg:$0x7]  }
0x147: {  	s10 =	rddreg [dreg:$0x8]  }
0x148: {  	[sflag:s6] =	ssyncadd.s32 $0xFFFFFF90;
	s31 =	smov.u32 s2;
	s30 =	rddreg [dreg:$0xa]  }
.LBB2_9:
0x149: {  	_ =	sfence.sel $0x180000  }
0x14a: {  	[bflag:$0x0] =	sbarrier.arrive $0xFFFF  }
0x14b: {  	_ =	strace $0x9000004A  }
0x14c: {  	s0 =	stileid.u32;
	[bflag:$0x2] =	sbarrier.arrive $0xFFFF  }
0x14d: {  	p0 =	sne.s32 s0, $0x0;
	s0 =	rddreg [dreg:$0x4]  }
0x14e: {  	s0 =	sadd.s32 @!p0 $0x100000, s0  }
0x14f: {  	[sflag:s0] =	ssyncadd.tile.s32 @!p0 $0x1;
	_ =	shalt  }
.Lfunc_end2:
_tile_overlayer_lowered:
.L_overlay_start_2:
0x150: {  	(tag) =	ssettag $0x2  }
0x151: {  	s0 =	rddreg [dreg:$0x0];
	s2 =	stileid.u32  }
0x152: {  	s1 =	rddreg [dreg:$0x1];
	p0 =	sne.s32 s2, $0x0  }
0x153: {  	s3 =	rddreg [dreg:$0x2];
	[bflag:$0x3] =	sbarrier.arrive $0xFFFF;
	s2 =	simm.s32 @!p0 $0x1C05  }
0x154: {  	[timem:s3], [sflag:s2] =	dma.local @!p0 [hbm:s0], s1  }
0x155: {  	s0 =	simm.s32 @!p0 $0x5  }
0x156: {  	_ =	swait.ge @!p0 [sflag:s0], s1  }
0x157: {  	s1 =	ssub.s32 @!p0 $0x0, s1;
	[sflag:s0] =	ssyncset.done @!p0 $0x0  }
0x158: {  	[sflag:s0] =	ssyncadd.s32 @!p0 s1  }
0x159: {  	[bflag:$0x3] =	sbarrier.arrive $0xFFFF  }
0x15a: {  	_ =	shalt  }

// kernel: kernel.7.cloned.1.call-start
scs
__scs_entry_jumppad:
0x0: {  	(pc) =	sbr.rel $0x88, $3  }
0x1: {  	(tag) =	ssettag $0x0;
	lr =	simm.s32 $0x1  }
0x2: {  	[smem:$0x3F8D] =	sst lr;
	_ =	strace $0xD0000000  }
0x3: {  	_ = 	snop  }
0x4: {  	_ = 	snop  }
0x5: {  	_ = 	snop  }
0x6: {  	_ = 	snop  }
0x7: {  	_ = 	snop  }
__scs_overlays_trampoline_lowered:
0x8: {  	[smem:$0x3F9C] =	sst s0  }
0x9: {  	[smem:$0x3F9D] =	sst s1  }
0xa: {  	[smem:$0x3F9E] =	sst s2  }
0xb: {  	[smem:$0x3F9F] =	sst s3  }
0xc: {  	[smem:$0x3FA0] =	sst s4  }
0xd: {  	[smem:$0x3FA1] =	sst s5  }
0xe: {  	[smem:$0x3FA2] =	sst s6  }
0xf: {  	[smem:$0x3FA3] =	sst s7  }
0x10: {  	[smem:$0x3FA4] =	sst s8  }
0x11: {  	[smem:$0x3FA5] =	sst s9;
	s0 =	simm.s32 @!p0 $0x0  }
0x12: {  	s1 =	sld [smem:$0x3F8B];
	s0 =	simm.s32 @p0 $0x1  }
0x13: {  	[smem:$0x3FA6] =	sst s0;
	s0 =	simm.s32 @!p1 $0x0  }
0x14: {  	s2 =	sld [smem:$0x3F8A];
	s0 =	simm.s32 @p1 $0x1  }
0x15: {  	[smem:$0x3FA7] =	sst s0;
	s0 =	simm.s32 @!p2 $0x0  }
0x16: {  	s3 =	sld [smem:$0x3FDB];
	s0 =	simm.s32 @p2 $0x1  }
0x17: {  	s4 =	simm.s32 $0x1BF5;
	[smem:$0x3FA9] =	sst s0  }
0x18: {  	s0 =	sld [smem:$0x3F8C];
	_ =	swait.ge [sflag:s4], $0x0  }
0x19: {  	s7 =	sld [smem:$0x3F8D]  }
0x1a: {  	s8 =	sadd.s32 $0xFFFFE003, lr  }
0x1b: {  	s9 =	sadd.s32 $0xFFFFFEF7, lr;
	s5 =	simm.s32 $0xFFFFFFFF;
	p2 =	slt.u32 s8, $0xFFFFF086  }
0x1c: {  	p1 =	slt.u32 s9, $0xF7A;
	s5 =	simm.s32 @!p2 $0x0  }
0x1d: {  	s5 =	simm.s32 @p1 $0x1;
	p0 =	seq.s32 s7, s2  }
0x1e: {  	s7 =	smul.u32 @!p0 $0xF7A, s2;
	p2 =	seq.s32 @!p0 s5, $0x0  }
0x1f: {  	s9 =	smul.u32 $0xF7A, s1;
	s8 =	simm.s32 @!p0 $0x1BF5;
	p2 =	por !p2, p0  }
0x20: {  	[sflag:s8] =	ssyncset.s32 @!p0 $0xFFFFF086;
	s6 =	sadd.s32 @!p0 s3, s7;
	s7 =	simm.s32 @!p0 $0x108  }
0x21: {  	s3 =	sadd.s32 s3, s9;
	s6 =	sadd.s32 @!p0 $0x88, s6;
	s7 =	simm.s32 @p2 $0x1082  }
0x22: {  	[simem:s7], [sflag:s8] =	dma.local @!p0 [hbm:s6], $0xF7A  }
0x23: {  	s9 =	sor.u32 $0xD0000000, s2;
	s6 =	simm.s32 $0x108;
	_ =	swait.ge @!p0 [sflag:s8], $0x0  }
0x24: {  	s3 =	sadd.s32 $0x88, s3;
	s6 =	simm.s32 @!p1 $0x1082;
	[sflag:s4] =	ssyncset.s32 $0xFFFFF086  }
0x25: {  	[simem:s6], [sflag:s4] =	dma.local [hbm:s3], $0xF7A  }
0x26: {  	[smem:$0x3F8D] =	sst s1;
	(tag) =	ssettag s2;
	_ =	strace s9  }
0x27: {  	s1 =	sld [smem:$0x3F9D]  }
0x28: {  	s2 =	sld [smem:$0x3F9E]  }
0x29: {  	s4 =	sld [smem:$0x3FA0]  }
0x2a: {  	p0 =	seq.s32 s5, $0x0;
	s5 =	sld [smem:$0x3FA1]  }
0x2b: {  	s6 =	sld [smem:$0x3FA2]  }
0x2c: {  	s7 =	sld [smem:$0x3FA3]  }
0x2d: {  	s3 =	simm.s32 $0x108;
	s8 =	sld [smem:$0x3FA4]  }
0x2e: {  	s3 =	simm.s32 @!p0 $0x1082;
	s9 =	sld [smem:$0x3FA5]  }
0x2f: {  	lr =	sadd.s32 s0, s3;
	s0 =	sld [smem:$0x3F9C]  }
0x30: {  	s3 =	sld [smem:$0x3F9F]  }
0x31: {  	[smem:$0x3FA8] =	sst s10  }
0x32: {  	s10 =	sld [smem:$0x3FA6];
	_ =	sdelay $0x3  }
0x33: {  	p0 =	seq.s32 s10, $0x1;
	s10 =	sld [smem:$0x3FA8];
	_ =	sdelay $0x3  }
0x34: {  	[smem:$0x3FA8] =	sst s10  }
0x35: {  	s10 =	sld [smem:$0x3FA7];
	_ =	sdelay $0x3  }
0x36: {  	p1 =	seq.s32 s10, $0x1;
	s10 =	sld [smem:$0x3FA8];
	_ =	sdelay $0x3  }
0x37: {  	[smem:$0x3FA8] =	sst s10  }
0x38: {  	s10 =	sld [smem:$0x3FA9]  }
0x39: {  	_ = 	snop;
	(pc) =	sbr.ind lr, $3  }
0x3a: {  	_ = 	snop  }
0x3b: {  	_ = 	snop  }
0x3c: {  	p2 =	seq.s32 s10, $0x1;
	s10 =	sld [smem:$0x3FA8]  }
0x3d: {  	_ =	shalt  }
0x3e: {  	_ =	shalt  }
0x3f: {  	_ =	shalt  }
0x40: {  	_ =	shalt  }
0x41: {  	_ =	shalt  }
0x42: {  	_ =	shalt  }
0x43: {  	_ =	shalt  }
0x44: {  	_ =	shalt  }
0x45: {  	_ =	shalt  }
0x46: {  	_ =	shalt  }
0x47: {  	_ =	shalt  }
0x48: {  	_ =	shalt  }
0x49: {  	_ =	shalt  }
0x4a: {  	_ =	shalt  }
0x4b: {  	_ =	shalt  }
0x4c: {  	_ =	shalt  }
0x4d: {  	_ =	shalt  }
0x4e: {  	_ =	shalt  }
0x4f: {  	_ =	shalt  }
0x50: {  	_ =	shalt  }
0x51: {  	_ =	shalt  }
0x52: {  	_ =	shalt  }
0x53: {  	_ =	shalt  }
0x54: {  	_ =	shalt  }
0x55: {  	_ =	shalt  }
0x56: {  	_ =	shalt  }
0x57: {  	_ =	shalt  }
0x58: {  	_ =	shalt  }
0x59: {  	_ =	shalt  }
0x5a: {  	_ =	shalt  }
0x5b: {  	_ =	shalt  }
0x5c: {  	_ =	shalt  }
0x5d: {  	_ =	shalt  }
0x5e: {  	_ =	shalt  }
0x5f: {  	_ =	shalt  }
0x60: {  	_ =	shalt  }
0x61: {  	_ =	shalt  }
0x62: {  	_ =	shalt  }
0x63: {  	_ =	shalt  }
0x64: {  	_ =	shalt  }
0x65: {  	_ =	shalt  }
0x66: {  	_ =	shalt  }
0x67: {  	_ =	shalt  }
0x68: {  	_ =	shalt  }
0x69: {  	_ =	shalt  }
0x6a: {  	_ =	shalt  }
0x6b: {  	_ =	shalt  }
0x6c: {  	_ =	shalt  }
0x6d: {  	_ =	shalt  }
0x6e: {  	_ =	shalt  }
0x6f: {  	_ =	shalt  }
0x70: {  	_ =	shalt  }
0x71: {  	_ =	shalt  }
0x72: {  	_ =	shalt  }
0x73: {  	_ =	shalt  }
0x74: {  	_ =	shalt  }
0x75: {  	_ =	shalt  }
0x76: {  	_ =	shalt  }
0x77: {  	_ =	shalt  }
0x78: {  	_ =	shalt  }
0x79: {  	_ =	shalt  }
0x7a: {  	_ =	shalt  }
0x7b: {  	_ =	shalt  }
0x7c: {  	_ =	shalt  }
0x7d: {  	_ =	shalt  }
0x7e: {  	_ =	shalt  }
0x7f: {  	_ =	shalt  }
0x80: {  	_ =	shalt  }
0x81: {  	_ =	shalt  }
0x82: {  	_ =	shalt  }
0x83: {  	_ =	shalt  }
0x84: {  	_ =	shalt  }
0x85: {  	_ =	shalt  }
0x86: {  	_ =	shalt  }
0x87: {  	_ =	shalt  }
.Lfunc_end0:
.L_simem_size_0:
called_computation_lowered:
.L_overlay_start_0:
0x88: {  	s2 =	sld [smem:$0x3FD9]  }
0x89: {  	s3 =	sld [smem:$0x3FFE];
	_ =	sdelay $0x1  }
0x8a: {  	s1 =	srdreg.scid  }
0x8b: {  	s0 =	sand.u32 $0x1, s1  }
0x8c: {  	s14 =	sshll.u32 s0, $0xA;
	s2 =	sadd.s32 s3, s2  }
0x8d: {  	s2 =	sadd.s32 s2, s14  }
0x8e: {  	[smem:$0x3FB4] =	sst s2  }
0x8f: {  	_ = 	snop  }
0x90: {  	s2 =	sld [smem:$0x3FD0];
	_ =	sdelay $0x2  }
0x91: {  	s15 =	simm.s32 $0xA;
	s4 =	simm.s32 $0x10  }
0x92: {  	[smem:s4], [sflag:s15] =	dma.local [hbm:s2], $0x1  }
0x93: {  	_ =	swait.eq [sflag:s15], $0x1  }
0x94: {  	[sflag:s15] =	ssyncset.done $0x0  }
0x95: {  	s16 =	sld [smem:$0x10];
	[sflag:s15] =	ssyncadd.s32 $0xFFFFFFFF  }
0x96: {  	s17 =	sld [smem:$0x11];
	(tm) =	ssettm $0x1  }
0x97: {  	s18 =	sld [smem:$0x3FFB];
	_ =	sdelay $0x3  }
0x98: {  	_ =	strace s18  }
0x99: {  	s4 =	sld [smem:$0x3FFC];
	_ =	sdelay $0x3  }
0x9a: {  	_ =	strace s4  }
0x9b: {  	s4 =	sld [smem:$0x3FFD];
	_ =	sdelay $0x3  }
0x9c: {  	_ =	strace s4  }
0x9d: {  	_ =	strace $0x8FFFFFFF  }
0x9e: {  	s19 =	sld [smem:$0x3FDB];
	_ =	sdelay $0x1  }
0x9f: {  	s5 =	simm.s32 $_scs_section_size  }
0xa0: {  	s6 =	simm.s32 $_size__tile_overlayer_lowered;
	s7 =	simm.s32 $_tile_overlayer_lowered  }
0xa1: {  	s22 =	simm.s32 $0x1BFF;
	s21 =	sshll.u32 s7, $0x1;
	s4 =	sadd.s32 s5, s19  }
0xa2: {  	s8 =	simm.s32 $0x0;
	s20 =	sshll.u32 s6, $0x1;
	s6 =	sadd.s32 s21, s4  }
0xa3: {  	[timem:s8], [sflag:s22] =	dma.local [hbm:s6], s20  }
0xa4: {  	_ =	swait.ge [sflag:s22], s20  }
0xa5: {  	s5 =	ssub.s32 $0x0, s20;
	[sflag:s22] =	ssyncset.done $0x0  }
0xa6: {  	[sflag:s22] =	ssyncadd.s32 s5;
	_ =	sdelay $0x1  }
0xa7: {  	s23 =	simm.s32 $0x1B8B  }
0xa8: {  	_ =	swait.ge [sflag:s23], $0x1  }
0xa9: {  	[sflag:s23] =	ssyncset.done $0x0  }
0xaa: {  	s25 =	simm.s32 $0x1B8E;
	s24 =	sld [smem:$0x3FFE];
	[sflag:s23] =	ssyncadd.s32 $0xFFFFFFFF  }
0xab: {  	s26 =	simm.s32 $execute0_lowered;
	[smem:$0x3FD2] =	sst s25  }
0xac: {  	s6 =	sshll.u32 s26, $0x1;
	_ =	strace $0x80000046;
	[dreg:$0x1] =	wrdreg $0xFFFFFFFF  }
0xad: {  	s28 =	simm.s32 $_size_execute0_lowered;
	s4 =	sadd.s32 s4, s6;
	[dreg:$0x0] =	wrdreg $0x0  }
0xae: {  	s6 =	sshll.u32 s28, $0x1;
	[dreg:$0x2] =	wrdreg s4  }
0xaf: {  	[dreg:$0x3] =	wrdreg s6  }
0xb0: {  	[dreg:$0x4] =	wrdreg $0xC0  }
0xb1: {  	_ =	task [dreg:s8], $0x5FFFF  }
0xb2: {  	[dreg:$0x1] =	wrdreg $0xFFFFFFFF  }
0xb3: {  	[dreg:$0x0] =	wrdreg $0x60  }
0xb4: {  	[dreg:$0x2] =	wrdreg s17  }
0xb5: {  	[dreg:$0x3] =	wrdreg s16  }
0xb6: {  	[dreg:$0x4] =	wrdreg s24  }
0xb7: {  	[dreg:$0x5] =	wrdreg $0xC3000  }
0xb8: {  	[dreg:$0x6] =	wrdreg $0x9  }
0xb9: {  	_ =	task.clear_ibuf [dreg:s8], $0x7FFFF;
	_ =	strace $0x90000046  }
0xba: {  	s29 =	simm.s32 $0x9;
	_ =	strace $0x80000048  }
0xbb: {  	_ =	swait.ge [sflag:s29], $0x1  }
0xbc: {  	[sflag:s29] =	ssyncadd.s32 $0xFFFFFFFF  }
0xbd: {  	_ =	strace $0x90000048  }
0xbe: {  	_ =	sfence  }
0xbf: {  	s30 =	sld [smem:$0x0];
	_ =	sdelay $0x2  }
0xc0: {  	s31 =	sshll.u32 s1, $0xD;
	s1 =	sshrl.u32 s1, $0x2  }
0xc1: {  	s3 =	sand.u32 $0x4000, s31;
	s1 =	sadd.s32 s1, s30  }
0xc2: {  	s0 =	sor.u32 s3, s0;
	s1 =	sshll.u32 s1, $0x11  }
0xc3: {  	s0 =	sor.u32 s1, s0  }
0xc4: {  	s0 =	sadd.s32 $0x8F2B, s0  }
0xc5: {  	[sflag:s0] =	ssyncadd.remote.s32 $0x1  }
0xc6: {  	_ =	sfence.sel $0xFFFF  }
0xc7: {  	[dreg:$0x0] =	wrdreg $0xFFFFFFFF;
	(pc) =	sbr.abs _section_cstart, $3  }
0xc8: {  	[dreg:$0x1] =	wrdreg $0xFFFFFFFF  }
0xc9: {  	_ =	task.clear_ibuf [dreg:s8], $0x2FFFF;
	_ =	strace $0x9FFFFFFF  }
0xca: {  	(tm) =	ssettm $0x7FFFFFFF  }
0xcb: {  	_ =	shalt  }
tec
execute0_lowered:
.L_overlay_start_1:
0x0: {  	(tag) =	ssettag $0x1  }
0x1: {  	s1 =	rddreg [dreg:$0x0]  }
0x2: {  	s2 =	rddreg [dreg:$0x1]  }
0x3: {  	s0 =	rddreg [dreg:$0x2]  }
0x4: {  	s3 =	rddreg [dreg:$0x3];
	s4 =	simm.s32 $0x0;
	s5 =	srdreg.scid  }
0x5: {  	s14 =	stileid.u32;
	[smem:$0x7FF] =	sst s4;
	s5 =	sand.u32 $0x1, s5  }
0x6: {  	s6 =	sadd.s32 $0x19200, s0;
	s8 =	sadd.s32 $0x23000, s0;
	s10 =	smul.u32 $0x4E20, s14  }
0x7: {  	s11 =	sadd.s32 $0xF400, s0;
	s12 =	sadd.s32 $0x5600, s0;
	s17 =	smul.u32 $0x280, s14  }
0x8: {  	s14 =	smul.u32 $0x9C4, s14;
	_ =	strace $0x80000047;
	s7 =	ssub.s32 $0x2, s5  }
0x9: {  	p0 =	seq.s32 s5, $0x1;
	s9 =	sshrl.u32 s7, $0x1;
	s19 =	sshrl.u32 s10, $0x3  }
0xa: {  	s18 =	sadd.s32 s14, s12;
	s17 =	smin.u32 s17, $0x2490;
	s7 =	ssub.s32 s7, s9  }
0xb: {  	s10 =	sadd.s32 s11, s19;
	s20 =	sadd.s32 s12, s19;
	s21 =	sadd.s32 $0xE, s19  }
0xc: {  	s23 =	sadd.s32 $0x9BC, s19;
	s25 =	sadd.s32 s6, s19;
	[dreg:$0x5] =	wrdreg s10  }
0xd: {  	s5 =	sadd.s32 s8, s19;
	s19 =	sadd.s32 s14, s11;
	[dreg:$0x6] =	wrdreg s20  }
0xe: {  	s9 =	sadd.s32 $0x55200, s0;
	s13 =	sadd.s32 s11, s21;
	[dreg:$0xb] =	wrdreg s25  }
0xf: {  	s22 =	sadd.s32 s12, s21;
	s15 =	sadd.s32 s11, s23;
	[dreg:$0xc] =	wrdreg s5  }
0x10: {  	s24 =	sadd.s32 s12, s23;
	s26 =	sadd.s32 s6, s21;
	[dreg:$0x7] =	wrdreg s13  }
0x11: {  	s10 =	sadd.s32 s8, s21;
	s16 =	sadd.s32 s8, s23;
	[dreg:$0x8] =	wrdreg s22  }
0x12: {  	s20 =	sadd.s32 s14, s8;
	s21 =	sadd.s32 s14, s6;
	[dreg:$0x9] =	wrdreg s15  }
0x13: {  	s25 =	sshll.u32 s17, $0x7;
	s7 =	smax.u32 s7, $0x1;
	[dreg:$0xa] =	wrdreg s24  }
0x14: {  	s12 =	sadd.s32 $0x1E0, s17;
	s5 =	sshll.u32 s17, $0x4;
	[dreg:$0xd] =	wrdreg s26  }
0x15: {  	s11 =	simm.s32 $0x3;
	[dreg:$0xe] =	wrdreg s10;
	s15 =	sadd.s32 s6, s23  }
0x16: {  	[dreg:$0x10] =	wrdreg s16;
	s22 =	sadd.s32 $0x2CE00, s0;
	s23 =	sadd.s32 $0x2D800, s0  }
0x17: {  	s6 =	sadd.s32 $0x2E000, s0;
	s24 =	sadd.s32 $0x7C400, s0;
	[dreg:$0x14] =	wrdreg s7  }
0x18: {  	s0 =	sadd.s32 $0xA3600, s0;
	s28 =	sadd.s32 s25, s3;
	[dreg:$0x15] =	wrdreg s5  }
0x19: {  	s26 =	sadd.s32 $0xA0, s17;
	s10 =	sadd.s32 $0x140, s17;
	[dreg:$0xf] =	wrdreg s15  }
0x1a: {  	s14 =	sshll.u32 s12, $0x7;
	s16 =	sshll.u32 s12, $0x4;
	[dreg:$0x11] =	wrdreg s23  }
0x1b: {  	s12 =	simm.s32 $0x1;
	s7 =	simm.s32 $0x70;
	[dreg:$0x12] =	wrdreg s24  }
0x1c: {  	[dreg:$0x13] =	wrdreg s0;
	s8 =	sshll.u32 s26, $0x7;
	s13 =	sshll.u32 s10, $0x7  }
0x1d: {  	s31 =	sadd.s32 s14, s3;
	s17 =	sadd.s32 s6, s5;
	[dreg:$0x18] =	wrdreg s16  }
0x1e: {  	s0 =	sshll.u32 s26, $0x4;
	s5 =	sadd.s32 s9, s5;
	[dreg:$0x19] =	wrdreg s17  }
0x1f: {  	s15 =	sshll.u32 s10, $0x4;
	s26 =	sadd.s32 s9, s16;
	[dreg:$0x1d] =	wrdreg s5  }
0x20: {  	s14 =	simm.s32 $0x7200;
	s10 =	simm.s32 $0x180;
	[dreg:$0x16] =	wrdreg s0  }
0x21: {  	s29 =	sadd.s32 s8, s3;
	s30 =	sadd.s32 s13, s3;
	[dreg:$0x17] =	wrdreg s15  }
0x22: {  	s23 =	sadd.s32 s6, s0;
	s24 =	sadd.s32 s6, s15;
	[smem:$0x7FD] =	sst s26  }
0x23: {  	s6 =	sadd.s32 s6, s16;
	s0 =	sadd.s32 s9, s0;
	[dreg:$0x1a] =	wrdreg s23  }
.Ltmp0:
0x24: {  	s25 =	sadd.s32 s9, s15;
	[dreg:$0x1b] =	wrdreg s24;
	(pc) =	sbr.rel .LBB2_1-.Ltmp0, $4  }
0x25: {  	s16 =	simm.s32 $0x5;
	s9 =	simm.s32 $0x200;
	[dreg:$0x1c] =	wrdreg s6  }
0x26: {  	s13 =	simm.s32 $0x2;
	s15 =	simm.s32 $0x3A00;
	[dreg:$0x1e] =	wrdreg s0  }
0x27: {  	s26 =	simm.s32 $0xC280;
	[dreg:$0x1f] =	wrdreg s25;
	s24 =	simm.s32 $0x100  }
0x28: {  	s25 =	simm.s32 $0x80;
	s23 =	simm.s32 $0x4;
	s0 =	simm.s32 $0x0  }
.LBB2_11:
0x29: {  	s6 =	rddreg [dreg:$0x10]  }
0x2a: {  	[sflag:s13] =	ssyncadd.s32 $0xFFFFFF90;
	s5 =	rddreg [dreg:$0x13]  }
.LBB2_12:
0x2b: {  	[spmem:s3] =	stream.indirect.scatter.add.f32 [tilespmem:s9], [sflag:$0x5], $0x80, s24, s7, $0xb8;
	[tilespmem:$0x1FB80] =	vst v63  }
0x2c: {  	_ =	swait.ge [sflag:s16], $0x3800  }
0x2d: {  	[sflag:s16] =	ssyncset.done $0x0  }
0x2e: {  	[sflag:s16] =	ssyncadd.s32 $0xFFFFC800  }
0x2f: {  	[spmem:s3] =	stream.indirect.scatter.add.f32 [tilespmem:s9], [sflag:$0x5], $0x80, s10, s7, $0xb8;
	[tilespmem:$0x1FB80] =	vst v63  }
0x30: {  	_ =	swait.ge [sflag:s16], $0x3800  }
0x31: {  	[sflag:s16] =	ssyncset.done $0x0  }
0x32: {  	[sflag:s16] =	ssyncadd.s32 $0xFFFFC800  }
0x33: {  	[tilespmem:s26], [sflag:$0x5] =	stream.linear.gather [hbm4b:s6+s4], $0x40, $0x38;
	[tilespmem:$0x1FB80] =	vst v63  }
0x34: {  	_ =	swait.ge [sflag:s16], $0x40  }
0x35: {  	[sflag:s16] =	ssyncset.done $0x0  }
0x36: {  	[sflag:s16] =	ssyncadd.s32 $0xFFFFFFC0  }
0x37: {  	[spmem:s3] =	stream.indirect.scatter.add.f32 [tilespmem:s9], [sflag:$0x5], $0x80, s26, s17, $0xb8;
	[tilespmem:$0x1FB80] =	vst v63  }
0x38: {  	_ =	swait.ge [sflag:s16], $0x2000  }
0x39: {  	[sflag:s16] =	ssyncset.done $0x0  }
0x3a: {  	[sflag:s16] =	ssyncadd.s32 $0xFFFFE000  }
0x3b: {  	[bflag:$0x0] =	sbarrier.arrive $0xFFFF  }
0x3c: {  	[tilespmem:s14], [sflag:$0x5] =	stream.linear.gather [spmem:s28], $0x5000, $0x38;
	[tilespmem:$0x1FB80] =	vst v63  }
0x3d: {  	_ =	swait.ge [sflag:s16], $0x5000  }
0x3e: {  	[sflag:s16] =	ssyncset.done $0x0;
	s8 =	rddreg [dreg:$0x15]  }
0x3f: {  	s6 =	sadd.s32 s5, s8;
	[sflag:s16] =	ssyncadd.s32 $0xFFFFB000  }
0x40: {  	[hbm4b:s6+s4] =	stream.linear.scatter [tilespmem:s14], [sflag:$0x5], $0x5000, $0x38;
	[tilespmem:$0x1FB80] =	vst v63  }
0x41: {  	_ =	swait.ge [sflag:s16], $0x5000  }
0x42: {  	[sflag:s16] =	ssyncset.done $0x0  }
0x43: {  	[sflag:s16] =	ssyncadd.s32 $0xFFFFB000  }
0x44: {  	[tilespmem:s14], [sflag:$0x5] =	stream.linear.gather [spmem:s29], $0x5000, $0x38;
	[tilespmem:$0x1FB80] =	vst v63  }
0x45: {  	_ =	swait.ge [sflag:s16], $0x5000  }
0x46: {  	[sflag:s16] =	ssyncset.done $0x0;
	s17 =	rddreg [dreg:$0x16]  }
0x47: {  	s6 =	sadd.s32 s5, s17;
	[sflag:s16] =	ssyncadd.s32 $0xFFFFB000  }
0x48: {  	[hbm4b:s6+s4] =	stream.linear.scatter [tilespmem:s14], [sflag:$0x5], $0x5000, $0x38;
	[tilespmem:$0x1FB80] =	vst v63  }
0x49: {  	_ =	swait.ge [sflag:s16], $0x5000  }
0x4a: {  	[sflag:s16] =	ssyncset.done $0x0  }
0x4b: {  	[sflag:s16] =	ssyncadd.s32 $0xFFFFB000  }
0x4c: {  	[tilespmem:s14], [sflag:$0x5] =	stream.linear.gather [spmem:s30], $0x5000, $0x38;
	[tilespmem:$0x1FB80] =	vst v63  }
0x4d: {  	_ =	swait.ge [sflag:s16], $0x5000  }
0x4e: {  	[sflag:s16] =	ssyncset.done $0x0;
	s8 =	rddreg [dreg:$0x17]  }
0x4f: {  	s6 =	sadd.s32 s5, s8;
	[sflag:s16] =	ssyncadd.s32 $0xFFFFB000  }
0x50: {  	[hbm4b:s6+s4] =	stream.linear.scatter [tilespmem:s14], [sflag:$0x5], $0x5000, $0x38;
	[tilespmem:$0x1FB80] =	vst v63  }
0x51: {  	_ =	swait.ge [sflag:s16], $0x5000  }
0x52: {  	[sflag:s16] =	ssyncset.done $0x0  }
0x53: {  	[sflag:s16] =	ssyncadd.s32 $0xFFFFB000  }
0x54: {  	[tilespmem:s14], [sflag:$0x5] =	stream.linear.gather [spmem:s31], $0x5000, $0x38;
	[tilespmem:$0x1FB80] =	vst v63  }
0x55: {  	_ =	swait.ge [sflag:s16], $0x5000  }
0x56: {  	[sflag:s16] =	ssyncset.done $0x0;
	s17 =	rddreg [dreg:$0x18]  }
0x57: {  	s8 =	sadd.s32 s5, s17;
	[sflag:s16] =	ssyncadd.s32 $0xFFFFB000  }
0x58: {  	[hbm4b:s8+s4] =	stream.linear.scatter [tilespmem:s14], [sflag:$0x5], $0x5000, $0x38;
	[tilespmem:$0x1FB80] =	vst v63  }
0x59: {  	_ =	swait.ge [sflag:s16], $0x5000  }
0x5a: {  	s0 =	sadd.s32 $0x1, s0;
	s17 =	rddreg [dreg:$0x14]  }
0x5b: {  	p1 =	sne.s32 s0, s17  }
.Ltmp1:
0x5c: {  	_ = 	snop;
	(pc) =	sbr.rel @!p1 .LBB2_13-.Ltmp1, $3  }
0x5d: {  	_ =	sdelay $0x1  }
0x5e: {  	[sflag:s16] =	ssyncset.done $0x0  }
0x5f: {  	[sflag:s16] =	ssyncadd.s32 $0xFFFFB000  }
.LBB2_1:
.Ltmp2:
0x60: {  	(pc) =	sbr.rel @!p0 .LBB2_2-.Ltmp2, $4  }
0x61: {  	[tilespmem:s14], [sflag:$0x5] =	stream.linear.gather [hbm4b:s22+s4], $0x5000, $0x38;
	[tilespmem:$0x1FB80] =	vst v63  }
0x62: {  	_ =	swait.ge [sflag:s16], $0x5000  }
0x63: {  	[sflag:s16] =	ssyncset.done $0x0  }
0x64: {  	[sflag:s16] =	ssyncadd.s32 $0xFFFFB000  }
0x65: {  	[spmem:s28] =	stream.linear.scatter [tilespmem:s14], [sflag:$0x5], $0x5000, $0x38;
	[tilespmem:$0x1FB80] =	vst v63  }
0x66: {  	_ =	swait.ge [sflag:s16], $0x5000  }
0x67: {  	[sflag:s16] =	ssyncset.done $0x0  }
0x68: {  	[sflag:s16] =	ssyncadd.s32 $0xFFFFB000  }
0x69: {  	[spmem:s29] =	stream.linear.scatter [tilespmem:s14], [sflag:$0x5], $0x5000, $0x38;
	[tilespmem:$0x1FB80] =	vst v63  }
0x6a: {  	_ =	swait.ge [sflag:s16], $0x5000  }
0x6b: {  	[sflag:s16] =	ssyncset.done $0x0  }
0x6c: {  	[sflag:s16] =	ssyncadd.s32 $0xFFFFB000  }
0x6d: {  	[spmem:s30] =	stream.linear.scatter [tilespmem:s14], [sflag:$0x5], $0x5000, $0x38;
	[tilespmem:$0x1FB80] =	vst v63  }
0x6e: {  	_ =	swait.ge [sflag:s16], $0x5000  }
0x6f: {  	[sflag:s16] =	ssyncset.done $0x0  }
0x70: {  	[sflag:s16] =	ssyncadd.s32 $0xFFFFB000  }
0x71: {  	[spmem:s31] =	stream.linear.scatter [tilespmem:s14], [sflag:$0x5], $0x5000, $0x38;
	[tilespmem:$0x1FB80] =	vst v63  }
0x72: {  	_ =	swait.ge [sflag:s16], $0x5000  }
0x73: {  	[sflag:s16] =	ssyncset.done $0x0  }
0x74: {  	[sflag:s16] =	ssyncadd.s32 $0xFFFFB000  }
0x75: {  	[bflag:$0x0] =	sbarrier.arrive $0xFFFF  }
0x76: {  	s5 =	rddreg [dreg:$0xb]  }
0x77: {  	[tilespmem:s4], [sflag:$0x1] =	stream.linear.gather [hbm4b:s5+s4], $0x70, $0x38;
	[tilespmem:$0x1FB80] =	vst v63  }
0x78: {  	s17 =	rddreg [dreg:$0xc]  }
0x79: {  	[tilespmem:s24], [sflag:$0x1] =	stream.linear.gather [hbm4b:s17+s4], $0x70, $0x38;
	[tilespmem:$0x1FB80] =	vst v63  }
0x7a: {  	s6 =	rddreg [dreg:$0xd]  }
0x7b: {  	[tilespmem:s25], [sflag:$0x2] =	stream.linear.gather [hbm4b:s6+s4], $0x70, $0x38;
	[tilespmem:$0x1FB80] =	vst v63  }
0x7c: {  	s8 =	rddreg [dreg:$0xe]  }
0x7d: {  	[tilespmem:s10], [sflag:$0x2] =	stream.linear.gather [hbm4b:s8+s4], $0x70, $0x38;
	[tilespmem:$0x1FB80] =	vst v63  }
0x7e: {  	_ =	swait.ge [sflag:s12], $0x70  }
0x7f: {  	[sflag:s12] =	ssyncset.done $0x0  }
0x80: {  	[sflag:s12] =	ssyncadd.s32 $0xFFFFFF90  }
0x81: {  	_ =	swait.ge [sflag:s12], $0x70  }
0x82: {  	[sflag:s12] =	ssyncset.done $0x0  }
0x83: {  	[sflag:s12] =	ssyncadd.s32 $0xFFFFFF90  }
0x84: {  	[tilespmem:s9], [sflag:$0x3] =	stream.indirect.gather [hbm4b:s1+s7], $0x80, s4, s7, $0xb8;
	[tilespmem:$0x1FB80] =	vst v63  }
0x85: {  	_ =	swait.ge [sflag:s13], $0x70  }
0x86: {  	[sflag:s13] =	ssyncset.done $0x0  }
0x87: {  	[sflag:s13] =	ssyncadd.s32 $0xFFFFFF90  }
0x88: {  	_ =	swait.ge [sflag:s13], $0x70  }
0x89: {  	[sflag:s13] =	ssyncset.done $0x0  }
0x8a: {  	[sflag:s13] =	ssyncadd.s32 $0xFFFFFF90  }
0x8b: {  	[tilespmem:s15], [sflag:$0x4] =	stream.indirect.gather [hbm4b:s1+s7], $0x80, s25, s7, $0xb8;
	[tilespmem:$0x1FB80] =	vst v63  }
0x8c: {  	_ =	swait.ge [sflag:s11], $0x3800  }
0x8d: {  	[sflag:s11] =	ssyncset.done $0x0  }
0x8e: {  	[sflag:s11] =	ssyncadd.s32 $0xFFFFC800  }
0x8f: {  	[spmem:s3] =	stream.indirect.scatter.add.f32 [tilespmem:s9], [sflag:$0x5], $0x80, s24, s7, $0xb8;
	[tilespmem:$0x1FB80] =	vst v63  }
0x90: {  	_ =	swait.ge [sflag:s16], $0x3800  }
0x91: {  	s5 =	sadd.s32 $0xFFFFF660, s21;
	[sflag:s16] =	ssyncset.done $0x0  }
0x92: {  	s6 =	sadd.s32 $0x9BC, s5;
	s8 =	sadd.s32 $0xFFFFF660, s20;
	[sflag:s16] =	ssyncadd.s32 $0xFFFFC800  }
0x93: {  	[tilespmem:s4], [sflag:$0x1] =	stream.linear.gather [hbm4b:s6+s4], $0x70, $0x38;
	[tilespmem:$0x1FB80] =	vst v63  }
0x94: {  	s17 =	sadd.s32 $0x9BC, s8  }
0x95: {  	[tilespmem:s24], [sflag:$0x1] =	stream.linear.gather [hbm4b:s17+s4], $0x70, $0x38;
	[tilespmem:$0x1FB80] =	vst v63  }
0x96: {  	_ =	swait.ge [sflag:s23], $0x3800  }
0x97: {  	[sflag:s23] =	ssyncset.done $0x0  }
0x98: {  	[sflag:s23] =	ssyncadd.s32 $0xFFFFC800  }
0x99: {  	[spmem:s3] =	stream.indirect.scatter.add.f32 [tilespmem:s15], [sflag:$0x5], $0x80, s10, s7, $0xb8;
	[tilespmem:$0x1FB80] =	vst v63  }
0x9a: {  	_ =	swait.ge [sflag:s16], $0x3800  }
0x9b: {  	[sflag:s16] =	ssyncset.done $0x0  }
0x9c: {  	s5 =	sadd.s32 $0x9CA, s5;
	[sflag:s16] =	ssyncadd.s32 $0xFFFFC800  }
0x9d: {  	[tilespmem:s25], [sflag:$0x2] =	stream.linear.gather [hbm4b:s5+s4], $0x70, $0x38;
	[tilespmem:$0x1FB80] =	vst v63  }
0x9e: {  	s17 =	sadd.s32 $0x9CA, s8  }
0x9f: {  	[tilespmem:s10], [sflag:$0x2] =	stream.linear.gather [hbm4b:s17+s4], $0x70, $0x38;
	[tilespmem:$0x1FB80] =	vst v63  }
0xa0: {  	_ =	swait.ge [sflag:s12], $0x70  }
0xa1: {  	[sflag:s12] =	ssyncset.done $0x0  }
0xa2: {  	[sflag:s12] =	ssyncadd.s32 $0xFFFFFF90  }
0xa3: {  	_ =	swait.ge [sflag:s12], $0x70  }
0xa4: {  	[sflag:s12] =	ssyncset.done $0x0  }
0xa5: {  	[sflag:s12] =	ssyncadd.s32 $0xFFFFFF90  }
0xa6: {  	[tilespmem:s9], [sflag:$0x3] =	stream.indirect.gather [hbm4b:s1+s7], $0x80, s4, s7, $0xb8;
	[tilespmem:$0x1FB80] =	vst v63  }
0xa7: {  	_ =	swait.ge [sflag:s13], $0x70  }
0xa8: {  	[sflag:s13] =	ssyncset.done $0x0  }
0xa9: {  	[sflag:s13] =	ssyncadd.s32 $0xFFFFFF90  }
0xaa: {  	_ =	swait.ge [sflag:s13], $0x70  }
0xab: {  	s5 =	simm.s32 $0xFFFFF67C;
	[sflag:s13] =	ssyncset.done $0x0  }
.LBB2_8:
0xac: {  	p1 =	sne.s32 s5, $0xFFFFFFE4  }
0xad: {  	[sflag:s13] =	ssyncadd.s32 $0xFFFFFF90;
	s6 =	smov.u32 s5;
	s5 =	sadd.s32 $0x1C, s5  }
0xae: {  	[tilespmem:s15], [sflag:$0x4] =	stream.indirect.gather [hbm4b:s1+s7], $0x80, s25, s7, $0xb8;
	[tilespmem:$0x1FB80] =	vst v63  }
0xaf: {  	_ =	swait.ge [sflag:s11], $0x3800  }
0xb0: {  	[sflag:s11] =	ssyncset.done $0x0  }
0xb1: {  	[sflag:s11] =	ssyncadd.s32 $0xFFFFC800  }
0xb2: {  	[spmem:s3] =	stream.indirect.scatter.add.f32 [tilespmem:s9], [sflag:$0x5], $0x80, s24, s7, $0xb8;
	[tilespmem:$0x1FB80] =	vst v63  }
0xb3: {  	_ =	swait.ge [sflag:s16], $0x3800  }
0xb4: {  	s8 =	sadd.s32 s6, s21;
	[sflag:s16] =	ssyncset.done $0x0  }
0xb5: {  	s6 =	sadd.s32 s6, s20;
	s17 =	sadd.s32 $0x9BC, s8;
	[sflag:s16] =	ssyncadd.s32 $0xFFFFC800  }
0xb6: {  	[tilespmem:s4], [sflag:$0x1] =	stream.linear.gather [hbm4b:s17+s4], $0x70, $0x38;
	[tilespmem:$0x1FB80] =	vst v63  }
0xb7: {  	s17 =	sadd.s32 $0x9BC, s6  }
0xb8: {  	[tilespmem:s24], [sflag:$0x1] =	stream.linear.gather [hbm4b:s17+s4], $0x70, $0x38;
	[tilespmem:$0x1FB80] =	vst v63  }
0xb9: {  	_ =	swait.ge [sflag:s23], $0x3800  }
0xba: {  	[sflag:s23] =	ssyncset.done $0x0  }
0xbb: {  	[sflag:s23] =	ssyncadd.s32 $0xFFFFC800  }
0xbc: {  	[spmem:s3] =	stream.indirect.scatter.add.f32 [tilespmem:s15], [sflag:$0x5], $0x80, s10, s7, $0xb8;
	[tilespmem:$0x1FB80] =	vst v63  }
0xbd: {  	_ =	swait.ge [sflag:s16], $0x3800  }
0xbe: {  	[sflag:s16] =	ssyncset.done $0x0  }
0xbf: {  	s8 =	sadd.s32 $0x9CA, s8;
	[sflag:s16] =	ssyncadd.s32 $0xFFFFC800  }
0xc0: {  	[tilespmem:s25], [sflag:$0x2] =	stream.linear.gather [hbm4b:s8+s4], $0x70, $0x38;
	[tilespmem:$0x1FB80] =	vst v63  }
0xc1: {  	s6 =	sadd.s32 $0x9CA, s6  }
0xc2: {  	[tilespmem:s10], [sflag:$0x2] =	stream.linear.gather [hbm4b:s6+s4], $0x70, $0x38;
	[tilespmem:$0x1FB80] =	vst v63  }
0xc3: {  	_ =	swait.ge [sflag:s12], $0x70  }
0xc4: {  	[sflag:s12] =	ssyncset.done $0x0  }
0xc5: {  	[sflag:s12] =	ssyncadd.s32 $0xFFFFFF90  }
0xc6: {  	_ =	swait.ge [sflag:s12], $0x70  }
0xc7: {  	[sflag:s12] =	ssyncset.done $0x0  }
0xc8: {  	[sflag:s12] =	ssyncadd.s32 $0xFFFFFF90  }
0xc9: {  	[tilespmem:s9], [sflag:$0x3] =	stream.indirect.gather [hbm4b:s1+s7], $0x80, s4, s7, $0xb8;
	[tilespmem:$0x1FB80] =	vst v63  }
.Ltmp3:
0xca: {  	_ =	swait.ge [sflag:s13], $0x70;
	(pc) =	sbr.rel @p1 .LBB2_8-.Ltmp3, $4  }
0xcb: {  	[sflag:s13] =	ssyncset.done $0x0  }
0xcc: {  	[sflag:s13] =	ssyncadd.s32 $0xFFFFFF90  }
0xcd: {  	_ =	swait.ge [sflag:s13], $0x70  }
0xce: {  	[sflag:s13] =	ssyncset.done $0x0  }
0xcf: {  	[sflag:s13] =	ssyncadd.s32 $0xFFFFFF90  }
0xd0: {  	[tilespmem:s15], [sflag:$0x4] =	stream.indirect.gather [hbm4b:s1+s7], $0x80, s25, s7, $0xb8;
	[tilespmem:$0x1FB80] =	vst v63  }
0xd1: {  	_ =	swait.ge [sflag:s11], $0x3800  }
0xd2: {  	[sflag:s11] =	ssyncset.done $0x0  }
0xd3: {  	[sflag:s11] =	ssyncadd.s32 $0xFFFFC800  }
0xd4: {  	[spmem:s3] =	stream.indirect.scatter.add.f32 [tilespmem:s9], [sflag:$0x5], $0x80, s24, s7, $0xb8;
	[tilespmem:$0x1FB80] =	vst v63  }
0xd5: {  	_ =	swait.ge [sflag:s16], $0x3800  }
0xd6: {  	[sflag:s16] =	ssyncset.done $0x0  }
0xd7: {  	[sflag:s16] =	ssyncadd.s32 $0xFFFFC800  }
0xd8: {  	_ =	swait.ge [sflag:s23], $0x3800  }
0xd9: {  	[sflag:s23] =	ssyncset.done $0x0  }
0xda: {  	[sflag:s23] =	ssyncadd.s32 $0xFFFFC800  }
0xdb: {  	[spmem:s3] =	stream.indirect.scatter.add.f32 [tilespmem:s15], [sflag:$0x5], $0x80, s10, s7, $0xb8;
	[tilespmem:$0x1FB80] =	vst v63  }
0xdc: {  	_ =	swait.ge [sflag:s16], $0x3800  }
0xdd: {  	[sflag:s16] =	ssyncset.done $0x0  }
0xde: {  	s6 =	simm.s32 $0xC200;
	s5 =	rddreg [dreg:$0xf];
	[sflag:s16] =	ssyncadd.s32 $0xFFFFC800  }
0xdf: {  	[tilespmem:s6], [sflag:$0x5] =	stream.linear.gather [hbm4b:s5+s4], $0x40, $0x38;
	[tilespmem:$0x1FB80] =	vst v63  }
0xe0: {  	_ =	swait.ge [sflag:s16], $0x40  }
0xe1: {  	[sflag:s16] =	ssyncset.done $0x0  }
0xe2: {  	s17 =	rddreg [dreg:$0x10];
	[sflag:s16] =	ssyncadd.s32 $0xFFFFFFC0  }
0xe3: {  	[tilespmem:s26], [sflag:$0x5] =	stream.linear.gather [hbm4b:s17+s4], $0x40, $0x38;
	[tilespmem:$0x1FB80] =	vst v63  }
0xe4: {  	_ =	swait.ge [sflag:s16], $0x40  }
0xe5: {  	[sflag:s16] =	ssyncset.done $0x0  }
0xe6: {  	s17 =	simm.s32 $0x40;
	[sflag:s16] =	ssyncadd.s32 $0xFFFFFFC0  }
0xe7: {  	[tilespmem:s9], [sflag:$0x3] =	stream.indirect.gather [hbm4b:s1+s17], $0x80, s6, s17, $0xb8;
	[tilespmem:$0x1FB80] =	vst v63  }
0xe8: {  	_ =	swait.ge [sflag:s11], $0x2000  }
0xe9: {  	[sflag:s11] =	ssyncset.done $0x0  }
0xea: {  	[sflag:s11] =	ssyncadd.s32 $0xFFFFE000  }
0xeb: {  	[spmem:s3] =	stream.indirect.scatter.add.f32 [tilespmem:s9], [sflag:$0x5], $0x80, s26, s17, $0xb8;
	[tilespmem:$0x1FB80] =	vst v63  }
0xec: {  	_ =	swait.ge [sflag:s16], $0x2000  }
0xed: {  	[sflag:s16] =	ssyncset.done $0x0  }
0xee: {  	[sflag:s16] =	ssyncadd.s32 $0xFFFFE000  }
0xef: {  	[bflag:$0x0] =	sbarrier.arrive $0xFFFF  }
0xf0: {  	[tilespmem:s14], [sflag:$0x5] =	stream.linear.gather [spmem:s28], $0x5000, $0x38;
	[tilespmem:$0x1FB80] =	vst v63  }
0xf1: {  	_ =	swait.ge [sflag:s16], $0x5000  }
0xf2: {  	[sflag:s16] =	ssyncset.done $0x0  }
0xf3: {  	s6 =	rddreg [dreg:$0x1d];
	[sflag:s16] =	ssyncadd.s32 $0xFFFFB000  }
0xf4: {  	[hbm4b:s6+s4] =	stream.linear.scatter [tilespmem:s14], [sflag:$0x5], $0x5000, $0x38;
	[tilespmem:$0x1FB80] =	vst v63  }
0xf5: {  	_ =	swait.ge [sflag:s16], $0x5000  }
0xf6: {  	[sflag:s16] =	ssyncset.done $0x0  }
0xf7: {  	[sflag:s16] =	ssyncadd.s32 $0xFFFFB000  }
0xf8: {  	[tilespmem:s14], [sflag:$0x5] =	stream.linear.gather [spmem:s29], $0x5000, $0x38;
	[tilespmem:$0x1FB80] =	vst v63  }
0xf9: {  	_ =	swait.ge [sflag:s16], $0x5000  }
0xfa: {  	[sflag:s16] =	ssyncset.done $0x0  }
0xfb: {  	s8 =	rddreg [dreg:$0x1e];
	[sflag:s16] =	ssyncadd.s32 $0xFFFFB000  }
0xfc: {  	[hbm4b:s8+s4] =	stream.linear.scatter [tilespmem:s14], [sflag:$0x5], $0x5000, $0x38;
	[tilespmem:$0x1FB80] =	vst v63  }
0xfd: {  	_ =	swait.ge [sflag:s16], $0x5000  }
0xfe: {  	[sflag:s16] =	ssyncset.done $0x0  }
0xff: {  	[sflag:s16] =	ssyncadd.s32 $0xFFFFB000  }
0x100: {  	[tilespmem:s14], [sflag:$0x5] =	stream.linear.gather [spmem:s30], $0x5000, $0x38;
	[tilespmem:$0x1FB80] =	vst v63  }
0x101: {  	_ =	swait.ge [sflag:s16], $0x5000  }
0x102: {  	[sflag:s16] =	ssyncset.done $0x0  }
0x103: {  	s6 =	rddreg [dreg:$0x1f];
	[sflag:s16] =	ssyncadd.s32 $0xFFFFB000  }
0x104: {  	[hbm4b:s6+s4] =	stream.linear.scatter [tilespmem:s14], [sflag:$0x5], $0x5000, $0x38;
	[tilespmem:$0x1FB80] =	vst v63  }
0x105: {  	_ =	swait.ge [sflag:s16], $0x5000  }
0x106: {  	[sflag:s16] =	ssyncset.done $0x0  }
0x107: {  	[sflag:s16] =	ssyncadd.s32 $0xFFFFB000  }
0x108: {  	[tilespmem:s14], [sflag:$0x5] =	stream.linear.gather [spmem:s31], $0x5000, $0x38;
	[tilespmem:$0x1FB80] =	vst v63  }
0x109: {  	_ =	swait.ge [sflag:s16], $0x5000  }
0x10a: {  	s8 =	sld [smem:$0x7FD]  }
0x10b: {  	[sflag:s16] =	ssyncset.done $0x0  }
0x10c: {  	[sflag:s16] =	ssyncadd.s32 $0xFFFFB000  }
0x10d: {  	[hbm4b:s8+s4] =	stream.linear.scatter [tilespmem:s14], [sflag:$0x5], $0x5000, $0x38;
	[tilespmem:$0x1FB80] =	vst v63  }
0x10e: {  	_ =	swait.ge [sflag:s16], $0x5000  }
0x10f: {  	[sflag:s16] =	ssyncset.done $0x0  }
0x110: {  	[sflag:s16] =	ssyncadd.s32 $0xFFFFB000  }
0x111: {  	[tilespmem:s14], [sflag:$0x5] =	stream.linear.gather [hbm4b:s22+s4], $0x5000, $0x38;
	[tilespmem:$0x1FB80] =	vst v63  }
0x112: {  	_ =	swait.ge [sflag:s16], $0x5000  }
0x113: {  	[sflag:s16] =	ssyncset.done $0x0  }
0x114: {  	[sflag:s16] =	ssyncadd.s32 $0xFFFFB000  }
0x115: {  	[spmem:s28] =	stream.linear.scatter [tilespmem:s14], [sflag:$0x5], $0x5000, $0x38;
	[tilespmem:$0x1FB80] =	vst v63  }
0x116: {  	_ =	swait.ge [sflag:s16], $0x5000  }
0x117: {  	[sflag:s16] =	ssyncset.done $0x0  }
0x118: {  	[sflag:s16] =	ssyncadd.s32 $0xFFFFB000  }
0x119: {  	[spmem:s29] =	stream.linear.scatter [tilespmem:s14], [sflag:$0x5], $0x5000, $0x38;
	[tilespmem:$0x1FB80] =	vst v63  }
0x11a: {  	_ =	swait.ge [sflag:s16], $0x5000  }
0x11b: {  	[sflag:s16] =	ssyncset.done $0x0  }
0x11c: {  	[sflag:s16] =	ssyncadd.s32 $0xFFFFB000  }
0x11d: {  	[spmem:s30] =	stream.linear.scatter [tilespmem:s14], [sflag:$0x5], $0x5000, $0x38;
	[tilespmem:$0x1FB80] =	vst v63  }
0x11e: {  	_ =	swait.ge [sflag:s16], $0x5000  }
0x11f: {  	[sflag:s16] =	ssyncset.done $0x0  }
0x120: {  	[sflag:s16] =	ssyncadd.s32 $0xFFFFB000  }
0x121: {  	[spmem:s31] =	stream.linear.scatter [tilespmem:s14], [sflag:$0x5], $0x5000, $0x38;
	[tilespmem:$0x1FB80] =	vst v63  }
0x122: {  	_ =	swait.ge [sflag:s16], $0x5000  }
0x123: {  	[sflag:s16] =	ssyncset.done $0x0  }
0x124: {  	s6 =	rddreg [dreg:$0x11];
	[sflag:s16] =	ssyncadd.s32 $0xFFFFB000  }
0x125: {  	[tilespmem:s9], [sflag:$0x5] =	stream.linear.gather [hbm4b:s6+s4], $0x3800, $0x38;
	[tilespmem:$0x1FB80] =	vst v63  }
0x126: {  	_ =	swait.ge [sflag:s16], $0x3800  }
0x127: {  	[sflag:s16] =	ssyncset.done $0x0  }
0x128: {  	[sflag:s16] =	ssyncadd.s32 $0xFFFFC800  }
0x129: {  	[bflag:$0x0] =	sbarrier.arrive $0xFFFF  }
0x12a: {  	s8 =	rddreg [dreg:$0xc]  }
0x12b: {  	[tilespmem:s24], [sflag:$0x1] =	stream.linear.gather [hbm4b:s8+s4], $0x70, $0x38;
	[tilespmem:$0x1FB80] =	vst v63  }
0x12c: {  	s6 =	rddreg [dreg:$0xe]  }
0x12d: {  	[tilespmem:s10], [sflag:$0x2] =	stream.linear.gather [hbm4b:s6+s4], $0x70, $0x38;
	[tilespmem:$0x1FB80] =	vst v63  }
0x12e: {  	_ =	swait.ge [sflag:s12], $0x70  }
0x12f: {  	[sflag:s12] =	ssyncset.done $0x0  }
0x130: {  	[sflag:s12] =	ssyncadd.s32 $0xFFFFFF90  }
0x131: {  	_ =	swait.ge [sflag:s13], $0x70  }
0x132: {  	[sflag:s13] =	ssyncset.done $0x0  }
0x133: {  	[sflag:s13] =	ssyncadd.s32 $0xFFFFFF90  }
0x134: {  	[spmem:s3] =	stream.indirect.scatter.add.f32 [tilespmem:s9], [sflag:$0x5], $0x80, s24, s7, $0xb8;
	[tilespmem:$0x1FB80] =	vst v63  }
0x135: {  	_ =	swait.ge [sflag:s16], $0x3800  }
0x136: {  	s5 =	sadd.s32 $0xFFFFF660, s20;
	[sflag:s16] =	ssyncset.done $0x0  }
0x137: {  	s8 =	sadd.s32 $0x9BC, s5;
	[sflag:s16] =	ssyncadd.s32 $0xFFFFC800  }
0x138: {  	[tilespmem:s24], [sflag:$0x1] =	stream.linear.gather [hbm4b:s8+s4], $0x70, $0x38;
	[tilespmem:$0x1FB80] =	vst v63  }
0x139: {  	_ = 	snop  }
0x13a: {  	[spmem:s3] =	stream.indirect.scatter.add.f32 [tilespmem:s9], [sflag:$0x5], $0x80, s10, s7, $0xb8;
	[tilespmem:$0x1FB80] =	vst v63  }
0x13b: {  	_ =	swait.ge [sflag:s16], $0x3800  }
0x13c: {  	[sflag:s16] =	ssyncset.done $0x0  }
0x13d: {  	s5 =	sadd.s32 $0x9CA, s5;
	[sflag:s16] =	ssyncadd.s32 $0xFFFFC800  }
0x13e: {  	[tilespmem:s10], [sflag:$0x2] =	stream.linear.gather [hbm4b:s5+s4], $0x70, $0x38;
	[tilespmem:$0x1FB80] =	vst v63  }
0x13f: {  	_ =	swait.ge [sflag:s12], $0x70  }
0x140: {  	[sflag:s12] =	ssyncset.done $0x0  }
0x141: {  	[sflag:s12] =	ssyncadd.s32 $0xFFFFFF90  }
0x142: {  	_ =	swait.ge [sflag:s13], $0x70  }
0x143: {  	s5 =	simm.s32 $0xFFFFF67C;
	[sflag:s13] =	ssyncset.done $0x0  }
.LBB2_10:
0x144: {  	p1 =	sne.s32 s5, $0xFFFFFFE4  }
0x145: {  	[sflag:s13] =	ssyncadd.s32 $0xFFFFFF90;
	s6 =	smov.u32 s5;
	s5 =	sadd.s32 $0x1C, s5  }
0x146: {  	[spmem:s3] =	stream.indirect.scatter.add.f32 [tilespmem:s9], [sflag:$0x5], $0x80, s24, s7, $0xb8;
	[tilespmem:$0x1FB80] =	vst v63  }
0x147: {  	_ =	swait.ge [sflag:s16], $0x3800  }
0x148: {  	s6 =	sadd.s32 s6, s20;
	[sflag:s16] =	ssyncset.done $0x0  }
0x149: {  	s8 =	sadd.s32 $0x9BC, s6;
	[sflag:s16] =	ssyncadd.s32 $0xFFFFC800  }
0x14a: {  	[tilespmem:s24], [sflag:$0x1] =	stream.linear.gather [hbm4b:s8+s4], $0x70, $0x38;
	[tilespmem:$0x1FB80] =	vst v63  }
0x14b: {  	_ = 	snop  }
0x14c: {  	[spmem:s3] =	stream.indirect.scatter.add.f32 [tilespmem:s9], [sflag:$0x5], $0x80, s10, s7, $0xb8;
	[tilespmem:$0x1FB80] =	vst v63  }
0x14d: {  	_ =	swait.ge [sflag:s16], $0x3800  }
0x14e: {  	[sflag:s16] =	ssyncset.done $0x0  }
0x14f: {  	s6 =	sadd.s32 $0x9CA, s6;
	[sflag:s16] =	ssyncadd.s32 $0xFFFFC800  }
0x150: {  	[tilespmem:s10], [sflag:$0x2] =	stream.linear.gather [hbm4b:s6+s4], $0x70, $0x38;
	[tilespmem:$0x1FB80] =	vst v63  }
.Ltmp4:
0x151: {  	_ =	swait.ge [sflag:s12], $0x70;
	(pc) =	sbr.rel @p1 .LBB2_10-.Ltmp4, $4  }
0x152: {  	[sflag:s12] =	ssyncset.done $0x0  }
0x153: {  	[sflag:s12] =	ssyncadd.s32 $0xFFFFFF90  }
0x154: {  	_ =	swait.ge [sflag:s13], $0x70  }
0x155: {  	[sflag:s13] =	ssyncset.done $0x0  }
.Ltmp5:
0x156: {  	_ = 	snop;
	(pc) =	sbr.rel .LBB2_11-.Ltmp5, $1  }
0x157: {  	_ =	sdelay $0x3  }
.LBB2_2:
0x158: {  	[spmem:s28] =	stream.linear.scatter [tilespmem:s14], [sflag:$0x5], $0x5000, $0x38;
	[tilespmem:$0x1FB80] =	vst v63  }
0x159: {  	_ =	swait.ge [sflag:s16], $0x5000  }
0x15a: {  	[sflag:s16] =	ssyncset.done $0x0  }
0x15b: {  	[sflag:s16] =	ssyncadd.s32 $0xFFFFB000  }
0x15c: {  	[spmem:s29] =	stream.linear.scatter [tilespmem:s14], [sflag:$0x5], $0x5000, $0x38;
	[tilespmem:$0x1FB80] =	vst v63  }
0x15d: {  	_ =	swait.ge [sflag:s16], $0x5000  }
0x15e: {  	[sflag:s16] =	ssyncset.done $0x0  }
0x15f: {  	[sflag:s16] =	ssyncadd.s32 $0xFFFFB000  }
0x160: {  	[spmem:s30] =	stream.linear.scatter [tilespmem:s14], [sflag:$0x5], $0x5000, $0x38;
	[tilespmem:$0x1FB80] =	vst v63  }
0x161: {  	_ =	swait.ge [sflag:s16], $0x5000  }
0x162: {  	[sflag:s16] =	ssyncset.done $0x0  }
0x163: {  	[sflag:s16] =	ssyncadd.s32 $0xFFFFB000  }
0x164: {  	[spmem:s31] =	stream.linear.scatter [tilespmem:s14], [sflag:$0x5], $0x5000, $0x38;
	[tilespmem:$0x1FB80] =	vst v63  }
0x165: {  	_ =	swait.ge [sflag:s16], $0x5000  }
0x166: {  	[sflag:s16] =	ssyncset.done $0x0  }
0x167: {  	[sflag:s16] =	ssyncadd.s32 $0xFFFFB000  }
0x168: {  	[bflag:$0x0] =	sbarrier.arrive $0xFFFF  }
0x169: {  	s5 =	rddreg [dreg:$0x5]  }
0x16a: {  	[tilespmem:s4], [sflag:$0x1] =	stream.linear.gather [hbm4b:s5+s4], $0x70, $0x38;
	[tilespmem:$0x1FB80] =	vst v63  }
0x16b: {  	s17 =	rddreg [dreg:$0x6]  }
0x16c: {  	[tilespmem:s24], [sflag:$0x1] =	stream.linear.gather [hbm4b:s17+s4], $0x70, $0x38;
	[tilespmem:$0x1FB80] =	vst v63  }
0x16d: {  	s6 =	rddreg [dreg:$0x7]  }
0x16e: {  	[tilespmem:s25], [sflag:$0x2] =	stream.linear.gather [hbm4b:s6+s4], $0x70, $0x38;
	[tilespmem:$0x1FB80] =	vst v63  }
0x16f: {  	s8 =	rddreg [dreg:$0x8]  }
0x170: {  	[tilespmem:s10], [sflag:$0x2] =	stream.linear.gather [hbm4b:s8+s4], $0x70, $0x38;
	[tilespmem:$0x1FB80] =	vst v63  }
0x171: {  	_ =	swait.ge [sflag:s12], $0x70  }
0x172: {  	[sflag:s12] =	ssyncset.done $0x0  }
0x173: {  	[sflag:s12] =	ssyncadd.s32 $0xFFFFFF90  }
0x174: {  	_ =	swait.ge [sflag:s12], $0x70  }
0x175: {  	[sflag:s12] =	ssyncset.done $0x0  }
0x176: {  	[sflag:s12] =	ssyncadd.s32 $0xFFFFFF90  }
0x177: {  	[tilespmem:s9], [sflag:$0x3] =	stream.indirect.gather [hbm4b:s2+s7], $0x80, s4, s7, $0xb8;
	[tilespmem:$0x1FB80] =	vst v63  }
0x178: {  	_ =	swait.ge [sflag:s13], $0x70  }
0x179: {  	[sflag:s13] =	ssyncset.done $0x0  }
0x17a: {  	[sflag:s13] =	ssyncadd.s32 $0xFFFFFF90  }
0x17b: {  	_ =	swait.ge [sflag:s13], $0x70  }
0x17c: {  	[sflag:s13] =	ssyncset.done $0x0  }
0x17d: {  	[sflag:s13] =	ssyncadd.s32 $0xFFFFFF90  }
0x17e: {  	[tilespmem:s15], [sflag:$0x4] =	stream.indirect.gather [hbm4b:s2+s7], $0x80, s25, s7, $0xb8;
	[tilespmem:$0x1FB80] =	vst v63  }
0x17f: {  	_ =	swait.ge [sflag:s11], $0x3800  }
0x180: {  	[sflag:s11] =	ssyncset.done $0x0  }
0x181: {  	[sflag:s11] =	ssyncadd.s32 $0xFFFFC800  }
0x182: {  	[spmem:s3] =	stream.indirect.scatter.add.f32 [tilespmem:s9], [sflag:$0x5], $0x80, s24, s7, $0xb8;
	[tilespmem:$0x1FB80] =	vst v63  }
0x183: {  	_ =	swait.ge [sflag:s16], $0x3800  }
0x184: {  	s5 =	sadd.s32 $0xFFFFF660, s19;
	[sflag:s16] =	ssyncset.done $0x0  }
0x185: {  	s6 =	sadd.s32 $0x9BC, s5;
	s8 =	sadd.s32 $0xFFFFF660, s18;
	[sflag:s16] =	ssyncadd.s32 $0xFFFFC800  }
0x186: {  	[tilespmem:s4], [sflag:$0x1] =	stream.linear.gather [hbm4b:s6+s4], $0x70, $0x38;
	[tilespmem:$0x1FB80] =	vst v63  }
0x187: {  	s17 =	sadd.s32 $0x9BC, s8  }
0x188: {  	[tilespmem:s24], [sflag:$0x1] =	stream.linear.gather [hbm4b:s17+s4], $0x70, $0x38;
	[tilespmem:$0x1FB80] =	vst v63  }
0x189: {  	_ =	swait.ge [sflag:s23], $0x3800  }
0x18a: {  	[sflag:s23] =	ssyncset.done $0x0  }
0x18b: {  	[sflag:s23] =	ssyncadd.s32 $0xFFFFC800  }
0x18c: {  	[spmem:s3] =	stream.indirect.scatter.add.f32 [tilespmem:s15], [sflag:$0x5], $0x80, s10, s7, $0xb8;
	[tilespmem:$0x1FB80] =	vst v63  }
0x18d: {  	_ =	swait.ge [sflag:s16], $0x3800  }
0x18e: {  	[sflag:s16] =	ssyncset.done $0x0  }
0x18f: {  	s5 =	sadd.s32 $0x9CA, s5;
	[sflag:s16] =	ssyncadd.s32 $0xFFFFC800  }
0x190: {  	[tilespmem:s25], [sflag:$0x2] =	stream.linear.gather [hbm4b:s5+s4], $0x70, $0x38;
	[tilespmem:$0x1FB80] =	vst v63  }
0x191: {  	s17 =	sadd.s32 $0x9CA, s8  }
0x192: {  	[tilespmem:s10], [sflag:$0x2] =	stream.linear.gather [hbm4b:s17+s4], $0x70, $0x38;
	[tilespmem:$0x1FB80] =	vst v63  }
0x193: {  	_ =	swait.ge [sflag:s12], $0x70  }
0x194: {  	[sflag:s12] =	ssyncset.done $0x0  }
0x195: {  	[sflag:s12] =	ssyncadd.s32 $0xFFFFFF90  }
0x196: {  	_ =	swait.ge [sflag:s12], $0x70  }
0x197: {  	[sflag:s12] =	ssyncset.done $0x0  }
0x198: {  	[sflag:s12] =	ssyncadd.s32 $0xFFFFFF90  }
0x199: {  	[tilespmem:s9], [sflag:$0x3] =	stream.indirect.gather [hbm4b:s2+s7], $0x80, s4, s7, $0xb8;
	[tilespmem:$0x1FB80] =	vst v63  }
0x19a: {  	_ =	swait.ge [sflag:s13], $0x70  }
0x19b: {  	[sflag:s13] =	ssyncset.done $0x0  }
0x19c: {  	[sflag:s13] =	ssyncadd.s32 $0xFFFFFF90  }
0x19d: {  	_ =	swait.ge [sflag:s13], $0x70  }
0x19e: {  	s5 =	simm.s32 $0xFFFFF67C;
	[sflag:s13] =	ssyncset.done $0x0  }
.LBB2_3:
0x19f: {  	p1 =	sne.s32 s5, $0xFFFFFFE4  }
0x1a0: {  	[sflag:s13] =	ssyncadd.s32 $0xFFFFFF90;
	s6 =	smov.u32 s5;
	s5 =	sadd.s32 $0x1C, s5  }
0x1a1: {  	[tilespmem:s15], [sflag:$0x4] =	stream.indirect.gather [hbm4b:s2+s7], $0x80, s25, s7, $0xb8;
	[tilespmem:$0x1FB80] =	vst v63  }
0x1a2: {  	_ =	swait.ge [sflag:s11], $0x3800  }
0x1a3: {  	[sflag:s11] =	ssyncset.done $0x0  }
0x1a4: {  	[sflag:s11] =	ssyncadd.s32 $0xFFFFC800  }
0x1a5: {  	[spmem:s3] =	stream.indirect.scatter.add.f32 [tilespmem:s9], [sflag:$0x5], $0x80, s24, s7, $0xb8;
	[tilespmem:$0x1FB80] =	vst v63  }
0x1a6: {  	_ =	swait.ge [sflag:s16], $0x3800  }
0x1a7: {  	s8 =	sadd.s32 s6, s19;
	[sflag:s16] =	ssyncset.done $0x0  }
0x1a8: {  	s6 =	sadd.s32 s6, s18;
	s17 =	sadd.s32 $0x9BC, s8;
	[sflag:s16] =	ssyncadd.s32 $0xFFFFC800  }
0x1a9: {  	[tilespmem:s4], [sflag:$0x1] =	stream.linear.gather [hbm4b:s17+s4], $0x70, $0x38;
	[tilespmem:$0x1FB80] =	vst v63  }
0x1aa: {  	s17 =	sadd.s32 $0x9BC, s6  }
0x1ab: {  	[tilespmem:s24], [sflag:$0x1] =	stream.linear.gather [hbm4b:s17+s4], $0x70, $0x38;
	[tilespmem:$0x1FB80] =	vst v63  }
0x1ac: {  	_ =	swait.ge [sflag:s23], $0x3800  }
0x1ad: {  	[sflag:s23] =	ssyncset.done $0x0  }
0x1ae: {  	[sflag:s23] =	ssyncadd.s32 $0xFFFFC800  }
0x1af: {  	[spmem:s3] =	stream.indirect.scatter.add.f32 [tilespmem:s15], [sflag:$0x5], $0x80, s10, s7, $0xb8;
	[tilespmem:$0x1FB80] =	vst v63  }
0x1b0: {  	_ =	swait.ge [sflag:s16], $0x3800  }
0x1b1: {  	[sflag:s16] =	ssyncset.done $0x0  }
0x1b2: {  	s8 =	sadd.s32 $0x9CA, s8;
	[sflag:s16] =	ssyncadd.s32 $0xFFFFC800  }
0x1b3: {  	[tilespmem:s25], [sflag:$0x2] =	stream.linear.gather [hbm4b:s8+s4], $0x70, $0x38;
	[tilespmem:$0x1FB80] =	vst v63  }
0x1b4: {  	s6 =	sadd.s32 $0x9CA, s6  }
0x1b5: {  	[tilespmem:s10], [sflag:$0x2] =	stream.linear.gather [hbm4b:s6+s4], $0x70, $0x38;
	[tilespmem:$0x1FB80] =	vst v63  }
0x1b6: {  	_ =	swait.ge [sflag:s12], $0x70  }
0x1b7: {  	[sflag:s12] =	ssyncset.done $0x0  }
0x1b8: {  	[sflag:s12] =	ssyncadd.s32 $0xFFFFFF90  }
0x1b9: {  	_ =	swait.ge [sflag:s12], $0x70  }
0x1ba: {  	[sflag:s12] =	ssyncset.done $0x0  }
0x1bb: {  	[sflag:s12] =	ssyncadd.s32 $0xFFFFFF90  }
0x1bc: {  	[tilespmem:s9], [sflag:$0x3] =	stream.indirect.gather [hbm4b:s2+s7], $0x80, s4, s7, $0xb8;
	[tilespmem:$0x1FB80] =	vst v63  }
.Ltmp6:
0x1bd: {  	_ =	swait.ge [sflag:s13], $0x70;
	(pc) =	sbr.rel @p1 .LBB2_3-.Ltmp6, $4  }
0x1be: {  	[sflag:s13] =	ssyncset.done $0x0  }
0x1bf: {  	[sflag:s13] =	ssyncadd.s32 $0xFFFFFF90  }
0x1c0: {  	_ =	swait.ge [sflag:s13], $0x70  }
0x1c1: {  	[sflag:s13] =	ssyncset.done $0x0  }
0x1c2: {  	[sflag:s13] =	ssyncadd.s32 $0xFFFFFF90  }
0x1c3: {  	[tilespmem:s15], [sflag:$0x4] =	stream.indirect.gather [hbm4b:s2+s7], $0x80, s25, s7, $0xb8;
	[tilespmem:$0x1FB80] =	vst v63  }
0x1c4: {  	_ =	swait.ge [sflag:s11], $0x3800  }
0x1c5: {  	[sflag:s11] =	ssyncset.done $0x0  }
0x1c6: {  	[sflag:s11] =	ssyncadd.s32 $0xFFFFC800  }
0x1c7: {  	[spmem:s3] =	stream.indirect.scatter.add.f32 [tilespmem:s9], [sflag:$0x5], $0x80, s24, s7, $0xb8;
	[tilespmem:$0x1FB80] =	vst v63  }
0x1c8: {  	_ =	swait.ge [sflag:s16], $0x3800  }
0x1c9: {  	[sflag:s16] =	ssyncset.done $0x0  }
0x1ca: {  	[sflag:s16] =	ssyncadd.s32 $0xFFFFC800  }
0x1cb: {  	_ =	swait.ge [sflag:s23], $0x3800  }
0x1cc: {  	[sflag:s23] =	ssyncset.done $0x0  }
0x1cd: {  	[sflag:s23] =	ssyncadd.s32 $0xFFFFC800  }
0x1ce: {  	[spmem:s3] =	stream.indirect.scatter.add.f32 [tilespmem:s15], [sflag:$0x5], $0x80, s10, s7, $0xb8;
	[tilespmem:$0x1FB80] =	vst v63  }
0x1cf: {  	_ =	swait.ge [sflag:s16], $0x3800  }
0x1d0: {  	[sflag:s16] =	ssyncset.done $0x0  }
0x1d1: {  	s6 =	simm.s32 $0xC200;
	s5 =	rddreg [dreg:$0x9];
	[sflag:s16] =	ssyncadd.s32 $0xFFFFC800  }
0x1d2: {  	[tilespmem:s6], [sflag:$0x5] =	stream.linear.gather [hbm4b:s5+s4], $0x40, $0x38;
	[tilespmem:$0x1FB80] =	vst v63  }
0x1d3: {  	_ =	swait.ge [sflag:s16], $0x40  }
0x1d4: {  	[sflag:s16] =	ssyncset.done $0x0  }
0x1d5: {  	s17 =	rddreg [dreg:$0xa];
	[sflag:s16] =	ssyncadd.s32 $0xFFFFFFC0  }
0x1d6: {  	[tilespmem:s26], [sflag:$0x5] =	stream.linear.gather [hbm4b:s17+s4], $0x40, $0x38;
	[tilespmem:$0x1FB80] =	vst v63  }
0x1d7: {  	_ =	swait.ge [sflag:s16], $0x40  }
0x1d8: {  	[sflag:s16] =	ssyncset.done $0x0  }
0x1d9: {  	s17 =	simm.s32 $0x40;
	[sflag:s16] =	ssyncadd.s32 $0xFFFFFFC0  }
0x1da: {  	[tilespmem:s9], [sflag:$0x3] =	stream.indirect.gather [hbm4b:s2+s17], $0x80, s6, s17, $0xb8;
	[tilespmem:$0x1FB80] =	vst v63  }
0x1db: {  	_ =	swait.ge [sflag:s11], $0x2000  }
0x1dc: {  	[sflag:s11] =	ssyncset.done $0x0  }
0x1dd: {  	[sflag:s11] =	ssyncadd.s32 $0xFFFFE000  }
0x1de: {  	[spmem:s3] =	stream.indirect.scatter.add.f32 [tilespmem:s9], [sflag:$0x5], $0x80, s26, s17, $0xb8;
	[tilespmem:$0x1FB80] =	vst v63  }
0x1df: {  	_ =	swait.ge [sflag:s16], $0x2000  }
0x1e0: {  	[sflag:s16] =	ssyncset.done $0x0  }
0x1e1: {  	[sflag:s16] =	ssyncadd.s32 $0xFFFFE000  }
0x1e2: {  	[bflag:$0x0] =	sbarrier.arrive $0xFFFF  }
0x1e3: {  	[tilespmem:s14], [sflag:$0x5] =	stream.linear.gather [spmem:s28], $0x5000, $0x38;
	[tilespmem:$0x1FB80] =	vst v63  }
0x1e4: {  	_ =	swait.ge [sflag:s16], $0x5000  }
0x1e5: {  	[sflag:s16] =	ssyncset.done $0x0  }
0x1e6: {  	s6 =	rddreg [dreg:$0x19];
	[sflag:s16] =	ssyncadd.s32 $0xFFFFB000  }
0x1e7: {  	[hbm4b:s6+s4] =	stream.linear.scatter [tilespmem:s14], [sflag:$0x5], $0x5000, $0x38;
	[tilespmem:$0x1FB80] =	vst v63  }
0x1e8: {  	_ =	swait.ge [sflag:s16], $0x5000  }
0x1e9: {  	[sflag:s16] =	ssyncset.done $0x0  }
0x1ea: {  	[sflag:s16] =	ssyncadd.s32 $0xFFFFB000  }
0x1eb: {  	[tilespmem:s14], [sflag:$0x5] =	stream.linear.gather [spmem:s29], $0x5000, $0x38;
	[tilespmem:$0x1FB80] =	vst v63  }
0x1ec: {  	_ =	swait.ge [sflag:s16], $0x5000  }
0x1ed: {  	[sflag:s16] =	ssyncset.done $0x0  }
0x1ee: {  	s8 =	rddreg [dreg:$0x1a];
	[sflag:s16] =	ssyncadd.s32 $0xFFFFB000  }
0x1ef: {  	[hbm4b:s8+s4] =	stream.linear.scatter [tilespmem:s14], [sflag:$0x5], $0x5000, $0x38;
	[tilespmem:$0x1FB80] =	vst v63  }
0x1f0: {  	_ =	swait.ge [sflag:s16], $0x5000  }
0x1f1: {  	[sflag:s16] =	ssyncset.done $0x0  }
0x1f2: {  	[sflag:s16] =	ssyncadd.s32 $0xFFFFB000  }
0x1f3: {  	[tilespmem:s14], [sflag:$0x5] =	stream.linear.gather [spmem:s30], $0x5000, $0x38;
	[tilespmem:$0x1FB80] =	vst v63  }
0x1f4: {  	_ =	swait.ge [sflag:s16], $0x5000  }
0x1f5: {  	[sflag:s16] =	ssyncset.done $0x0  }
0x1f6: {  	s6 =	rddreg [dreg:$0x1b];
	[sflag:s16] =	ssyncadd.s32 $0xFFFFB000  }
0x1f7: {  	[hbm4b:s6+s4] =	stream.linear.scatter [tilespmem:s14], [sflag:$0x5], $0x5000, $0x38;
	[tilespmem:$0x1FB80] =	vst v63  }
0x1f8: {  	_ =	swait.ge [sflag:s16], $0x5000  }
0x1f9: {  	[sflag:s16] =	ssyncset.done $0x0  }
0x1fa: {  	[sflag:s16] =	ssyncadd.s32 $0xFFFFB000  }
0x1fb: {  	[tilespmem:s14], [sflag:$0x5] =	stream.linear.gather [spmem:s31], $0x5000, $0x38;
	[tilespmem:$0x1FB80] =	vst v63  }
0x1fc: {  	_ =	swait.ge [sflag:s16], $0x5000  }
0x1fd: {  	[sflag:s16] =	ssyncset.done $0x0  }
0x1fe: {  	s8 =	rddreg [dreg:$0x1c];
	[sflag:s16] =	ssyncadd.s32 $0xFFFFB000  }
0x1ff: {  	[hbm4b:s8+s4] =	stream.linear.scatter [tilespmem:s14], [sflag:$0x5], $0x5000, $0x38;
	[tilespmem:$0x1FB80] =	vst v63  }
0x200: {  	_ =	swait.ge [sflag:s16], $0x5000  }
0x201: {  	[sflag:s16] =	ssyncset.done $0x0  }
0x202: {  	[sflag:s16] =	ssyncadd.s32 $0xFFFFB000  }
0x203: {  	[tilespmem:s14], [sflag:$0x5] =	stream.linear.gather [hbm4b:s22+s4], $0x5000, $0x38;
	[tilespmem:$0x1FB80] =	vst v63  }
0x204: {  	_ =	swait.ge [sflag:s16], $0x5000  }
0x205: {  	[sflag:s16] =	ssyncset.done $0x0  }
0x206: {  	[sflag:s16] =	ssyncadd.s32 $0xFFFFB000  }
0x207: {  	[spmem:s28] =	stream.linear.scatter [tilespmem:s14], [sflag:$0x5], $0x5000, $0x38;
	[tilespmem:$0x1FB80] =	vst v63  }
0x208: {  	_ =	swait.ge [sflag:s16], $0x5000  }
0x209: {  	[sflag:s16] =	ssyncset.done $0x0  }
0x20a: {  	[sflag:s16] =	ssyncadd.s32 $0xFFFFB000  }
0x20b: {  	[spmem:s29] =	stream.linear.scatter [tilespmem:s14], [sflag:$0x5], $0x5000, $0x38;
	[tilespmem:$0x1FB80] =	vst v63  }
0x20c: {  	_ =	swait.ge [sflag:s16], $0x5000  }
0x20d: {  	[sflag:s16] =	ssyncset.done $0x0  }
0x20e: {  	[sflag:s16] =	ssyncadd.s32 $0xFFFFB000  }
0x20f: {  	[spmem:s30] =	stream.linear.scatter [tilespmem:s14], [sflag:$0x5], $0x5000, $0x38;
	[tilespmem:$0x1FB80] =	vst v63  }
0x210: {  	_ =	swait.ge [sflag:s16], $0x5000  }
0x211: {  	[sflag:s16] =	ssyncset.done $0x0  }
0x212: {  	[sflag:s16] =	ssyncadd.s32 $0xFFFFB000  }
0x213: {  	[spmem:s31] =	stream.linear.scatter [tilespmem:s14], [sflag:$0x5], $0x5000, $0x38;
	[tilespmem:$0x1FB80] =	vst v63  }
0x214: {  	_ =	swait.ge [sflag:s16], $0x5000  }
0x215: {  	[sflag:s16] =	ssyncset.done $0x0  }
0x216: {  	s6 =	rddreg [dreg:$0x11];
	[sflag:s16] =	ssyncadd.s32 $0xFFFFB000  }
0x217: {  	[tilespmem:s9], [sflag:$0x5] =	stream.linear.gather [hbm4b:s6+s4], $0x3800, $0x38;
	[tilespmem:$0x1FB80] =	vst v63  }
0x218: {  	_ =	swait.ge [sflag:s16], $0x3800  }
0x219: {  	[sflag:s16] =	ssyncset.done $0x0  }
0x21a: {  	[sflag:s16] =	ssyncadd.s32 $0xFFFFC800  }
0x21b: {  	[bflag:$0x0] =	sbarrier.arrive $0xFFFF  }
0x21c: {  	s8 =	rddreg [dreg:$0x6]  }
0x21d: {  	[tilespmem:s24], [sflag:$0x1] =	stream.linear.gather [hbm4b:s8+s4], $0x70, $0x38;
	[tilespmem:$0x1FB80] =	vst v63  }
0x21e: {  	s6 =	rddreg [dreg:$0x8]  }
0x21f: {  	[tilespmem:s10], [sflag:$0x2] =	stream.linear.gather [hbm4b:s6+s4], $0x70, $0x38;
	[tilespmem:$0x1FB80] =	vst v63  }
0x220: {  	_ =	swait.ge [sflag:s12], $0x70  }
0x221: {  	[sflag:s12] =	ssyncset.done $0x0  }
0x222: {  	[sflag:s12] =	ssyncadd.s32 $0xFFFFFF90  }
0x223: {  	_ =	swait.ge [sflag:s13], $0x70  }
0x224: {  	[sflag:s13] =	ssyncset.done $0x0  }
0x225: {  	[sflag:s13] =	ssyncadd.s32 $0xFFFFFF90  }
0x226: {  	[spmem:s3] =	stream.indirect.scatter.add.f32 [tilespmem:s9], [sflag:$0x5], $0x80, s24, s7, $0xb8;
	[tilespmem:$0x1FB80] =	vst v63  }
0x227: {  	_ =	swait.ge [sflag:s16], $0x3800  }
0x228: {  	s5 =	sadd.s32 $0xFFFFF660, s18;
	[sflag:s16] =	ssyncset.done $0x0  }
0x229: {  	s8 =	sadd.s32 $0x9BC, s5;
	[sflag:s16] =	ssyncadd.s32 $0xFFFFC800  }
0x22a: {  	[tilespmem:s24], [sflag:$0x1] =	stream.linear.gather [hbm4b:s8+s4], $0x70, $0x38;
	[tilespmem:$0x1FB80] =	vst v63  }
0x22b: {  	_ = 	snop  }
0x22c: {  	[spmem:s3] =	stream.indirect.scatter.add.f32 [tilespmem:s9], [sflag:$0x5], $0x80, s10, s7, $0xb8;
	[tilespmem:$0x1FB80] =	vst v63  }
0x22d: {  	_ =	swait.ge [sflag:s16], $0x3800  }
0x22e: {  	[sflag:s16] =	ssyncset.done $0x0  }
0x22f: {  	s5 =	sadd.s32 $0x9CA, s5;
	[sflag:s16] =	ssyncadd.s32 $0xFFFFC800  }
0x230: {  	[tilespmem:s10], [sflag:$0x2] =	stream.linear.gather [hbm4b:s5+s4], $0x70, $0x38;
	[tilespmem:$0x1FB80] =	vst v63  }
0x231: {  	_ =	swait.ge [sflag:s12], $0x70  }
0x232: {  	[sflag:s12] =	ssyncset.done $0x0  }
0x233: {  	[sflag:s12] =	ssyncadd.s32 $0xFFFFFF90  }
0x234: {  	_ =	swait.ge [sflag:s13], $0x70  }
0x235: {  	s5 =	simm.s32 $0xFFFFF67C;
	[sflag:s13] =	ssyncset.done $0x0  }
.LBB2_5:
0x236: {  	p1 =	seq.s32 s5, $0xFFFFFFE4  }
0x237: {  	[sflag:s13] =	ssyncadd.s32 $0xFFFFFF90;
	s6 =	smov.u32 s5;
	s5 =	sadd.s32 $0x1C, s5  }
0x238: {  	[spmem:s3] =	stream.indirect.scatter.add.f32 [tilespmem:s9], [sflag:$0x5], $0x80, s24, s7, $0xb8;
	[tilespmem:$0x1FB80] =	vst v63  }
0x239: {  	_ =	swait.ge [sflag:s16], $0x3800  }
0x23a: {  	s6 =	sadd.s32 s6, s18;
	[sflag:s16] =	ssyncset.done $0x0  }
0x23b: {  	s8 =	sadd.s32 $0x9BC, s6;
	[sflag:s16] =	ssyncadd.s32 $0xFFFFC800  }
0x23c: {  	[tilespmem:s24], [sflag:$0x1] =	stream.linear.gather [hbm4b:s8+s4], $0x70, $0x38;
	[tilespmem:$0x1FB80] =	vst v63  }
0x23d: {  	_ = 	snop  }
0x23e: {  	[spmem:s3] =	stream.indirect.scatter.add.f32 [tilespmem:s9], [sflag:$0x5], $0x80, s10, s7, $0xb8;
	[tilespmem:$0x1FB80] =	vst v63  }
0x23f: {  	_ =	swait.ge [sflag:s16], $0x3800  }
0x240: {  	[sflag:s16] =	ssyncset.done $0x0  }
0x241: {  	s6 =	sadd.s32 $0x9CA, s6;
	[sflag:s16] =	ssyncadd.s32 $0xFFFFC800  }
0x242: {  	[tilespmem:s10], [sflag:$0x2] =	stream.linear.gather [hbm4b:s6+s4], $0x70, $0x38;
	[tilespmem:$0x1FB80] =	vst v63  }
.Ltmp7:
0x243: {  	_ =	swait.ge [sflag:s12], $0x70;
	(pc) =	sbr.rel @!p1 .LBB2_5-.Ltmp7, $4  }
0x244: {  	[sflag:s12] =	ssyncset.done $0x0  }
0x245: {  	[sflag:s12] =	ssyncadd.s32 $0xFFFFFF90  }
0x246: {  	_ =	swait.ge [sflag:s13], $0x70  }
0x247: {  	[sflag:s13] =	ssyncset.done $0x0  }
.Ltmp8:
0x248: {  	(pc) =	sbr.rel .LBB2_12-.Ltmp8, $3  }
0x249: {  	_ =	sdelay $0x1  }
0x24a: {  	s6 =	rddreg [dreg:$0xa]  }
0x24b: {  	[sflag:s13] =	ssyncadd.s32 $0xFFFFFF90;
	s5 =	rddreg [dreg:$0x12]  }
.LBB2_13:
0x24c: {  	_ =	sfence.sel $0x180000  }
0x24d: {  	[bflag:$0x0] =	sbarrier.arrive $0xFFFF  }
0x24e: {  	_ =	strace $0x90000047  }
0x24f: {  	s0 =	stileid.u32;
	[bflag:$0x2] =	sbarrier.arrive $0xFFFF  }
0x250: {  	p0 =	sne.s32 s0, $0x0;
	s0 =	rddreg [dreg:$0x4]  }
0x251: {  	s0 =	sadd.s32 @!p0 $0x100000, s0  }
0x252: {  	[sflag:s0] =	ssyncadd.tile.s32 @!p0 $0x1;
	_ =	shalt  }
.Lfunc_end2:
_tile_overlayer_lowered:
.L_overlay_start_2:
0x253: {  	(tag) =	ssettag $0x2  }
0x254: {  	s0 =	rddreg [dreg:$0x0];
	s2 =	stileid.u32  }
0x255: {  	s1 =	rddreg [dreg:$0x1];
	p0 =	sne.s32 s2, $0x0  }
0x256: {  	s3 =	rddreg [dreg:$0x2];
	[bflag:$0x3] =	sbarrier.arrive $0xFFFF;
	s2 =	simm.s32 @!p0 $0x1C05  }
0x257: {  	[timem:s3], [sflag:s2] =	dma.local @!p0 [hbm:s0], s1  }
0x258: {  	s0 =	simm.s32 @!p0 $0x5  }
0x259: {  	_ =	swait.ge @!p0 [sflag:s0], s1  }
0x25a: {  	s1 =	ssub.s32 @!p0 $0x0, s1;
	[sflag:s0] =	ssyncset.done @!p0 $0x0  }
0x25b: {  	[sflag:s0] =	ssyncadd.s32 @!p0 s1  }
0x25c: {  	[bflag:$0x3] =	sbarrier.arrive $0xFFFF  }
0x25d: {  	_ =	shalt  }

</sc_bundles>
